<compile_context>
chip_gen: v7x
topology: tpu7x:2x2x1
jax: 0.10.2.dev20260603
libtpu: 0.0.44.dev20260713+nightly
codegen_flags: <defaults>
</compile_context>

<pallas_src>
import dataclasses
import functools

import jax
import jax.numpy as jnp
from jax import lax
from jax.experimental import pallas as pl
from jax.experimental.pallas import tpu as pltpu
from jax.experimental.pallas import tpu_sc as plsc

N = 10000
E = 320000
D = 128
H = 16
C = 16

NC = 2
NS = 16
NW = NC * NS
L = 16

NPAD = 10240
NPT = NPAD // NS

CHUNK = 128
KROWS = 2528
KPW = KROWS // NW
PADE = KROWS * CHUNK - E

LANES = 128
NPACK = N * H // LANES
KPC = KROWS // NS

_MESH = dict(core_axis_name="c", subcore_axis_name="s")

_SC_PARAMS = pltpu.CompilerParams()
if "needs_layout_passes" in pltpu.CompilerParams.__dataclass_fields__:
    _SC_PARAMS = dataclasses.replace(
        _SC_PARAMS, needs_layout_passes=False, use_tc_tiling_on_sc=False
    )


def _sc_deg_dis(ei3):

    @functools.partial(
        pl.kernel,
        out_type=jax.ShapeDtypeStruct((NPAD // 8, LANES), jnp.float32),
        mesh=plsc.VectorSubcoreMesh(**_MESH),
        compiler_params=_SC_PARAMS,
        scratch_types=[
            pltpu.VMEM((NPAD,), jnp.float32),
            pltpu.VMEM((KPC, CHUNK), jnp.int32),
            pltpu.VMEM((NS, NPT), jnp.float32),
            pltpu.VMEM((NPT,), jnp.float32),
            pltpu.VMEM((NPT // 8, LANES), jnp.float32),
            pltpu.VMEM_SHARED((NS, NPAD), jnp.float32),
            pltpu.SemaphoreType.DMA,
        ],
    )
    def k(ei_hbm, out_hbm, hist, dbuf, redbuf, dis, d16, stage, sem):
        cid = lax.axis_index("c")
        sid = lax.axis_index("s")

        @pl.when(cid == 0)
        def _():
            pltpu.async_copy(ei_hbm.at[1, pl.ds(sid * KPC, KPC)], dbuf, sem)

            @pl.loop(0, NPAD // L)
            def _(i):
                hist[pl.ds(i * L, L)] = jnp.zeros((L,), jnp.float32)

            pltpu.make_async_copy(
                ei_hbm.at[1, pl.ds(sid * KPC, KPC)], dbuf, sem
            ).wait()

            @pl.loop(0, KPC)
            def _(r):
                for j in range(CHUNK // L):
                    idx = dbuf[r, pl.ds(j * L, L)]
                    plsc.addupdate_scatter(
                        hist, [idx], jnp.ones((L,), jnp.float32)
                    )

            pltpu.sync_copy(hist, stage.at[sid])
            plsc.subcore_barrier()
            pltpu.sync_copy(stage.at[:, pl.ds(sid * NPT, NPT)], redbuf)

            @pl.loop(0, NPT // L)
            def _(i):
                v = redbuf[0, pl.ds(i * L, L)]
                for r in range(1, NS):
                    v = v + redbuf[r, pl.ds(i * L, L)]
                v = v + 1.0
                bits = plsc.bitcast(v, jnp.int32)
                bits = jnp.int32(0x5F3759DF) - (bits >> 1)
                y = plsc.bitcast(bits, jnp.float32)
                for _ in range(3):
                    y = y * (1.5 - 0.5 * v * y * y)
                dis[pl.ds(i * L, L)] = y

            @pl.loop(0, NPT // L)
            def _(g):
                for p in range(2):
                    for v8 in range(8):
                        idx = jnp.full((L,), g * L + p * 8 + v8, jnp.int32)
                        vec = plsc.load_gather(dis, [idx])
                        d16[2 * g + p, pl.ds(L * v8, L)] = vec

            pltpu.sync_copy(
                d16, out_hbm.at[pl.ds(sid * (NPT // 8), NPT // 8)]
            )

    return k(ei3)


SB = 1024
NSUP = -(-KPW * CHUNK // SB)


def _sc_scatter(ei3, srcp, vals):

    @functools.partial(
        pl.kernel,
        out_type=jax.ShapeDtypeStruct((NC, NPAD, H), jnp.float32),
        mesh=plsc.VectorSubcoreMesh(**_MESH),
        compiler_params=_SC_PARAMS,
        scratch_types=[
            pltpu.VMEM((KPW * CHUNK,), jnp.int32),
            pltpu.VMEM((KPW, CHUNK), jnp.int32),
            pltpu.VMEM((2, SB, H), jnp.float32),
            pltpu.VMEM((NPT, H), jnp.float32),
            pltpu.VMEM_SHARED((NPAD, H), jnp.float32),
            pltpu.SemaphoreType.DMA,
            pltpu.SemaphoreType.DMA,
            pltpu.SemaphoreType.DMA,
            pltpu.SemaphoreType.DMA,
            pltpu.SemaphoreType.DMA,
        ],
    )
    def k(ei_hbm, srcp_hbm, vals_hbm, out_hbm, sidx, didx, rows, zbuf, acc,
          sem0, gsem0, gsem1, ssem0, ssem1):
        gsems = (gsem0, gsem1)
        cid = lax.axis_index("c")
        sid = lax.axis_index("s")
        wid = sid * NC + cid
        wrow = wid * KPW

        pltpu.async_copy(srcp_hbm.at[wid], sidx, sem0)
        pltpu.async_copy(ei_hbm.at[1, pl.ds(wrow, KPW)], didx, sem0)

        @pl.loop(0, NPT)
        def _(i):
            zbuf[i, :] = jnp.zeros((H,), jnp.float32)

        pltpu.sync_copy(zbuf, acc.at[pl.ds(sid * NPT, NPT)])

        pltpu.make_async_copy(srcp_hbm.at[wid], sidx, sem0).wait()
        pltpu.make_async_copy(ei_hbm.at[1, pl.ds(wrow, KPW)], didx, sem0).wait()
        plsc.subcore_barrier()

        RPS = SB // CHUNK

        def glen(sc):
            return SB if sc < NSUP - 1 else KPW * CHUNK - (NSUP - 1) * SB

        def gissue(sc):
            n = glen(sc)
            pltpu.async_copy(
                vals_hbm.at[sidx.at[pl.ds(sc * SB, n)]],
                rows.at[sc % 2, pl.ds(0, n)],
                gsems[sc % 2],
            )

        def gwait(sc):
            n = glen(sc)
            pltpu.make_async_copy(
                vals_hbm.at[sidx.at[pl.ds(0, n)]],
                rows.at[sc % 2, pl.ds(0, n)],
                gsems[sc % 2],
            ).wait()

        def sissue(sc, j, b, sem):
            pltpu.async_copy(
                rows.at[b, pl.ds(j * CHUNK, CHUNK)],
                acc.at[didx.at[sc * RPS + j]],
                sem,
                add=True,
            )

        def swait(b, sem):
            pltpu.make_async_copy(
                rows.at[b, pl.ds(0, CHUNK)], acc.at[didx.at[0]], sem
            ).wait()

        gissue(0)
        for sc in range(NSUP):
            gwait(sc)
            if sc + 1 < NSUP:
                gissue(sc + 1)
            nj = glen(sc) // CHUNK
            b = sc % 2

            @pl.loop(0, nj // 2)
            def _(j2):
                @pl.when(j2 >= 1)
                def _():
                    swait(b, ssem0)
                    swait(b, ssem1)

                sissue(sc, 2 * j2, b, ssem0)
                sissue(sc, 2 * j2 + 1, b, ssem1)

            if nj % 2:
                swait(b, ssem0)
                swait(b, ssem1)
                sissue(sc, nj - 1, b, ssem0)
                swait(b, ssem0)
            else:
                swait(b, ssem0)
                swait(b, ssem1)

        plsc.subcore_barrier()
        pltpu.sync_copy(
            acc.at[pl.ds(sid * NPT, NPT)],
            out_hbm.at[cid, pl.ds(sid * NPT, NPT)],
        )

    return k(ei3, srcp, vals)


def _tc_mm1(xp, W1blk):
    def body(x_ref, w_ref, h_ref):
        xv = x_ref[...]
        wv = w_ref[...]
        xh = xv.astype(jnp.bfloat16)
        xl = (xv - xh.astype(jnp.float32)).astype(jnp.bfloat16)
        wh = wv.astype(jnp.bfloat16)
        wl = (wv - wh.astype(jnp.float32)).astype(jnp.bfloat16)
        f32 = jnp.float32
        h_ref[...] = (
            jnp.dot(xh, wh, preferred_element_type=f32)
            + jnp.dot(xh, wl, preferred_element_type=f32)
            + jnp.dot(xl, wh, preferred_element_type=f32)
        )

    return pl.pallas_call(
        body, out_shape=jax.ShapeDtypeStruct((NPACK, LANES), jnp.float32)
    )(xp, W1blk)


def _tc_scale(hp, d16p):
    def body(h_ref, d_ref, hs_ref):
        hs_ref[...] = h_ref[...] * d_ref[:NPACK, :]

    return pl.pallas_call(
        body, out_shape=jax.ShapeDtypeStruct((NPACK, LANES), jnp.float32)
    )(hp, d16p)


def _tc_mid(acc_p, hs_p, d16p, W2blk, b1_p):
    def body(a_ref, hs_ref, d_ref, w_ref, b_ref, o_ref):
        d = d_ref[:NPACK, :]
        s = a_ref[0, :NPACK, :] + a_ref[1, :NPACK, :] + hs_ref[...]
        out1 = jnp.maximum(s * d + b_ref[...], 0.0)
        o_ref[...] = (
            jnp.dot(out1, w_ref[...], preferred_element_type=jnp.float32) * d
        )

    return pl.pallas_call(
        body, out_shape=jax.ShapeDtypeStruct((NPACK, LANES), jnp.float32)
    )(acc_p, hs_p, d16p, W2blk, b1_p)


def _tc_final(acc_p, h2s_p, d16p, b2_p, Gsum):
    def body(a_ref, hs_ref, d_ref, b_ref, g_ref, o_ref):
        s = a_ref[0, :NPACK, :] + a_ref[1, :NPACK, :] + hs_ref[...]
        o = s * d_ref[:NPACK, :] + b_ref[...]
        e = jnp.exp(o)
        ssum = jnp.dot(e, g_ref[...], preferred_element_type=jnp.float32)
        o_ref[...] = o - jnp.log(ssum)

    return pl.pallas_call(
        body, out_shape=jax.ShapeDtypeStruct((NPACK, LANES), jnp.float32)
    )(acc_p, h2s_p, d16p, b2_p, Gsum)


def kernel(x, edge_index, W1, b1, W2, b2):
    pad = jnp.arange(PADE, dtype=jnp.int32)
    pad_blk = jnp.stack([pad, N + (pad & 127)])
    ei3 = jnp.concatenate(
        [edge_index.astype(jnp.int32), pad_blk], axis=1
    ).reshape(2, KROWS, CHUNK)
    eye8 = jnp.eye(8, dtype=jnp.float32)
    W1blk = jnp.kron(eye8, W1)
    W2blk = jnp.kron(eye8, W2)
    Gsum = jnp.kron(eye8, jnp.ones((C, C), dtype=jnp.float32))
    b1_p = jnp.tile(b1.reshape(1, H), (1, 8))
    b2_p = jnp.tile(b2.reshape(1, C), (1, 8))
    xp = x.reshape(NPACK, 8 * D)
    d16p = _sc_deg_dis(ei3)
    hp = _tc_mm1(xp, W1blk)
    hs_p = _tc_scale(hp, d16p)
    srcp = ei3[0].reshape(NW, KPW * CHUNK)
    acc1 = _sc_scatter(ei3, srcp, hs_p.reshape(N, H))
    h2s_p = _tc_mid(acc1.reshape(NC, NPAD // 8, LANES), hs_p, d16p, W2blk, b1_p)
    acc2 = _sc_scatter(ei3, srcp, h2s_p.reshape(N, H))
    out_p = _tc_final(acc2.reshape(NC, NPAD // 8, LANES), h2s_p, d16p, b2_p, Gsum)
    return out_p.reshape(N, C)

# --- scband reference (transcript-rebuilt; emitter-appended) ---
"""Pipeline reference for scband-gcn-1511828488357 (READ-ONLY COPY).

The authoritative reference and input builder live on the scoring server;
editing this copy changes nothing except your own understanding.
"""

import jax, jax.numpy as jnp
import numpy as np

N = 10000
E = 320000
D = 128
H = 16
C = 16


def setup_inputs(seed: int = 0) -> dict:
    key = jax.random.key(seed)
    k1, k2, k3, k4 = jax.random.split(key, 4)
    x = jax.random.normal(k1, (N, D), dtype=jnp.float32)
    edge_index = jax.random.randint(k2, (2, E), 0, N).astype(jnp.int64)
    W1 = jax.random.normal(k3, (D, H), dtype=jnp.float32) * (1.0 / np.sqrt(D))
    b1 = jnp.zeros((H,), dtype=jnp.float32)
    W2 = jax.random.normal(k4, (H, C), dtype=jnp.float32) * (1.0 / np.sqrt(H))
    b2 = jnp.zeros((C,), dtype=jnp.float32)
    return {"x": x, "edge_index": edge_index, "W1": W1, "b1": b1, "W2": W2, "b2": b2}


def gcn_conv(x, edge_index, W, b):
    # PyG GCNConv: out = D^{-1/2} (A + I) D^{-1/2} (X W) + b
    n = x.shape[0]
    loop = jnp.arange(n, dtype=edge_index.dtype)
    src = jnp.concatenate([edge_index[0], loop])
    dst = jnp.concatenate([edge_index[1], loop])
    deg = jnp.zeros((n,), dtype=x.dtype).at[dst].add(1.0)
    deg_inv_sqrt = jnp.where(deg > 0, 1.0 / jnp.sqrt(deg), 0.0)
    norm = deg_inv_sqrt[src] * deg_inv_sqrt[dst]
    h = x @ W
    msgs = h[src] * norm[:, None]
    out = jnp.zeros((n, W.shape[1]), dtype=x.dtype).at[dst].add(msgs)
    return out + b


def reference(x, edge_index, W1, b1, W2, b2):
    h = gcn_conv(x, edge_index, W1, b1)
    h = jax.nn.relu(h)
    # F.dropout with training=False is identity (eval mode)
    h = gcn_conv(h, edge_index, W2, b2)
    return jax.nn.log_softmax(h, axis=1)

if __name__ == "__main__":
    import jax
    _d = setup_inputs()
    print(jax.jit(kernel)(*tuple(_d.values())))

</pallas_src>

<mosaic_0001>
#map = affine_map<(d0, d1) -> (0, 0, 0)>
#map1 = affine_map<(d0, d1) -> (0, 0)>
module attributes {stable_mosaic.version = 14 : i64} {
  func.func @k(%arg0: i32, %arg1: i32, %arg2: memref<2x2528x128xi32, #tpu.memory_space<hbm>>, %arg3: memref<1280x128xf32, #tpu.memory_space<hbm>>, %arg4: memref<10240xf32, #tpu.memory_space<vmem>>, %arg5: memref<158x128xi32, #tpu.memory_space<vmem>>, %arg6: memref<16x640xf32, #tpu.memory_space<vmem>>, %arg7: memref<640xf32, #tpu.memory_space<vmem>>, %arg8: memref<80x128xf32, #tpu.memory_space<vmem>>, %arg9: memref<16x10240xf32, #tpu.memory_space<vmem_shared>>, %arg10: memref<!tpu.dma_semaphore, #tpu.memory_space<semaphore_mem>>) attributes {dimension_semantics = [#tpu.dimension_semantics<core_parallel>, #tpu.dimension_semantics<subcore_parallel>], iteration_bounds = array<i64: 2, 16>, scalar_prefetch = 0 : i64, scratch_operands = 7 : i64, tpu.core_type = #tpu.core_type<sc_vector_subcore>, window_params = [{transform_indices = #map}, {transform_indices = #map1}]} {
    %eq3A = arith.constant 0 : i32
    %eq3A_0 = arith.cmpi eq, %arg0, %eq3A : i32
    %convert_element_type3A = arith.extui %eq3A_0 : i1 to i32
    %cond3A = arith.constant 0 : i32
    %cond3A_1 = arith.cmpi ne, %convert_element_type3A, %cond3A : i32
    scf.if %cond3A_1 {
      %mul3A = arith.constant 158 : i32
      %mul3A_2 = arith.muli %arg1, %mul3A : i32
      %dma_start3A = arith.constant 1 : i32
      %dma_start3A_3 = arith.constant 0 : i32
      %dma_start3A_4 = tpu.memref_slice %arg2[%dma_start3A, %mul3A_2, %dma_start3A_3] : memref<2x2528x128xi32, #tpu.memory_space<hbm>> -> memref<1x158x128xi32, #tpu.memory_space<hbm>>
      %dma_start3A_5 = tpu.memref_squeeze %dma_start3A_4 : memref<1x158x128xi32, #tpu.memory_space<hbm>> -> memref<158x128xi32, #tpu.memory_space<hbm>>
      %dma_start3A_6 = arith.constant 0 : i32
      %dma_start3A_7 = tpu.memref_slice %arg2[%dma_start3A, %mul3A_2, %dma_start3A_6] : memref<2x2528x128xi32, #tpu.memory_space<hbm>> -> memref<1x158x128xi32, #tpu.memory_space<hbm>>
      %dma_start3A_8 = tpu.memref_squeeze %dma_start3A_7 : memref<1x158x128xi32, #tpu.memory_space<hbm>> -> memref<158x128xi32, #tpu.memory_space<hbm>>
      tpu.enqueue_dma source(%dma_start3A_8 : memref<158x128xi32, #tpu.memory_space<hbm>>) target(%arg5 : memref<158x128xi32, #tpu.memory_space<vmem>>) target_semaphore(%arg10 : memref<!tpu.dma_semaphore, #tpu.memory_space<semaphore_mem>>)
      %scan3A = arith.constant 0 : i32
      %scan3A_9 = arith.constant 640 : i32
      %scan3A_10 = arith.addi %scan3A, %scan3A_9 : i32
      %scan3A_11 = arith.constant 1 : i32
      scf.for %scan3A_40 = %scan3A to %scan3A_10 step %scan3A_11  : i32 {
        %mul3A_41 = arith.constant 1 : i32
        %mul3A_42 = arith.muli %scan3A_40, %mul3A_41 : i32
        %add3A = arith.constant 0 : i32
        %add3A_43 = arith.addi %add3A, %mul3A_42 : i32
        %broadcast_in_dim3A = arith.constant 0.000000e+00 : f32
        %broadcast_in_dim3A_44 = vector.broadcast %broadcast_in_dim3A : f32 to vector<16xf32>
        %mul3A_45 = arith.constant 16 : i32
        %mul3A_46 = arith.muli %add3A_43, %mul3A_45 : i32
        %swap3A = arith.index_cast %mul3A_46 : i32 to index
        %swap3A_47 = tpu.vector_load %arg4[%swap3A] {strides = array<i32>} : memref<10240xf32, #tpu.memory_space<vmem>>, vector<16xf32>,
        tpu.vector_store %arg4[%swap3A], %broadcast_in_dim3A_44 {strides = array<i32>} : memref<10240xf32, #tpu.memory_space<vmem>>, vector<16xf32>,
      }
      %scan3A_12 = arith.constant 640 : i32
      %mul3A_13 = arith.constant 158 : i32
      %mul3A_14 = arith.muli %arg1, %mul3A_13 : i32
      %dma_wait3A = arith.constant 1 : i32
      %dma_wait3A_15 = arith.constant 0 : i32
      %dma_wait3A_16 = tpu.memref_slice %arg2[%dma_wait3A, %mul3A_14, %dma_wait3A_15] : memref<2x2528x128xi32, #tpu.memory_space<hbm>> -> memref<1x158x128xi32, #tpu.memory_space<hbm>>
      %dma_wait3A_17 = tpu.memref_squeeze %dma_wait3A_16 : memref<1x158x128xi32, #tpu.memory_space<hbm>> -> memref<158x128xi32, #tpu.memory_space<hbm>>
      %dma_wait3A_18 = arith.constant 0 : i32
      %dma_wait3A_19 = tpu.memref_slice %arg2[%dma_wait3A, %mul3A_14, %dma_wait3A_18] : memref<2x2528x128xi32, #tpu.memory_space<hbm>> -> memref<1x158x128xi32, #tpu.memory_space<hbm>>
      %dma_wait3A_20 = tpu.memref_squeeze %dma_wait3A_19 : memref<1x158x128xi32, #tpu.memory_space<hbm>> -> memref<158x128xi32, #tpu.memory_space<hbm>>
      tpu.wait_dma2 semaphore(%arg10 : memref<!tpu.dma_semaphore, #tpu.memory_space<semaphore_mem>>) src(%dma_wait3A_20 : memref<158x128xi32, #tpu.memory_space<hbm>>) dst(%arg5 : memref<158x128xi32, #tpu.memory_space<vmem>>)
      %scan3A_21 = arith.constant 0 : i32
      %scan3A_22 = arith.constant 158 : i32
      %scan3A_23 = arith.addi %scan3A_21, %scan3A_22 : i32
      %scan3A_24 = arith.constant 1 : i32
      scf.for %scan3A_40 = %scan3A_21 to %scan3A_23 step %scan3A_24  : i32 {
        %mul3A_41 = arith.constant 1 : i32
        %mul3A_42 = arith.muli %scan3A_40, %mul3A_41 : i32
        %add3A = arith.constant 0 : i32
        %add3A_43 = arith.addi %add3A, %mul3A_42 : i32
        %get3A = arith.index_cast %add3A_43 : i32 to index
        %get3A_44 = arith.constant 0 : index
        %get3A_45 = tpu.vector_load %arg5[%get3A, %get3A_44] {strides = array<i32>} : memref<158x128xi32, #tpu.memory_space<vmem>>, vector<16xi32>,
        %broadcast_in_dim3A = arith.constant 1.000000e+00 : f32
        %broadcast_in_dim3A_46 = vector.broadcast %broadcast_in_dim3A : f32 to vector<16xf32>
        tpu.vector_store_idx %arg4[%get3A_45], %broadcast_in_dim3A_46 {add = true} : memref<10240xf32, #tpu.memory_space<vmem>>[vector<16xi32>], vector<16xf32>,
        %get3A_47 = arith.index_cast %add3A_43 : i32 to index
        %get3A_48 = arith.constant 16 : index
        %get3A_49 = tpu.vector_load %arg5[%get3A_47, %get3A_48] {strides = array<i32>} : memref<158x128xi32, #tpu.memory_space<vmem>>, vector<16xi32>,
        %broadcast_in_dim3A_50 = arith.constant 1.000000e+00 : f32
        %broadcast_in_dim3A_51 = vector.broadcast %broadcast_in_dim3A_50 : f32 to vector<16xf32>
        tpu.vector_store_idx %arg4[%get3A_49], %broadcast_in_dim3A_51 {add = true} : memref<10240xf32, #tpu.memory_space<vmem>>[vector<16xi32>], vector<16xf32>,
        %get3A_52 = arith.index_cast %add3A_43 : i32 to index
        %get3A_53 = arith.constant 32 : index
        %get3A_54 = tpu.vector_load %arg5[%get3A_52, %get3A_53] {strides = array<i32>} : memref<158x128xi32, #tpu.memory_space<vmem>>, vector<16xi32>,
        %broadcast_in_dim3A_55 = arith.constant 1.000000e+00 : f32
        %broadcast_in_dim3A_56 = vector.broadcast %broadcast_in_dim3A_55 : f32 to vector<16xf32>
        tpu.vector_store_idx %arg4[%get3A_54], %broadcast_in_dim3A_56 {add = true} : memref<10240xf32, #tpu.memory_space<vmem>>[vector<16xi32>], vector<16xf32>,
        %get3A_57 = arith.index_cast %add3A_43 : i32 to index
        %get3A_58 = arith.constant 48 : index
        %get3A_59 = tpu.vector_load %arg5[%get3A_57, %get3A_58] {strides = array<i32>} : memref<158x128xi32, #tpu.memory_space<vmem>>, vector<16xi32>,
        %broadcast_in_dim3A_60 = arith.constant 1.000000e+00 : f32
        %broadcast_in_dim3A_61 = vector.broadcast %broadcast_in_dim3A_60 : f32 to vector<16xf32>
        tpu.vector_store_idx %arg4[%get3A_59], %broadcast_in_dim3A_61 {add = true} : memref<10240xf32, #tpu.memory_space<vmem>>[vector<16xi32>], vector<16xf32>,
        %get3A_62 = arith.index_cast %add3A_43 : i32 to index
        %get3A_63 = arith.constant 64 : index
        %get3A_64 = tpu.vector_load %arg5[%get3A_62, %get3A_63] {strides = array<i32>} : memref<158x128xi32, #tpu.memory_space<vmem>>, vector<16xi32>,
        %broadcast_in_dim3A_65 = arith.constant 1.000000e+00 : f32
        %broadcast_in_dim3A_66 = vector.broadcast %broadcast_in_dim3A_65 : f32 to vector<16xf32>
        tpu.vector_store_idx %arg4[%get3A_64], %broadcast_in_dim3A_66 {add = true} : memref<10240xf32, #tpu.memory_space<vmem>>[vector<16xi32>], vector<16xf32>,
        %get3A_67 = arith.index_cast %add3A_43 : i32 to index
        %get3A_68 = arith.constant 80 : index
        %get3A_69 = tpu.vector_load %arg5[%get3A_67, %get3A_68] {strides = array<i32>} : memref<158x128xi32, #tpu.memory_space<vmem>>, vector<16xi32>,
        %broadcast_in_dim3A_70 = arith.constant 1.000000e+00 : f32
        %broadcast_in_dim3A_71 = vector.broadcast %broadcast_in_dim3A_70 : f32 to vector<16xf32>
        tpu.vector_store_idx %arg4[%get3A_69], %broadcast_in_dim3A_71 {add = true} : memref<10240xf32, #tpu.memory_space<vmem>>[vector<16xi32>], vector<16xf32>,
        %get3A_72 = arith.index_cast %add3A_43 : i32 to index
        %get3A_73 = arith.constant 96 : index
        %get3A_74 = tpu.vector_load %arg5[%get3A_72, %get3A_73] {strides = array<i32>} : memref<158x128xi32, #tpu.memory_space<vmem>>, vector<16xi32>,
        %broadcast_in_dim3A_75 = arith.constant 1.000000e+00 : f32
        %broadcast_in_dim3A_76 = vector.broadcast %broadcast_in_dim3A_75 : f32 to vector<16xf32>
        tpu.vector_store_idx %arg4[%get3A_74], %broadcast_in_dim3A_76 {add = true} : memref<10240xf32, #tpu.memory_space<vmem>>[vector<16xi32>], vector<16xf32>,
        %get3A_77 = arith.index_cast %add3A_43 : i32 to index
        %get3A_78 = arith.constant 112 : index
        %get3A_79 = tpu.vector_load %arg5[%get3A_77, %get3A_78] {strides = array<i32>} : memref<158x128xi32, #tpu.memory_space<vmem>>, vector<16xi32>,
        %broadcast_in_dim3A_80 = arith.constant 1.000000e+00 : f32
        %broadcast_in_dim3A_81 = vector.broadcast %broadcast_in_dim3A_80 : f32 to vector<16xf32>
        tpu.vector_store_idx %arg4[%get3A_79], %broadcast_in_dim3A_81 {add = true} : memref<10240xf32, #tpu.memory_space<vmem>>[vector<16xi32>], vector<16xf32>,
      }
      %scan3A_25 = arith.constant 158 : i32
      "tpu.region"() ({
        %run_scoped3A = tpu.sem_alloc : memref<!tpu.dma_semaphore, #tpu.memory_space<semaphore_mem>>
        %dma_start3A_40 = arith.constant 0 : i32
        %dma_start3A_41 = tpu.memref_slice %arg9[%arg1, %dma_start3A_40] : memref<16x10240xf32, #tpu.memory_space<vmem_shared>> -> memref<1x10240xf32, #tpu.memory_space<vmem_shared>>
        %dma_start3A_42 = tpu.memref_squeeze %dma_start3A_41 : memref<1x10240xf32, #tpu.memory_space<vmem_shared>> -> memref<10240xf32, #tpu.memory_space<vmem_shared>>
        %dma_start3A_43 = arith.constant 0 : i32
        %dma_start3A_44 = tpu.memref_slice %arg9[%arg1, %dma_start3A_43] : memref<16x10240xf32, #tpu.memory_space<vmem_shared>> -> memref<1x10240xf32, #tpu.memory_space<vmem_shared>>
        %dma_start3A_45 = tpu.memref_squeeze %dma_start3A_44 : memref<1x10240xf32, #tpu.memory_space<vmem_shared>> -> memref<10240xf32, #tpu.memory_space<vmem_shared>>
        tpu.enqueue_dma source(%arg4 : memref<10240xf32, #tpu.memory_space<vmem>>) target(%dma_start3A_45 : memref<10240xf32, #tpu.memory_space<vmem_shared>>) target_semaphore(%run_scoped3A : memref<!tpu.dma_semaphore, #tpu.memory_space<semaphore_mem>>)
        %dma_wait3A_46 = arith.constant 0 : i32
        %dma_wait3A_47 = tpu.memref_slice %arg9[%arg1, %dma_wait3A_46] : memref<16x10240xf32, #tpu.memory_space<vmem_shared>> -> memref<1x10240xf32, #tpu.memory_space<vmem_shared>>
        %dma_wait3A_48 = tpu.memref_squeeze %dma_wait3A_47 : memref<1x10240xf32, #tpu.memory_space<vmem_shared>> -> memref<10240xf32, #tpu.memory_space<vmem_shared>>
        %dma_wait3A_49 = arith.constant 0 : i32
        %dma_wait3A_50 = tpu.memref_slice %arg9[%arg1, %dma_wait3A_49] : memref<16x10240xf32, #tpu.memory_space<vmem_shared>> -> memref<1x10240xf32, #tpu.memory_space<vmem_shared>>
        %dma_wait3A_51 = tpu.memref_squeeze %dma_wait3A_50 : memref<1x10240xf32, #tpu.memory_space<vmem_shared>> -> memref<10240xf32, #tpu.memory_space<vmem_shared>>
        tpu.wait_dma2 semaphore(%run_scoped3A : memref<!tpu.dma_semaphore, #tpu.memory_space<semaphore_mem>>) src(%arg4 : memref<10240xf32, #tpu.memory_space<vmem>>) dst(%dma_wait3A_51 : memref<10240xf32, #tpu.memory_space<vmem_shared>>)
        tpu.yield
      }) : () -> ()
      %barrier3A = arith.constant 0 : index
      tpu.barrier barrier_id(%barrier3A)
      %mul3A_26 = arith.constant 640 : i32
      %mul3A_27 = arith.muli %arg1, %mul3A_26 : i32
      "tpu.region"() ({
        %run_scoped3A = tpu.sem_alloc : memref<!tpu.dma_semaphore, #tpu.memory_space<semaphore_mem>>
        %dma_start3A_40 = arith.constant 0 : i32
        %dma_start3A_41 = tpu.memref_slice %arg9[%dma_start3A_40, %mul3A_27] : memref<16x10240xf32, #tpu.memory_space<vmem_shared>> -> memref<16x640xf32, #tpu.memory_space<vmem_shared>>
        %dma_start3A_42 = arith.constant 0 : i32
        %dma_start3A_43 = tpu.memref_slice %arg9[%dma_start3A_42, %mul3A_27] : memref<16x10240xf32, #tpu.memory_space<vmem_shared>> -> memref<16x640xf32, #tpu.memory_space<vmem_shared>>
        tpu.enqueue_dma source(%dma_start3A_43 : memref<16x640xf32, #tpu.memory_space<vmem_shared>>) target(%arg6 : memref<16x640xf32, #tpu.memory_space<vmem>>) target_semaphore(%run_scoped3A : memref<!tpu.dma_semaphore, #tpu.memory_space<semaphore_mem>>)
        %dma_wait3A_44 = arith.constant 0 : i32
        %dma_wait3A_45 = tpu.memref_slice %arg9[%dma_wait3A_44, %mul3A_27] : memref<16x10240xf32, #tpu.memory_space<vmem_shared>> -> memref<16x640xf32, #tpu.memory_space<vmem_shared>>
        %dma_wait3A_46 = arith.constant 0 : i32
        %dma_wait3A_47 = tpu.memref_slice %arg9[%dma_wait3A_46, %mul3A_27] : memref<16x10240xf32, #tpu.memory_space<vmem_shared>> -> memref<16x640xf32, #tpu.memory_space<vmem_shared>>
        tpu.wait_dma2 semaphore(%run_scoped3A : memref<!tpu.dma_semaphore, #tpu.memory_space<semaphore_mem>>) src(%dma_wait3A_47 : memref<16x640xf32, #tpu.memory_space<vmem_shared>>) dst(%arg6 : memref<16x640xf32, #tpu.memory_space<vmem>>)
        tpu.yield
      }) : () -> ()
      %scan3A_28 = arith.constant 0 : i32
      %scan3A_29 = arith.constant 40 : i32
      %scan3A_30 = arith.addi %scan3A_28, %scan3A_29 : i32
      %scan3A_31 = arith.constant 1 : i32
      scf.for %scan3A_40 = %scan3A_28 to %scan3A_30 step %scan3A_31  : i32 {
        %mul3A_41 = arith.constant 1 : i32
        %mul3A_42 = arith.muli %scan3A_40, %mul3A_41 : i32
        %add3A = arith.constant 0 : i32
        %add3A_43 = arith.addi %add3A, %mul3A_42 : i32
        %mul3A_44 = arith.constant 16 : i32
        %mul3A_45 = arith.muli %add3A_43, %mul3A_44 : i32
        %get3A = arith.constant 0 : i32
        %get3A_46 = arith.index_cast %get3A : i32 to index
        %get3A_47 = arith.index_cast %mul3A_45 : i32 to index
        %get3A_48 = tpu.vector_load %arg6[%get3A_46, %get3A_47] {strides = array<i32>} : memref<16x640xf32, #tpu.memory_space<vmem>>, vector<16xf32>,
        %mul3A_49 = arith.constant 16 : i32
        %mul3A_50 = arith.muli %add3A_43, %mul3A_49 : i32
        %get3A_51 = arith.constant 1 : i32
        %get3A_52 = arith.index_cast %get3A_51 : i32 to index
        %get3A_53 = arith.index_cast %mul3A_50 : i32 to index
        %get3A_54 = tpu.vector_load %arg6[%get3A_52, %get3A_53] {strides = array<i32>} : memref<16x640xf32, #tpu.memory_space<vmem>>, vector<16xf32>,
        %add3A_55 = arith.addf %get3A_48, %get3A_54 : vector<16xf32>
        %mul3A_56 = arith.constant 16 : i32
        %mul3A_57 = arith.muli %add3A_43, %mul3A_56 : i32
        %get3A_58 = arith.constant 2 : i32
        %get3A_59 = arith.index_cast %get3A_58 : i32 to index
        %get3A_60 = arith.index_cast %mul3A_57 : i32 to index
        %get3A_61 = tpu.vector_load %arg6[%get3A_59, %get3A_60] {strides = array<i32>} : memref<16x640xf32, #tpu.memory_space<vmem>>, vector<16xf32>,
        %add3A_62 = arith.addf %add3A_55, %get3A_61 : vector<16xf32>
        %mul3A_63 = arith.constant 16 : i32
        %mul3A_64 = arith.muli %add3A_43, %mul3A_63 : i32
        %get3A_65 = arith.constant 3 : i32
        %get3A_66 = arith.index_cast %get3A_65 : i32 to index
        %get3A_67 = arith.index_cast %mul3A_64 : i32 to index
        %get3A_68 = tpu.vector_load %arg6[%get3A_66, %get3A_67] {strides = array<i32>} : memref<16x640xf32, #tpu.memory_space<vmem>>, vector<16xf32>,
        %add3A_69 = arith.addf %add3A_62, %get3A_68 : vector<16xf32>
        %mul3A_70 = arith.constant 16 : i32
        %mul3A_71 = arith.muli %add3A_43, %mul3A_70 : i32
        %get3A_72 = arith.constant 4 : i32
        %get3A_73 = arith.index_cast %get3A_72 : i32 to index
        %get3A_74 = arith.index_cast %mul3A_71 : i32 to index
        %get3A_75 = tpu.vector_load %arg6[%get3A_73, %get3A_74] {strides = array<i32>} : memref<16x640xf32, #tpu.memory_space<vmem>>, vector<16xf32>,
        %add3A_76 = arith.addf %add3A_69, %get3A_75 : vector<16xf32>
        %mul3A_77 = arith.constant 16 : i32
        %mul3A_78 = arith.muli %add3A_43, %mul3A_77 : i32
        %get3A_79 = arith.constant 5 : i32
        %get3A_80 = arith.index_cast %get3A_79 : i32 to index
        %get3A_81 = arith.index_cast %mul3A_78 : i32 to index
        %get3A_82 = tpu.vector_load %arg6[%get3A_80, %get3A_81] {strides = array<i32>} : memref<16x640xf32, #tpu.memory_space<vmem>>, vector<16xf32>,
        %add3A_83 = arith.addf %add3A_76, %get3A_82 : vector<16xf32>
        %mul3A_84 = arith.constant 16 : i32
        %mul3A_85 = arith.muli %add3A_43, %mul3A_84 : i32
        %get3A_86 = arith.constant 6 : i32
        %get3A_87 = arith.index_cast %get3A_86 : i32 to index
        %get3A_88 = arith.index_cast %mul3A_85 : i32 to index
        %get3A_89 = tpu.vector_load %arg6[%get3A_87, %get3A_88] {strides = array<i32>} : memref<16x640xf32, #tpu.memory_space<vmem>>, vector<16xf32>,
        %add3A_90 = arith.addf %add3A_83, %get3A_89 : vector<16xf32>
        %mul3A_91 = arith.constant 16 : i32
        %mul3A_92 = arith.muli %add3A_43, %mul3A_91 : i32
        %get3A_93 = arith.constant 7 : i32
        %get3A_94 = arith.index_cast %get3A_93 : i32 to index
        %get3A_95 = arith.index_cast %mul3A_92 : i32 to index
        %get3A_96 = tpu.vector_load %arg6[%get3A_94, %get3A_95] {strides = array<i32>} : memref<16x640xf32, #tpu.memory_space<vmem>>, vector<16xf32>,
        %add3A_97 = arith.addf %add3A_90, %get3A_96 : vector<16xf32>
        %mul3A_98 = arith.constant 16 : i32
        %mul3A_99 = arith.muli %add3A_43, %mul3A_98 : i32
        %get3A_100 = arith.constant 8 : i32
        %get3A_101 = arith.index_cast %get3A_100 : i32 to index
        %get3A_102 = arith.index_cast %mul3A_99 : i32 to index
        %get3A_103 = tpu.vector_load %arg6[%get3A_101, %get3A_102] {strides = array<i32>} : memref<16x640xf32, #tpu.memory_space<vmem>>, vector<16xf32>,
        %add3A_104 = arith.addf %add3A_97, %get3A_103 : vector<16xf32>
        %mul3A_105 = arith.constant 16 : i32
        %mul3A_106 = arith.muli %add3A_43, %mul3A_105 : i32
        %get3A_107 = arith.constant 9 : i32
        %get3A_108 = arith.index_cast %get3A_107 : i32 to index
        %get3A_109 = arith.index_cast %mul3A_106 : i32 to index
        %get3A_110 = tpu.vector_load %arg6[%get3A_108, %get3A_109] {strides = array<i32>} : memref<16x640xf32, #tpu.memory_space<vmem>>, vector<16xf32>,
        %add3A_111 = arith.addf %add3A_104, %get3A_110 : vector<16xf32>
        %mul3A_112 = arith.constant 16 : i32
        %mul3A_113 = arith.muli %add3A_43, %mul3A_112 : i32
        %get3A_114 = arith.constant 10 : i32
        %get3A_115 = arith.index_cast %get3A_114 : i32 to index
        %get3A_116 = arith.index_cast %mul3A_113 : i32 to index
        %get3A_117 = tpu.vector_load %arg6[%get3A_115, %get3A_116] {strides = array<i32>} : memref<16x640xf32, #tpu.memory_space<vmem>>, vector<16xf32>,
        %add3A_118 = arith.addf %add3A_111, %get3A_117 : vector<16xf32>
        %mul3A_119 = arith.constant 16 : i32
        %mul3A_120 = arith.muli %add3A_43, %mul3A_119 : i32
        %get3A_121 = arith.constant 11 : i32
        %get3A_122 = arith.index_cast %get3A_121 : i32 to index
        %get3A_123 = arith.index_cast %mul3A_120 : i32 to index
        %get3A_124 = tpu.vector_load %arg6[%get3A_122, %get3A_123] {strides = array<i32>} : memref<16x640xf32, #tpu.memory_space<vmem>>, vector<16xf32>,
        %add3A_125 = arith.addf %add3A_118, %get3A_124 : vector<16xf32>
        %mul3A_126 = arith.constant 16 : i32
        %mul3A_127 = arith.muli %add3A_43, %mul3A_126 : i32
        %get3A_128 = arith.constant 12 : i32
        %get3A_129 = arith.index_cast %get3A_128 : i32 to index
        %get3A_130 = arith.index_cast %mul3A_127 : i32 to index
        %get3A_131 = tpu.vector_load %arg6[%get3A_129, %get3A_130] {strides = array<i32>} : memref<16x640xf32, #tpu.memory_space<vmem>>, vector<16xf32>,
        %add3A_132 = arith.addf %add3A_125, %get3A_131 : vector<16xf32>
        %mul3A_133 = arith.constant 16 : i32
        %mul3A_134 = arith.muli %add3A_43, %mul3A_133 : i32
        %get3A_135 = arith.constant 13 : i32
        %get3A_136 = arith.index_cast %get3A_135 : i32 to index
        %get3A_137 = arith.index_cast %mul3A_134 : i32 to index
        %get3A_138 = tpu.vector_load %arg6[%get3A_136, %get3A_137] {strides = array<i32>} : memref<16x640xf32, #tpu.memory_space<vmem>>, vector<16xf32>,
        %add3A_139 = arith.addf %add3A_132, %get3A_138 : vector<16xf32>
        %mul3A_140 = arith.constant 16 : i32
        %mul3A_141 = arith.muli %add3A_43, %mul3A_140 : i32
        %get3A_142 = arith.constant 14 : i32
        %get3A_143 = arith.index_cast %get3A_142 : i32 to index
        %get3A_144 = arith.index_cast %mul3A_141 : i32 to index
        %get3A_145 = tpu.vector_load %arg6[%get3A_143, %get3A_144] {strides = array<i32>} : memref<16x640xf32, #tpu.memory_space<vmem>>, vector<16xf32>,
        %add3A_146 = arith.addf %add3A_139, %get3A_145 : vector<16xf32>
        %mul3A_147 = arith.constant 16 : i32
        %mul3A_148 = arith.muli %add3A_43, %mul3A_147 : i32
        %get3A_149 = arith.constant 15 : i32
        %get3A_150 = arith.index_cast %get3A_149 : i32 to index
        %get3A_151 = arith.index_cast %mul3A_148 : i32 to index
        %get3A_152 = tpu.vector_load %arg6[%get3A_150, %get3A_151] {strides = array<i32>} : memref<16x640xf32, #tpu.memory_space<vmem>>, vector<16xf32>,
        %add3A_153 = arith.addf %add3A_146, %get3A_152 : vector<16xf32>
        %add3A_154 = arith.constant 1.000000e+00 : f32
        %add3A_155 = vector.broadcast %add3A_154 : f32 to vector<16xf32>
        %add3A_156 = arith.addf %add3A_153, %add3A_155 : vector<16xf32>
        %bitcast3A = vector.bitcast %add3A_156 : vector<16xf32> to vector<16xi32>
        %shift_right_arithmetic3A = arith.constant 1 : i32
        %shift_right_arithmetic3A_157 = vector.broadcast %shift_right_arithmetic3A : i32 to vector<16xi32>
        %shift_right_arithmetic3A_158 = arith.shrsi %bitcast3A, %shift_right_arithmetic3A_157 : vector<16xi32>
        %sub3A = arith.constant 1597463007 : i32
        %sub3A_159 = vector.broadcast %sub3A : i32 to vector<16xi32>
        %sub3A_160 = arith.subi %sub3A_159, %shift_right_arithmetic3A_158 : vector<16xi32>
        %bitcast3A_161 = vector.bitcast %sub3A_160 : vector<16xi32> to vector<16xf32>
        %mul3A_162 = arith.constant 5.000000e-01 : f32
        %mul3A_163 = vector.broadcast %mul3A_162 : f32 to vector<16xf32>
        %mul3A_164 = arith.mulf %mul3A_163, %add3A_156 : vector<16xf32>
        %mul3A_165 = arith.mulf %mul3A_164, %bitcast3A_161 : vector<16xf32>
        %mul3A_166 = arith.mulf %mul3A_165, %bitcast3A_161 : vector<16xf32>
        %sub3A_167 = arith.constant 1.500000e+00 : f32
        %sub3A_168 = vector.broadcast %sub3A_167 : f32 to vector<16xf32>
        %sub3A_169 = arith.subf %sub3A_168, %mul3A_166 : vector<16xf32>
        %mul3A_170 = arith.mulf %bitcast3A_161, %sub3A_169 : vector<16xf32>
        %mul3A_171 = arith.constant 5.000000e-01 : f32
        %mul3A_172 = vector.broadcast %mul3A_171 : f32 to vector<16xf32>
        %mul3A_173 = arith.mulf %mul3A_172, %add3A_156 : vector<16xf32>
        %mul3A_174 = arith.mulf %mul3A_173, %mul3A_170 : vector<16xf32>
        %mul3A_175 = arith.mulf %mul3A_174, %mul3A_170 : vector<16xf32>
        %sub3A_176 = arith.constant 1.500000e+00 : f32
        %sub3A_177 = vector.broadcast %sub3A_176 : f32 to vector<16xf32>
        %sub3A_178 = arith.subf %sub3A_177, %mul3A_175 : vector<16xf32>
        %mul3A_179 = arith.mulf %mul3A_170, %sub3A_178 : vector<16xf32>
        %mul3A_180 = arith.constant 5.000000e-01 : f32
        %mul3A_181 = vector.broadcast %mul3A_180 : f32 to vector<16xf32>
        %mul3A_182 = arith.mulf %mul3A_181, %add3A_156 : vector<16xf32>
        %mul3A_183 = arith.mulf %mul3A_182, %mul3A_179 : vector<16xf32>
        %mul3A_184 = arith.mulf %mul3A_183, %mul3A_179 : vector<16xf32>
        %sub3A_185 = arith.constant 1.500000e+00 : f32
        %sub3A_186 = vector.broadcast %sub3A_185 : f32 to vector<16xf32>
        %sub3A_187 = arith.subf %sub3A_186, %mul3A_184 : vector<16xf32>
        %mul3A_188 = arith.mulf %mul3A_179, %sub3A_187 : vector<16xf32>
        %mul3A_189 = arith.constant 16 : i32
        %mul3A_190 = arith.muli %add3A_43, %mul3A_189 : i32
        %swap3A = arith.index_cast %mul3A_190 : i32 to index
        %swap3A_191 = tpu.vector_load %arg7[%swap3A] {strides = array<i32>} : memref<640xf32, #tpu.memory_space<vmem>>, vector<16xf32>,
        tpu.vector_store %arg7[%swap3A], %mul3A_188 {strides = array<i32>} : memref<640xf32, #tpu.memory_space<vmem>>, vector<16xf32>,
      }
      %scan3A_32 = arith.constant 40 : i32
      %scan3A_33 = arith.constant 0 : i32
      %scan3A_34 = arith.constant 40 : i32
      %scan3A_35 = arith.addi %scan3A_33, %scan3A_34 : i32
      %scan3A_36 = arith.constant 1 : i32
      scf.for %scan3A_40 = %scan3A_33 to %scan3A_35 step %scan3A_36  : i32 {
        %mul3A_41 = arith.constant 1 : i32
        %mul3A_42 = arith.muli %scan3A_40, %mul3A_41 : i32
        %add3A = arith.constant 0 : i32
        %add3A_43 = arith.addi %add3A, %mul3A_42 : i32
        %mul3A_44 = arith.constant 16 : i32
        %mul3A_45 = arith.muli %add3A_43, %mul3A_44 : i32
        %add3A_46 = arith.constant 0 : i32
        %add3A_47 = arith.addi %mul3A_45, %add3A_46 : i32
        %add3A_48 = arith.constant 0 : i32
        %add3A_49 = arith.addi %add3A_47, %add3A_48 : i32
        %broadcast_in_dim3A = vector.broadcast %add3A_49 : i32 to vector<16xi32>
        %gather3A = tpu.vector_load_idx %arg7[%broadcast_in_dim3A] : memref<640xf32, #tpu.memory_space<vmem>>[vector<16xi32>], vector<16xf32>,
        %mul3A_50 = arith.constant 2 : i32
        %mul3A_51 = arith.muli %mul3A_50, %add3A_43 : i32
        %add3A_52 = arith.constant 0 : i32
        %add3A_53 = arith.addi %mul3A_51, %add3A_52 : i32
        %swap3A = arith.index_cast %add3A_53 : i32 to index
        %swap3A_54 = arith.constant 0 : index
        %swap3A_55 = tpu.vector_load %arg8[%swap3A, %swap3A_54] {strides = array<i32>} : memref<80x128xf32, #tpu.memory_space<vmem>>, vector<16xf32>,
        tpu.vector_store %arg8[%swap3A, %swap3A_54], %gather3A {strides = array<i32>} : memref<80x128xf32, #tpu.memory_space<vmem>>, vector<16xf32>,
        %mul3A_56 = arith.constant 16 : i32
        %mul3A_57 = arith.muli %add3A_43, %mul3A_56 : i32
        %add3A_58 = arith.constant 0 : i32
        %add3A_59 = arith.addi %mul3A_57, %add3A_58 : i32
        %add3A_60 = arith.constant 1 : i32
        %add3A_61 = arith.addi %add3A_59, %add3A_60 : i32
        %broadcast_in_dim3A_62 = vector.broadcast %add3A_61 : i32 to vector<16xi32>
        %gather3A_63 = tpu.vector_load_idx %arg7[%broadcast_in_dim3A_62] : memref<640xf32, #tpu.memory_space<vmem>>[vector<16xi32>], vector<16xf32>,
        %mul3A_64 = arith.constant 2 : i32
        %mul3A_65 = arith.muli %mul3A_64, %add3A_43 : i32
        %add3A_66 = arith.constant 0 : i32
        %add3A_67 = arith.addi %mul3A_65, %add3A_66 : i32
        %swap3A_68 = arith.index_cast %add3A_67 : i32 to index
        %swap3A_69 = arith.constant 16 : index
        %swap3A_70 = tpu.vector_load %arg8[%swap3A_68, %swap3A_69] {strides = array<i32>} : memref<80x128xf32, #tpu.memory_space<vmem>>, vector<16xf32>,
        tpu.vector_store %arg8[%swap3A_68, %swap3A_69], %gather3A_63 {strides = array<i32>} : memref<80x128xf32, #tpu.memory_space<vmem>>, vector<16xf32>,
        %mul3A_71 = arith.constant 16 : i32
        %mul3A_72 = arith.muli %add3A_43, %mul3A_71 : i32
        %add3A_73 = arith.constant 0 : i32
        %add3A_74 = arith.addi %mul3A_72, %add3A_73 : i32
        %add3A_75 = arith.constant 2 : i32
        %add3A_76 = arith.addi %add3A_74, %add3A_75 : i32
        %broadcast_in_dim3A_77 = vector.broadcast %add3A_76 : i32 to vector<16xi32>
        %gather3A_78 = tpu.vector_load_idx %arg7[%broadcast_in_dim3A_77] : memref<640xf32, #tpu.memory_space<vmem>>[vector<16xi32>], vector<16xf32>,
        %mul3A_79 = arith.constant 2 : i32
        %mul3A_80 = arith.muli %mul3A_79, %add3A_43 : i32
        %add3A_81 = arith.constant 0 : i32
        %add3A_82 = arith.addi %mul3A_80, %add3A_81 : i32
        %swap3A_83 = arith.index_cast %add3A_82 : i32 to index
        %swap3A_84 = arith.constant 32 : index
        %swap3A_85 = tpu.vector_load %arg8[%swap3A_83, %swap3A_84] {strides = array<i32>} : memref<80x128xf32, #tpu.memory_space<vmem>>, vector<16xf32>,
        tpu.vector_store %arg8[%swap3A_83, %swap3A_84], %gather3A_78 {strides = array<i32>} : memref<80x128xf32, #tpu.memory_space<vmem>>, vector<16xf32>,
        %mul3A_86 = arith.constant 16 : i32
        %mul3A_87 = arith.muli %add3A_43, %mul3A_86 : i32
        %add3A_88 = arith.constant 0 : i32
        %add3A_89 = arith.addi %mul3A_87, %add3A_88 : i32
        %add3A_90 = arith.constant 3 : i32
        %add3A_91 = arith.addi %add3A_89, %add3A_90 : i32
        %broadcast_in_dim3A_92 = vector.broadcast %add3A_91 : i32 to vector<16xi32>
        %gather3A_93 = tpu.vector_load_idx %arg7[%broadcast_in_dim3A_92] : memref<640xf32, #tpu.memory_space<vmem>>[vector<16xi32>], vector<16xf32>,
        %mul3A_94 = arith.constant 2 : i32
        %mul3A_95 = arith.muli %mul3A_94, %add3A_43 : i32
        %add3A_96 = arith.constant 0 : i32
        %add3A_97 = arith.addi %mul3A_95, %add3A_96 : i32
        %swap3A_98 = arith.index_cast %add3A_97 : i32 to index
        %swap3A_99 = arith.constant 48 : index
        %swap3A_100 = tpu.vector_load %arg8[%swap3A_98, %swap3A_99] {strides = array<i32>} : memref<80x128xf32, #tpu.memory_space<vmem>>, vector<16xf32>,
        tpu.vector_store %arg8[%swap3A_98, %swap3A_99], %gather3A_93 {strides = array<i32>} : memref<80x128xf32, #tpu.memory_space<vmem>>, vector<16xf32>,
        %mul3A_101 = arith.constant 16 : i32
        %mul3A_102 = arith.muli %add3A_43, %mul3A_101 : i32
        %add3A_103 = arith.constant 0 : i32
        %add3A_104 = arith.addi %mul3A_102, %add3A_103 : i32
        %add3A_105 = arith.constant 4 : i32
        %add3A_106 = arith.addi %add3A_104, %add3A_105 : i32
        %broadcast_in_dim3A_107 = vector.broadcast %add3A_106 : i32 to vector<16xi32>
        %gather3A_108 = tpu.vector_load_idx %arg7[%broadcast_in_dim3A_107] : memref<640xf32, #tpu.memory_space<vmem>>[vector<16xi32>], vector<16xf32>,
        %mul3A_109 = arith.constant 2 : i32
        %mul3A_110 = arith.muli %mul3A_109, %add3A_43 : i32
        %add3A_111 = arith.constant 0 : i32
        %add3A_112 = arith.addi %mul3A_110, %add3A_111 : i32
        %swap3A_113 = arith.index_cast %add3A_112 : i32 to index
        %swap3A_114 = arith.constant 64 : index
        %swap3A_115 = tpu.vector_load %arg8[%swap3A_113, %swap3A_114] {strides = array<i32>} : memref<80x128xf32, #tpu.memory_space<vmem>>, vector<16xf32>,
        tpu.vector_store %arg8[%swap3A_113, %swap3A_114], %gather3A_108 {strides = array<i32>} : memref<80x128xf32, #tpu.memory_space<vmem>>, vector<16xf32>,
        %mul3A_116 = arith.constant 16 : i32
        %mul3A_117 = arith.muli %add3A_43, %mul3A_116 : i32
        %add3A_118 = arith.constant 0 : i32
        %add3A_119 = arith.addi %mul3A_117, %add3A_118 : i32
        %add3A_120 = arith.constant 5 : i32
        %add3A_121 = arith.addi %add3A_119, %add3A_120 : i32
        %broadcast_in_dim3A_122 = vector.broadcast %add3A_121 : i32 to vector<16xi32>
        %gather3A_123 = tpu.vector_load_idx %arg7[%broadcast_in_dim3A_122] : memref<640xf32, #tpu.memory_space<vmem>>[vector<16xi32>], vector<16xf32>,
        %mul3A_124 = arith.constant 2 : i32
        %mul3A_125 = arith.muli %mul3A_124, %add3A_43 : i32
        %add3A_126 = arith.constant 0 : i32
        %add3A_127 = arith.addi %mul3A_125, %add3A_126 : i32
        %swap3A_128 = arith.index_cast %add3A_127 : i32 to index
        %swap3A_129 = arith.constant 80 : index
        %swap3A_130 = tpu.vector_load %arg8[%swap3A_128, %swap3A_129] {strides = array<i32>} : memref<80x128xf32, #tpu.memory_space<vmem>>, vector<16xf32>,
        tpu.vector_store %arg8[%swap3A_128, %swap3A_129], %gather3A_123 {strides = array<i32>} : memref<80x128xf32, #tpu.memory_space<vmem>>, vector<16xf32>,
        %mul3A_131 = arith.constant 16 : i32
        %mul3A_132 = arith.muli %add3A_43, %mul3A_131 : i32
        %add3A_133 = arith.constant 0 : i32
        %add3A_134 = arith.addi %mul3A_132, %add3A_133 : i32
        %add3A_135 = arith.constant 6 : i32
        %add3A_136 = arith.addi %add3A_134, %add3A_135 : i32
        %broadcast_in_dim3A_137 = vector.broadcast %add3A_136 : i32 to vector<16xi32>
        %gather3A_138 = tpu.vector_load_idx %arg7[%broadcast_in_dim3A_137] : memref<640xf32, #tpu.memory_space<vmem>>[vector<16xi32>], vector<16xf32>,
        %mul3A_139 = arith.constant 2 : i32
        %mul3A_140 = arith.muli %mul3A_139, %add3A_43 : i32
        %add3A_141 = arith.constant 0 : i32
        %add3A_142 = arith.addi %mul3A_140, %add3A_141 : i32
        %swap3A_143 = arith.index_cast %add3A_142 : i32 to index
        %swap3A_144 = arith.constant 96 : index
        %swap3A_145 = tpu.vector_load %arg8[%swap3A_143, %swap3A_144] {strides = array<i32>} : memref<80x128xf32, #tpu.memory_space<vmem>>, vector<16xf32>,
        tpu.vector_store %arg8[%swap3A_143, %swap3A_144], %gather3A_138 {strides = array<i32>} : memref<80x128xf32, #tpu.memory_space<vmem>>, vector<16xf32>,
        %mul3A_146 = arith.constant 16 : i32
        %mul3A_147 = arith.muli %add3A_43, %mul3A_146 : i32
        %add3A_148 = arith.constant 0 : i32
        %add3A_149 = arith.addi %mul3A_147, %add3A_148 : i32
        %add3A_150 = arith.constant 7 : i32
        %add3A_151 = arith.addi %add3A_149, %add3A_150 : i32
        %broadcast_in_dim3A_152 = vector.broadcast %add3A_151 : i32 to vector<16xi32>
        %gather3A_153 = tpu.vector_load_idx %arg7[%broadcast_in_dim3A_152] : memref<640xf32, #tpu.memory_space<vmem>>[vector<16xi32>], vector<16xf32>,
        %mul3A_154 = arith.constant 2 : i32
        %mul3A_155 = arith.muli %mul3A_154, %add3A_43 : i32
        %add3A_156 = arith.constant 0 : i32
        %add3A_157 = arith.addi %mul3A_155, %add3A_156 : i32
        %swap3A_158 = arith.index_cast %add3A_157 : i32 to index
        %swap3A_159 = arith.constant 112 : index
        %swap3A_160 = tpu.vector_load %arg8[%swap3A_158, %swap3A_159] {strides = array<i32>} : memref<80x128xf32, #tpu.memory_space<vmem>>, vector<16xf32>,
        tpu.vector_store %arg8[%swap3A_158, %swap3A_159], %gather3A_153 {strides = array<i32>} : memref<80x128xf32, #tpu.memory_space<vmem>>, vector<16xf32>,
        %mul3A_161 = arith.constant 16 : i32
        %mul3A_162 = arith.muli %add3A_43, %mul3A_161 : i32
        %add3A_163 = arith.constant 8 : i32
        %add3A_164 = arith.addi %mul3A_162, %add3A_163 : i32
        %add3A_165 = arith.constant 0 : i32
        %add3A_166 = arith.addi %add3A_164, %add3A_165 : i32
        %broadcast_in_dim3A_167 = vector.broadcast %add3A_166 : i32 to vector<16xi32>
        %gather3A_168 = tpu.vector_load_idx %arg7[%broadcast_in_dim3A_167] : memref<640xf32, #tpu.memory_space<vmem>>[vector<16xi32>], vector<16xf32>,
        %mul3A_169 = arith.constant 2 : i32
        %mul3A_170 = arith.muli %mul3A_169, %add3A_43 : i32
        %add3A_171 = arith.constant 1 : i32
        %add3A_172 = arith.addi %mul3A_170, %add3A_171 : i32
        %swap3A_173 = arith.index_cast %add3A_172 : i32 to index
        %swap3A_174 = arith.constant 0 : index
        %swap3A_175 = tpu.vector_load %arg8[%swap3A_173, %swap3A_174] {strides = array<i32>} : memref<80x128xf32, #tpu.memory_space<vmem>>, vector<16xf32>,
        tpu.vector_store %arg8[%swap3A_173, %swap3A_174], %gather3A_168 {strides = array<i32>} : memref<80x128xf32, #tpu.memory_space<vmem>>, vector<16xf32>,
        %mul3A_176 = arith.constant 16 : i32
        %mul3A_177 = arith.muli %add3A_43, %mul3A_176 : i32
        %add3A_178 = arith.constant 8 : i32
        %add3A_179 = arith.addi %mul3A_177, %add3A_178 : i32
        %add3A_180 = arith.constant 1 : i32
        %add3A_181 = arith.addi %add3A_179, %add3A_180 : i32
        %broadcast_in_dim3A_182 = vector.broadcast %add3A_181 : i32 to vector<16xi32>
        %gather3A_183 = tpu.vector_load_idx %arg7[%broadcast_in_dim3A_182] : memref<640xf32, #tpu.memory_space<vmem>>[vector<16xi32>], vector<16xf32>,
        %mul3A_184 = arith.constant 2 : i32
        %mul3A_185 = arith.muli %mul3A_184, %add3A_43 : i32
        %add3A_186 = arith.constant 1 : i32
        %add3A_187 = arith.addi %mul3A_185, %add3A_186 : i32
        %swap3A_188 = arith.index_cast %add3A_187 : i32 to index
        %swap3A_189 = arith.constant 16 : index
        %swap3A_190 = tpu.vector_load %arg8[%swap3A_188, %swap3A_189] {strides = array<i32>} : memref<80x128xf32, #tpu.memory_space<vmem>>, vector<16xf32>,
        tpu.vector_store %arg8[%swap3A_188, %swap3A_189], %gather3A_183 {strides = array<i32>} : memref<80x128xf32, #tpu.memory_space<vmem>>, vector<16xf32>,
        %mul3A_191 = arith.constant 16 : i32
        %mul3A_192 = arith.muli %add3A_43, %mul3A_191 : i32
        %add3A_193 = arith.constant 8 : i32
        %add3A_194 = arith.addi %mul3A_192, %add3A_193 : i32
        %add3A_195 = arith.constant 2 : i32
        %add3A_196 = arith.addi %add3A_194, %add3A_195 : i32
        %broadcast_in_dim3A_197 = vector.broadcast %add3A_196 : i32 to vector<16xi32>
        %gather3A_198 = tpu.vector_load_idx %arg7[%broadcast_in_dim3A_197] : memref<640xf32, #tpu.memory_space<vmem>>[vector<16xi32>], vector<16xf32>,
        %mul3A_199 = arith.constant 2 : i32
        %mul3A_200 = arith.muli %mul3A_199, %add3A_43 : i32
        %add3A_201 = arith.constant 1 : i32
        %add3A_202 = arith.addi %mul3A_200, %add3A_201 : i32
        %swap3A_203 = arith.index_cast %add3A_202 : i32 to index
        %swap3A_204 = arith.constant 32 : index
        %swap3A_205 = tpu.vector_load %arg8[%swap3A_203, %swap3A_204] {strides = array<i32>} : memref<80x128xf32, #tpu.memory_space<vmem>>, vector<16xf32>,
        tpu.vector_store %arg8[%swap3A_203, %swap3A_204], %gather3A_198 {strides = array<i32>} : memref<80x128xf32, #tpu.memory_space<vmem>>, vector<16xf32>,
        %mul3A_206 = arith.constant 16 : i32
        %mul3A_207 = arith.muli %add3A_43, %mul3A_206 : i32
        %add3A_208 = arith.constant 8 : i32
        %add3A_209 = arith.addi %mul3A_207, %add3A_208 : i32
        %add3A_210 = arith.constant 3 : i32
        %add3A_211 = arith.addi %add3A_209, %add3A_210 : i32
        %broadcast_in_dim3A_212 = vector.broadcast %add3A_211 : i32 to vector<16xi32>
        %gather3A_213 = tpu.vector_load_idx %arg7[%broadcast_in_dim3A_212] : memref<640xf32, #tpu.memory_space<vmem>>[vector<16xi32>], vector<16xf32>,
        %mul3A_214 = arith.constant 2 : i32
        %mul3A_215 = arith.muli %mul3A_214, %add3A_43 : i32
        %add3A_216 = arith.constant 1 : i32
        %add3A_217 = arith.addi %mul3A_215, %add3A_216 : i32
        %swap3A_218 = arith.index_cast %add3A_217 : i32 to index
        %swap3A_219 = arith.constant 48 : index
        %swap3A_220 = tpu.vector_load %arg8[%swap3A_218, %swap3A_219] {strides = array<i32>} : memref<80x128xf32, #tpu.memory_space<vmem>>, vector<16xf32>,
        tpu.vector_store %arg8[%swap3A_218, %swap3A_219], %gather3A_213 {strides = array<i32>} : memref<80x128xf32, #tpu.memory_space<vmem>>, vector<16xf32>,
        %mul3A_221 = arith.constant 16 : i32
        %mul3A_222 = arith.muli %add3A_43, %mul3A_221 : i32
        %add3A_223 = arith.constant 8 : i32
        %add3A_224 = arith.addi %mul3A_222, %add3A_223 : i32
        %add3A_225 = arith.constant 4 : i32
        %add3A_226 = arith.addi %add3A_224, %add3A_225 : i32
        %broadcast_in_dim3A_227 = vector.broadcast %add3A_226 : i32 to vector<16xi32>
        %gather3A_228 = tpu.vector_load_idx %arg7[%broadcast_in_dim3A_227] : memref<640xf32, #tpu.memory_space<vmem>>[vector<16xi32>], vector<16xf32>,
        %mul3A_229 = arith.constant 2 : i32
        %mul3A_230 = arith.muli %mul3A_229, %add3A_43 : i32
        %add3A_231 = arith.constant 1 : i32
        %add3A_232 = arith.addi %mul3A_230, %add3A_231 : i32
        %swap3A_233 = arith.index_cast %add3A_232 : i32 to index
        %swap3A_234 = arith.constant 64 : index
        %swap3A_235 = tpu.vector_load %arg8[%swap3A_233, %swap3A_234] {strides = array<i32>} : memref<80x128xf32, #tpu.memory_space<vmem>>, vector<16xf32>,
        tpu.vector_store %arg8[%swap3A_233, %swap3A_234], %gather3A_228 {strides = array<i32>} : memref<80x128xf32, #tpu.memory_space<vmem>>, vector<16xf32>,
        %mul3A_236 = arith.constant 16 : i32
        %mul3A_237 = arith.muli %add3A_43, %mul3A_236 : i32
        %add3A_238 = arith.constant 8 : i32
        %add3A_239 = arith.addi %mul3A_237, %add3A_238 : i32
        %add3A_240 = arith.constant 5 : i32
        %add3A_241 = arith.addi %add3A_239, %add3A_240 : i32
        %broadcast_in_dim3A_242 = vector.broadcast %add3A_241 : i32 to vector<16xi32>
        %gather3A_243 = tpu.vector_load_idx %arg7[%broadcast_in_dim3A_242] : memref<640xf32, #tpu.memory_space<vmem>>[vector<16xi32>], vector<16xf32>,
        %mul3A_244 = arith.constant 2 : i32
        %mul3A_245 = arith.muli %mul3A_244, %add3A_43 : i32
        %add3A_246 = arith.constant 1 : i32
        %add3A_247 = arith.addi %mul3A_245, %add3A_246 : i32
        %swap3A_248 = arith.index_cast %add3A_247 : i32 to index
        %swap3A_249 = arith.constant 80 : index
        %swap3A_250 = tpu.vector_load %arg8[%swap3A_248, %swap3A_249] {strides = array<i32>} : memref<80x128xf32, #tpu.memory_space<vmem>>, vector<16xf32>,
        tpu.vector_store %arg8[%swap3A_248, %swap3A_249], %gather3A_243 {strides = array<i32>} : memref<80x128xf32, #tpu.memory_space<vmem>>, vector<16xf32>,
        %mul3A_251 = arith.constant 16 : i32
        %mul3A_252 = arith.muli %add3A_43, %mul3A_251 : i32
        %add3A_253 = arith.constant 8 : i32
        %add3A_254 = arith.addi %mul3A_252, %add3A_253 : i32
        %add3A_255 = arith.constant 6 : i32
        %add3A_256 = arith.addi %add3A_254, %add3A_255 : i32
        %broadcast_in_dim3A_257 = vector.broadcast %add3A_256 : i32 to vector<16xi32>
        %gather3A_258 = tpu.vector_load_idx %arg7[%broadcast_in_dim3A_257] : memref<640xf32, #tpu.memory_space<vmem>>[vector<16xi32>], vector<16xf32>,
        %mul3A_259 = arith.constant 2 : i32
        %mul3A_260 = arith.muli %mul3A_259, %add3A_43 : i32
        %add3A_261 = arith.constant 1 : i32
        %add3A_262 = arith.addi %mul3A_260, %add3A_261 : i32
        %swap3A_263 = arith.index_cast %add3A_262 : i32 to index
        %swap3A_264 = arith.constant 96 : index
        %swap3A_265 = tpu.vector_load %arg8[%swap3A_263, %swap3A_264] {strides = array<i32>} : memref<80x128xf32, #tpu.memory_space<vmem>>, vector<16xf32>,
        tpu.vector_store %arg8[%swap3A_263, %swap3A_264], %gather3A_258 {strides = array<i32>} : memref<80x128xf32, #tpu.memory_space<vmem>>, vector<16xf32>,
        %mul3A_266 = arith.constant 16 : i32
        %mul3A_267 = arith.muli %add3A_43, %mul3A_266 : i32
        %add3A_268 = arith.constant 8 : i32
        %add3A_269 = arith.addi %mul3A_267, %add3A_268 : i32
        %add3A_270 = arith.constant 7 : i32
        %add3A_271 = arith.addi %add3A_269, %add3A_270 : i32
        %broadcast_in_dim3A_272 = vector.broadcast %add3A_271 : i32 to vector<16xi32>
        %gather3A_273 = tpu.vector_load_idx %arg7[%broadcast_in_dim3A_272] : memref<640xf32, #tpu.memory_space<vmem>>[vector<16xi32>], vector<16xf32>,
        %mul3A_274 = arith.constant 2 : i32
        %mul3A_275 = arith.muli %mul3A_274, %add3A_43 : i32
        %add3A_276 = arith.constant 1 : i32
        %add3A_277 = arith.addi %mul3A_275, %add3A_276 : i32
        %swap3A_278 = arith.index_cast %add3A_277 : i32 to index
        %swap3A_279 = arith.constant 112 : index
        %swap3A_280 = tpu.vector_load %arg8[%swap3A_278, %swap3A_279] {strides = array<i32>} : memref<80x128xf32, #tpu.memory_space<vmem>>, vector<16xf32>,
        tpu.vector_store %arg8[%swap3A_278, %swap3A_279], %gather3A_273 {strides = array<i32>} : memref<80x128xf32, #tpu.memory_space<vmem>>, vector<16xf32>,
      }
      %scan3A_37 = arith.constant 40 : i32
      %mul3A_38 = arith.constant 80 : i32
      %mul3A_39 = arith.muli %arg1, %mul3A_38 : i32
      "tpu.region"() ({
        %run_scoped3A = tpu.sem_alloc : memref<!tpu.dma_semaphore, #tpu.memory_space<semaphore_mem>>
        %dma_start3A_40 = arith.constant 0 : i32
        %dma_start3A_41 = tpu.memref_slice %arg3[%mul3A_39, %dma_start3A_40] : memref<1280x128xf32, #tpu.memory_space<hbm>> -> memref<80x128xf32, #tpu.memory_space<hbm>>
        %dma_start3A_42 = arith.constant 0 : i32
        %dma_start3A_43 = tpu.memref_slice %arg3[%mul3A_39, %dma_start3A_42] : memref<1280x128xf32, #tpu.memory_space<hbm>> -> memref<80x128xf32, #tpu.memory_space<hbm>>
        tpu.enqueue_dma source(%arg8 : memref<80x128xf32, #tpu.memory_space<vmem>>) target(%dma_start3A_43 : memref<80x128xf32, #tpu.memory_space<hbm>>) target_semaphore(%run_scoped3A : memref<!tpu.dma_semaphore, #tpu.memory_space<semaphore_mem>>)
        %dma_wait3A_44 = arith.constant 0 : i32
        %dma_wait3A_45 = tpu.memref_slice %arg3[%mul3A_39, %dma_wait3A_44] : memref<1280x128xf32, #tpu.memory_space<hbm>> -> memref<80x128xf32, #tpu.memory_space<hbm>>
        %dma_wait3A_46 = arith.constant 0 : i32
        %dma_wait3A_47 = tpu.memref_slice %arg3[%mul3A_39, %dma_wait3A_46] : memref<1280x128xf32, #tpu.memory_space<hbm>> -> memref<80x128xf32, #tpu.memory_space<hbm>>
        tpu.wait_dma2 semaphore(%run_scoped3A : memref<!tpu.dma_semaphore, #tpu.memory_space<semaphore_mem>>) src(%arg8 : memref<80x128xf32, #tpu.memory_space<vmem>>) dst(%dma_wait3A_47 : memref<80x128xf32, #tpu.memory_space<hbm>>)
        tpu.yield
      }) : () -> ()
    } else {
    }
    return
  }
}

#map = affine_map<(d0, d1) -> (0, 0, 0)>
#map1 = affine_map<(d0, d1) -> (0, 0)>
module attributes {stable_mosaic.version = 14 : i64} {
  func.func @k(%arg0: i32, %arg1: i32, %arg2: memref<2x2528x128xi32, #tpu.memory_space<hbm>>, %arg3: memref<32x10112xi32, #tpu.memory_space<hbm>>, %arg4: memref<10000x16xf32, #tpu.memory_space<hbm>>, %arg5: memref<2x10240x16xf32, #tpu.memory_space<hbm>>, %arg6: memref<10112xi32, #tpu.memory_space<vmem>>, %arg7: memref<79x128xi32, #tpu.memory_space<vmem>>, %arg8: memref<2x1024x16xf32, #tpu.memory_space<vmem>>, %arg9: memref<640x16xf32, #tpu.memory_space<vmem>>, %arg10: memref<10240x16xf32, #tpu.memory_space<vmem_shared>>, %arg11: memref<!tpu.dma_semaphore, #tpu.memory_space<semaphore_mem>>, %arg12: memref<!tpu.dma_semaphore, #tpu.memory_space<semaphore_mem>>, %arg13: memref<!tpu.dma_semaphore, #tpu.memory_space<semaphore_mem>>, %arg14: memref<!tpu.dma_semaphore, #tpu.memory_space<semaphore_mem>>, %arg15: memref<!tpu.dma_semaphore, #tpu.memory_space<semaphore_mem>>) attributes {dimension_semantics = [#tpu.dimension_semantics<core_parallel>, #tpu.dimension_semantics<subcore_parallel>], iteration_bounds = array<i64: 2, 16>, scalar_prefetch = 0 : i64, scratch_operands = 10 : i64, tpu.core_type = #tpu.core_type<sc_vector_subcore>, window_params = [{transform_indices = #map}, {transform_indices = #map1}, {transform_indices = #map1}, {transform_indices = #map}]} {
    %mul3A = arith.constant 2 : i32
    %mul3A_0 = arith.muli %arg1, %mul3A : i32
    %add3A = arith.addi %mul3A_0, %arg0 : i32
    %mul3A_1 = arith.constant 79 : i32
    %mul3A_2 = arith.muli %add3A, %mul3A_1 : i32
    %dma_start3A = arith.constant 0 : i32
    %dma_start3A_3 = tpu.memref_slice %arg3[%add3A, %dma_start3A] : memref<32x10112xi32, #tpu.memory_space<hbm>> -> memref<1x10112xi32, #tpu.memory_space<hbm>>
    %dma_start3A_4 = tpu.memref_squeeze %dma_start3A_3 : memref<1x10112xi32, #tpu.memory_space<hbm>> -> memref<10112xi32, #tpu.memory_space<hbm>>
    %dma_start3A_5 = arith.constant 0 : i32
    %dma_start3A_6 = tpu.memref_slice %arg3[%add3A, %dma_start3A_5] : memref<32x10112xi32, #tpu.memory_space<hbm>> -> memref<1x10112xi32, #tpu.memory_space<hbm>>
    %dma_start3A_7 = tpu.memref_squeeze %dma_start3A_6 : memref<1x10112xi32, #tpu.memory_space<hbm>> -> memref<10112xi32, #tpu.memory_space<hbm>>
    tpu.enqueue_dma source(%dma_start3A_7 : memref<10112xi32, #tpu.memory_space<hbm>>) target(%arg6 : memref<10112xi32, #tpu.memory_space<vmem>>) target_semaphore(%arg11 : memref<!tpu.dma_semaphore, #tpu.memory_space<semaphore_mem>>)
    %dma_start3A_8 = arith.constant 1 : i32
    %dma_start3A_9 = arith.constant 0 : i32
    %dma_start3A_10 = tpu.memref_slice %arg2[%dma_start3A_8, %mul3A_2, %dma_start3A_9] : memref<2x2528x128xi32, #tpu.memory_space<hbm>> -> memref<1x79x128xi32, #tpu.memory_space<hbm>>
    %dma_start3A_11 = tpu.memref_squeeze %dma_start3A_10 : memref<1x79x128xi32, #tpu.memory_space<hbm>> -> memref<79x128xi32, #tpu.memory_space<hbm>>
    %dma_start3A_12 = arith.constant 0 : i32
    %dma_start3A_13 = tpu.memref_slice %arg2[%dma_start3A_8, %mul3A_2, %dma_start3A_12] : memref<2x2528x128xi32, #tpu.memory_space<hbm>> -> memref<1x79x128xi32, #tpu.memory_space<hbm>>
    %dma_start3A_14 = tpu.memref_squeeze %dma_start3A_13 : memref<1x79x128xi32, #tpu.memory_space<hbm>> -> memref<79x128xi32, #tpu.memory_space<hbm>>
    tpu.enqueue_dma source(%dma_start3A_14 : memref<79x128xi32, #tpu.memory_space<hbm>>) target(%arg7 : memref<79x128xi32, #tpu.memory_space<vmem>>) target_semaphore(%arg11 : memref<!tpu.dma_semaphore, #tpu.memory_space<semaphore_mem>>)
    %scan3A = arith.constant 0 : i32
    %scan3A_15 = arith.constant 640 : i32
    %scan3A_16 = arith.addi %scan3A, %scan3A_15 : i32
    %scan3A_17 = arith.constant 1 : i32
    scf.for %scan3A_552 = %scan3A to %scan3A_16 step %scan3A_17  : i32 {
      %mul3A_553 = arith.constant 1 : i32
      %mul3A_554 = arith.muli %scan3A_552, %mul3A_553 : i32
      %add3A_555 = arith.constant 0 : i32
      %add3A_556 = arith.addi %add3A_555, %mul3A_554 : i32
      %broadcast_in_dim3A = arith.constant 0.000000e+00 : f32
      %broadcast_in_dim3A_557 = vector.broadcast %broadcast_in_dim3A : f32 to vector<16xf32>
      %swap3A = arith.index_cast %add3A_556 : i32 to index
      %swap3A_558 = arith.constant 0 : index
      %swap3A_559 = tpu.vector_load %arg9[%swap3A, %swap3A_558] {strides = array<i32>} : memref<640x16xf32, #tpu.memory_space<vmem>>, vector<16xf32>,
      tpu.vector_store %arg9[%swap3A, %swap3A_558], %broadcast_in_dim3A_557 {strides = array<i32>} : memref<640x16xf32, #tpu.memory_space<vmem>>, vector<16xf32>,
    }
    %scan3A_18 = arith.constant 640 : i32
    %mul3A_19 = arith.constant 640 : i32
    %mul3A_20 = arith.muli %arg1, %mul3A_19 : i32
    "tpu.region"() ({
      %run_scoped3A = tpu.sem_alloc : memref<!tpu.dma_semaphore, #tpu.memory_space<semaphore_mem>>
      %dma_start3A_552 = arith.constant 0 : i32
      %dma_start3A_553 = tpu.memref_slice %arg10[%mul3A_20, %dma_start3A_552] : memref<10240x16xf32, #tpu.memory_space<vmem_shared>> -> memref<640x16xf32, #tpu.memory_space<vmem_shared>>
      %dma_start3A_554 = arith.constant 0 : i32
      %dma_start3A_555 = tpu.memref_slice %arg10[%mul3A_20, %dma_start3A_554] : memref<10240x16xf32, #tpu.memory_space<vmem_shared>> -> memref<640x16xf32, #tpu.memory_space<vmem_shared>>
      tpu.enqueue_dma source(%arg9 : memref<640x16xf32, #tpu.memory_space<vmem>>) target(%dma_start3A_555 : memref<640x16xf32, #tpu.memory_space<vmem_shared>>) target_semaphore(%run_scoped3A : memref<!tpu.dma_semaphore, #tpu.memory_space<semaphore_mem>>)
      %dma_wait3A_556 = arith.constant 0 : i32
      %dma_wait3A_557 = tpu.memref_slice %arg10[%mul3A_20, %dma_wait3A_556] : memref<10240x16xf32, #tpu.memory_space<vmem_shared>> -> memref<640x16xf32, #tpu.memory_space<vmem_shared>>
      %dma_wait3A_558 = arith.constant 0 : i32
      %dma_wait3A_559 = tpu.memref_slice %arg10[%mul3A_20, %dma_wait3A_558] : memref<10240x16xf32, #tpu.memory_space<vmem_shared>> -> memref<640x16xf32, #tpu.memory_space<vmem_shared>>
      tpu.wait_dma2 semaphore(%run_scoped3A : memref<!tpu.dma_semaphore, #tpu.memory_space<semaphore_mem>>) src(%arg9 : memref<640x16xf32, #tpu.memory_space<vmem>>) dst(%dma_wait3A_559 : memref<640x16xf32, #tpu.memory_space<vmem_shared>>)
      tpu.yield
    }) : () -> ()
    %dma_wait3A = arith.constant 0 : i32
    %dma_wait3A_21 = tpu.memref_slice %arg3[%add3A, %dma_wait3A] : memref<32x10112xi32, #tpu.memory_space<hbm>> -> memref<1x10112xi32, #tpu.memory_space<hbm>>
    %dma_wait3A_22 = tpu.memref_squeeze %dma_wait3A_21 : memref<1x10112xi32, #tpu.memory_space<hbm>> -> memref<10112xi32, #tpu.memory_space<hbm>>
    %dma_wait3A_23 = arith.constant 0 : i32
    %dma_wait3A_24 = tpu.memref_slice %arg3[%add3A, %dma_wait3A_23] : memref<32x10112xi32, #tpu.memory_space<hbm>> -> memref<1x10112xi32, #tpu.memory_space<hbm>>
    %dma_wait3A_25 = tpu.memref_squeeze %dma_wait3A_24 : memref<1x10112xi32, #tpu.memory_space<hbm>> -> memref<10112xi32, #tpu.memory_space<hbm>>
    tpu.wait_dma2 semaphore(%arg11 : memref<!tpu.dma_semaphore, #tpu.memory_space<semaphore_mem>>) src(%dma_wait3A_25 : memref<10112xi32, #tpu.memory_space<hbm>>) dst(%arg6 : memref<10112xi32, #tpu.memory_space<vmem>>)
    %dma_wait3A_26 = arith.constant 1 : i32
    %dma_wait3A_27 = arith.constant 0 : i32
    %dma_wait3A_28 = tpu.memref_slice %arg2[%dma_wait3A_26, %mul3A_2, %dma_wait3A_27] : memref<2x2528x128xi32, #tpu.memory_space<hbm>> -> memref<1x79x128xi32, #tpu.memory_space<hbm>>
    %dma_wait3A_29 = tpu.memref_squeeze %dma_wait3A_28 : memref<1x79x128xi32, #tpu.memory_space<hbm>> -> memref<79x128xi32, #tpu.memory_space<hbm>>
    %dma_wait3A_30 = arith.constant 0 : i32
    %dma_wait3A_31 = tpu.memref_slice %arg2[%dma_wait3A_26, %mul3A_2, %dma_wait3A_30] : memref<2x2528x128xi32, #tpu.memory_space<hbm>> -> memref<1x79x128xi32, #tpu.memory_space<hbm>>
    %dma_wait3A_32 = tpu.memref_squeeze %dma_wait3A_31 : memref<1x79x128xi32, #tpu.memory_space<hbm>> -> memref<79x128xi32, #tpu.memory_space<hbm>>
    tpu.wait_dma2 semaphore(%arg11 : memref<!tpu.dma_semaphore, #tpu.memory_space<semaphore_mem>>) src(%dma_wait3A_32 : memref<79x128xi32, #tpu.memory_space<hbm>>) dst(%arg7 : memref<79x128xi32, #tpu.memory_space<vmem>>)
    %barrier3A = arith.constant 0 : index
    tpu.barrier barrier_id(%barrier3A)
    %dma_start3A_33 = arith.constant 0 : i32
    %dma_start3A_34 = arith.constant 0 : i32
    %dma_start3A_35 = arith.constant 0 : i32
    %dma_start3A_36 = tpu.memref_slice %arg8[%dma_start3A_33, %dma_start3A_34, %dma_start3A_35] : memref<2x1024x16xf32, #tpu.memory_space<vmem>> -> memref<1x1024x16xf32, #tpu.memory_space<vmem>>
    %dma_start3A_37 = tpu.memref_squeeze %dma_start3A_36 : memref<1x1024x16xf32, #tpu.memory_space<vmem>> -> memref<1024x16xf32, #tpu.memory_space<vmem>>
    %dma_start3A_38 = arith.constant 0 : i32
    %dma_start3A_39 = tpu.memref_slice %arg6[%dma_start3A_38] : memref<10112xi32, #tpu.memory_space<vmem>> -> memref<1024xi32, #tpu.memory_space<vmem>>
    %dma_start3A_40 = arith.constant 0 : i32
    %dma_start3A_41 = arith.constant 0 : i32
    %dma_start3A_42 = tpu.memref_slice %arg4[%dma_start3A_40, %dma_start3A_41] : memref<10000x16xf32, #tpu.memory_space<hbm>> -> memref<10000x16xf32, #tpu.memory_space<hbm>>
    tpu.enqueue_indirect_dma source(%dma_start3A_42 : memref<10000x16xf32, #tpu.memory_space<hbm>>) target(%dma_start3A_37 : memref<1024x16xf32, #tpu.memory_space<vmem>>) offsets(%dma_start3A_39 : memref<1024xi32, #tpu.memory_space<vmem>>) semaphore(%arg12 : memref<!tpu.dma_semaphore, #tpu.memory_space<semaphore_mem>>)
    %dma_wait3A_43 = arith.constant 0 : i32
    %dma_wait3A_44 = arith.constant 0 : i32
    %dma_wait3A_45 = arith.constant 0 : i32
    %dma_wait3A_46 = tpu.memref_slice %arg8[%dma_wait3A_43, %dma_wait3A_44, %dma_wait3A_45] : memref<2x1024x16xf32, #tpu.memory_space<vmem>> -> memref<1x1024x16xf32, #tpu.memory_space<vmem>>
    %dma_wait3A_47 = tpu.memref_squeeze %dma_wait3A_46 : memref<1x1024x16xf32, #tpu.memory_space<vmem>> -> memref<1024x16xf32, #tpu.memory_space<vmem>>
    %dma_wait3A_48 = arith.constant 0 : i32
    %dma_wait3A_49 = tpu.memref_slice %arg6[%dma_wait3A_48] : memref<10112xi32, #tpu.memory_space<vmem>> -> memref<1024xi32, #tpu.memory_space<vmem>>
    %dma_wait3A_50 = arith.constant 0 : i32
    %dma_wait3A_51 = arith.constant 0 : i32
    %dma_wait3A_52 = tpu.memref_slice %arg4[%dma_wait3A_50, %dma_wait3A_51] : memref<10000x16xf32, #tpu.memory_space<hbm>> -> memref<10000x16xf32, #tpu.memory_space<hbm>>
    tpu.wait_indirect_dma semaphore(%arg12 : memref<!tpu.dma_semaphore, #tpu.memory_space<semaphore_mem>>) src(%dma_wait3A_52 : memref<10000x16xf32, #tpu.memory_space<hbm>>) dst(%dma_wait3A_47 : memref<1024x16xf32, #tpu.memory_space<vmem>>)
    %dma_start3A_53 = arith.constant 1 : i32
    %dma_start3A_54 = arith.constant 0 : i32
    %dma_start3A_55 = arith.constant 0 : i32
    %dma_start3A_56 = tpu.memref_slice %arg8[%dma_start3A_53, %dma_start3A_54, %dma_start3A_55] : memref<2x1024x16xf32, #tpu.memory_space<vmem>> -> memref<1x1024x16xf32, #tpu.memory_space<vmem>>
    %dma_start3A_57 = tpu.memref_squeeze %dma_start3A_56 : memref<1x1024x16xf32, #tpu.memory_space<vmem>> -> memref<1024x16xf32, #tpu.memory_space<vmem>>
    %dma_start3A_58 = arith.constant 1024 : i32
    %dma_start3A_59 = tpu.memref_slice %arg6[%dma_start3A_58] : memref<10112xi32, #tpu.memory_space<vmem>> -> memref<1024xi32, #tpu.memory_space<vmem>>
    %dma_start3A_60 = arith.constant 0 : i32
    %dma_start3A_61 = arith.constant 0 : i32
    %dma_start3A_62 = tpu.memref_slice %arg4[%dma_start3A_60, %dma_start3A_61] : memref<10000x16xf32, #tpu.memory_space<hbm>> -> memref<10000x16xf32, #tpu.memory_space<hbm>>
    tpu.enqueue_indirect_dma source(%dma_start3A_62 : memref<10000x16xf32, #tpu.memory_space<hbm>>) target(%dma_start3A_57 : memref<1024x16xf32, #tpu.memory_space<vmem>>) offsets(%dma_start3A_59 : memref<1024xi32, #tpu.memory_space<vmem>>) semaphore(%arg13 : memref<!tpu.dma_semaphore, #tpu.memory_space<semaphore_mem>>)
    %scan3A_63 = arith.constant 0 : i32
    %scan3A_64 = arith.constant 4 : i32
    %scan3A_65 = arith.addi %scan3A_63, %scan3A_64 : i32
    %scan3A_66 = arith.constant 1 : i32
    scf.for %scan3A_552 = %scan3A_63 to %scan3A_65 step %scan3A_66  : i32 {
      %mul3A_553 = arith.constant 1 : i32
      %mul3A_554 = arith.muli %scan3A_552, %mul3A_553 : i32
      %add3A_555 = arith.constant 0 : i32
      %add3A_556 = arith.addi %add3A_555, %mul3A_554 : i32
      %ge3A = arith.constant 1 : i32
      %ge3A_557 = arith.cmpi sge, %add3A_556, %ge3A : i32
      %convert_element_type3A = arith.extui %ge3A_557 : i1 to i32
      %cond3A = arith.constant 0 : i32
      %cond3A_558 = arith.cmpi ne, %convert_element_type3A, %cond3A : i32
      scf.if %cond3A_558 {
        %dma_wait3A_593 = arith.constant 0 : i32
        %dma_wait3A_594 = arith.constant 0 : i32
        %dma_wait3A_595 = arith.constant 0 : i32
        %dma_wait3A_596 = arith.constant 0 : i32
        %dma_wait3A_597 = tpu.memref_slice %arg8[%dma_wait3A_593, %dma_wait3A_595, %dma_wait3A_596] : memref<2x1024x16xf32, #tpu.memory_space<vmem>> -> memref<1x128x16xf32, #tpu.memory_space<vmem>>
        %dma_wait3A_598 = tpu.memref_squeeze %dma_wait3A_597 : memref<1x128x16xf32, #tpu.memory_space<vmem>> -> memref<128x16xf32, #tpu.memory_space<vmem>>
        %dma_wait3A_599 = arith.constant 0 : i32
        %dma_wait3A_600 = tpu.memref_slice %arg7[%dma_wait3A_594, %dma_wait3A_599] : memref<79x128xi32, #tpu.memory_space<vmem>> -> memref<1x128xi32, #tpu.memory_space<vmem>>
        %dma_wait3A_601 = tpu.memref_squeeze %dma_wait3A_600 : memref<1x128xi32, #tpu.memory_space<vmem>> -> memref<128xi32, #tpu.memory_space<vmem>>
        %dma_wait3A_602 = arith.constant 0 : i32
        %dma_wait3A_603 = arith.constant 0 : i32
        %dma_wait3A_604 = tpu.memref_slice %arg10[%dma_wait3A_602, %dma_wait3A_603] : memref<10240x16xf32, #tpu.memory_space<vmem_shared>> -> memref<10240x16xf32, #tpu.memory_space<vmem_shared>>
        tpu.wait_indirect_dma semaphore(%arg14 : memref<!tpu.dma_semaphore, #tpu.memory_space<semaphore_mem>>) src(%dma_wait3A_598 : memref<128x16xf32, #tpu.memory_space<vmem>>) dst(%dma_wait3A_604 : memref<10240x16xf32, #tpu.memory_space<vmem_shared>>)
        %dma_wait3A_605 = arith.constant 0 : i32
        %dma_wait3A_606 = arith.constant 0 : i32
        %dma_wait3A_607 = arith.constant 0 : i32
        %dma_wait3A_608 = arith.constant 0 : i32
        %dma_wait3A_609 = tpu.memref_slice %arg8[%dma_wait3A_605, %dma_wait3A_607, %dma_wait3A_608] : memref<2x1024x16xf32, #tpu.memory_space<vmem>> -> memref<1x128x16xf32, #tpu.memory_space<vmem>>
        %dma_wait3A_610 = tpu.memref_squeeze %dma_wait3A_609 : memref<1x128x16xf32, #tpu.memory_space<vmem>> -> memref<128x16xf32, #tpu.memory_space<vmem>>
        %dma_wait3A_611 = arith.constant 0 : i32
        %dma_wait3A_612 = tpu.memref_slice %arg7[%dma_wait3A_606, %dma_wait3A_611] : memref<79x128xi32, #tpu.memory_space<vmem>> -> memref<1x128xi32, #tpu.memory_space<vmem>>
        %dma_wait3A_613 = tpu.memref_squeeze %dma_wait3A_612 : memref<1x128xi32, #tpu.memory_space<vmem>> -> memref<128xi32, #tpu.memory_space<vmem>>
        %dma_wait3A_614 = arith.constant 0 : i32
        %dma_wait3A_615 = arith.constant 0 : i32
        %dma_wait3A_616 = tpu.memref_slice %arg10[%dma_wait3A_614, %dma_wait3A_615] : memref<10240x16xf32, #tpu.memory_space<vmem_shared>> -> memref<10240x16xf32, #tpu.memory_space<vmem_shared>>
        tpu.wait_indirect_dma semaphore(%arg15 : memref<!tpu.dma_semaphore, #tpu.memory_space<semaphore_mem>>) src(%dma_wait3A_610 : memref<128x16xf32, #tpu.memory_space<vmem>>) dst(%dma_wait3A_616 : memref<10240x16xf32, #tpu.memory_space<vmem_shared>>)
      } else {
      }
      %mul3A_559 = arith.constant 2 : i32
      %mul3A_560 = arith.muli %mul3A_559, %add3A_556 : i32
      %mul3A_561 = arith.constant 128 : i32
      %mul3A_562 = arith.muli %mul3A_560, %mul3A_561 : i32
      %add3A_563 = arith.constant 0 : i32
      %add3A_564 = arith.addi %add3A_563, %mul3A_560 : i32
      %dma_start3A_565 = arith.constant 0 : i32
      %dma_start3A_566 = arith.constant 0 : i32
      %dma_start3A_567 = tpu.memref_slice %arg8[%dma_start3A_565, %mul3A_562, %dma_start3A_566] : memref<2x1024x16xf32, #tpu.memory_space<vmem>> -> memref<1x128x16xf32, #tpu.memory_space<vmem>>
      %dma_start3A_568 = tpu.memref_squeeze %dma_start3A_567 : memref<1x128x16xf32, #tpu.memory_space<vmem>> -> memref<128x16xf32, #tpu.memory_space<vmem>>
      %dma_start3A_569 = arith.constant 0 : i32
      %dma_start3A_570 = tpu.memref_slice %arg7[%add3A_564, %dma_start3A_569] : memref<79x128xi32, #tpu.memory_space<vmem>> -> memref<1x128xi32, #tpu.memory_space<vmem>>
      %dma_start3A_571 = tpu.memref_squeeze %dma_start3A_570 : memref<1x128xi32, #tpu.memory_space<vmem>> -> memref<128xi32, #tpu.memory_space<vmem>>
      %dma_start3A_572 = arith.constant 0 : i32
      %dma_start3A_573 = arith.constant 0 : i32
      %dma_start3A_574 = tpu.memref_slice %arg10[%dma_start3A_572, %dma_start3A_573] : memref<10240x16xf32, #tpu.memory_space<vmem_shared>> -> memref<10240x16xf32, #tpu.memory_space<vmem_shared>>
      tpu.enqueue_indirect_dma source(%dma_start3A_568 : memref<128x16xf32, #tpu.memory_space<vmem>>) target(%dma_start3A_574 : memref<10240x16xf32, #tpu.memory_space<vmem_shared>>) offsets(%dma_start3A_571 : memref<128xi32, #tpu.memory_space<vmem>>) semaphore(%arg14 : memref<!tpu.dma_semaphore, #tpu.memory_space<semaphore_mem>>) {add = true}
      %mul3A_575 = arith.constant 2 : i32
      %mul3A_576 = arith.muli %mul3A_575, %add3A_556 : i32
      %add3A_577 = arith.constant 1 : i32
      %add3A_578 = arith.addi %mul3A_576, %add3A_577 : i32
      %mul3A_579 = arith.constant 128 : i32
      %mul3A_580 = arith.muli %add3A_578, %mul3A_579 : i32
      %add3A_581 = arith.constant 0 : i32
      %add3A_582 = arith.addi %add3A_581, %add3A_578 : i32
      %dma_start3A_583 = arith.constant 0 : i32
      %dma_start3A_584 = arith.constant 0 : i32
      %dma_start3A_585 = tpu.memref_slice %arg8[%dma_start3A_583, %mul3A_580, %dma_start3A_584] : memref<2x1024x16xf32, #tpu.memory_space<vmem>> -> memref<1x128x16xf32, #tpu.memory_space<vmem>>
      %dma_start3A_586 = tpu.memref_squeeze %dma_start3A_585 : memref<1x128x16xf32, #tpu.memory_space<vmem>> -> memref<128x16xf32, #tpu.memory_space<vmem>>
      %dma_start3A_587 = arith.constant 0 : i32
      %dma_start3A_588 = tpu.memref_slice %arg7[%add3A_582, %dma_start3A_587] : memref<79x128xi32, #tpu.memory_space<vmem>> -> memref<1x128xi32, #tpu.memory_space<vmem>>
      %dma_start3A_589 = tpu.memref_squeeze %dma_start3A_588 : memref<1x128xi32, #tpu.memory_space<vmem>> -> memref<128xi32, #tpu.memory_space<vmem>>
      %dma_start3A_590 = arith.constant 0 : i32
      %dma_start3A_591 = arith.constant 0 : i32
      %dma_start3A_592 = tpu.memref_slice %arg10[%dma_start3A_590, %dma_start3A_591] : memref<10240x16xf32, #tpu.memory_space<vmem_shared>> -> memref<10240x16xf32, #tpu.memory_space<vmem_shared>>
      tpu.enqueue_indirect_dma source(%dma_start3A_586 : memref<128x16xf32, #tpu.memory_space<vmem>>) target(%dma_start3A_592 : memref<10240x16xf32, #tpu.memory_space<vmem_shared>>) offsets(%dma_start3A_589 : memref<128xi32, #tpu.memory_space<vmem>>) semaphore(%arg15 : memref<!tpu.dma_semaphore, #tpu.memory_space<semaphore_mem>>) {add = true}
    }
    %scan3A_67 = arith.constant 4 : i32
    %dma_wait3A_68 = arith.constant 0 : i32
    %dma_wait3A_69 = arith.constant 0 : i32
    %dma_wait3A_70 = arith.constant 0 : i32
    %dma_wait3A_71 = arith.constant 0 : i32
    %dma_wait3A_72 = tpu.memref_slice %arg8[%dma_wait3A_68, %dma_wait3A_70, %dma_wait3A_71] : memref<2x1024x16xf32, #tpu.memory_space<vmem>> -> memref<1x128x16xf32, #tpu.memory_space<vmem>>
    %dma_wait3A_73 = tpu.memref_squeeze %dma_wait3A_72 : memref<1x128x16xf32, #tpu.memory_space<vmem>> -> memref<128x16xf32, #tpu.memory_space<vmem>>
    %dma_wait3A_74 = arith.constant 0 : i32
    %dma_wait3A_75 = tpu.memref_slice %arg7[%dma_wait3A_69, %dma_wait3A_74] : memref<79x128xi32, #tpu.memory_space<vmem>> -> memref<1x128xi32, #tpu.memory_space<vmem>>
    %dma_wait3A_76 = tpu.memref_squeeze %dma_wait3A_75 : memref<1x128xi32, #tpu.memory_space<vmem>> -> memref<128xi32, #tpu.memory_space<vmem>>
    %dma_wait3A_77 = arith.constant 0 : i32
    %dma_wait3A_78 = arith.constant 0 : i32
    %dma_wait3A_79 = tpu.memref_slice %arg10[%dma_wait3A_77, %dma_wait3A_78] : memref<10240x16xf32, #tpu.memory_space<vmem_shared>> -> memref<10240x16xf32, #tpu.memory_space<vmem_shared>>
    tpu.wait_indirect_dma semaphore(%arg14 : memref<!tpu.dma_semaphore, #tpu.memory_space<semaphore_mem>>) src(%dma_wait3A_73 : memref<128x16xf32, #tpu.memory_space<vmem>>) dst(%dma_wait3A_79 : memref<10240x16xf32, #tpu.memory_space<vmem_shared>>)
    %dma_wait3A_80 = arith.constant 0 : i32
    %dma_wait3A_81 = arith.constant 0 : i32
    %dma_wait3A_82 = arith.constant 0 : i32
    %dma_wait3A_83 = arith.constant 0 : i32
    %dma_wait3A_84 = tpu.memref_slice %arg8[%dma_wait3A_80, %dma_wait3A_82, %dma_wait3A_83] : memref<2x1024x16xf32, #tpu.memory_space<vmem>> -> memref<1x128x16xf32, #tpu.memory_space<vmem>>
    %dma_wait3A_85 = tpu.memref_squeeze %dma_wait3A_84 : memref<1x128x16xf32, #tpu.memory_space<vmem>> -> memref<128x16xf32, #tpu.memory_space<vmem>>
    %dma_wait3A_86 = arith.constant 0 : i32
    %dma_wait3A_87 = tpu.memref_slice %arg7[%dma_wait3A_81, %dma_wait3A_86] : memref<79x128xi32, #tpu.memory_space<vmem>> -> memref<1x128xi32, #tpu.memory_space<vmem>>
    %dma_wait3A_88 = tpu.memref_squeeze %dma_wait3A_87 : memref<1x128xi32, #tpu.memory_space<vmem>> -> memref<128xi32, #tpu.memory_space<vmem>>
    %dma_wait3A_89 = arith.constant 0 : i32
    %dma_wait3A_90 = arith.constant 0 : i32
    %dma_wait3A_91 = tpu.memref_slice %arg10[%dma_wait3A_89, %dma_wait3A_90] : memref<10240x16xf32, #tpu.memory_space<vmem_shared>> -> memref<10240x16xf32, #tpu.memory_space<vmem_shared>>
    tpu.wait_indirect_dma semaphore(%arg15 : memref<!tpu.dma_semaphore, #tpu.memory_space<semaphore_mem>>) src(%dma_wait3A_85 : memref<128x16xf32, #tpu.memory_space<vmem>>) dst(%dma_wait3A_91 : memref<10240x16xf32, #tpu.memory_space<vmem_shared>>)
    %dma_wait3A_92 = arith.constant 1 : i32
    %dma_wait3A_93 = arith.constant 0 : i32
    %dma_wait3A_94 = arith.constant 0 : i32
    %dma_wait3A_95 = tpu.memref_slice %arg8[%dma_wait3A_92, %dma_wait3A_93, %dma_wait3A_94] : memref<2x1024x16xf32, #tpu.memory_space<vmem>> -> memref<1x1024x16xf32, #tpu.memory_space<vmem>>
    %dma_wait3A_96 = tpu.memref_squeeze %dma_wait3A_95 : memref<1x1024x16xf32, #tpu.memory_space<vmem>> -> memref<1024x16xf32, #tpu.memory_space<vmem>>
    %dma_wait3A_97 = arith.constant 0 : i32
    %dma_wait3A_98 = tpu.memref_slice %arg6[%dma_wait3A_97] : memref<10112xi32, #tpu.memory_space<vmem>> -> memref<1024xi32, #tpu.memory_space<vmem>>
    %dma_wait3A_99 = arith.constant 0 : i32
    %dma_wait3A_100 = arith.constant 0 : i32
    %dma_wait3A_101 = tpu.memref_slice %arg4[%dma_wait3A_99, %dma_wait3A_100] : memref<10000x16xf32, #tpu.memory_space<hbm>> -> memref<10000x16xf32, #tpu.memory_space<hbm>>
    tpu.wait_indirect_dma semaphore(%arg13 : memref<!tpu.dma_semaphore, #tpu.memory_space<semaphore_mem>>) src(%dma_wait3A_101 : memref<10000x16xf32, #tpu.memory_space<hbm>>) dst(%dma_wait3A_96 : memref<1024x16xf32, #tpu.memory_space<vmem>>)
    %dma_start3A_102 = arith.constant 0 : i32
    %dma_start3A_103 = arith.constant 0 : i32
    %dma_start3A_104 = arith.constant 0 : i32
    %dma_start3A_105 = tpu.memref_slice %arg8[%dma_start3A_102, %dma_start3A_103, %dma_start3A_104] : memref<2x1024x16xf32, #tpu.memory_space<vmem>> -> memref<1x1024x16xf32, #tpu.memory_space<vmem>>
    %dma_start3A_106 = tpu.memref_squeeze %dma_start3A_105 : memref<1x1024x16xf32, #tpu.memory_space<vmem>> -> memref<1024x16xf32, #tpu.memory_space<vmem>>
    %dma_start3A_107 = arith.constant 2048 : i32
    %dma_start3A_108 = tpu.memref_slice %arg6[%dma_start3A_107] : memref<10112xi32, #tpu.memory_space<vmem>> -> memref<1024xi32, #tpu.memory_space<vmem>>
    %dma_start3A_109 = arith.constant 0 : i32
    %dma_start3A_110 = arith.constant 0 : i32
    %dma_start3A_111 = tpu.memref_slice %arg4[%dma_start3A_109, %dma_start3A_110] : memref<10000x16xf32, #tpu.memory_space<hbm>> -> memref<10000x16xf32, #tpu.memory_space<hbm>>
    tpu.enqueue_indirect_dma source(%dma_start3A_111 : memref<10000x16xf32, #tpu.memory_space<hbm>>) target(%dma_start3A_106 : memref<1024x16xf32, #tpu.memory_space<vmem>>) offsets(%dma_start3A_108 : memref<1024xi32, #tpu.memory_space<vmem>>) semaphore(%arg12 : memref<!tpu.dma_semaphore, #tpu.memory_space<semaphore_mem>>)
    %scan3A_112 = arith.constant 0 : i32
    %scan3A_113 = arith.constant 4 : i32
    %scan3A_114 = arith.addi %scan3A_112, %scan3A_113 : i32
    %scan3A_115 = arith.constant 1 : i32
    scf.for %scan3A_552 = %scan3A_112 to %scan3A_114 step %scan3A_115  : i32 {
      %mul3A_553 = arith.constant 1 : i32
      %mul3A_554 = arith.muli %scan3A_552, %mul3A_553 : i32
      %add3A_555 = arith.constant 0 : i32
      %add3A_556 = arith.addi %add3A_555, %mul3A_554 : i32
      %ge3A = arith.constant 1 : i32
      %ge3A_557 = arith.cmpi sge, %add3A_556, %ge3A : i32
      %convert_element_type3A = arith.extui %ge3A_557 : i1 to i32
      %cond3A = arith.constant 0 : i32
      %cond3A_558 = arith.cmpi ne, %convert_element_type3A, %cond3A : i32
      scf.if %cond3A_558 {
        %dma_wait3A_593 = arith.constant 1 : i32
        %dma_wait3A_594 = arith.constant 0 : i32
        %dma_wait3A_595 = arith.constant 0 : i32
        %dma_wait3A_596 = arith.constant 0 : i32
        %dma_wait3A_597 = tpu.memref_slice %arg8[%dma_wait3A_593, %dma_wait3A_595, %dma_wait3A_596] : memref<2x1024x16xf32, #tpu.memory_space<vmem>> -> memref<1x128x16xf32, #tpu.memory_space<vmem>>
        %dma_wait3A_598 = tpu.memref_squeeze %dma_wait3A_597 : memref<1x128x16xf32, #tpu.memory_space<vmem>> -> memref<128x16xf32, #tpu.memory_space<vmem>>
        %dma_wait3A_599 = arith.constant 0 : i32
        %dma_wait3A_600 = tpu.memref_slice %arg7[%dma_wait3A_594, %dma_wait3A_599] : memref<79x128xi32, #tpu.memory_space<vmem>> -> memref<1x128xi32, #tpu.memory_space<vmem>>
        %dma_wait3A_601 = tpu.memref_squeeze %dma_wait3A_600 : memref<1x128xi32, #tpu.memory_space<vmem>> -> memref<128xi32, #tpu.memory_space<vmem>>
        %dma_wait3A_602 = arith.constant 0 : i32
        %dma_wait3A_603 = arith.constant 0 : i32
        %dma_wait3A_604 = tpu.memref_slice %arg10[%dma_wait3A_602, %dma_wait3A_603] : memref<10240x16xf32, #tpu.memory_space<vmem_shared>> -> memref<10240x16xf32, #tpu.memory_space<vmem_shared>>
        tpu.wait_indirect_dma semaphore(%arg14 : memref<!tpu.dma_semaphore, #tpu.memory_space<semaphore_mem>>) src(%dma_wait3A_598 : memref<128x16xf32, #tpu.memory_space<vmem>>) dst(%dma_wait3A_604 : memref<10240x16xf32, #tpu.memory_space<vmem_shared>>)
        %dma_wait3A_605 = arith.constant 1 : i32
        %dma_wait3A_606 = arith.constant 0 : i32
        %dma_wait3A_607 = arith.constant 0 : i32
        %dma_wait3A_608 = arith.constant 0 : i32
        %dma_wait3A_609 = tpu.memref_slice %arg8[%dma_wait3A_605, %dma_wait3A_607, %dma_wait3A_608] : memref<2x1024x16xf32, #tpu.memory_space<vmem>> -> memref<1x128x16xf32, #tpu.memory_space<vmem>>
        %dma_wait3A_610 = tpu.memref_squeeze %dma_wait3A_609 : memref<1x128x16xf32, #tpu.memory_space<vmem>> -> memref<128x16xf32, #tpu.memory_space<vmem>>
        %dma_wait3A_611 = arith.constant 0 : i32
        %dma_wait3A_612 = tpu.memref_slice %arg7[%dma_wait3A_606, %dma_wait3A_611] : memref<79x128xi32, #tpu.memory_space<vmem>> -> memref<1x128xi32, #tpu.memory_space<vmem>>
        %dma_wait3A_613 = tpu.memref_squeeze %dma_wait3A_612 : memref<1x128xi32, #tpu.memory_space<vmem>> -> memref<128xi32, #tpu.memory_space<vmem>>
        %dma_wait3A_614 = arith.constant 0 : i32
        %dma_wait3A_615 = arith.constant 0 : i32
        %dma_wait3A_616 = tpu.memref_slice %arg10[%dma_wait3A_614, %dma_wait3A_615] : memref<10240x16xf32, #tpu.memory_space<vmem_shared>> -> memref<10240x16xf32, #tpu.memory_space<vmem_shared>>
        tpu.wait_indirect_dma semaphore(%arg15 : memref<!tpu.dma_semaphore, #tpu.memory_space<semaphore_mem>>) src(%dma_wait3A_610 : memref<128x16xf32, #tpu.memory_space<vmem>>) dst(%dma_wait3A_616 : memref<10240x16xf32, #tpu.memory_space<vmem_shared>>)
      } else {
      }
      %mul3A_559 = arith.constant 2 : i32
      %mul3A_560 = arith.muli %mul3A_559, %add3A_556 : i32
      %mul3A_561 = arith.constant 128 : i32
      %mul3A_562 = arith.muli %mul3A_560, %mul3A_561 : i32
      %add3A_563 = arith.constant 8 : i32
      %add3A_564 = arith.addi %add3A_563, %mul3A_560 : i32
      %dma_start3A_565 = arith.constant 1 : i32
      %dma_start3A_566 = arith.constant 0 : i32
      %dma_start3A_567 = tpu.memref_slice %arg8[%dma_start3A_565, %mul3A_562, %dma_start3A_566] : memref<2x1024x16xf32, #tpu.memory_space<vmem>> -> memref<1x128x16xf32, #tpu.memory_space<vmem>>
      %dma_start3A_568 = tpu.memref_squeeze %dma_start3A_567 : memref<1x128x16xf32, #tpu.memory_space<vmem>> -> memref<128x16xf32, #tpu.memory_space<vmem>>
      %dma_start3A_569 = arith.constant 0 : i32
      %dma_start3A_570 = tpu.memref_slice %arg7[%add3A_564, %dma_start3A_569] : memref<79x128xi32, #tpu.memory_space<vmem>> -> memref<1x128xi32, #tpu.memory_space<vmem>>
      %dma_start3A_571 = tpu.memref_squeeze %dma_start3A_570 : memref<1x128xi32, #tpu.memory_space<vmem>> -> memref<128xi32, #tpu.memory_space<vmem>>
      %dma_start3A_572 = arith.constant 0 : i32
      %dma_start3A_573 = arith.constant 0 : i32
      %dma_start3A_574 = tpu.memref_slice %arg10[%dma_start3A_572, %dma_start3A_573] : memref<10240x16xf32, #tpu.memory_space<vmem_shared>> -> memref<10240x16xf32, #tpu.memory_space<vmem_shared>>
      tpu.enqueue_indirect_dma source(%dma_start3A_568 : memref<128x16xf32, #tpu.memory_space<vmem>>) target(%dma_start3A_574 : memref<10240x16xf32, #tpu.memory_space<vmem_shared>>) offsets(%dma_start3A_571 : memref<128xi32, #tpu.memory_space<vmem>>) semaphore(%arg14 : memref<!tpu.dma_semaphore, #tpu.memory_space<semaphore_mem>>) {add = true}
      %mul3A_575 = arith.constant 2 : i32
      %mul3A_576 = arith.muli %mul3A_575, %add3A_556 : i32
      %add3A_577 = arith.constant 1 : i32
      %add3A_578 = arith.addi %mul3A_576, %add3A_577 : i32
      %mul3A_579 = arith.constant 128 : i32
      %mul3A_580 = arith.muli %add3A_578, %mul3A_579 : i32
      %add3A_581 = arith.constant 8 : i32
      %add3A_582 = arith.addi %add3A_581, %add3A_578 : i32
      %dma_start3A_583 = arith.constant 1 : i32
      %dma_start3A_584 = arith.constant 0 : i32
      %dma_start3A_585 = tpu.memref_slice %arg8[%dma_start3A_583, %mul3A_580, %dma_start3A_584] : memref<2x1024x16xf32, #tpu.memory_space<vmem>> -> memref<1x128x16xf32, #tpu.memory_space<vmem>>
      %dma_start3A_586 = tpu.memref_squeeze %dma_start3A_585 : memref<1x128x16xf32, #tpu.memory_space<vmem>> -> memref<128x16xf32, #tpu.memory_space<vmem>>
      %dma_start3A_587 = arith.constant 0 : i32
      %dma_start3A_588 = tpu.memref_slice %arg7[%add3A_582, %dma_start3A_587] : memref<79x128xi32, #tpu.memory_space<vmem>> -> memref<1x128xi32, #tpu.memory_space<vmem>>
      %dma_start3A_589 = tpu.memref_squeeze %dma_start3A_588 : memref<1x128xi32, #tpu.memory_space<vmem>> -> memref<128xi32, #tpu.memory_space<vmem>>
      %dma_start3A_590 = arith.constant 0 : i32
      %dma_start3A_591 = arith.constant 0 : i32
      %dma_start3A_592 = tpu.memref_slice %arg10[%dma_start3A_590, %dma_start3A_591] : memref<10240x16xf32, #tpu.memory_space<vmem_shared>> -> memref<10240x16xf32, #tpu.memory_space<vmem_shared>>
      tpu.enqueue_indirect_dma source(%dma_start3A_586 : memref<128x16xf32, #tpu.memory_space<vmem>>) target(%dma_start3A_592 : memref<10240x16xf32, #tpu.memory_space<vmem_shared>>) offsets(%dma_start3A_589 : memref<128xi32, #tpu.memory_space<vmem>>) semaphore(%arg15 : memref<!tpu.dma_semaphore, #tpu.memory_space<semaphore_mem>>) {add = true}
    }
    %scan3A_116 = arith.constant 4 : i32
    %dma_wait3A_117 = arith.constant 1 : i32
    %dma_wait3A_118 = arith.constant 0 : i32
    %dma_wait3A_119 = arith.constant 0 : i32
    %dma_wait3A_120 = arith.constant 0 : i32
    %dma_wait3A_121 = tpu.memref_slice %arg8[%dma_wait3A_117, %dma_wait3A_119, %dma_wait3A_120] : memref<2x1024x16xf32, #tpu.memory_space<vmem>> -> memref<1x128x16xf32, #tpu.memory_space<vmem>>
    %dma_wait3A_122 = tpu.memref_squeeze %dma_wait3A_121 : memref<1x128x16xf32, #tpu.memory_space<vmem>> -> memref<128x16xf32, #tpu.memory_space<vmem>>
    %dma_wait3A_123 = arith.constant 0 : i32
    %dma_wait3A_124 = tpu.memref_slice %arg7[%dma_wait3A_118, %dma_wait3A_123] : memref<79x128xi32, #tpu.memory_space<vmem>> -> memref<1x128xi32, #tpu.memory_space<vmem>>
    %dma_wait3A_125 = tpu.memref_squeeze %dma_wait3A_124 : memref<1x128xi32, #tpu.memory_space<vmem>> -> memref<128xi32, #tpu.memory_space<vmem>>
    %dma_wait3A_126 = arith.constant 0 : i32
    %dma_wait3A_127 = arith.constant 0 : i32
    %dma_wait3A_128 = tpu.memref_slice %arg10[%dma_wait3A_126, %dma_wait3A_127] : memref<10240x16xf32, #tpu.memory_space<vmem_shared>> -> memref<10240x16xf32, #tpu.memory_space<vmem_shared>>
    tpu.wait_indirect_dma semaphore(%arg14 : memref<!tpu.dma_semaphore, #tpu.memory_space<semaphore_mem>>) src(%dma_wait3A_122 : memref<128x16xf32, #tpu.memory_space<vmem>>) dst(%dma_wait3A_128 : memref<10240x16xf32, #tpu.memory_space<vmem_shared>>)
    %dma_wait3A_129 = arith.constant 1 : i32
    %dma_wait3A_130 = arith.constant 0 : i32
    %dma_wait3A_131 = arith.constant 0 : i32
    %dma_wait3A_132 = arith.constant 0 : i32
    %dma_wait3A_133 = tpu.memref_slice %arg8[%dma_wait3A_129, %dma_wait3A_131, %dma_wait3A_132] : memref<2x1024x16xf32, #tpu.memory_space<vmem>> -> memref<1x128x16xf32, #tpu.memory_space<vmem>>
    %dma_wait3A_134 = tpu.memref_squeeze %dma_wait3A_133 : memref<1x128x16xf32, #tpu.memory_space<vmem>> -> memref<128x16xf32, #tpu.memory_space<vmem>>
    %dma_wait3A_135 = arith.constant 0 : i32
    %dma_wait3A_136 = tpu.memref_slice %arg7[%dma_wait3A_130, %dma_wait3A_135] : memref<79x128xi32, #tpu.memory_space<vmem>> -> memref<1x128xi32, #tpu.memory_space<vmem>>
    %dma_wait3A_137 = tpu.memref_squeeze %dma_wait3A_136 : memref<1x128xi32, #tpu.memory_space<vmem>> -> memref<128xi32, #tpu.memory_space<vmem>>
    %dma_wait3A_138 = arith.constant 0 : i32
    %dma_wait3A_139 = arith.constant 0 : i32
    %dma_wait3A_140 = tpu.memref_slice %arg10[%dma_wait3A_138, %dma_wait3A_139] : memref<10240x16xf32, #tpu.memory_space<vmem_shared>> -> memref<10240x16xf32, #tpu.memory_space<vmem_shared>>
    tpu.wait_indirect_dma semaphore(%arg15 : memref<!tpu.dma_semaphore, #tpu.memory_space<semaphore_mem>>) src(%dma_wait3A_134 : memref<128x16xf32, #tpu.memory_space<vmem>>) dst(%dma_wait3A_140 : memref<10240x16xf32, #tpu.memory_space<vmem_shared>>)
    %dma_wait3A_141 = arith.constant 0 : i32
    %dma_wait3A_142 = arith.constant 0 : i32
    %dma_wait3A_143 = arith.constant 0 : i32
    %dma_wait3A_144 = tpu.memref_slice %arg8[%dma_wait3A_141, %dma_wait3A_142, %dma_wait3A_143] : memref<2x1024x16xf32, #tpu.memory_space<vmem>> -> memref<1x1024x16xf32, #tpu.memory_space<vmem>>
    %dma_wait3A_145 = tpu.memref_squeeze %dma_wait3A_144 : memref<1x1024x16xf32, #tpu.memory_space<vmem>> -> memref<1024x16xf32, #tpu.memory_space<vmem>>
    %dma_wait3A_146 = arith.constant 0 : i32
    %dma_wait3A_147 = tpu.memref_slice %arg6[%dma_wait3A_146] : memref<10112xi32, #tpu.memory_space<vmem>> -> memref<1024xi32, #tpu.memory_space<vmem>>
    %dma_wait3A_148 = arith.constant 0 : i32
    %dma_wait3A_149 = arith.constant 0 : i32
    %dma_wait3A_150 = tpu.memref_slice %arg4[%dma_wait3A_148, %dma_wait3A_149] : memref<10000x16xf32, #tpu.memory_space<hbm>> -> memref<10000x16xf32, #tpu.memory_space<hbm>>
    tpu.wait_indirect_dma semaphore(%arg12 : memref<!tpu.dma_semaphore, #tpu.memory_space<semaphore_mem>>) src(%dma_wait3A_150 : memref<10000x16xf32, #tpu.memory_space<hbm>>) dst(%dma_wait3A_145 : memref<1024x16xf32, #tpu.memory_space<vmem>>)
    %dma_start3A_151 = arith.constant 1 : i32
    %dma_start3A_152 = arith.constant 0 : i32
    %dma_start3A_153 = arith.constant 0 : i32
    %dma_start3A_154 = tpu.memref_slice %arg8[%dma_start3A_151, %dma_start3A_152, %dma_start3A_153] : memref<2x1024x16xf32, #tpu.memory_space<vmem>> -> memref<1x1024x16xf32, #tpu.memory_space<vmem>>
    %dma_start3A_155 = tpu.memref_squeeze %dma_start3A_154 : memref<1x1024x16xf32, #tpu.memory_space<vmem>> -> memref<1024x16xf32, #tpu.memory_space<vmem>>
    %dma_start3A_156 = arith.constant 3072 : i32
    %dma_start3A_157 = tpu.memref_slice %arg6[%dma_start3A_156] : memref<10112xi32, #tpu.memory_space<vmem>> -> memref<1024xi32, #tpu.memory_space<vmem>>
    %dma_start3A_158 = arith.constant 0 : i32
    %dma_start3A_159 = arith.constant 0 : i32
    %dma_start3A_160 = tpu.memref_slice %arg4[%dma_start3A_158, %dma_start3A_159] : memref<10000x16xf32, #tpu.memory_space<hbm>> -> memref<10000x16xf32, #tpu.memory_space<hbm>>
    tpu.enqueue_indirect_dma source(%dma_start3A_160 : memref<10000x16xf32, #tpu.memory_space<hbm>>) target(%dma_start3A_155 : memref<1024x16xf32, #tpu.memory_space<vmem>>) offsets(%dma_start3A_157 : memref<1024xi32, #tpu.memory_space<vmem>>) semaphore(%arg13 : memref<!tpu.dma_semaphore, #tpu.memory_space<semaphore_mem>>)
    %scan3A_161 = arith.constant 0 : i32
    %scan3A_162 = arith.constant 4 : i32
    %scan3A_163 = arith.addi %scan3A_161, %scan3A_162 : i32
    %scan3A_164 = arith.constant 1 : i32
    scf.for %scan3A_552 = %scan3A_161 to %scan3A_163 step %scan3A_164  : i32 {
      %mul3A_553 = arith.constant 1 : i32
      %mul3A_554 = arith.muli %scan3A_552, %mul3A_553 : i32
      %add3A_555 = arith.constant 0 : i32
      %add3A_556 = arith.addi %add3A_555, %mul3A_554 : i32
      %ge3A = arith.constant 1 : i32
      %ge3A_557 = arith.cmpi sge, %add3A_556, %ge3A : i32
      %convert_element_type3A = arith.extui %ge3A_557 : i1 to i32
      %cond3A = arith.constant 0 : i32
      %cond3A_558 = arith.cmpi ne, %convert_element_type3A, %cond3A : i32
      scf.if %cond3A_558 {
        %dma_wait3A_593 = arith.constant 0 : i32
        %dma_wait3A_594 = arith.constant 0 : i32
        %dma_wait3A_595 = arith.constant 0 : i32
        %dma_wait3A_596 = arith.constant 0 : i32
        %dma_wait3A_597 = tpu.memref_slice %arg8[%dma_wait3A_593, %dma_wait3A_595, %dma_wait3A_596] : memref<2x1024x16xf32, #tpu.memory_space<vmem>> -> memref<1x128x16xf32, #tpu.memory_space<vmem>>
        %dma_wait3A_598 = tpu.memref_squeeze %dma_wait3A_597 : memref<1x128x16xf32, #tpu.memory_space<vmem>> -> memref<128x16xf32, #tpu.memory_space<vmem>>
        %dma_wait3A_599 = arith.constant 0 : i32
        %dma_wait3A_600 = tpu.memref_slice %arg7[%dma_wait3A_594, %dma_wait3A_599] : memref<79x128xi32, #tpu.memory_space<vmem>> -> memref<1x128xi32, #tpu.memory_space<vmem>>
        %dma_wait3A_601 = tpu.memref_squeeze %dma_wait3A_600 : memref<1x128xi32, #tpu.memory_space<vmem>> -> memref<128xi32, #tpu.memory_space<vmem>>
        %dma_wait3A_602 = arith.constant 0 : i32
        %dma_wait3A_603 = arith.constant 0 : i32
        %dma_wait3A_604 = tpu.memref_slice %arg10[%dma_wait3A_602, %dma_wait3A_603] : memref<10240x16xf32, #tpu.memory_space<vmem_shared>> -> memref<10240x16xf32, #tpu.memory_space<vmem_shared>>
        tpu.wait_indirect_dma semaphore(%arg14 : memref<!tpu.dma_semaphore, #tpu.memory_space<semaphore_mem>>) src(%dma_wait3A_598 : memref<128x16xf32, #tpu.memory_space<vmem>>) dst(%dma_wait3A_604 : memref<10240x16xf32, #tpu.memory_space<vmem_shared>>)
        %dma_wait3A_605 = arith.constant 0 : i32
        %dma_wait3A_606 = arith.constant 0 : i32
        %dma_wait3A_607 = arith.constant 0 : i32
        %dma_wait3A_608 = arith.constant 0 : i32
        %dma_wait3A_609 = tpu.memref_slice %arg8[%dma_wait3A_605, %dma_wait3A_607, %dma_wait3A_608] : memref<2x1024x16xf32, #tpu.memory_space<vmem>> -> memref<1x128x16xf32, #tpu.memory_space<vmem>>
        %dma_wait3A_610 = tpu.memref_squeeze %dma_wait3A_609 : memref<1x128x16xf32, #tpu.memory_space<vmem>> -> memref<128x16xf32, #tpu.memory_space<vmem>>
        %dma_wait3A_611 = arith.constant 0 : i32
        %dma_wait3A_612 = tpu.memref_slice %arg7[%dma_wait3A_606, %dma_wait3A_611] : memref<79x128xi32, #tpu.memory_space<vmem>> -> memref<1x128xi32, #tpu.memory_space<vmem>>
        %dma_wait3A_613 = tpu.memref_squeeze %dma_wait3A_612 : memref<1x128xi32, #tpu.memory_space<vmem>> -> memref<128xi32, #tpu.memory_space<vmem>>
        %dma_wait3A_614 = arith.constant 0 : i32
        %dma_wait3A_615 = arith.constant 0 : i32
        %dma_wait3A_616 = tpu.memref_slice %arg10[%dma_wait3A_614, %dma_wait3A_615] : memref<10240x16xf32, #tpu.memory_space<vmem_shared>> -> memref<10240x16xf32, #tpu.memory_space<vmem_shared>>
        tpu.wait_indirect_dma semaphore(%arg15 : memref<!tpu.dma_semaphore, #tpu.memory_space<semaphore_mem>>) src(%dma_wait3A_610 : memref<128x16xf32, #tpu.memory_space<vmem>>) dst(%dma_wait3A_616 : memref<10240x16xf32, #tpu.memory_space<vmem_shared>>)
      } else {
      }
      %mul3A_559 = arith.constant 2 : i32
      %mul3A_560 = arith.muli %mul3A_559, %add3A_556 : i32
      %mul3A_561 = arith.constant 128 : i32
      %mul3A_562 = arith.muli %mul3A_560, %mul3A_561 : i32
      %add3A_563 = arith.constant 16 : i32
      %add3A_564 = arith.addi %add3A_563, %mul3A_560 : i32
      %dma_start3A_565 = arith.constant 0 : i32
      %dma_start3A_566 = arith.constant 0 : i32
      %dma_start3A_567 = tpu.memref_slice %arg8[%dma_start3A_565, %mul3A_562, %dma_start3A_566] : memref<2x1024x16xf32, #tpu.memory_space<vmem>> -> memref<1x128x16xf32, #tpu.memory_space<vmem>>
      %dma_start3A_568 = tpu.memref_squeeze %dma_start3A_567 : memref<1x128x16xf32, #tpu.memory_space<vmem>> -> memref<128x16xf32, #tpu.memory_space<vmem>>
      %dma_start3A_569 = arith.constant 0 : i32
      %dma_start3A_570 = tpu.memref_slice %arg7[%add3A_564, %dma_start3A_569] : memref<79x128xi32, #tpu.memory_space<vmem>> -> memref<1x128xi32, #tpu.memory_space<vmem>>
      %dma_start3A_571 = tpu.memref_squeeze %dma_start3A_570 : memref<1x128xi32, #tpu.memory_space<vmem>> -> memref<128xi32, #tpu.memory_space<vmem>>
      %dma_start3A_572 = arith.constant 0 : i32
      %dma_start3A_573 = arith.constant 0 : i32
      %dma_start3A_574 = tpu.memref_slice %arg10[%dma_start3A_572, %dma_start3A_573] : memref<10240x16xf32, #tpu.memory_space<vmem_shared>> -> memref<10240x16xf32, #tpu.memory_space<vmem_shared>>
      tpu.enqueue_indirect_dma source(%dma_start3A_568 : memref<128x16xf32, #tpu.memory_space<vmem>>) target(%dma_start3A_574 : memref<10240x16xf32, #tpu.memory_space<vmem_shared>>) offsets(%dma_start3A_571 : memref<128xi32, #tpu.memory_space<vmem>>) semaphore(%arg14 : memref<!tpu.dma_semaphore, #tpu.memory_space<semaphore_mem>>) {add = true}
      %mul3A_575 = arith.constant 2 : i32
      %mul3A_576 = arith.muli %mul3A_575, %add3A_556 : i32
      %add3A_577 = arith.constant 1 : i32
      %add3A_578 = arith.addi %mul3A_576, %add3A_577 : i32
      %mul3A_579 = arith.constant 128 : i32
      %mul3A_580 = arith.muli %add3A_578, %mul3A_579 : i32
      %add3A_581 = arith.constant 16 : i32
      %add3A_582 = arith.addi %add3A_581, %add3A_578 : i32
      %dma_start3A_583 = arith.constant 0 : i32
      %dma_start3A_584 = arith.constant 0 : i32
      %dma_start3A_585 = tpu.memref_slice %arg8[%dma_start3A_583, %mul3A_580, %dma_start3A_584] : memref<2x1024x16xf32, #tpu.memory_space<vmem>> -> memref<1x128x16xf32, #tpu.memory_space<vmem>>
      %dma_start3A_586 = tpu.memref_squeeze %dma_start3A_585 : memref<1x128x16xf32, #tpu.memory_space<vmem>> -> memref<128x16xf32, #tpu.memory_space<vmem>>
      %dma_start3A_587 = arith.constant 0 : i32
      %dma_start3A_588 = tpu.memref_slice %arg7[%add3A_582, %dma_start3A_587] : memref<79x128xi32, #tpu.memory_space<vmem>> -> memref<1x128xi32, #tpu.memory_space<vmem>>
      %dma_start3A_589 = tpu.memref_squeeze %dma_start3A_588 : memref<1x128xi32, #tpu.memory_space<vmem>> -> memref<128xi32, #tpu.memory_space<vmem>>
      %dma_start3A_590 = arith.constant 0 : i32
      %dma_start3A_591 = arith.constant 0 : i32
      %dma_start3A_592 = tpu.memref_slice %arg10[%dma_start3A_590, %dma_start3A_591] : memref<10240x16xf32, #tpu.memory_space<vmem_shared>> -> memref<10240x16xf32, #tpu.memory_space<vmem_shared>>
      tpu.enqueue_indirect_dma source(%dma_start3A_586 : memref<128x16xf32, #tpu.memory_space<vmem>>) target(%dma_start3A_592 : memref<10240x16xf32, #tpu.memory_space<vmem_shared>>) offsets(%dma_start3A_589 : memref<128xi32, #tpu.memory_space<vmem>>) semaphore(%arg15 : memref<!tpu.dma_semaphore, #tpu.memory_space<semaphore_mem>>) {add = true}
    }
    %scan3A_165 = arith.constant 4 : i32
    %dma_wait3A_166 = arith.constant 0 : i32
    %dma_wait3A_167 = arith.constant 0 : i32
    %dma_wait3A_168 = arith.constant 0 : i32
    %dma_wait3A_169 = arith.constant 0 : i32
    %dma_wait3A_170 = tpu.memref_slice %arg8[%dma_wait3A_166, %dma_wait3A_168, %dma_wait3A_169] : memref<2x1024x16xf32, #tpu.memory_space<vmem>> -> memref<1x128x16xf32, #tpu.memory_space<vmem>>
    %dma_wait3A_171 = tpu.memref_squeeze %dma_wait3A_170 : memref<1x128x16xf32, #tpu.memory_space<vmem>> -> memref<128x16xf32, #tpu.memory_space<vmem>>
    %dma_wait3A_172 = arith.constant 0 : i32
    %dma_wait3A_173 = tpu.memref_slice %arg7[%dma_wait3A_167, %dma_wait3A_172] : memref<79x128xi32, #tpu.memory_space<vmem>> -> memref<1x128xi32, #tpu.memory_space<vmem>>
    %dma_wait3A_174 = tpu.memref_squeeze %dma_wait3A_173 : memref<1x128xi32, #tpu.memory_space<vmem>> -> memref<128xi32, #tpu.memory_space<vmem>>
    %dma_wait3A_175 = arith.constant 0 : i32
    %dma_wait3A_176 = arith.constant 0 : i32
    %dma_wait3A_177 = tpu.memref_slice %arg10[%dma_wait3A_175, %dma_wait3A_176] : memref<10240x16xf32, #tpu.memory_space<vmem_shared>> -> memref<10240x16xf32, #tpu.memory_space<vmem_shared>>
    tpu.wait_indirect_dma semaphore(%arg14 : memref<!tpu.dma_semaphore, #tpu.memory_space<semaphore_mem>>) src(%dma_wait3A_171 : memref<128x16xf32, #tpu.memory_space<vmem>>) dst(%dma_wait3A_177 : memref<10240x16xf32, #tpu.memory_space<vmem_shared>>)
    %dma_wait3A_178 = arith.constant 0 : i32
    %dma_wait3A_179 = arith.constant 0 : i32
    %dma_wait3A_180 = arith.constant 0 : i32
    %dma_wait3A_181 = arith.constant 0 : i32
    %dma_wait3A_182 = tpu.memref_slice %arg8[%dma_wait3A_178, %dma_wait3A_180, %dma_wait3A_181] : memref<2x1024x16xf32, #tpu.memory_space<vmem>> -> memref<1x128x16xf32, #tpu.memory_space<vmem>>
    %dma_wait3A_183 = tpu.memref_squeeze %dma_wait3A_182 : memref<1x128x16xf32, #tpu.memory_space<vmem>> -> memref<128x16xf32, #tpu.memory_space<vmem>>
    %dma_wait3A_184 = arith.constant 0 : i32
    %dma_wait3A_185 = tpu.memref_slice %arg7[%dma_wait3A_179, %dma_wait3A_184] : memref<79x128xi32, #tpu.memory_space<vmem>> -> memref<1x128xi32, #tpu.memory_space<vmem>>
    %dma_wait3A_186 = tpu.memref_squeeze %dma_wait3A_185 : memref<1x128xi32, #tpu.memory_space<vmem>> -> memref<128xi32, #tpu.memory_space<vmem>>
    %dma_wait3A_187 = arith.constant 0 : i32
    %dma_wait3A_188 = arith.constant 0 : i32
    %dma_wait3A_189 = tpu.memref_slice %arg10[%dma_wait3A_187, %dma_wait3A_188] : memref<10240x16xf32, #tpu.memory_space<vmem_shared>> -> memref<10240x16xf32, #tpu.memory_space<vmem_shared>>
    tpu.wait_indirect_dma semaphore(%arg15 : memref<!tpu.dma_semaphore, #tpu.memory_space<semaphore_mem>>) src(%dma_wait3A_183 : memref<128x16xf32, #tpu.memory_space<vmem>>) dst(%dma_wait3A_189 : memref<10240x16xf32, #tpu.memory_space<vmem_shared>>)
    %dma_wait3A_190 = arith.constant 1 : i32
    %dma_wait3A_191 = arith.constant 0 : i32
    %dma_wait3A_192 = arith.constant 0 : i32
    %dma_wait3A_193 = tpu.memref_slice %arg8[%dma_wait3A_190, %dma_wait3A_191, %dma_wait3A_192] : memref<2x1024x16xf32, #tpu.memory_space<vmem>> -> memref<1x1024x16xf32, #tpu.memory_space<vmem>>
    %dma_wait3A_194 = tpu.memref_squeeze %dma_wait3A_193 : memref<1x1024x16xf32, #tpu.memory_space<vmem>> -> memref<1024x16xf32, #tpu.memory_space<vmem>>
    %dma_wait3A_195 = arith.constant 0 : i32
    %dma_wait3A_196 = tpu.memref_slice %arg6[%dma_wait3A_195] : memref<10112xi32, #tpu.memory_space<vmem>> -> memref<1024xi32, #tpu.memory_space<vmem>>
    %dma_wait3A_197 = arith.constant 0 : i32
    %dma_wait3A_198 = arith.constant 0 : i32
    %dma_wait3A_199 = tpu.memref_slice %arg4[%dma_wait3A_197, %dma_wait3A_198] : memref<10000x16xf32, #tpu.memory_space<hbm>> -> memref<10000x16xf32, #tpu.memory_space<hbm>>
    tpu.wait_indirect_dma semaphore(%arg13 : memref<!tpu.dma_semaphore, #tpu.memory_space<semaphore_mem>>) src(%dma_wait3A_199 : memref<10000x16xf32, #tpu.memory_space<hbm>>) dst(%dma_wait3A_194 : memref<1024x16xf32, #tpu.memory_space<vmem>>)
    %dma_start3A_200 = arith.constant 0 : i32
    %dma_start3A_201 = arith.constant 0 : i32
    %dma_start3A_202 = arith.constant 0 : i32
    %dma_start3A_203 = tpu.memref_slice %arg8[%dma_start3A_200, %dma_start3A_201, %dma_start3A_202] : memref<2x1024x16xf32, #tpu.memory_space<vmem>> -> memref<1x1024x16xf32, #tpu.memory_space<vmem>>
    %dma_start3A_204 = tpu.memref_squeeze %dma_start3A_203 : memref<1x1024x16xf32, #tpu.memory_space<vmem>> -> memref<1024x16xf32, #tpu.memory_space<vmem>>
    %dma_start3A_205 = arith.constant 4096 : i32
    %dma_start3A_206 = tpu.memref_slice %arg6[%dma_start3A_205] : memref<10112xi32, #tpu.memory_space<vmem>> -> memref<1024xi32, #tpu.memory_space<vmem>>
    %dma_start3A_207 = arith.constant 0 : i32
    %dma_start3A_208 = arith.constant 0 : i32
    %dma_start3A_209 = tpu.memref_slice %arg4[%dma_start3A_207, %dma_start3A_208] : memref<10000x16xf32, #tpu.memory_space<hbm>> -> memref<10000x16xf32, #tpu.memory_space<hbm>>
    tpu.enqueue_indirect_dma source(%dma_start3A_209 : memref<10000x16xf32, #tpu.memory_space<hbm>>) target(%dma_start3A_204 : memref<1024x16xf32, #tpu.memory_space<vmem>>) offsets(%dma_start3A_206 : memref<1024xi32, #tpu.memory_space<vmem>>) semaphore(%arg12 : memref<!tpu.dma_semaphore, #tpu.memory_space<semaphore_mem>>)
    %scan3A_210 = arith.constant 0 : i32
    %scan3A_211 = arith.constant 4 : i32
    %scan3A_212 = arith.addi %scan3A_210, %scan3A_211 : i32
    %scan3A_213 = arith.constant 1 : i32
    scf.for %scan3A_552 = %scan3A_210 to %scan3A_212 step %scan3A_213  : i32 {
      %mul3A_553 = arith.constant 1 : i32
      %mul3A_554 = arith.muli %scan3A_552, %mul3A_553 : i32
      %add3A_555 = arith.constant 0 : i32
      %add3A_556 = arith.addi %add3A_555, %mul3A_554 : i32
      %ge3A = arith.constant 1 : i32
      %ge3A_557 = arith.cmpi sge, %add3A_556, %ge3A : i32
      %convert_element_type3A = arith.extui %ge3A_557 : i1 to i32
      %cond3A = arith.constant 0 : i32
      %cond3A_558 = arith.cmpi ne, %convert_element_type3A, %cond3A : i32
      scf.if %cond3A_558 {
        %dma_wait3A_593 = arith.constant 1 : i32
        %dma_wait3A_594 = arith.constant 0 : i32
        %dma_wait3A_595 = arith.constant 0 : i32
        %dma_wait3A_596 = arith.constant 0 : i32
        %dma_wait3A_597 = tpu.memref_slice %arg8[%dma_wait3A_593, %dma_wait3A_595, %dma_wait3A_596] : memref<2x1024x16xf32, #tpu.memory_space<vmem>> -> memref<1x128x16xf32, #tpu.memory_space<vmem>>
        %dma_wait3A_598 = tpu.memref_squeeze %dma_wait3A_597 : memref<1x128x16xf32, #tpu.memory_space<vmem>> -> memref<128x16xf32, #tpu.memory_space<vmem>>
        %dma_wait3A_599 = arith.constant 0 : i32
        %dma_wait3A_600 = tpu.memref_slice %arg7[%dma_wait3A_594, %dma_wait3A_599] : memref<79x128xi32, #tpu.memory_space<vmem>> -> memref<1x128xi32, #tpu.memory_space<vmem>>
        %dma_wait3A_601 = tpu.memref_squeeze %dma_wait3A_600 : memref<1x128xi32, #tpu.memory_space<vmem>> -> memref<128xi32, #tpu.memory_space<vmem>>
        %dma_wait3A_602 = arith.constant 0 : i32
        %dma_wait3A_603 = arith.constant 0 : i32
        %dma_wait3A_604 = tpu.memref_slice %arg10[%dma_wait3A_602, %dma_wait3A_603] : memref<10240x16xf32, #tpu.memory_space<vmem_shared>> -> memref<10240x16xf32, #tpu.memory_space<vmem_shared>>
        tpu.wait_indirect_dma semaphore(%arg14 : memref<!tpu.dma_semaphore, #tpu.memory_space<semaphore_mem>>) src(%dma_wait3A_598 : memref<128x16xf32, #tpu.memory_space<vmem>>) dst(%dma_wait3A_604 : memref<10240x16xf32, #tpu.memory_space<vmem_shared>>)
        %dma_wait3A_605 = arith.constant 1 : i32
        %dma_wait3A_606 = arith.constant 0 : i32
        %dma_wait3A_607 = arith.constant 0 : i32
        %dma_wait3A_608 = arith.constant 0 : i32
        %dma_wait3A_609 = tpu.memref_slice %arg8[%dma_wait3A_605, %dma_wait3A_607, %dma_wait3A_608] : memref<2x1024x16xf32, #tpu.memory_space<vmem>> -> memref<1x128x16xf32, #tpu.memory_space<vmem>>
        %dma_wait3A_610 = tpu.memref_squeeze %dma_wait3A_609 : memref<1x128x16xf32, #tpu.memory_space<vmem>> -> memref<128x16xf32, #tpu.memory_space<vmem>>
        %dma_wait3A_611 = arith.constant 0 : i32
        %dma_wait3A_612 = tpu.memref_slice %arg7[%dma_wait3A_606, %dma_wait3A_611] : memref<79x128xi32, #tpu.memory_space<vmem>> -> memref<1x128xi32, #tpu.memory_space<vmem>>
        %dma_wait3A_613 = tpu.memref_squeeze %dma_wait3A_612 : memref<1x128xi32, #tpu.memory_space<vmem>> -> memref<128xi32, #tpu.memory_space<vmem>>
        %dma_wait3A_614 = arith.constant 0 : i32
        %dma_wait3A_615 = arith.constant 0 : i32
        %dma_wait3A_616 = tpu.memref_slice %arg10[%dma_wait3A_614, %dma_wait3A_615] : memref<10240x16xf32, #tpu.memory_space<vmem_shared>> -> memref<10240x16xf32, #tpu.memory_space<vmem_shared>>
        tpu.wait_indirect_dma semaphore(%arg15 : memref<!tpu.dma_semaphore, #tpu.memory_space<semaphore_mem>>) src(%dma_wait3A_610 : memref<128x16xf32, #tpu.memory_space<vmem>>) dst(%dma_wait3A_616 : memref<10240x16xf32, #tpu.memory_space<vmem_shared>>)
      } else {
      }
      %mul3A_559 = arith.constant 2 : i32
      %mul3A_560 = arith.muli %mul3A_559, %add3A_556 : i32
      %mul3A_561 = arith.constant 128 : i32
      %mul3A_562 = arith.muli %mul3A_560, %mul3A_561 : i32
      %add3A_563 = arith.constant 24 : i32
      %add3A_564 = arith.addi %add3A_563, %mul3A_560 : i32
      %dma_start3A_565 = arith.constant 1 : i32
      %dma_start3A_566 = arith.constant 0 : i32
      %dma_start3A_567 = tpu.memref_slice %arg8[%dma_start3A_565, %mul3A_562, %dma_start3A_566] : memref<2x1024x16xf32, #tpu.memory_space<vmem>> -> memref<1x128x16xf32, #tpu.memory_space<vmem>>
      %dma_start3A_568 = tpu.memref_squeeze %dma_start3A_567 : memref<1x128x16xf32, #tpu.memory_space<vmem>> -> memref<128x16xf32, #tpu.memory_space<vmem>>
      %dma_start3A_569 = arith.constant 0 : i32
      %dma_start3A_570 = tpu.memref_slice %arg7[%add3A_564, %dma_start3A_569] : memref<79x128xi32, #tpu.memory_space<vmem>> -> memref<1x128xi32, #tpu.memory_space<vmem>>
      %dma_start3A_571 = tpu.memref_squeeze %dma_start3A_570 : memref<1x128xi32, #tpu.memory_space<vmem>> -> memref<128xi32, #tpu.memory_space<vmem>>
      %dma_start3A_572 = arith.constant 0 : i32
      %dma_start3A_573 = arith.constant 0 : i32
      %dma_start3A_574 = tpu.memref_slice %arg10[%dma_start3A_572, %dma_start3A_573] : memref<10240x16xf32, #tpu.memory_space<vmem_shared>> -> memref<10240x16xf32, #tpu.memory_space<vmem_shared>>
      tpu.enqueue_indirect_dma source(%dma_start3A_568 : memref<128x16xf32, #tpu.memory_space<vmem>>) target(%dma_start3A_574 : memref<10240x16xf32, #tpu.memory_space<vmem_shared>>) offsets(%dma_start3A_571 : memref<128xi32, #tpu.memory_space<vmem>>) semaphore(%arg14 : memref<!tpu.dma_semaphore, #tpu.memory_space<semaphore_mem>>) {add = true}
      %mul3A_575 = arith.constant 2 : i32
      %mul3A_576 = arith.muli %mul3A_575, %add3A_556 : i32
      %add3A_577 = arith.constant 1 : i32
      %add3A_578 = arith.addi %mul3A_576, %add3A_577 : i32
      %mul3A_579 = arith.constant 128 : i32
      %mul3A_580 = arith.muli %add3A_578, %mul3A_579 : i32
      %add3A_581 = arith.constant 24 : i32
      %add3A_582 = arith.addi %add3A_581, %add3A_578 : i32
      %dma_start3A_583 = arith.constant 1 : i32
      %dma_start3A_584 = arith.constant 0 : i32
      %dma_start3A_585 = tpu.memref_slice %arg8[%dma_start3A_583, %mul3A_580, %dma_start3A_584] : memref<2x1024x16xf32, #tpu.memory_space<vmem>> -> memref<1x128x16xf32, #tpu.memory_space<vmem>>
      %dma_start3A_586 = tpu.memref_squeeze %dma_start3A_585 : memref<1x128x16xf32, #tpu.memory_space<vmem>> -> memref<128x16xf32, #tpu.memory_space<vmem>>
      %dma_start3A_587 = arith.constant 0 : i32
      %dma_start3A_588 = tpu.memref_slice %arg7[%add3A_582, %dma_start3A_587] : memref<79x128xi32, #tpu.memory_space<vmem>> -> memref<1x128xi32, #tpu.memory_space<vmem>>
      %dma_start3A_589 = tpu.memref_squeeze %dma_start3A_588 : memref<1x128xi32, #tpu.memory_space<vmem>> -> memref<128xi32, #tpu.memory_space<vmem>>
      %dma_start3A_590 = arith.constant 0 : i32
      %dma_start3A_591 = arith.constant 0 : i32
      %dma_start3A_592 = tpu.memref_slice %arg10[%dma_start3A_590, %dma_start3A_591] : memref<10240x16xf32, #tpu.memory_space<vmem_shared>> -> memref<10240x16xf32, #tpu.memory_space<vmem_shared>>
      tpu.enqueue_indirect_dma source(%dma_start3A_586 : memref<128x16xf32, #tpu.memory_space<vmem>>) target(%dma_start3A_592 : memref<10240x16xf32, #tpu.memory_space<vmem_shared>>) offsets(%dma_start3A_589 : memref<128xi32, #tpu.memory_space<vmem>>) semaphore(%arg15 : memref<!tpu.dma_semaphore, #tpu.memory_space<semaphore_mem>>) {add = true}
    }
    %scan3A_214 = arith.constant 4 : i32
    %dma_wait3A_215 = arith.constant 1 : i32
    %dma_wait3A_216 = arith.constant 0 : i32
    %dma_wait3A_217 = arith.constant 0 : i32
    %dma_wait3A_218 = arith.constant 0 : i32
    %dma_wait3A_219 = tpu.memref_slice %arg8[%dma_wait3A_215, %dma_wait3A_217, %dma_wait3A_218] : memref<2x1024x16xf32, #tpu.memory_space<vmem>> -> memref<1x128x16xf32, #tpu.memory_space<vmem>>
    %dma_wait3A_220 = tpu.memref_squeeze %dma_wait3A_219 : memref<1x128x16xf32, #tpu.memory_space<vmem>> -> memref<128x16xf32, #tpu.memory_space<vmem>>
    %dma_wait3A_221 = arith.constant 0 : i32
    %dma_wait3A_222 = tpu.memref_slice %arg7[%dma_wait3A_216, %dma_wait3A_221] : memref<79x128xi32, #tpu.memory_space<vmem>> -> memref<1x128xi32, #tpu.memory_space<vmem>>
    %dma_wait3A_223 = tpu.memref_squeeze %dma_wait3A_222 : memref<1x128xi32, #tpu.memory_space<vmem>> -> memref<128xi32, #tpu.memory_space<vmem>>
    %dma_wait3A_224 = arith.constant 0 : i32
    %dma_wait3A_225 = arith.constant 0 : i32
    %dma_wait3A_226 = tpu.memref_slice %arg10[%dma_wait3A_224, %dma_wait3A_225] : memref<10240x16xf32, #tpu.memory_space<vmem_shared>> -> memref<10240x16xf32, #tpu.memory_space<vmem_shared>>
    tpu.wait_indirect_dma semaphore(%arg14 : memref<!tpu.dma_semaphore, #tpu.memory_space<semaphore_mem>>) src(%dma_wait3A_220 : memref<128x16xf32, #tpu.memory_space<vmem>>) dst(%dma_wait3A_226 : memref<10240x16xf32, #tpu.memory_space<vmem_shared>>)
    %dma_wait3A_227 = arith.constant 1 : i32
    %dma_wait3A_228 = arith.constant 0 : i32
    %dma_wait3A_229 = arith.constant 0 : i32
    %dma_wait3A_230 = arith.constant 0 : i32
    %dma_wait3A_231 = tpu.memref_slice %arg8[%dma_wait3A_227, %dma_wait3A_229, %dma_wait3A_230] : memref<2x1024x16xf32, #tpu.memory_space<vmem>> -> memref<1x128x16xf32, #tpu.memory_space<vmem>>
    %dma_wait3A_232 = tpu.memref_squeeze %dma_wait3A_231 : memref<1x128x16xf32, #tpu.memory_space<vmem>> -> memref<128x16xf32, #tpu.memory_space<vmem>>
    %dma_wait3A_233 = arith.constant 0 : i32
    %dma_wait3A_234 = tpu.memref_slice %arg7[%dma_wait3A_228, %dma_wait3A_233] : memref<79x128xi32, #tpu.memory_space<vmem>> -> memref<1x128xi32, #tpu.memory_space<vmem>>
    %dma_wait3A_235 = tpu.memref_squeeze %dma_wait3A_234 : memref<1x128xi32, #tpu.memory_space<vmem>> -> memref<128xi32, #tpu.memory_space<vmem>>
    %dma_wait3A_236 = arith.constant 0 : i32
    %dma_wait3A_237 = arith.constant 0 : i32
    %dma_wait3A_238 = tpu.memref_slice %arg10[%dma_wait3A_236, %dma_wait3A_237] : memref<10240x16xf32, #tpu.memory_space<vmem_shared>> -> memref<10240x16xf32, #tpu.memory_space<vmem_shared>>
    tpu.wait_indirect_dma semaphore(%arg15 : memref<!tpu.dma_semaphore, #tpu.memory_space<semaphore_mem>>) src(%dma_wait3A_232 : memref<128x16xf32, #tpu.memory_space<vmem>>) dst(%dma_wait3A_238 : memref<10240x16xf32, #tpu.memory_space<vmem_shared>>)
    %dma_wait3A_239 = arith.constant 0 : i32
    %dma_wait3A_240 = arith.constant 0 : i32
    %dma_wait3A_241 = arith.constant 0 : i32
    %dma_wait3A_242 = tpu.memref_slice %arg8[%dma_wait3A_239, %dma_wait3A_240, %dma_wait3A_241] : memref<2x1024x16xf32, #tpu.memory_space<vmem>> -> memref<1x1024x16xf32, #tpu.memory_space<vmem>>
    %dma_wait3A_243 = tpu.memref_squeeze %dma_wait3A_242 : memref<1x1024x16xf32, #tpu.memory_space<vmem>> -> memref<1024x16xf32, #tpu.memory_space<vmem>>
    %dma_wait3A_244 = arith.constant 0 : i32
    %dma_wait3A_245 = tpu.memref_slice %arg6[%dma_wait3A_244] : memref<10112xi32, #tpu.memory_space<vmem>> -> memref<1024xi32, #tpu.memory_space<vmem>>
    %dma_wait3A_246 = arith.constant 0 : i32
    %dma_wait3A_247 = arith.constant 0 : i32
    %dma_wait3A_248 = tpu.memref_slice %arg4[%dma_wait3A_246, %dma_wait3A_247] : memref<10000x16xf32, #tpu.memory_space<hbm>> -> memref<10000x16xf32, #tpu.memory_space<hbm>>
    tpu.wait_indirect_dma semaphore(%arg12 : memref<!tpu.dma_semaphore, #tpu.memory_space<semaphore_mem>>) src(%dma_wait3A_248 : memref<10000x16xf32, #tpu.memory_space<hbm>>) dst(%dma_wait3A_243 : memref<1024x16xf32, #tpu.memory_space<vmem>>)
    %dma_start3A_249 = arith.constant 1 : i32
    %dma_start3A_250 = arith.constant 0 : i32
    %dma_start3A_251 = arith.constant 0 : i32
    %dma_start3A_252 = tpu.memref_slice %arg8[%dma_start3A_249, %dma_start3A_250, %dma_start3A_251] : memref<2x1024x16xf32, #tpu.memory_space<vmem>> -> memref<1x1024x16xf32, #tpu.memory_space<vmem>>
    %dma_start3A_253 = tpu.memref_squeeze %dma_start3A_252 : memref<1x1024x16xf32, #tpu.memory_space<vmem>> -> memref<1024x16xf32, #tpu.memory_space<vmem>>
    %dma_start3A_254 = arith.constant 5120 : i32
    %dma_start3A_255 = tpu.memref_slice %arg6[%dma_start3A_254] : memref<10112xi32, #tpu.memory_space<vmem>> -> memref<1024xi32, #tpu.memory_space<vmem>>
    %dma_start3A_256 = arith.constant 0 : i32
    %dma_start3A_257 = arith.constant 0 : i32
    %dma_start3A_258 = tpu.memref_slice %arg4[%dma_start3A_256, %dma_start3A_257] : memref<10000x16xf32, #tpu.memory_space<hbm>> -> memref<10000x16xf32, #tpu.memory_space<hbm>>
    tpu.enqueue_indirect_dma source(%dma_start3A_258 : memref<10000x16xf32, #tpu.memory_space<hbm>>) target(%dma_start3A_253 : memref<1024x16xf32, #tpu.memory_space<vmem>>) offsets(%dma_start3A_255 : memref<1024xi32, #tpu.memory_space<vmem>>) semaphore(%arg13 : memref<!tpu.dma_semaphore, #tpu.memory_space<semaphore_mem>>)
    %scan3A_259 = arith.constant 0 : i32
    %scan3A_260 = arith.constant 4 : i32
    %scan3A_261 = arith.addi %scan3A_259, %scan3A_260 : i32
    %scan3A_262 = arith.constant 1 : i32
    scf.for %scan3A_552 = %scan3A_259 to %scan3A_261 step %scan3A_262  : i32 {
      %mul3A_553 = arith.constant 1 : i32
      %mul3A_554 = arith.muli %scan3A_552, %mul3A_553 : i32
      %add3A_555 = arith.constant 0 : i32
      %add3A_556 = arith.addi %add3A_555, %mul3A_554 : i32
      %ge3A = arith.constant 1 : i32
      %ge3A_557 = arith.cmpi sge, %add3A_556, %ge3A : i32
      %convert_element_type3A = arith.extui %ge3A_557 : i1 to i32
      %cond3A = arith.constant 0 : i32
      %cond3A_558 = arith.cmpi ne, %convert_element_type3A, %cond3A : i32
      scf.if %cond3A_558 {
        %dma_wait3A_593 = arith.constant 0 : i32
        %dma_wait3A_594 = arith.constant 0 : i32
        %dma_wait3A_595 = arith.constant 0 : i32
        %dma_wait3A_596 = arith.constant 0 : i32
        %dma_wait3A_597 = tpu.memref_slice %arg8[%dma_wait3A_593, %dma_wait3A_595, %dma_wait3A_596] : memref<2x1024x16xf32, #tpu.memory_space<vmem>> -> memref<1x128x16xf32, #tpu.memory_space<vmem>>
        %dma_wait3A_598 = tpu.memref_squeeze %dma_wait3A_597 : memref<1x128x16xf32, #tpu.memory_space<vmem>> -> memref<128x16xf32, #tpu.memory_space<vmem>>
        %dma_wait3A_599 = arith.constant 0 : i32
        %dma_wait3A_600 = tpu.memref_slice %arg7[%dma_wait3A_594, %dma_wait3A_599] : memref<79x128xi32, #tpu.memory_space<vmem>> -> memref<1x128xi32, #tpu.memory_space<vmem>>
        %dma_wait3A_601 = tpu.memref_squeeze %dma_wait3A_600 : memref<1x128xi32, #tpu.memory_space<vmem>> -> memref<128xi32, #tpu.memory_space<vmem>>
        %dma_wait3A_602 = arith.constant 0 : i32
        %dma_wait3A_603 = arith.constant 0 : i32
        %dma_wait3A_604 = tpu.memref_slice %arg10[%dma_wait3A_602, %dma_wait3A_603] : memref<10240x16xf32, #tpu.memory_space<vmem_shared>> -> memref<10240x16xf32, #tpu.memory_space<vmem_shared>>
        tpu.wait_indirect_dma semaphore(%arg14 : memref<!tpu.dma_semaphore, #tpu.memory_space<semaphore_mem>>) src(%dma_wait3A_598 : memref<128x16xf32, #tpu.memory_space<vmem>>) dst(%dma_wait3A_604 : memref<10240x16xf32, #tpu.memory_space<vmem_shared>>)
        %dma_wait3A_605 = arith.constant 0 : i32
        %dma_wait3A_606 = arith.constant 0 : i32
        %dma_wait3A_607 = arith.constant 0 : i32
        %dma_wait3A_608 = arith.constant 0 : i32
        %dma_wait3A_609 = tpu.memref_slice %arg8[%dma_wait3A_605, %dma_wait3A_607, %dma_wait3A_608] : memref<2x1024x16xf32, #tpu.memory_space<vmem>> -> memref<1x128x16xf32, #tpu.memory_space<vmem>>
        %dma_wait3A_610 = tpu.memref_squeeze %dma_wait3A_609 : memref<1x128x16xf32, #tpu.memory_space<vmem>> -> memref<128x16xf32, #tpu.memory_space<vmem>>
        %dma_wait3A_611 = arith.constant 0 : i32
        %dma_wait3A_612 = tpu.memref_slice %arg7[%dma_wait3A_606, %dma_wait3A_611] : memref<79x128xi32, #tpu.memory_space<vmem>> -> memref<1x128xi32, #tpu.memory_space<vmem>>
        %dma_wait3A_613 = tpu.memref_squeeze %dma_wait3A_612 : memref<1x128xi32, #tpu.memory_space<vmem>> -> memref<128xi32, #tpu.memory_space<vmem>>
        %dma_wait3A_614 = arith.constant 0 : i32
        %dma_wait3A_615 = arith.constant 0 : i32
        %dma_wait3A_616 = tpu.memref_slice %arg10[%dma_wait3A_614, %dma_wait3A_615] : memref<10240x16xf32, #tpu.memory_space<vmem_shared>> -> memref<10240x16xf32, #tpu.memory_space<vmem_shared>>
        tpu.wait_indirect_dma semaphore(%arg15 : memref<!tpu.dma_semaphore, #tpu.memory_space<semaphore_mem>>) src(%dma_wait3A_610 : memref<128x16xf32, #tpu.memory_space<vmem>>) dst(%dma_wait3A_616 : memref<10240x16xf32, #tpu.memory_space<vmem_shared>>)
      } else {
      }
      %mul3A_559 = arith.constant 2 : i32
      %mul3A_560 = arith.muli %mul3A_559, %add3A_556 : i32
      %mul3A_561 = arith.constant 128 : i32
      %mul3A_562 = arith.muli %mul3A_560, %mul3A_561 : i32
      %add3A_563 = arith.constant 32 : i32
      %add3A_564 = arith.addi %add3A_563, %mul3A_560 : i32
      %dma_start3A_565 = arith.constant 0 : i32
      %dma_start3A_566 = arith.constant 0 : i32
      %dma_start3A_567 = tpu.memref_slice %arg8[%dma_start3A_565, %mul3A_562, %dma_start3A_566] : memref<2x1024x16xf32, #tpu.memory_space<vmem>> -> memref<1x128x16xf32, #tpu.memory_space<vmem>>
      %dma_start3A_568 = tpu.memref_squeeze %dma_start3A_567 : memref<1x128x16xf32, #tpu.memory_space<vmem>> -> memref<128x16xf32, #tpu.memory_space<vmem>>
      %dma_start3A_569 = arith.constant 0 : i32
      %dma_start3A_570 = tpu.memref_slice %arg7[%add3A_564, %dma_start3A_569] : memref<79x128xi32, #tpu.memory_space<vmem>> -> memref<1x128xi32, #tpu.memory_space<vmem>>
      %dma_start3A_571 = tpu.memref_squeeze %dma_start3A_570 : memref<1x128xi32, #tpu.memory_space<vmem>> -> memref<128xi32, #tpu.memory_space<vmem>>
      %dma_start3A_572 = arith.constant 0 : i32
      %dma_start3A_573 = arith.constant 0 : i32
      %dma_start3A_574 = tpu.memref_slice %arg10[%dma_start3A_572, %dma_start3A_573] : memref<10240x16xf32, #tpu.memory_space<vmem_shared>> -> memref<10240x16xf32, #tpu.memory_space<vmem_shared>>
      tpu.enqueue_indirect_dma source(%dma_start3A_568 : memref<128x16xf32, #tpu.memory_space<vmem>>) target(%dma_start3A_574 : memref<10240x16xf32, #tpu.memory_space<vmem_shared>>) offsets(%dma_start3A_571 : memref<128xi32, #tpu.memory_space<vmem>>) semaphore(%arg14 : memref<!tpu.dma_semaphore, #tpu.memory_space<semaphore_mem>>) {add = true}
      %mul3A_575 = arith.constant 2 : i32
      %mul3A_576 = arith.muli %mul3A_575, %add3A_556 : i32
      %add3A_577 = arith.constant 1 : i32
      %add3A_578 = arith.addi %mul3A_576, %add3A_577 : i32
      %mul3A_579 = arith.constant 128 : i32
      %mul3A_580 = arith.muli %add3A_578, %mul3A_579 : i32
      %add3A_581 = arith.constant 32 : i32
      %add3A_582 = arith.addi %add3A_581, %add3A_578 : i32
      %dma_start3A_583 = arith.constant 0 : i32
      %dma_start3A_584 = arith.constant 0 : i32
      %dma_start3A_585 = tpu.memref_slice %arg8[%dma_start3A_583, %mul3A_580, %dma_start3A_584] : memref<2x1024x16xf32, #tpu.memory_space<vmem>> -> memref<1x128x16xf32, #tpu.memory_space<vmem>>
      %dma_start3A_586 = tpu.memref_squeeze %dma_start3A_585 : memref<1x128x16xf32, #tpu.memory_space<vmem>> -> memref<128x16xf32, #tpu.memory_space<vmem>>
      %dma_start3A_587 = arith.constant 0 : i32
      %dma_start3A_588 = tpu.memref_slice %arg7[%add3A_582, %dma_start3A_587] : memref<79x128xi32, #tpu.memory_space<vmem>> -> memref<1x128xi32, #tpu.memory_space<vmem>>
      %dma_start3A_589 = tpu.memref_squeeze %dma_start3A_588 : memref<1x128xi32, #tpu.memory_space<vmem>> -> memref<128xi32, #tpu.memory_space<vmem>>
      %dma_start3A_590 = arith.constant 0 : i32
      %dma_start3A_591 = arith.constant 0 : i32
      %dma_start3A_592 = tpu.memref_slice %arg10[%dma_start3A_590, %dma_start3A_591] : memref<10240x16xf32, #tpu.memory_space<vmem_shared>> -> memref<10240x16xf32, #tpu.memory_space<vmem_shared>>
      tpu.enqueue_indirect_dma source(%dma_start3A_586 : memref<128x16xf32, #tpu.memory_space<vmem>>) target(%dma_start3A_592 : memref<10240x16xf32, #tpu.memory_space<vmem_shared>>) offsets(%dma_start3A_589 : memref<128xi32, #tpu.memory_space<vmem>>) semaphore(%arg15 : memref<!tpu.dma_semaphore, #tpu.memory_space<semaphore_mem>>) {add = true}
    }
    %scan3A_263 = arith.constant 4 : i32
    %dma_wait3A_264 = arith.constant 0 : i32
    %dma_wait3A_265 = arith.constant 0 : i32
    %dma_wait3A_266 = arith.constant 0 : i32
    %dma_wait3A_267 = arith.constant 0 : i32
    %dma_wait3A_268 = tpu.memref_slice %arg8[%dma_wait3A_264, %dma_wait3A_266, %dma_wait3A_267] : memref<2x1024x16xf32, #tpu.memory_space<vmem>> -> memref<1x128x16xf32, #tpu.memory_space<vmem>>
    %dma_wait3A_269 = tpu.memref_squeeze %dma_wait3A_268 : memref<1x128x16xf32, #tpu.memory_space<vmem>> -> memref<128x16xf32, #tpu.memory_space<vmem>>
    %dma_wait3A_270 = arith.constant 0 : i32
    %dma_wait3A_271 = tpu.memref_slice %arg7[%dma_wait3A_265, %dma_wait3A_270] : memref<79x128xi32, #tpu.memory_space<vmem>> -> memref<1x128xi32, #tpu.memory_space<vmem>>
    %dma_wait3A_272 = tpu.memref_squeeze %dma_wait3A_271 : memref<1x128xi32, #tpu.memory_space<vmem>> -> memref<128xi32, #tpu.memory_space<vmem>>
    %dma_wait3A_273 = arith.constant 0 : i32
    %dma_wait3A_274 = arith.constant 0 : i32
    %dma_wait3A_275 = tpu.memref_slice %arg10[%dma_wait3A_273, %dma_wait3A_274] : memref<10240x16xf32, #tpu.memory_space<vmem_shared>> -> memref<10240x16xf32, #tpu.memory_space<vmem_shared>>
    tpu.wait_indirect_dma semaphore(%arg14 : memref<!tpu.dma_semaphore, #tpu.memory_space<semaphore_mem>>) src(%dma_wait3A_269 : memref<128x16xf32, #tpu.memory_space<vmem>>) dst(%dma_wait3A_275 : memref<10240x16xf32, #tpu.memory_space<vmem_shared>>)
    %dma_wait3A_276 = arith.constant 0 : i32
    %dma_wait3A_277 = arith.constant 0 : i32
    %dma_wait3A_278 = arith.constant 0 : i32
    %dma_wait3A_279 = arith.constant 0 : i32
    %dma_wait3A_280 = tpu.memref_slice %arg8[%dma_wait3A_276, %dma_wait3A_278, %dma_wait3A_279] : memref<2x1024x16xf32, #tpu.memory_space<vmem>> -> memref<1x128x16xf32, #tpu.memory_space<vmem>>
    %dma_wait3A_281 = tpu.memref_squeeze %dma_wait3A_280 : memref<1x128x16xf32, #tpu.memory_space<vmem>> -> memref<128x16xf32, #tpu.memory_space<vmem>>
    %dma_wait3A_282 = arith.constant 0 : i32
    %dma_wait3A_283 = tpu.memref_slice %arg7[%dma_wait3A_277, %dma_wait3A_282] : memref<79x128xi32, #tpu.memory_space<vmem>> -> memref<1x128xi32, #tpu.memory_space<vmem>>
    %dma_wait3A_284 = tpu.memref_squeeze %dma_wait3A_283 : memref<1x128xi32, #tpu.memory_space<vmem>> -> memref<128xi32, #tpu.memory_space<vmem>>
    %dma_wait3A_285 = arith.constant 0 : i32
    %dma_wait3A_286 = arith.constant 0 : i32
    %dma_wait3A_287 = tpu.memref_slice %arg10[%dma_wait3A_285, %dma_wait3A_286] : memref<10240x16xf32, #tpu.memory_space<vmem_shared>> -> memref<10240x16xf32, #tpu.memory_space<vmem_shared>>
    tpu.wait_indirect_dma semaphore(%arg15 : memref<!tpu.dma_semaphore, #tpu.memory_space<semaphore_mem>>) src(%dma_wait3A_281 : memref<128x16xf32, #tpu.memory_space<vmem>>) dst(%dma_wait3A_287 : memref<10240x16xf32, #tpu.memory_space<vmem_shared>>)
    %dma_wait3A_288 = arith.constant 1 : i32
    %dma_wait3A_289 = arith.constant 0 : i32
    %dma_wait3A_290 = arith.constant 0 : i32
    %dma_wait3A_291 = tpu.memref_slice %arg8[%dma_wait3A_288, %dma_wait3A_289, %dma_wait3A_290] : memref<2x1024x16xf32, #tpu.memory_space<vmem>> -> memref<1x1024x16xf32, #tpu.memory_space<vmem>>
    %dma_wait3A_292 = tpu.memref_squeeze %dma_wait3A_291 : memref<1x1024x16xf32, #tpu.memory_space<vmem>> -> memref<1024x16xf32, #tpu.memory_space<vmem>>
    %dma_wait3A_293 = arith.constant 0 : i32
    %dma_wait3A_294 = tpu.memref_slice %arg6[%dma_wait3A_293] : memref<10112xi32, #tpu.memory_space<vmem>> -> memref<1024xi32, #tpu.memory_space<vmem>>
    %dma_wait3A_295 = arith.constant 0 : i32
    %dma_wait3A_296 = arith.constant 0 : i32
    %dma_wait3A_297 = tpu.memref_slice %arg4[%dma_wait3A_295, %dma_wait3A_296] : memref<10000x16xf32, #tpu.memory_space<hbm>> -> memref<10000x16xf32, #tpu.memory_space<hbm>>
    tpu.wait_indirect_dma semaphore(%arg13 : memref<!tpu.dma_semaphore, #tpu.memory_space<semaphore_mem>>) src(%dma_wait3A_297 : memref<10000x16xf32, #tpu.memory_space<hbm>>) dst(%dma_wait3A_292 : memref<1024x16xf32, #tpu.memory_space<vmem>>)
    %dma_start3A_298 = arith.constant 0 : i32
    %dma_start3A_299 = arith.constant 0 : i32
    %dma_start3A_300 = arith.constant 0 : i32
    %dma_start3A_301 = tpu.memref_slice %arg8[%dma_start3A_298, %dma_start3A_299, %dma_start3A_300] : memref<2x1024x16xf32, #tpu.memory_space<vmem>> -> memref<1x1024x16xf32, #tpu.memory_space<vmem>>
    %dma_start3A_302 = tpu.memref_squeeze %dma_start3A_301 : memref<1x1024x16xf32, #tpu.memory_space<vmem>> -> memref<1024x16xf32, #tpu.memory_space<vmem>>
    %dma_start3A_303 = arith.constant 6144 : i32
    %dma_start3A_304 = tpu.memref_slice %arg6[%dma_start3A_303] : memref<10112xi32, #tpu.memory_space<vmem>> -> memref<1024xi32, #tpu.memory_space<vmem>>
    %dma_start3A_305 = arith.constant 0 : i32
    %dma_start3A_306 = arith.constant 0 : i32
    %dma_start3A_307 = tpu.memref_slice %arg4[%dma_start3A_305, %dma_start3A_306] : memref<10000x16xf32, #tpu.memory_space<hbm>> -> memref<10000x16xf32, #tpu.memory_space<hbm>>
    tpu.enqueue_indirect_dma source(%dma_start3A_307 : memref<10000x16xf32, #tpu.memory_space<hbm>>) target(%dma_start3A_302 : memref<1024x16xf32, #tpu.memory_space<vmem>>) offsets(%dma_start3A_304 : memref<1024xi32, #tpu.memory_space<vmem>>) semaphore(%arg12 : memref<!tpu.dma_semaphore, #tpu.memory_space<semaphore_mem>>)
    %scan3A_308 = arith.constant 0 : i32
    %scan3A_309 = arith.constant 4 : i32
    %scan3A_310 = arith.addi %scan3A_308, %scan3A_309 : i32
    %scan3A_311 = arith.constant 1 : i32
    scf.for %scan3A_552 = %scan3A_308 to %scan3A_310 step %scan3A_311  : i32 {
      %mul3A_553 = arith.constant 1 : i32
      %mul3A_554 = arith.muli %scan3A_552, %mul3A_553 : i32
      %add3A_555 = arith.constant 0 : i32
      %add3A_556 = arith.addi %add3A_555, %mul3A_554 : i32
      %ge3A = arith.constant 1 : i32
      %ge3A_557 = arith.cmpi sge, %add3A_556, %ge3A : i32
      %convert_element_type3A = arith.extui %ge3A_557 : i1 to i32
      %cond3A = arith.constant 0 : i32
      %cond3A_558 = arith.cmpi ne, %convert_element_type3A, %cond3A : i32
      scf.if %cond3A_558 {
        %dma_wait3A_593 = arith.constant 1 : i32
        %dma_wait3A_594 = arith.constant 0 : i32
        %dma_wait3A_595 = arith.constant 0 : i32
        %dma_wait3A_596 = arith.constant 0 : i32
        %dma_wait3A_597 = tpu.memref_slice %arg8[%dma_wait3A_593, %dma_wait3A_595, %dma_wait3A_596] : memref<2x1024x16xf32, #tpu.memory_space<vmem>> -> memref<1x128x16xf32, #tpu.memory_space<vmem>>
        %dma_wait3A_598 = tpu.memref_squeeze %dma_wait3A_597 : memref<1x128x16xf32, #tpu.memory_space<vmem>> -> memref<128x16xf32, #tpu.memory_space<vmem>>
        %dma_wait3A_599 = arith.constant 0 : i32
        %dma_wait3A_600 = tpu.memref_slice %arg7[%dma_wait3A_594, %dma_wait3A_599] : memref<79x128xi32, #tpu.memory_space<vmem>> -> memref<1x128xi32, #tpu.memory_space<vmem>>
        %dma_wait3A_601 = tpu.memref_squeeze %dma_wait3A_600 : memref<1x128xi32, #tpu.memory_space<vmem>> -> memref<128xi32, #tpu.memory_space<vmem>>
        %dma_wait3A_602 = arith.constant 0 : i32
        %dma_wait3A_603 = arith.constant 0 : i32
        %dma_wait3A_604 = tpu.memref_slice %arg10[%dma_wait3A_602, %dma_wait3A_603] : memref<10240x16xf32, #tpu.memory_space<vmem_shared>> -> memref<10240x16xf32, #tpu.memory_space<vmem_shared>>
        tpu.wait_indirect_dma semaphore(%arg14 : memref<!tpu.dma_semaphore, #tpu.memory_space<semaphore_mem>>) src(%dma_wait3A_598 : memref<128x16xf32, #tpu.memory_space<vmem>>) dst(%dma_wait3A_604 : memref<10240x16xf32, #tpu.memory_space<vmem_shared>>)
        %dma_wait3A_605 = arith.constant 1 : i32
        %dma_wait3A_606 = arith.constant 0 : i32
        %dma_wait3A_607 = arith.constant 0 : i32
        %dma_wait3A_608 = arith.constant 0 : i32
        %dma_wait3A_609 = tpu.memref_slice %arg8[%dma_wait3A_605, %dma_wait3A_607, %dma_wait3A_608] : memref<2x1024x16xf32, #tpu.memory_space<vmem>> -> memref<1x128x16xf32, #tpu.memory_space<vmem>>
        %dma_wait3A_610 = tpu.memref_squeeze %dma_wait3A_609 : memref<1x128x16xf32, #tpu.memory_space<vmem>> -> memref<128x16xf32, #tpu.memory_space<vmem>>
        %dma_wait3A_611 = arith.constant 0 : i32
        %dma_wait3A_612 = tpu.memref_slice %arg7[%dma_wait3A_606, %dma_wait3A_611] : memref<79x128xi32, #tpu.memory_space<vmem>> -> memref<1x128xi32, #tpu.memory_space<vmem>>
        %dma_wait3A_613 = tpu.memref_squeeze %dma_wait3A_612 : memref<1x128xi32, #tpu.memory_space<vmem>> -> memref<128xi32, #tpu.memory_space<vmem>>
        %dma_wait3A_614 = arith.constant 0 : i32
        %dma_wait3A_615 = arith.constant 0 : i32
        %dma_wait3A_616 = tpu.memref_slice %arg10[%dma_wait3A_614, %dma_wait3A_615] : memref<10240x16xf32, #tpu.memory_space<vmem_shared>> -> memref<10240x16xf32, #tpu.memory_space<vmem_shared>>
        tpu.wait_indirect_dma semaphore(%arg15 : memref<!tpu.dma_semaphore, #tpu.memory_space<semaphore_mem>>) src(%dma_wait3A_610 : memref<128x16xf32, #tpu.memory_space<vmem>>) dst(%dma_wait3A_616 : memref<10240x16xf32, #tpu.memory_space<vmem_shared>>)
      } else {
      }
      %mul3A_559 = arith.constant 2 : i32
      %mul3A_560 = arith.muli %mul3A_559, %add3A_556 : i32
      %mul3A_561 = arith.constant 128 : i32
      %mul3A_562 = arith.muli %mul3A_560, %mul3A_561 : i32
      %add3A_563 = arith.constant 40 : i32
      %add3A_564 = arith.addi %add3A_563, %mul3A_560 : i32
      %dma_start3A_565 = arith.constant 1 : i32
      %dma_start3A_566 = arith.constant 0 : i32
      %dma_start3A_567 = tpu.memref_slice %arg8[%dma_start3A_565, %mul3A_562, %dma_start3A_566] : memref<2x1024x16xf32, #tpu.memory_space<vmem>> -> memref<1x128x16xf32, #tpu.memory_space<vmem>>
      %dma_start3A_568 = tpu.memref_squeeze %dma_start3A_567 : memref<1x128x16xf32, #tpu.memory_space<vmem>> -> memref<128x16xf32, #tpu.memory_space<vmem>>
      %dma_start3A_569 = arith.constant 0 : i32
      %dma_start3A_570 = tpu.memref_slice %arg7[%add3A_564, %dma_start3A_569] : memref<79x128xi32, #tpu.memory_space<vmem>> -> memref<1x128xi32, #tpu.memory_space<vmem>>
      %dma_start3A_571 = tpu.memref_squeeze %dma_start3A_570 : memref<1x128xi32, #tpu.memory_space<vmem>> -> memref<128xi32, #tpu.memory_space<vmem>>
      %dma_start3A_572 = arith.constant 0 : i32
      %dma_start3A_573 = arith.constant 0 : i32
      %dma_start3A_574 = tpu.memref_slice %arg10[%dma_start3A_572, %dma_start3A_573] : memref<10240x16xf32, #tpu.memory_space<vmem_shared>> -> memref<10240x16xf32, #tpu.memory_space<vmem_shared>>
      tpu.enqueue_indirect_dma source(%dma_start3A_568 : memref<128x16xf32, #tpu.memory_space<vmem>>) target(%dma_start3A_574 : memref<10240x16xf32, #tpu.memory_space<vmem_shared>>) offsets(%dma_start3A_571 : memref<128xi32, #tpu.memory_space<vmem>>) semaphore(%arg14 : memref<!tpu.dma_semaphore, #tpu.memory_space<semaphore_mem>>) {add = true}
      %mul3A_575 = arith.constant 2 : i32
      %mul3A_576 = arith.muli %mul3A_575, %add3A_556 : i32
      %add3A_577 = arith.constant 1 : i32
      %add3A_578 = arith.addi %mul3A_576, %add3A_577 : i32
      %mul3A_579 = arith.constant 128 : i32
      %mul3A_580 = arith.muli %add3A_578, %mul3A_579 : i32
      %add3A_581 = arith.constant 40 : i32
      %add3A_582 = arith.addi %add3A_581, %add3A_578 : i32
      %dma_start3A_583 = arith.constant 1 : i32
      %dma_start3A_584 = arith.constant 0 : i32
      %dma_start3A_585 = tpu.memref_slice %arg8[%dma_start3A_583, %mul3A_580, %dma_start3A_584] : memref<2x1024x16xf32, #tpu.memory_space<vmem>> -> memref<1x128x16xf32, #tpu.memory_space<vmem>>
      %dma_start3A_586 = tpu.memref_squeeze %dma_start3A_585 : memref<1x128x16xf32, #tpu.memory_space<vmem>> -> memref<128x16xf32, #tpu.memory_space<vmem>>
      %dma_start3A_587 = arith.constant 0 : i32
      %dma_start3A_588 = tpu.memref_slice %arg7[%add3A_582, %dma_start3A_587] : memref<79x128xi32, #tpu.memory_space<vmem>> -> memref<1x128xi32, #tpu.memory_space<vmem>>
      %dma_start3A_589 = tpu.memref_squeeze %dma_start3A_588 : memref<1x128xi32, #tpu.memory_space<vmem>> -> memref<128xi32, #tpu.memory_space<vmem>>
      %dma_start3A_590 = arith.constant 0 : i32
      %dma_start3A_591 = arith.constant 0 : i32
      %dma_start3A_592 = tpu.memref_slice %arg10[%dma_start3A_590, %dma_start3A_591] : memref<10240x16xf32, #tpu.memory_space<vmem_shared>> -> memref<10240x16xf32, #tpu.memory_space<vmem_shared>>
      tpu.enqueue_indirect_dma source(%dma_start3A_586 : memref<128x16xf32, #tpu.memory_space<vmem>>) target(%dma_start3A_592 : memref<10240x16xf32, #tpu.memory_space<vmem_shared>>) offsets(%dma_start3A_589 : memref<128xi32, #tpu.memory_space<vmem>>) semaphore(%arg15 : memref<!tpu.dma_semaphore, #tpu.memory_space<semaphore_mem>>) {add = true}
    }
    %scan3A_312 = arith.constant 4 : i32
    %dma_wait3A_313 = arith.constant 1 : i32
    %dma_wait3A_314 = arith.constant 0 : i32
    %dma_wait3A_315 = arith.constant 0 : i32
    %dma_wait3A_316 = arith.constant 0 : i32
    %dma_wait3A_317 = tpu.memref_slice %arg8[%dma_wait3A_313, %dma_wait3A_315, %dma_wait3A_316] : memref<2x1024x16xf32, #tpu.memory_space<vmem>> -> memref<1x128x16xf32, #tpu.memory_space<vmem>>
    %dma_wait3A_318 = tpu.memref_squeeze %dma_wait3A_317 : memref<1x128x16xf32, #tpu.memory_space<vmem>> -> memref<128x16xf32, #tpu.memory_space<vmem>>
    %dma_wait3A_319 = arith.constant 0 : i32
    %dma_wait3A_320 = tpu.memref_slice %arg7[%dma_wait3A_314, %dma_wait3A_319] : memref<79x128xi32, #tpu.memory_space<vmem>> -> memref<1x128xi32, #tpu.memory_space<vmem>>
    %dma_wait3A_321 = tpu.memref_squeeze %dma_wait3A_320 : memref<1x128xi32, #tpu.memory_space<vmem>> -> memref<128xi32, #tpu.memory_space<vmem>>
    %dma_wait3A_322 = arith.constant 0 : i32
    %dma_wait3A_323 = arith.constant 0 : i32
    %dma_wait3A_324 = tpu.memref_slice %arg10[%dma_wait3A_322, %dma_wait3A_323] : memref<10240x16xf32, #tpu.memory_space<vmem_shared>> -> memref<10240x16xf32, #tpu.memory_space<vmem_shared>>
    tpu.wait_indirect_dma semaphore(%arg14 : memref<!tpu.dma_semaphore, #tpu.memory_space<semaphore_mem>>) src(%dma_wait3A_318 : memref<128x16xf32, #tpu.memory_space<vmem>>) dst(%dma_wait3A_324 : memref<10240x16xf32, #tpu.memory_space<vmem_shared>>)
    %dma_wait3A_325 = arith.constant 1 : i32
    %dma_wait3A_326 = arith.constant 0 : i32
    %dma_wait3A_327 = arith.constant 0 : i32
    %dma_wait3A_328 = arith.constant 0 : i32
    %dma_wait3A_329 = tpu.memref_slice %arg8[%dma_wait3A_325, %dma_wait3A_327, %dma_wait3A_328] : memref<2x1024x16xf32, #tpu.memory_space<vmem>> -> memref<1x128x16xf32, #tpu.memory_space<vmem>>
    %dma_wait3A_330 = tpu.memref_squeeze %dma_wait3A_329 : memref<1x128x16xf32, #tpu.memory_space<vmem>> -> memref<128x16xf32, #tpu.memory_space<vmem>>
    %dma_wait3A_331 = arith.constant 0 : i32
    %dma_wait3A_332 = tpu.memref_slice %arg7[%dma_wait3A_326, %dma_wait3A_331] : memref<79x128xi32, #tpu.memory_space<vmem>> -> memref<1x128xi32, #tpu.memory_space<vmem>>
    %dma_wait3A_333 = tpu.memref_squeeze %dma_wait3A_332 : memref<1x128xi32, #tpu.memory_space<vmem>> -> memref<128xi32, #tpu.memory_space<vmem>>
    %dma_wait3A_334 = arith.constant 0 : i32
    %dma_wait3A_335 = arith.constant 0 : i32
    %dma_wait3A_336 = tpu.memref_slice %arg10[%dma_wait3A_334, %dma_wait3A_335] : memref<10240x16xf32, #tpu.memory_space<vmem_shared>> -> memref<10240x16xf32, #tpu.memory_space<vmem_shared>>
    tpu.wait_indirect_dma semaphore(%arg15 : memref<!tpu.dma_semaphore, #tpu.memory_space<semaphore_mem>>) src(%dma_wait3A_330 : memref<128x16xf32, #tpu.memory_space<vmem>>) dst(%dma_wait3A_336 : memref<10240x16xf32, #tpu.memory_space<vmem_shared>>)
    %dma_wait3A_337 = arith.constant 0 : i32
    %dma_wait3A_338 = arith.constant 0 : i32
    %dma_wait3A_339 = arith.constant 0 : i32
    %dma_wait3A_340 = tpu.memref_slice %arg8[%dma_wait3A_337, %dma_wait3A_338, %dma_wait3A_339] : memref<2x1024x16xf32, #tpu.memory_space<vmem>> -> memref<1x1024x16xf32, #tpu.memory_space<vmem>>
    %dma_wait3A_341 = tpu.memref_squeeze %dma_wait3A_340 : memref<1x1024x16xf32, #tpu.memory_space<vmem>> -> memref<1024x16xf32, #tpu.memory_space<vmem>>
    %dma_wait3A_342 = arith.constant 0 : i32
    %dma_wait3A_343 = tpu.memref_slice %arg6[%dma_wait3A_342] : memref<10112xi32, #tpu.memory_space<vmem>> -> memref<1024xi32, #tpu.memory_space<vmem>>
    %dma_wait3A_344 = arith.constant 0 : i32
    %dma_wait3A_345 = arith.constant 0 : i32
    %dma_wait3A_346 = tpu.memref_slice %arg4[%dma_wait3A_344, %dma_wait3A_345] : memref<10000x16xf32, #tpu.memory_space<hbm>> -> memref<10000x16xf32, #tpu.memory_space<hbm>>
    tpu.wait_indirect_dma semaphore(%arg12 : memref<!tpu.dma_semaphore, #tpu.memory_space<semaphore_mem>>) src(%dma_wait3A_346 : memref<10000x16xf32, #tpu.memory_space<hbm>>) dst(%dma_wait3A_341 : memref<1024x16xf32, #tpu.memory_space<vmem>>)
    %dma_start3A_347 = arith.constant 1 : i32
    %dma_start3A_348 = arith.constant 0 : i32
    %dma_start3A_349 = arith.constant 0 : i32
    %dma_start3A_350 = tpu.memref_slice %arg8[%dma_start3A_347, %dma_start3A_348, %dma_start3A_349] : memref<2x1024x16xf32, #tpu.memory_space<vmem>> -> memref<1x1024x16xf32, #tpu.memory_space<vmem>>
    %dma_start3A_351 = tpu.memref_squeeze %dma_start3A_350 : memref<1x1024x16xf32, #tpu.memory_space<vmem>> -> memref<1024x16xf32, #tpu.memory_space<vmem>>
    %dma_start3A_352 = arith.constant 7168 : i32
    %dma_start3A_353 = tpu.memref_slice %arg6[%dma_start3A_352] : memref<10112xi32, #tpu.memory_space<vmem>> -> memref<1024xi32, #tpu.memory_space<vmem>>
    %dma_start3A_354 = arith.constant 0 : i32
    %dma_start3A_355 = arith.constant 0 : i32
    %dma_start3A_356 = tpu.memref_slice %arg4[%dma_start3A_354, %dma_start3A_355] : memref<10000x16xf32, #tpu.memory_space<hbm>> -> memref<10000x16xf32, #tpu.memory_space<hbm>>
    tpu.enqueue_indirect_dma source(%dma_start3A_356 : memref<10000x16xf32, #tpu.memory_space<hbm>>) target(%dma_start3A_351 : memref<1024x16xf32, #tpu.memory_space<vmem>>) offsets(%dma_start3A_353 : memref<1024xi32, #tpu.memory_space<vmem>>) semaphore(%arg13 : memref<!tpu.dma_semaphore, #tpu.memory_space<semaphore_mem>>)
    %scan3A_357 = arith.constant 0 : i32
    %scan3A_358 = arith.constant 4 : i32
    %scan3A_359 = arith.addi %scan3A_357, %scan3A_358 : i32
    %scan3A_360 = arith.constant 1 : i32
    scf.for %scan3A_552 = %scan3A_357 to %scan3A_359 step %scan3A_360  : i32 {
      %mul3A_553 = arith.constant 1 : i32
      %mul3A_554 = arith.muli %scan3A_552, %mul3A_553 : i32
      %add3A_555 = arith.constant 0 : i32
      %add3A_556 = arith.addi %add3A_555, %mul3A_554 : i32
      %ge3A = arith.constant 1 : i32
      %ge3A_557 = arith.cmpi sge, %add3A_556, %ge3A : i32
      %convert_element_type3A = arith.extui %ge3A_557 : i1 to i32
      %cond3A = arith.constant 0 : i32
      %cond3A_558 = arith.cmpi ne, %convert_element_type3A, %cond3A : i32
      scf.if %cond3A_558 {
        %dma_wait3A_593 = arith.constant 0 : i32
        %dma_wait3A_594 = arith.constant 0 : i32
        %dma_wait3A_595 = arith.constant 0 : i32
        %dma_wait3A_596 = arith.constant 0 : i32
        %dma_wait3A_597 = tpu.memref_slice %arg8[%dma_wait3A_593, %dma_wait3A_595, %dma_wait3A_596] : memref<2x1024x16xf32, #tpu.memory_space<vmem>> -> memref<1x128x16xf32, #tpu.memory_space<vmem>>
        %dma_wait3A_598 = tpu.memref_squeeze %dma_wait3A_597 : memref<1x128x16xf32, #tpu.memory_space<vmem>> -> memref<128x16xf32, #tpu.memory_space<vmem>>
        %dma_wait3A_599 = arith.constant 0 : i32
        %dma_wait3A_600 = tpu.memref_slice %arg7[%dma_wait3A_594, %dma_wait3A_599] : memref<79x128xi32, #tpu.memory_space<vmem>> -> memref<1x128xi32, #tpu.memory_space<vmem>>
        %dma_wait3A_601 = tpu.memref_squeeze %dma_wait3A_600 : memref<1x128xi32, #tpu.memory_space<vmem>> -> memref<128xi32, #tpu.memory_space<vmem>>
        %dma_wait3A_602 = arith.constant 0 : i32
        %dma_wait3A_603 = arith.constant 0 : i32
        %dma_wait3A_604 = tpu.memref_slice %arg10[%dma_wait3A_602, %dma_wait3A_603] : memref<10240x16xf32, #tpu.memory_space<vmem_shared>> -> memref<10240x16xf32, #tpu.memory_space<vmem_shared>>
        tpu.wait_indirect_dma semaphore(%arg14 : memref<!tpu.dma_semaphore, #tpu.memory_space<semaphore_mem>>) src(%dma_wait3A_598 : memref<128x16xf32, #tpu.memory_space<vmem>>) dst(%dma_wait3A_604 : memref<10240x16xf32, #tpu.memory_space<vmem_shared>>)
        %dma_wait3A_605 = arith.constant 0 : i32
        %dma_wait3A_606 = arith.constant 0 : i32
        %dma_wait3A_607 = arith.constant 0 : i32
        %dma_wait3A_608 = arith.constant 0 : i32
        %dma_wait3A_609 = tpu.memref_slice %arg8[%dma_wait3A_605, %dma_wait3A_607, %dma_wait3A_608] : memref<2x1024x16xf32, #tpu.memory_space<vmem>> -> memref<1x128x16xf32, #tpu.memory_space<vmem>>
        %dma_wait3A_610 = tpu.memref_squeeze %dma_wait3A_609 : memref<1x128x16xf32, #tpu.memory_space<vmem>> -> memref<128x16xf32, #tpu.memory_space<vmem>>
        %dma_wait3A_611 = arith.constant 0 : i32
        %dma_wait3A_612 = tpu.memref_slice %arg7[%dma_wait3A_606, %dma_wait3A_611] : memref<79x128xi32, #tpu.memory_space<vmem>> -> memref<1x128xi32, #tpu.memory_space<vmem>>
        %dma_wait3A_613 = tpu.memref_squeeze %dma_wait3A_612 : memref<1x128xi32, #tpu.memory_space<vmem>> -> memref<128xi32, #tpu.memory_space<vmem>>
        %dma_wait3A_614 = arith.constant 0 : i32
        %dma_wait3A_615 = arith.constant 0 : i32
        %dma_wait3A_616 = tpu.memref_slice %arg10[%dma_wait3A_614, %dma_wait3A_615] : memref<10240x16xf32, #tpu.memory_space<vmem_shared>> -> memref<10240x16xf32, #tpu.memory_space<vmem_shared>>
        tpu.wait_indirect_dma semaphore(%arg15 : memref<!tpu.dma_semaphore, #tpu.memory_space<semaphore_mem>>) src(%dma_wait3A_610 : memref<128x16xf32, #tpu.memory_space<vmem>>) dst(%dma_wait3A_616 : memref<10240x16xf32, #tpu.memory_space<vmem_shared>>)
      } else {
      }
      %mul3A_559 = arith.constant 2 : i32
      %mul3A_560 = arith.muli %mul3A_559, %add3A_556 : i32
      %mul3A_561 = arith.constant 128 : i32
      %mul3A_562 = arith.muli %mul3A_560, %mul3A_561 : i32
      %add3A_563 = arith.constant 48 : i32
      %add3A_564 = arith.addi %add3A_563, %mul3A_560 : i32
      %dma_start3A_565 = arith.constant 0 : i32
      %dma_start3A_566 = arith.constant 0 : i32
      %dma_start3A_567 = tpu.memref_slice %arg8[%dma_start3A_565, %mul3A_562, %dma_start3A_566] : memref<2x1024x16xf32, #tpu.memory_space<vmem>> -> memref<1x128x16xf32, #tpu.memory_space<vmem>>
      %dma_start3A_568 = tpu.memref_squeeze %dma_start3A_567 : memref<1x128x16xf32, #tpu.memory_space<vmem>> -> memref<128x16xf32, #tpu.memory_space<vmem>>
      %dma_start3A_569 = arith.constant 0 : i32
      %dma_start3A_570 = tpu.memref_slice %arg7[%add3A_564, %dma_start3A_569] : memref<79x128xi32, #tpu.memory_space<vmem>> -> memref<1x128xi32, #tpu.memory_space<vmem>>
      %dma_start3A_571 = tpu.memref_squeeze %dma_start3A_570 : memref<1x128xi32, #tpu.memory_space<vmem>> -> memref<128xi32, #tpu.memory_space<vmem>>
      %dma_start3A_572 = arith.constant 0 : i32
      %dma_start3A_573 = arith.constant 0 : i32
      %dma_start3A_574 = tpu.memref_slice %arg10[%dma_start3A_572, %dma_start3A_573] : memref<10240x16xf32, #tpu.memory_space<vmem_shared>> -> memref<10240x16xf32, #tpu.memory_space<vmem_shared>>
      tpu.enqueue_indirect_dma source(%dma_start3A_568 : memref<128x16xf32, #tpu.memory_space<vmem>>) target(%dma_start3A_574 : memref<10240x16xf32, #tpu.memory_space<vmem_shared>>) offsets(%dma_start3A_571 : memref<128xi32, #tpu.memory_space<vmem>>) semaphore(%arg14 : memref<!tpu.dma_semaphore, #tpu.memory_space<semaphore_mem>>) {add = true}
      %mul3A_575 = arith.constant 2 : i32
      %mul3A_576 = arith.muli %mul3A_575, %add3A_556 : i32
      %add3A_577 = arith.constant 1 : i32
      %add3A_578 = arith.addi %mul3A_576, %add3A_577 : i32
      %mul3A_579 = arith.constant 128 : i32
      %mul3A_580 = arith.muli %add3A_578, %mul3A_579 : i32
      %add3A_581 = arith.constant 48 : i32
      %add3A_582 = arith.addi %add3A_581, %add3A_578 : i32
      %dma_start3A_583 = arith.constant 0 : i32
      %dma_start3A_584 = arith.constant 0 : i32
      %dma_start3A_585 = tpu.memref_slice %arg8[%dma_start3A_583, %mul3A_580, %dma_start3A_584] : memref<2x1024x16xf32, #tpu.memory_space<vmem>> -> memref<1x128x16xf32, #tpu.memory_space<vmem>>
      %dma_start3A_586 = tpu.memref_squeeze %dma_start3A_585 : memref<1x128x16xf32, #tpu.memory_space<vmem>> -> memref<128x16xf32, #tpu.memory_space<vmem>>
      %dma_start3A_587 = arith.constant 0 : i32
      %dma_start3A_588 = tpu.memref_slice %arg7[%add3A_582, %dma_start3A_587] : memref<79x128xi32, #tpu.memory_space<vmem>> -> memref<1x128xi32, #tpu.memory_space<vmem>>
      %dma_start3A_589 = tpu.memref_squeeze %dma_start3A_588 : memref<1x128xi32, #tpu.memory_space<vmem>> -> memref<128xi32, #tpu.memory_space<vmem>>
      %dma_start3A_590 = arith.constant 0 : i32
      %dma_start3A_591 = arith.constant 0 : i32
      %dma_start3A_592 = tpu.memref_slice %arg10[%dma_start3A_590, %dma_start3A_591] : memref<10240x16xf32, #tpu.memory_space<vmem_shared>> -> memref<10240x16xf32, #tpu.memory_space<vmem_shared>>
      tpu.enqueue_indirect_dma source(%dma_start3A_586 : memref<128x16xf32, #tpu.memory_space<vmem>>) target(%dma_start3A_592 : memref<10240x16xf32, #tpu.memory_space<vmem_shared>>) offsets(%dma_start3A_589 : memref<128xi32, #tpu.memory_space<vmem>>) semaphore(%arg15 : memref<!tpu.dma_semaphore, #tpu.memory_space<semaphore_mem>>) {add = true}
    }
    %scan3A_361 = arith.constant 4 : i32
    %dma_wait3A_362 = arith.constant 0 : i32
    %dma_wait3A_363 = arith.constant 0 : i32
    %dma_wait3A_364 = arith.constant 0 : i32
    %dma_wait3A_365 = arith.constant 0 : i32
    %dma_wait3A_366 = tpu.memref_slice %arg8[%dma_wait3A_362, %dma_wait3A_364, %dma_wait3A_365] : memref<2x1024x16xf32, #tpu.memory_space<vmem>> -> memref<1x128x16xf32, #tpu.memory_space<vmem>>
    %dma_wait3A_367 = tpu.memref_squeeze %dma_wait3A_366 : memref<1x128x16xf32, #tpu.memory_space<vmem>> -> memref<128x16xf32, #tpu.memory_space<vmem>>
    %dma_wait3A_368 = arith.constant 0 : i32
    %dma_wait3A_369 = tpu.memref_slice %arg7[%dma_wait3A_363, %dma_wait3A_368] : memref<79x128xi32, #tpu.memory_space<vmem>> -> memref<1x128xi32, #tpu.memory_space<vmem>>
    %dma_wait3A_370 = tpu.memref_squeeze %dma_wait3A_369 : memref<1x128xi32, #tpu.memory_space<vmem>> -> memref<128xi32, #tpu.memory_space<vmem>>
    %dma_wait3A_371 = arith.constant 0 : i32
    %dma_wait3A_372 = arith.constant 0 : i32
    %dma_wait3A_373 = tpu.memref_slice %arg10[%dma_wait3A_371, %dma_wait3A_372] : memref<10240x16xf32, #tpu.memory_space<vmem_shared>> -> memref<10240x16xf32, #tpu.memory_space<vmem_shared>>
    tpu.wait_indirect_dma semaphore(%arg14 : memref<!tpu.dma_semaphore, #tpu.memory_space<semaphore_mem>>) src(%dma_wait3A_367 : memref<128x16xf32, #tpu.memory_space<vmem>>) dst(%dma_wait3A_373 : memref<10240x16xf32, #tpu.memory_space<vmem_shared>>)
    %dma_wait3A_374 = arith.constant 0 : i32
    %dma_wait3A_375 = arith.constant 0 : i32
    %dma_wait3A_376 = arith.constant 0 : i32
    %dma_wait3A_377 = arith.constant 0 : i32
    %dma_wait3A_378 = tpu.memref_slice %arg8[%dma_wait3A_374, %dma_wait3A_376, %dma_wait3A_377] : memref<2x1024x16xf32, #tpu.memory_space<vmem>> -> memref<1x128x16xf32, #tpu.memory_space<vmem>>
    %dma_wait3A_379 = tpu.memref_squeeze %dma_wait3A_378 : memref<1x128x16xf32, #tpu.memory_space<vmem>> -> memref<128x16xf32, #tpu.memory_space<vmem>>
    %dma_wait3A_380 = arith.constant 0 : i32
    %dma_wait3A_381 = tpu.memref_slice %arg7[%dma_wait3A_375, %dma_wait3A_380] : memref<79x128xi32, #tpu.memory_space<vmem>> -> memref<1x128xi32, #tpu.memory_space<vmem>>
    %dma_wait3A_382 = tpu.memref_squeeze %dma_wait3A_381 : memref<1x128xi32, #tpu.memory_space<vmem>> -> memref<128xi32, #tpu.memory_space<vmem>>
    %dma_wait3A_383 = arith.constant 0 : i32
    %dma_wait3A_384 = arith.constant 0 : i32
    %dma_wait3A_385 = tpu.memref_slice %arg10[%dma_wait3A_383, %dma_wait3A_384] : memref<10240x16xf32, #tpu.memory_space<vmem_shared>> -> memref<10240x16xf32, #tpu.memory_space<vmem_shared>>
    tpu.wait_indirect_dma semaphore(%arg15 : memref<!tpu.dma_semaphore, #tpu.memory_space<semaphore_mem>>) src(%dma_wait3A_379 : memref<128x16xf32, #tpu.memory_space<vmem>>) dst(%dma_wait3A_385 : memref<10240x16xf32, #tpu.memory_space<vmem_shared>>)
    %dma_wait3A_386 = arith.constant 1 : i32
    %dma_wait3A_387 = arith.constant 0 : i32
    %dma_wait3A_388 = arith.constant 0 : i32
    %dma_wait3A_389 = tpu.memref_slice %arg8[%dma_wait3A_386, %dma_wait3A_387, %dma_wait3A_388] : memref<2x1024x16xf32, #tpu.memory_space<vmem>> -> memref<1x1024x16xf32, #tpu.memory_space<vmem>>
    %dma_wait3A_390 = tpu.memref_squeeze %dma_wait3A_389 : memref<1x1024x16xf32, #tpu.memory_space<vmem>> -> memref<1024x16xf32, #tpu.memory_space<vmem>>
    %dma_wait3A_391 = arith.constant 0 : i32
    %dma_wait3A_392 = tpu.memref_slice %arg6[%dma_wait3A_391] : memref<10112xi32, #tpu.memory_space<vmem>> -> memref<1024xi32, #tpu.memory_space<vmem>>
    %dma_wait3A_393 = arith.constant 0 : i32
    %dma_wait3A_394 = arith.constant 0 : i32
    %dma_wait3A_395 = tpu.memref_slice %arg4[%dma_wait3A_393, %dma_wait3A_394] : memref<10000x16xf32, #tpu.memory_space<hbm>> -> memref<10000x16xf32, #tpu.memory_space<hbm>>
    tpu.wait_indirect_dma semaphore(%arg13 : memref<!tpu.dma_semaphore, #tpu.memory_space<semaphore_mem>>) src(%dma_wait3A_395 : memref<10000x16xf32, #tpu.memory_space<hbm>>) dst(%dma_wait3A_390 : memref<1024x16xf32, #tpu.memory_space<vmem>>)
    %dma_start3A_396 = arith.constant 0 : i32
    %dma_start3A_397 = arith.constant 0 : i32
    %dma_start3A_398 = arith.constant 0 : i32
    %dma_start3A_399 = tpu.memref_slice %arg8[%dma_start3A_396, %dma_start3A_397, %dma_start3A_398] : memref<2x1024x16xf32, #tpu.memory_space<vmem>> -> memref<1x1024x16xf32, #tpu.memory_space<vmem>>
    %dma_start3A_400 = tpu.memref_squeeze %dma_start3A_399 : memref<1x1024x16xf32, #tpu.memory_space<vmem>> -> memref<1024x16xf32, #tpu.memory_space<vmem>>
    %dma_start3A_401 = arith.constant 8192 : i32
    %dma_start3A_402 = tpu.memref_slice %arg6[%dma_start3A_401] : memref<10112xi32, #tpu.memory_space<vmem>> -> memref<1024xi32, #tpu.memory_space<vmem>>
    %dma_start3A_403 = arith.constant 0 : i32
    %dma_start3A_404 = arith.constant 0 : i32
    %dma_start3A_405 = tpu.memref_slice %arg4[%dma_start3A_403, %dma_start3A_404] : memref<10000x16xf32, #tpu.memory_space<hbm>> -> memref<10000x16xf32, #tpu.memory_space<hbm>>
    tpu.enqueue_indirect_dma source(%dma_start3A_405 : memref<10000x16xf32, #tpu.memory_space<hbm>>) target(%dma_start3A_400 : memref<1024x16xf32, #tpu.memory_space<vmem>>) offsets(%dma_start3A_402 : memref<1024xi32, #tpu.memory_space<vmem>>) semaphore(%arg12 : memref<!tpu.dma_semaphore, #tpu.memory_space<semaphore_mem>>)
    %scan3A_406 = arith.constant 0 : i32
    %scan3A_407 = arith.constant 4 : i32
    %scan3A_408 = arith.addi %scan3A_406, %scan3A_407 : i32
    %scan3A_409 = arith.constant 1 : i32
    scf.for %scan3A_552 = %scan3A_406 to %scan3A_408 step %scan3A_409  : i32 {
      %mul3A_553 = arith.constant 1 : i32
      %mul3A_554 = arith.muli %scan3A_552, %mul3A_553 : i32
      %add3A_555 = arith.constant 0 : i32
      %add3A_556 = arith.addi %add3A_555, %mul3A_554 : i32
      %ge3A = arith.constant 1 : i32
      %ge3A_557 = arith.cmpi sge, %add3A_556, %ge3A : i32
      %convert_element_type3A = arith.extui %ge3A_557 : i1 to i32
      %cond3A = arith.constant 0 : i32
      %cond3A_558 = arith.cmpi ne, %convert_element_type3A, %cond3A : i32
      scf.if %cond3A_558 {
        %dma_wait3A_593 = arith.constant 1 : i32
        %dma_wait3A_594 = arith.constant 0 : i32
        %dma_wait3A_595 = arith.constant 0 : i32
        %dma_wait3A_596 = arith.constant 0 : i32
        %dma_wait3A_597 = tpu.memref_slice %arg8[%dma_wait3A_593, %dma_wait3A_595, %dma_wait3A_596] : memref<2x1024x16xf32, #tpu.memory_space<vmem>> -> memref<1x128x16xf32, #tpu.memory_space<vmem>>
        %dma_wait3A_598 = tpu.memref_squeeze %dma_wait3A_597 : memref<1x128x16xf32, #tpu.memory_space<vmem>> -> memref<128x16xf32, #tpu.memory_space<vmem>>
        %dma_wait3A_599 = arith.constant 0 : i32
        %dma_wait3A_600 = tpu.memref_slice %arg7[%dma_wait3A_594, %dma_wait3A_599] : memref<79x128xi32, #tpu.memory_space<vmem>> -> memref<1x128xi32, #tpu.memory_space<vmem>>
        %dma_wait3A_601 = tpu.memref_squeeze %dma_wait3A_600 : memref<1x128xi32, #tpu.memory_space<vmem>> -> memref<128xi32, #tpu.memory_space<vmem>>
        %dma_wait3A_602 = arith.constant 0 : i32
        %dma_wait3A_603 = arith.constant 0 : i32
        %dma_wait3A_604 = tpu.memref_slice %arg10[%dma_wait3A_602, %dma_wait3A_603] : memref<10240x16xf32, #tpu.memory_space<vmem_shared>> -> memref<10240x16xf32, #tpu.memory_space<vmem_shared>>
        tpu.wait_indirect_dma semaphore(%arg14 : memref<!tpu.dma_semaphore, #tpu.memory_space<semaphore_mem>>) src(%dma_wait3A_598 : memref<128x16xf32, #tpu.memory_space<vmem>>) dst(%dma_wait3A_604 : memref<10240x16xf32, #tpu.memory_space<vmem_shared>>)
        %dma_wait3A_605 = arith.constant 1 : i32
        %dma_wait3A_606 = arith.constant 0 : i32
        %dma_wait3A_607 = arith.constant 0 : i32
        %dma_wait3A_608 = arith.constant 0 : i32
        %dma_wait3A_609 = tpu.memref_slice %arg8[%dma_wait3A_605, %dma_wait3A_607, %dma_wait3A_608] : memref<2x1024x16xf32, #tpu.memory_space<vmem>> -> memref<1x128x16xf32, #tpu.memory_space<vmem>>
        %dma_wait3A_610 = tpu.memref_squeeze %dma_wait3A_609 : memref<1x128x16xf32, #tpu.memory_space<vmem>> -> memref<128x16xf32, #tpu.memory_space<vmem>>
        %dma_wait3A_611 = arith.constant 0 : i32
        %dma_wait3A_612 = tpu.memref_slice %arg7[%dma_wait3A_606, %dma_wait3A_611] : memref<79x128xi32, #tpu.memory_space<vmem>> -> memref<1x128xi32, #tpu.memory_space<vmem>>
        %dma_wait3A_613 = tpu.memref_squeeze %dma_wait3A_612 : memref<1x128xi32, #tpu.memory_space<vmem>> -> memref<128xi32, #tpu.memory_space<vmem>>
        %dma_wait3A_614 = arith.constant 0 : i32
        %dma_wait3A_615 = arith.constant 0 : i32
        %dma_wait3A_616 = tpu.memref_slice %arg10[%dma_wait3A_614, %dma_wait3A_615] : memref<10240x16xf32, #tpu.memory_space<vmem_shared>> -> memref<10240x16xf32, #tpu.memory_space<vmem_shared>>
        tpu.wait_indirect_dma semaphore(%arg15 : memref<!tpu.dma_semaphore, #tpu.memory_space<semaphore_mem>>) src(%dma_wait3A_610 : memref<128x16xf32, #tpu.memory_space<vmem>>) dst(%dma_wait3A_616 : memref<10240x16xf32, #tpu.memory_space<vmem_shared>>)
      } else {
      }
      %mul3A_559 = arith.constant 2 : i32
      %mul3A_560 = arith.muli %mul3A_559, %add3A_556 : i32
      %mul3A_561 = arith.constant 128 : i32
      %mul3A_562 = arith.muli %mul3A_560, %mul3A_561 : i32
      %add3A_563 = arith.constant 56 : i32
      %add3A_564 = arith.addi %add3A_563, %mul3A_560 : i32
      %dma_start3A_565 = arith.constant 1 : i32
      %dma_start3A_566 = arith.constant 0 : i32
      %dma_start3A_567 = tpu.memref_slice %arg8[%dma_start3A_565, %mul3A_562, %dma_start3A_566] : memref<2x1024x16xf32, #tpu.memory_space<vmem>> -> memref<1x128x16xf32, #tpu.memory_space<vmem>>
      %dma_start3A_568 = tpu.memref_squeeze %dma_start3A_567 : memref<1x128x16xf32, #tpu.memory_space<vmem>> -> memref<128x16xf32, #tpu.memory_space<vmem>>
      %dma_start3A_569 = arith.constant 0 : i32
      %dma_start3A_570 = tpu.memref_slice %arg7[%add3A_564, %dma_start3A_569] : memref<79x128xi32, #tpu.memory_space<vmem>> -> memref<1x128xi32, #tpu.memory_space<vmem>>
      %dma_start3A_571 = tpu.memref_squeeze %dma_start3A_570 : memref<1x128xi32, #tpu.memory_space<vmem>> -> memref<128xi32, #tpu.memory_space<vmem>>
      %dma_start3A_572 = arith.constant 0 : i32
      %dma_start3A_573 = arith.constant 0 : i32
      %dma_start3A_574 = tpu.memref_slice %arg10[%dma_start3A_572, %dma_start3A_573] : memref<10240x16xf32, #tpu.memory_space<vmem_shared>> -> memref<10240x16xf32, #tpu.memory_space<vmem_shared>>
      tpu.enqueue_indirect_dma source(%dma_start3A_568 : memref<128x16xf32, #tpu.memory_space<vmem>>) target(%dma_start3A_574 : memref<10240x16xf32, #tpu.memory_space<vmem_shared>>) offsets(%dma_start3A_571 : memref<128xi32, #tpu.memory_space<vmem>>) semaphore(%arg14 : memref<!tpu.dma_semaphore, #tpu.memory_space<semaphore_mem>>) {add = true}
      %mul3A_575 = arith.constant 2 : i32
      %mul3A_576 = arith.muli %mul3A_575, %add3A_556 : i32
      %add3A_577 = arith.constant 1 : i32
      %add3A_578 = arith.addi %mul3A_576, %add3A_577 : i32
      %mul3A_579 = arith.constant 128 : i32
      %mul3A_580 = arith.muli %add3A_578, %mul3A_579 : i32
      %add3A_581 = arith.constant 56 : i32
      %add3A_582 = arith.addi %add3A_581, %add3A_578 : i32
      %dma_start3A_583 = arith.constant 1 : i32
      %dma_start3A_584 = arith.constant 0 : i32
      %dma_start3A_585 = tpu.memref_slice %arg8[%dma_start3A_583, %mul3A_580, %dma_start3A_584] : memref<2x1024x16xf32, #tpu.memory_space<vmem>> -> memref<1x128x16xf32, #tpu.memory_space<vmem>>
      %dma_start3A_586 = tpu.memref_squeeze %dma_start3A_585 : memref<1x128x16xf32, #tpu.memory_space<vmem>> -> memref<128x16xf32, #tpu.memory_space<vmem>>
      %dma_start3A_587 = arith.constant 0 : i32
      %dma_start3A_588 = tpu.memref_slice %arg7[%add3A_582, %dma_start3A_587] : memref<79x128xi32, #tpu.memory_space<vmem>> -> memref<1x128xi32, #tpu.memory_space<vmem>>
      %dma_start3A_589 = tpu.memref_squeeze %dma_start3A_588 : memref<1x128xi32, #tpu.memory_space<vmem>> -> memref<128xi32, #tpu.memory_space<vmem>>
      %dma_start3A_590 = arith.constant 0 : i32
      %dma_start3A_591 = arith.constant 0 : i32
      %dma_start3A_592 = tpu.memref_slice %arg10[%dma_start3A_590, %dma_start3A_591] : memref<10240x16xf32, #tpu.memory_space<vmem_shared>> -> memref<10240x16xf32, #tpu.memory_space<vmem_shared>>
      tpu.enqueue_indirect_dma source(%dma_start3A_586 : memref<128x16xf32, #tpu.memory_space<vmem>>) target(%dma_start3A_592 : memref<10240x16xf32, #tpu.memory_space<vmem_shared>>) offsets(%dma_start3A_589 : memref<128xi32, #tpu.memory_space<vmem>>) semaphore(%arg15 : memref<!tpu.dma_semaphore, #tpu.memory_space<semaphore_mem>>) {add = true}
    }
    %scan3A_410 = arith.constant 4 : i32
    %dma_wait3A_411 = arith.constant 1 : i32
    %dma_wait3A_412 = arith.constant 0 : i32
    %dma_wait3A_413 = arith.constant 0 : i32
    %dma_wait3A_414 = arith.constant 0 : i32
    %dma_wait3A_415 = tpu.memref_slice %arg8[%dma_wait3A_411, %dma_wait3A_413, %dma_wait3A_414] : memref<2x1024x16xf32, #tpu.memory_space<vmem>> -> memref<1x128x16xf32, #tpu.memory_space<vmem>>
    %dma_wait3A_416 = tpu.memref_squeeze %dma_wait3A_415 : memref<1x128x16xf32, #tpu.memory_space<vmem>> -> memref<128x16xf32, #tpu.memory_space<vmem>>
    %dma_wait3A_417 = arith.constant 0 : i32
    %dma_wait3A_418 = tpu.memref_slice %arg7[%dma_wait3A_412, %dma_wait3A_417] : memref<79x128xi32, #tpu.memory_space<vmem>> -> memref<1x128xi32, #tpu.memory_space<vmem>>
    %dma_wait3A_419 = tpu.memref_squeeze %dma_wait3A_418 : memref<1x128xi32, #tpu.memory_space<vmem>> -> memref<128xi32, #tpu.memory_space<vmem>>
    %dma_wait3A_420 = arith.constant 0 : i32
    %dma_wait3A_421 = arith.constant 0 : i32
    %dma_wait3A_422 = tpu.memref_slice %arg10[%dma_wait3A_420, %dma_wait3A_421] : memref<10240x16xf32, #tpu.memory_space<vmem_shared>> -> memref<10240x16xf32, #tpu.memory_space<vmem_shared>>
    tpu.wait_indirect_dma semaphore(%arg14 : memref<!tpu.dma_semaphore, #tpu.memory_space<semaphore_mem>>) src(%dma_wait3A_416 : memref<128x16xf32, #tpu.memory_space<vmem>>) dst(%dma_wait3A_422 : memref<10240x16xf32, #tpu.memory_space<vmem_shared>>)
    %dma_wait3A_423 = arith.constant 1 : i32
    %dma_wait3A_424 = arith.constant 0 : i32
    %dma_wait3A_425 = arith.constant 0 : i32
    %dma_wait3A_426 = arith.constant 0 : i32
    %dma_wait3A_427 = tpu.memref_slice %arg8[%dma_wait3A_423, %dma_wait3A_425, %dma_wait3A_426] : memref<2x1024x16xf32, #tpu.memory_space<vmem>> -> memref<1x128x16xf32, #tpu.memory_space<vmem>>
    %dma_wait3A_428 = tpu.memref_squeeze %dma_wait3A_427 : memref<1x128x16xf32, #tpu.memory_space<vmem>> -> memref<128x16xf32, #tpu.memory_space<vmem>>
    %dma_wait3A_429 = arith.constant 0 : i32
    %dma_wait3A_430 = tpu.memref_slice %arg7[%dma_wait3A_424, %dma_wait3A_429] : memref<79x128xi32, #tpu.memory_space<vmem>> -> memref<1x128xi32, #tpu.memory_space<vmem>>
    %dma_wait3A_431 = tpu.memref_squeeze %dma_wait3A_430 : memref<1x128xi32, #tpu.memory_space<vmem>> -> memref<128xi32, #tpu.memory_space<vmem>>
    %dma_wait3A_432 = arith.constant 0 : i32
    %dma_wait3A_433 = arith.constant 0 : i32
    %dma_wait3A_434 = tpu.memref_slice %arg10[%dma_wait3A_432, %dma_wait3A_433] : memref<10240x16xf32, #tpu.memory_space<vmem_shared>> -> memref<10240x16xf32, #tpu.memory_space<vmem_shared>>
    tpu.wait_indirect_dma semaphore(%arg15 : memref<!tpu.dma_semaphore, #tpu.memory_space<semaphore_mem>>) src(%dma_wait3A_428 : memref<128x16xf32, #tpu.memory_space<vmem>>) dst(%dma_wait3A_434 : memref<10240x16xf32, #tpu.memory_space<vmem_shared>>)
    %dma_wait3A_435 = arith.constant 0 : i32
    %dma_wait3A_436 = arith.constant 0 : i32
    %dma_wait3A_437 = arith.constant 0 : i32
    %dma_wait3A_438 = tpu.memref_slice %arg8[%dma_wait3A_435, %dma_wait3A_436, %dma_wait3A_437] : memref<2x1024x16xf32, #tpu.memory_space<vmem>> -> memref<1x1024x16xf32, #tpu.memory_space<vmem>>
    %dma_wait3A_439 = tpu.memref_squeeze %dma_wait3A_438 : memref<1x1024x16xf32, #tpu.memory_space<vmem>> -> memref<1024x16xf32, #tpu.memory_space<vmem>>
    %dma_wait3A_440 = arith.constant 0 : i32
    %dma_wait3A_441 = tpu.memref_slice %arg6[%dma_wait3A_440] : memref<10112xi32, #tpu.memory_space<vmem>> -> memref<1024xi32, #tpu.memory_space<vmem>>
    %dma_wait3A_442 = arith.constant 0 : i32
    %dma_wait3A_443 = arith.constant 0 : i32
    %dma_wait3A_444 = tpu.memref_slice %arg4[%dma_wait3A_442, %dma_wait3A_443] : memref<10000x16xf32, #tpu.memory_space<hbm>> -> memref<10000x16xf32, #tpu.memory_space<hbm>>
    tpu.wait_indirect_dma semaphore(%arg12 : memref<!tpu.dma_semaphore, #tpu.memory_space<semaphore_mem>>) src(%dma_wait3A_444 : memref<10000x16xf32, #tpu.memory_space<hbm>>) dst(%dma_wait3A_439 : memref<1024x16xf32, #tpu.memory_space<vmem>>)
    %dma_start3A_445 = arith.constant 1 : i32
    %dma_start3A_446 = arith.constant 0 : i32
    %dma_start3A_447 = arith.constant 0 : i32
    %dma_start3A_448 = tpu.memref_slice %arg8[%dma_start3A_445, %dma_start3A_446, %dma_start3A_447] : memref<2x1024x16xf32, #tpu.memory_space<vmem>> -> memref<1x896x16xf32, #tpu.memory_space<vmem>>
    %dma_start3A_449 = tpu.memref_squeeze %dma_start3A_448 : memref<1x896x16xf32, #tpu.memory_space<vmem>> -> memref<896x16xf32, #tpu.memory_space<vmem>>
    %dma_start3A_450 = arith.constant 9216 : i32
    %dma_start3A_451 = tpu.memref_slice %arg6[%dma_start3A_450] : memref<10112xi32, #tpu.memory_space<vmem>> -> memref<896xi32, #tpu.memory_space<vmem>>
    %dma_start3A_452 = arith.constant 0 : i32
    %dma_start3A_453 = arith.constant 0 : i32
    %dma_start3A_454 = tpu.memref_slice %arg4[%dma_start3A_452, %dma_start3A_453] : memref<10000x16xf32, #tpu.memory_space<hbm>> -> memref<10000x16xf32, #tpu.memory_space<hbm>>
    tpu.enqueue_indirect_dma source(%dma_start3A_454 : memref<10000x16xf32, #tpu.memory_space<hbm>>) target(%dma_start3A_449 : memref<896x16xf32, #tpu.memory_space<vmem>>) offsets(%dma_start3A_451 : memref<896xi32, #tpu.memory_space<vmem>>) semaphore(%arg13 : memref<!tpu.dma_semaphore, #tpu.memory_space<semaphore_mem>>)
    %scan3A_455 = arith.constant 0 : i32
    %scan3A_456 = arith.constant 4 : i32
    %scan3A_457 = arith.addi %scan3A_455, %scan3A_456 : i32
    %scan3A_458 = arith.constant 1 : i32
    scf.for %scan3A_552 = %scan3A_455 to %scan3A_457 step %scan3A_458  : i32 {
      %mul3A_553 = arith.constant 1 : i32
      %mul3A_554 = arith.muli %scan3A_552, %mul3A_553 : i32
      %add3A_555 = arith.constant 0 : i32
      %add3A_556 = arith.addi %add3A_555, %mul3A_554 : i32
      %ge3A = arith.constant 1 : i32
      %ge3A_557 = arith.cmpi sge, %add3A_556, %ge3A : i32
      %convert_element_type3A = arith.extui %ge3A_557 : i1 to i32
      %cond3A = arith.constant 0 : i32
      %cond3A_558 = arith.cmpi ne, %convert_element_type3A, %cond3A : i32
      scf.if %cond3A_558 {
        %dma_wait3A_593 = arith.constant 0 : i32
        %dma_wait3A_594 = arith.constant 0 : i32
        %dma_wait3A_595 = arith.constant 0 : i32
        %dma_wait3A_596 = arith.constant 0 : i32
        %dma_wait3A_597 = tpu.memref_slice %arg8[%dma_wait3A_593, %dma_wait3A_595, %dma_wait3A_596] : memref<2x1024x16xf32, #tpu.memory_space<vmem>> -> memref<1x128x16xf32, #tpu.memory_space<vmem>>
        %dma_wait3A_598 = tpu.memref_squeeze %dma_wait3A_597 : memref<1x128x16xf32, #tpu.memory_space<vmem>> -> memref<128x16xf32, #tpu.memory_space<vmem>>
        %dma_wait3A_599 = arith.constant 0 : i32
        %dma_wait3A_600 = tpu.memref_slice %arg7[%dma_wait3A_594, %dma_wait3A_599] : memref<79x128xi32, #tpu.memory_space<vmem>> -> memref<1x128xi32, #tpu.memory_space<vmem>>
        %dma_wait3A_601 = tpu.memref_squeeze %dma_wait3A_600 : memref<1x128xi32, #tpu.memory_space<vmem>> -> memref<128xi32, #tpu.memory_space<vmem>>
        %dma_wait3A_602 = arith.constant 0 : i32
        %dma_wait3A_603 = arith.constant 0 : i32
        %dma_wait3A_604 = tpu.memref_slice %arg10[%dma_wait3A_602, %dma_wait3A_603] : memref<10240x16xf32, #tpu.memory_space<vmem_shared>> -> memref<10240x16xf32, #tpu.memory_space<vmem_shared>>
        tpu.wait_indirect_dma semaphore(%arg14 : memref<!tpu.dma_semaphore, #tpu.memory_space<semaphore_mem>>) src(%dma_wait3A_598 : memref<128x16xf32, #tpu.memory_space<vmem>>) dst(%dma_wait3A_604 : memref<10240x16xf32, #tpu.memory_space<vmem_shared>>)
        %dma_wait3A_605 = arith.constant 0 : i32
        %dma_wait3A_606 = arith.constant 0 : i32
        %dma_wait3A_607 = arith.constant 0 : i32
        %dma_wait3A_608 = arith.constant 0 : i32
        %dma_wait3A_609 = tpu.memref_slice %arg8[%dma_wait3A_605, %dma_wait3A_607, %dma_wait3A_608] : memref<2x1024x16xf32, #tpu.memory_space<vmem>> -> memref<1x128x16xf32, #tpu.memory_space<vmem>>
        %dma_wait3A_610 = tpu.memref_squeeze %dma_wait3A_609 : memref<1x128x16xf32, #tpu.memory_space<vmem>> -> memref<128x16xf32, #tpu.memory_space<vmem>>
        %dma_wait3A_611 = arith.constant 0 : i32
        %dma_wait3A_612 = tpu.memref_slice %arg7[%dma_wait3A_606, %dma_wait3A_611] : memref<79x128xi32, #tpu.memory_space<vmem>> -> memref<1x128xi32, #tpu.memory_space<vmem>>
        %dma_wait3A_613 = tpu.memref_squeeze %dma_wait3A_612 : memref<1x128xi32, #tpu.memory_space<vmem>> -> memref<128xi32, #tpu.memory_space<vmem>>
        %dma_wait3A_614 = arith.constant 0 : i32
        %dma_wait3A_615 = arith.constant 0 : i32
        %dma_wait3A_616 = tpu.memref_slice %arg10[%dma_wait3A_614, %dma_wait3A_615] : memref<10240x16xf32, #tpu.memory_space<vmem_shared>> -> memref<10240x16xf32, #tpu.memory_space<vmem_shared>>
        tpu.wait_indirect_dma semaphore(%arg15 : memref<!tpu.dma_semaphore, #tpu.memory_space<semaphore_mem>>) src(%dma_wait3A_610 : memref<128x16xf32, #tpu.memory_space<vmem>>) dst(%dma_wait3A_616 : memref<10240x16xf32, #tpu.memory_space<vmem_shared>>)
      } else {
      }
      %mul3A_559 = arith.constant 2 : i32
      %mul3A_560 = arith.muli %mul3A_559, %add3A_556 : i32
      %mul3A_561 = arith.constant 128 : i32
      %mul3A_562 = arith.muli %mul3A_560, %mul3A_561 : i32
      %add3A_563 = arith.constant 64 : i32
      %add3A_564 = arith.addi %add3A_563, %mul3A_560 : i32
      %dma_start3A_565 = arith.constant 0 : i32
      %dma_start3A_566 = arith.constant 0 : i32
      %dma_start3A_567 = tpu.memref_slice %arg8[%dma_start3A_565, %mul3A_562, %dma_start3A_566] : memref<2x1024x16xf32, #tpu.memory_space<vmem>> -> memref<1x128x16xf32, #tpu.memory_space<vmem>>
      %dma_start3A_568 = tpu.memref_squeeze %dma_start3A_567 : memref<1x128x16xf32, #tpu.memory_space<vmem>> -> memref<128x16xf32, #tpu.memory_space<vmem>>
      %dma_start3A_569 = arith.constant 0 : i32
      %dma_start3A_570 = tpu.memref_slice %arg7[%add3A_564, %dma_start3A_569] : memref<79x128xi32, #tpu.memory_space<vmem>> -> memref<1x128xi32, #tpu.memory_space<vmem>>
      %dma_start3A_571 = tpu.memref_squeeze %dma_start3A_570 : memref<1x128xi32, #tpu.memory_space<vmem>> -> memref<128xi32, #tpu.memory_space<vmem>>
      %dma_start3A_572 = arith.constant 0 : i32
      %dma_start3A_573 = arith.constant 0 : i32
      %dma_start3A_574 = tpu.memref_slice %arg10[%dma_start3A_572, %dma_start3A_573] : memref<10240x16xf32, #tpu.memory_space<vmem_shared>> -> memref<10240x16xf32, #tpu.memory_space<vmem_shared>>
      tpu.enqueue_indirect_dma source(%dma_start3A_568 : memref<128x16xf32, #tpu.memory_space<vmem>>) target(%dma_start3A_574 : memref<10240x16xf32, #tpu.memory_space<vmem_shared>>) offsets(%dma_start3A_571 : memref<128xi32, #tpu.memory_space<vmem>>) semaphore(%arg14 : memref<!tpu.dma_semaphore, #tpu.memory_space<semaphore_mem>>) {add = true}
      %mul3A_575 = arith.constant 2 : i32
      %mul3A_576 = arith.muli %mul3A_575, %add3A_556 : i32
      %add3A_577 = arith.constant 1 : i32
      %add3A_578 = arith.addi %mul3A_576, %add3A_577 : i32
      %mul3A_579 = arith.constant 128 : i32
      %mul3A_580 = arith.muli %add3A_578, %mul3A_579 : i32
      %add3A_581 = arith.constant 64 : i32
      %add3A_582 = arith.addi %add3A_581, %add3A_578 : i32
      %dma_start3A_583 = arith.constant 0 : i32
      %dma_start3A_584 = arith.constant 0 : i32
      %dma_start3A_585 = tpu.memref_slice %arg8[%dma_start3A_583, %mul3A_580, %dma_start3A_584] : memref<2x1024x16xf32, #tpu.memory_space<vmem>> -> memref<1x128x16xf32, #tpu.memory_space<vmem>>
      %dma_start3A_586 = tpu.memref_squeeze %dma_start3A_585 : memref<1x128x16xf32, #tpu.memory_space<vmem>> -> memref<128x16xf32, #tpu.memory_space<vmem>>
      %dma_start3A_587 = arith.constant 0 : i32
      %dma_start3A_588 = tpu.memref_slice %arg7[%add3A_582, %dma_start3A_587] : memref<79x128xi32, #tpu.memory_space<vmem>> -> memref<1x128xi32, #tpu.memory_space<vmem>>
      %dma_start3A_589 = tpu.memref_squeeze %dma_start3A_588 : memref<1x128xi32, #tpu.memory_space<vmem>> -> memref<128xi32, #tpu.memory_space<vmem>>
      %dma_start3A_590 = arith.constant 0 : i32
      %dma_start3A_591 = arith.constant 0 : i32
      %dma_start3A_592 = tpu.memref_slice %arg10[%dma_start3A_590, %dma_start3A_591] : memref<10240x16xf32, #tpu.memory_space<vmem_shared>> -> memref<10240x16xf32, #tpu.memory_space<vmem_shared>>
      tpu.enqueue_indirect_dma source(%dma_start3A_586 : memref<128x16xf32, #tpu.memory_space<vmem>>) target(%dma_start3A_592 : memref<10240x16xf32, #tpu.memory_space<vmem_shared>>) offsets(%dma_start3A_589 : memref<128xi32, #tpu.memory_space<vmem>>) semaphore(%arg15 : memref<!tpu.dma_semaphore, #tpu.memory_space<semaphore_mem>>) {add = true}
    }
    %scan3A_459 = arith.constant 4 : i32
    %dma_wait3A_460 = arith.constant 0 : i32
    %dma_wait3A_461 = arith.constant 0 : i32
    %dma_wait3A_462 = arith.constant 0 : i32
    %dma_wait3A_463 = arith.constant 0 : i32
    %dma_wait3A_464 = tpu.memref_slice %arg8[%dma_wait3A_460, %dma_wait3A_462, %dma_wait3A_463] : memref<2x1024x16xf32, #tpu.memory_space<vmem>> -> memref<1x128x16xf32, #tpu.memory_space<vmem>>
    %dma_wait3A_465 = tpu.memref_squeeze %dma_wait3A_464 : memref<1x128x16xf32, #tpu.memory_space<vmem>> -> memref<128x16xf32, #tpu.memory_space<vmem>>
    %dma_wait3A_466 = arith.constant 0 : i32
    %dma_wait3A_467 = tpu.memref_slice %arg7[%dma_wait3A_461, %dma_wait3A_466] : memref<79x128xi32, #tpu.memory_space<vmem>> -> memref<1x128xi32, #tpu.memory_space<vmem>>
    %dma_wait3A_468 = tpu.memref_squeeze %dma_wait3A_467 : memref<1x128xi32, #tpu.memory_space<vmem>> -> memref<128xi32, #tpu.memory_space<vmem>>
    %dma_wait3A_469 = arith.constant 0 : i32
    %dma_wait3A_470 = arith.constant 0 : i32
    %dma_wait3A_471 = tpu.memref_slice %arg10[%dma_wait3A_469, %dma_wait3A_470] : memref<10240x16xf32, #tpu.memory_space<vmem_shared>> -> memref<10240x16xf32, #tpu.memory_space<vmem_shared>>
    tpu.wait_indirect_dma semaphore(%arg14 : memref<!tpu.dma_semaphore, #tpu.memory_space<semaphore_mem>>) src(%dma_wait3A_465 : memref<128x16xf32, #tpu.memory_space<vmem>>) dst(%dma_wait3A_471 : memref<10240x16xf32, #tpu.memory_space<vmem_shared>>)
    %dma_wait3A_472 = arith.constant 0 : i32
    %dma_wait3A_473 = arith.constant 0 : i32
    %dma_wait3A_474 = arith.constant 0 : i32
    %dma_wait3A_475 = arith.constant 0 : i32
    %dma_wait3A_476 = tpu.memref_slice %arg8[%dma_wait3A_472, %dma_wait3A_474, %dma_wait3A_475] : memref<2x1024x16xf32, #tpu.memory_space<vmem>> -> memref<1x128x16xf32, #tpu.memory_space<vmem>>
    %dma_wait3A_477 = tpu.memref_squeeze %dma_wait3A_476 : memref<1x128x16xf32, #tpu.memory_space<vmem>> -> memref<128x16xf32, #tpu.memory_space<vmem>>
    %dma_wait3A_478 = arith.constant 0 : i32
    %dma_wait3A_479 = tpu.memref_slice %arg7[%dma_wait3A_473, %dma_wait3A_478] : memref<79x128xi32, #tpu.memory_space<vmem>> -> memref<1x128xi32, #tpu.memory_space<vmem>>
    %dma_wait3A_480 = tpu.memref_squeeze %dma_wait3A_479 : memref<1x128xi32, #tpu.memory_space<vmem>> -> memref<128xi32, #tpu.memory_space<vmem>>
    %dma_wait3A_481 = arith.constant 0 : i32
    %dma_wait3A_482 = arith.constant 0 : i32
    %dma_wait3A_483 = tpu.memref_slice %arg10[%dma_wait3A_481, %dma_wait3A_482] : memref<10240x16xf32, #tpu.memory_space<vmem_shared>> -> memref<10240x16xf32, #tpu.memory_space<vmem_shared>>
    tpu.wait_indirect_dma semaphore(%arg15 : memref<!tpu.dma_semaphore, #tpu.memory_space<semaphore_mem>>) src(%dma_wait3A_477 : memref<128x16xf32, #tpu.memory_space<vmem>>) dst(%dma_wait3A_483 : memref<10240x16xf32, #tpu.memory_space<vmem_shared>>)
    %dma_wait3A_484 = arith.constant 1 : i32
    %dma_wait3A_485 = arith.constant 0 : i32
    %dma_wait3A_486 = arith.constant 0 : i32
    %dma_wait3A_487 = tpu.memref_slice %arg8[%dma_wait3A_484, %dma_wait3A_485, %dma_wait3A_486] : memref<2x1024x16xf32, #tpu.memory_space<vmem>> -> memref<1x896x16xf32, #tpu.memory_space<vmem>>
    %dma_wait3A_488 = tpu.memref_squeeze %dma_wait3A_487 : memref<1x896x16xf32, #tpu.memory_space<vmem>> -> memref<896x16xf32, #tpu.memory_space<vmem>>
    %dma_wait3A_489 = arith.constant 0 : i32
    %dma_wait3A_490 = tpu.memref_slice %arg6[%dma_wait3A_489] : memref<10112xi32, #tpu.memory_space<vmem>> -> memref<896xi32, #tpu.memory_space<vmem>>
    %dma_wait3A_491 = arith.constant 0 : i32
    %dma_wait3A_492 = arith.constant 0 : i32
    %dma_wait3A_493 = tpu.memref_slice %arg4[%dma_wait3A_491, %dma_wait3A_492] : memref<10000x16xf32, #tpu.memory_space<hbm>> -> memref<10000x16xf32, #tpu.memory_space<hbm>>
    tpu.wait_indirect_dma semaphore(%arg13 : memref<!tpu.dma_semaphore, #tpu.memory_space<semaphore_mem>>) src(%dma_wait3A_493 : memref<10000x16xf32, #tpu.memory_space<hbm>>) dst(%dma_wait3A_488 : memref<896x16xf32, #tpu.memory_space<vmem>>)
    %scan3A_494 = arith.constant 0 : i32
    %scan3A_495 = arith.constant 3 : i32
    %scan3A_496 = arith.addi %scan3A_494, %scan3A_495 : i32
    %scan3A_497 = arith.constant 1 : i32
    scf.for %scan3A_552 = %scan3A_494 to %scan3A_496 step %scan3A_497  : i32 {
      %mul3A_553 = arith.constant 1 : i32
      %mul3A_554 = arith.muli %scan3A_552, %mul3A_553 : i32
      %add3A_555 = arith.constant 0 : i32
      %add3A_556 = arith.addi %add3A_555, %mul3A_554 : i32
      %ge3A = arith.constant 1 : i32
      %ge3A_557 = arith.cmpi sge, %add3A_556, %ge3A : i32
      %convert_element_type3A = arith.extui %ge3A_557 : i1 to i32
      %cond3A = arith.constant 0 : i32
      %cond3A_558 = arith.cmpi ne, %convert_element_type3A, %cond3A : i32
      scf.if %cond3A_558 {
        %dma_wait3A_593 = arith.constant 1 : i32
        %dma_wait3A_594 = arith.constant 0 : i32
        %dma_wait3A_595 = arith.constant 0 : i32
        %dma_wait3A_596 = arith.constant 0 : i32
        %dma_wait3A_597 = tpu.memref_slice %arg8[%dma_wait3A_593, %dma_wait3A_595, %dma_wait3A_596] : memref<2x1024x16xf32, #tpu.memory_space<vmem>> -> memref<1x128x16xf32, #tpu.memory_space<vmem>>
        %dma_wait3A_598 = tpu.memref_squeeze %dma_wait3A_597 : memref<1x128x16xf32, #tpu.memory_space<vmem>> -> memref<128x16xf32, #tpu.memory_space<vmem>>
        %dma_wait3A_599 = arith.constant 0 : i32
        %dma_wait3A_600 = tpu.memref_slice %arg7[%dma_wait3A_594, %dma_wait3A_599] : memref<79x128xi32, #tpu.memory_space<vmem>> -> memref<1x128xi32, #tpu.memory_space<vmem>>
        %dma_wait3A_601 = tpu.memref_squeeze %dma_wait3A_600 : memref<1x128xi32, #tpu.memory_space<vmem>> -> memref<128xi32, #tpu.memory_space<vmem>>
        %dma_wait3A_602 = arith.constant 0 : i32
        %dma_wait3A_603 = arith.constant 0 : i32
        %dma_wait3A_604 = tpu.memref_slice %arg10[%dma_wait3A_602, %dma_wait3A_603] : memref<10240x16xf32, #tpu.memory_space<vmem_shared>> -> memref<10240x16xf32, #tpu.memory_space<vmem_shared>>
        tpu.wait_indirect_dma semaphore(%arg14 : memref<!tpu.dma_semaphore, #tpu.memory_space<semaphore_mem>>) src(%dma_wait3A_598 : memref<128x16xf32, #tpu.memory_space<vmem>>) dst(%dma_wait3A_604 : memref<10240x16xf32, #tpu.memory_space<vmem_shared>>)
        %dma_wait3A_605 = arith.constant 1 : i32
        %dma_wait3A_606 = arith.constant 0 : i32
        %dma_wait3A_607 = arith.constant 0 : i32
        %dma_wait3A_608 = arith.constant 0 : i32
        %dma_wait3A_609 = tpu.memref_slice %arg8[%dma_wait3A_605, %dma_wait3A_607, %dma_wait3A_608] : memref<2x1024x16xf32, #tpu.memory_space<vmem>> -> memref<1x128x16xf32, #tpu.memory_space<vmem>>
        %dma_wait3A_610 = tpu.memref_squeeze %dma_wait3A_609 : memref<1x128x16xf32, #tpu.memory_space<vmem>> -> memref<128x16xf32, #tpu.memory_space<vmem>>
        %dma_wait3A_611 = arith.constant 0 : i32
        %dma_wait3A_612 = tpu.memref_slice %arg7[%dma_wait3A_606, %dma_wait3A_611] : memref<79x128xi32, #tpu.memory_space<vmem>> -> memref<1x128xi32, #tpu.memory_space<vmem>>
        %dma_wait3A_613 = tpu.memref_squeeze %dma_wait3A_612 : memref<1x128xi32, #tpu.memory_space<vmem>> -> memref<128xi32, #tpu.memory_space<vmem>>
        %dma_wait3A_614 = arith.constant 0 : i32
        %dma_wait3A_615 = arith.constant 0 : i32
        %dma_wait3A_616 = tpu.memref_slice %arg10[%dma_wait3A_614, %dma_wait3A_615] : memref<10240x16xf32, #tpu.memory_space<vmem_shared>> -> memref<10240x16xf32, #tpu.memory_space<vmem_shared>>
        tpu.wait_indirect_dma semaphore(%arg15 : memref<!tpu.dma_semaphore, #tpu.memory_space<semaphore_mem>>) src(%dma_wait3A_610 : memref<128x16xf32, #tpu.memory_space<vmem>>) dst(%dma_wait3A_616 : memref<10240x16xf32, #tpu.memory_space<vmem_shared>>)
      } else {
      }
      %mul3A_559 = arith.constant 2 : i32
      %mul3A_560 = arith.muli %mul3A_559, %add3A_556 : i32
      %mul3A_561 = arith.constant 128 : i32
      %mul3A_562 = arith.muli %mul3A_560, %mul3A_561 : i32
      %add3A_563 = arith.constant 72 : i32
      %add3A_564 = arith.addi %add3A_563, %mul3A_560 : i32
      %dma_start3A_565 = arith.constant 1 : i32
      %dma_start3A_566 = arith.constant 0 : i32
      %dma_start3A_567 = tpu.memref_slice %arg8[%dma_start3A_565, %mul3A_562, %dma_start3A_566] : memref<2x1024x16xf32, #tpu.memory_space<vmem>> -> memref<1x128x16xf32, #tpu.memory_space<vmem>>
      %dma_start3A_568 = tpu.memref_squeeze %dma_start3A_567 : memref<1x128x16xf32, #tpu.memory_space<vmem>> -> memref<128x16xf32, #tpu.memory_space<vmem>>
      %dma_start3A_569 = arith.constant 0 : i32
      %dma_start3A_570 = tpu.memref_slice %arg7[%add3A_564, %dma_start3A_569] : memref<79x128xi32, #tpu.memory_space<vmem>> -> memref<1x128xi32, #tpu.memory_space<vmem>>
      %dma_start3A_571 = tpu.memref_squeeze %dma_start3A_570 : memref<1x128xi32, #tpu.memory_space<vmem>> -> memref<128xi32, #tpu.memory_space<vmem>>
      %dma_start3A_572 = arith.constant 0 : i32
      %dma_start3A_573 = arith.constant 0 : i32
      %dma_start3A_574 = tpu.memref_slice %arg10[%dma_start3A_572, %dma_start3A_573] : memref<10240x16xf32, #tpu.memory_space<vmem_shared>> -> memref<10240x16xf32, #tpu.memory_space<vmem_shared>>
      tpu.enqueue_indirect_dma source(%dma_start3A_568 : memref<128x16xf32, #tpu.memory_space<vmem>>) target(%dma_start3A_574 : memref<10240x16xf32, #tpu.memory_space<vmem_shared>>) offsets(%dma_start3A_571 : memref<128xi32, #tpu.memory_space<vmem>>) semaphore(%arg14 : memref<!tpu.dma_semaphore, #tpu.memory_space<semaphore_mem>>) {add = true}
      %mul3A_575 = arith.constant 2 : i32
      %mul3A_576 = arith.muli %mul3A_575, %add3A_556 : i32
      %add3A_577 = arith.constant 1 : i32
      %add3A_578 = arith.addi %mul3A_576, %add3A_577 : i32
      %mul3A_579 = arith.constant 128 : i32
      %mul3A_580 = arith.muli %add3A_578, %mul3A_579 : i32
      %add3A_581 = arith.constant 72 : i32
      %add3A_582 = arith.addi %add3A_581, %add3A_578 : i32
      %dma_start3A_583 = arith.constant 1 : i32
      %dma_start3A_584 = arith.constant 0 : i32
      %dma_start3A_585 = tpu.memref_slice %arg8[%dma_start3A_583, %mul3A_580, %dma_start3A_584] : memref<2x1024x16xf32, #tpu.memory_space<vmem>> -> memref<1x128x16xf32, #tpu.memory_space<vmem>>
      %dma_start3A_586 = tpu.memref_squeeze %dma_start3A_585 : memref<1x128x16xf32, #tpu.memory_space<vmem>> -> memref<128x16xf32, #tpu.memory_space<vmem>>
      %dma_start3A_587 = arith.constant 0 : i32
      %dma_start3A_588 = tpu.memref_slice %arg7[%add3A_582, %dma_start3A_587] : memref<79x128xi32, #tpu.memory_space<vmem>> -> memref<1x128xi32, #tpu.memory_space<vmem>>
      %dma_start3A_589 = tpu.memref_squeeze %dma_start3A_588 : memref<1x128xi32, #tpu.memory_space<vmem>> -> memref<128xi32, #tpu.memory_space<vmem>>
      %dma_start3A_590 = arith.constant 0 : i32
      %dma_start3A_591 = arith.constant 0 : i32
      %dma_start3A_592 = tpu.memref_slice %arg10[%dma_start3A_590, %dma_start3A_591] : memref<10240x16xf32, #tpu.memory_space<vmem_shared>> -> memref<10240x16xf32, #tpu.memory_space<vmem_shared>>
      tpu.enqueue_indirect_dma source(%dma_start3A_586 : memref<128x16xf32, #tpu.memory_space<vmem>>) target(%dma_start3A_592 : memref<10240x16xf32, #tpu.memory_space<vmem_shared>>) offsets(%dma_start3A_589 : memref<128xi32, #tpu.memory_space<vmem>>) semaphore(%arg15 : memref<!tpu.dma_semaphore, #tpu.memory_space<semaphore_mem>>) {add = true}
    }
    %scan3A_498 = arith.constant 3 : i32
    %dma_wait3A_499 = arith.constant 1 : i32
    %dma_wait3A_500 = arith.constant 0 : i32
    %dma_wait3A_501 = arith.constant 0 : i32
    %dma_wait3A_502 = arith.constant 0 : i32
    %dma_wait3A_503 = tpu.memref_slice %arg8[%dma_wait3A_499, %dma_wait3A_501, %dma_wait3A_502] : memref<2x1024x16xf32, #tpu.memory_space<vmem>> -> memref<1x128x16xf32, #tpu.memory_space<vmem>>
    %dma_wait3A_504 = tpu.memref_squeeze %dma_wait3A_503 : memref<1x128x16xf32, #tpu.memory_space<vmem>> -> memref<128x16xf32, #tpu.memory_space<vmem>>
    %dma_wait3A_505 = arith.constant 0 : i32
    %dma_wait3A_506 = tpu.memref_slice %arg7[%dma_wait3A_500, %dma_wait3A_505] : memref<79x128xi32, #tpu.memory_space<vmem>> -> memref<1x128xi32, #tpu.memory_space<vmem>>
    %dma_wait3A_507 = tpu.memref_squeeze %dma_wait3A_506 : memref<1x128xi32, #tpu.memory_space<vmem>> -> memref<128xi32, #tpu.memory_space<vmem>>
    %dma_wait3A_508 = arith.constant 0 : i32
    %dma_wait3A_509 = arith.constant 0 : i32
    %dma_wait3A_510 = tpu.memref_slice %arg10[%dma_wait3A_508, %dma_wait3A_509] : memref<10240x16xf32, #tpu.memory_space<vmem_shared>> -> memref<10240x16xf32, #tpu.memory_space<vmem_shared>>
    tpu.wait_indirect_dma semaphore(%arg14 : memref<!tpu.dma_semaphore, #tpu.memory_space<semaphore_mem>>) src(%dma_wait3A_504 : memref<128x16xf32, #tpu.memory_space<vmem>>) dst(%dma_wait3A_510 : memref<10240x16xf32, #tpu.memory_space<vmem_shared>>)
    %dma_wait3A_511 = arith.constant 1 : i32
    %dma_wait3A_512 = arith.constant 0 : i32
    %dma_wait3A_513 = arith.constant 0 : i32
    %dma_wait3A_514 = arith.constant 0 : i32
    %dma_wait3A_515 = tpu.memref_slice %arg8[%dma_wait3A_511, %dma_wait3A_513, %dma_wait3A_514] : memref<2x1024x16xf32, #tpu.memory_space<vmem>> -> memref<1x128x16xf32, #tpu.memory_space<vmem>>
    %dma_wait3A_516 = tpu.memref_squeeze %dma_wait3A_515 : memref<1x128x16xf32, #tpu.memory_space<vmem>> -> memref<128x16xf32, #tpu.memory_space<vmem>>
    %dma_wait3A_517 = arith.constant 0 : i32
    %dma_wait3A_518 = tpu.memref_slice %arg7[%dma_wait3A_512, %dma_wait3A_517] : memref<79x128xi32, #tpu.memory_space<vmem>> -> memref<1x128xi32, #tpu.memory_space<vmem>>
    %dma_wait3A_519 = tpu.memref_squeeze %dma_wait3A_518 : memref<1x128xi32, #tpu.memory_space<vmem>> -> memref<128xi32, #tpu.memory_space<vmem>>
    %dma_wait3A_520 = arith.constant 0 : i32
    %dma_wait3A_521 = arith.constant 0 : i32
    %dma_wait3A_522 = tpu.memref_slice %arg10[%dma_wait3A_520, %dma_wait3A_521] : memref<10240x16xf32, #tpu.memory_space<vmem_shared>> -> memref<10240x16xf32, #tpu.memory_space<vmem_shared>>
    tpu.wait_indirect_dma semaphore(%arg15 : memref<!tpu.dma_semaphore, #tpu.memory_space<semaphore_mem>>) src(%dma_wait3A_516 : memref<128x16xf32, #tpu.memory_space<vmem>>) dst(%dma_wait3A_522 : memref<10240x16xf32, #tpu.memory_space<vmem_shared>>)
    %dma_start3A_523 = arith.constant 1 : i32
    %dma_start3A_524 = arith.constant 78 : i32
    %dma_start3A_525 = arith.constant 768 : i32
    %dma_start3A_526 = arith.constant 0 : i32
    %dma_start3A_527 = tpu.memref_slice %arg8[%dma_start3A_523, %dma_start3A_525, %dma_start3A_526] : memref<2x1024x16xf32, #tpu.memory_space<vmem>> -> memref<1x128x16xf32, #tpu.memory_space<vmem>>
    %dma_start3A_528 = tpu.memref_squeeze %dma_start3A_527 : memref<1x128x16xf32, #tpu.memory_space<vmem>> -> memref<128x16xf32, #tpu.memory_space<vmem>>
    %dma_start3A_529 = arith.constant 0 : i32
    %dma_start3A_530 = tpu.memref_slice %arg7[%dma_start3A_524, %dma_start3A_529] : memref<79x128xi32, #tpu.memory_space<vmem>> -> memref<1x128xi32, #tpu.memory_space<vmem>>
    %dma_start3A_531 = tpu.memref_squeeze %dma_start3A_530 : memref<1x128xi32, #tpu.memory_space<vmem>> -> memref<128xi32, #tpu.memory_space<vmem>>
    %dma_start3A_532 = arith.constant 0 : i32
    %dma_start3A_533 = arith.constant 0 : i32
    %dma_start3A_534 = tpu.memref_slice %arg10[%dma_start3A_532, %dma_start3A_533] : memref<10240x16xf32, #tpu.memory_space<vmem_shared>> -> memref<10240x16xf32, #tpu.memory_space<vmem_shared>>
    tpu.enqueue_indirect_dma source(%dma_start3A_528 : memref<128x16xf32, #tpu.memory_space<vmem>>) target(%dma_start3A_534 : memref<10240x16xf32, #tpu.memory_space<vmem_shared>>) offsets(%dma_start3A_531 : memref<128xi32, #tpu.memory_space<vmem>>) semaphore(%arg14 : memref<!tpu.dma_semaphore, #tpu.memory_space<semaphore_mem>>) {add = true}
    %dma_wait3A_535 = arith.constant 1 : i32
    %dma_wait3A_536 = arith.constant 0 : i32
    %dma_wait3A_537 = arith.constant 0 : i32
    %dma_wait3A_538 = arith.constant 0 : i32
    %dma_wait3A_539 = tpu.memref_slice %arg8[%dma_wait3A_535, %dma_wait3A_537, %dma_wait3A_538] : memref<2x1024x16xf32, #tpu.memory_space<vmem>> -> memref<1x128x16xf32, #tpu.memory_space<vmem>>
    %dma_wait3A_540 = tpu.memref_squeeze %dma_wait3A_539 : memref<1x128x16xf32, #tpu.memory_space<vmem>> -> memref<128x16xf32, #tpu.memory_space<vmem>>
    %dma_wait3A_541 = arith.constant 0 : i32
    %dma_wait3A_542 = tpu.memref_slice %arg7[%dma_wait3A_536, %dma_wait3A_541] : memref<79x128xi32, #tpu.memory_space<vmem>> -> memref<1x128xi32, #tpu.memory_space<vmem>>
    %dma_wait3A_543 = tpu.memref_squeeze %dma_wait3A_542 : memref<1x128xi32, #tpu.memory_space<vmem>> -> memref<128xi32, #tpu.memory_space<vmem>>
    %dma_wait3A_544 = arith.constant 0 : i32
    %dma_wait3A_545 = arith.constant 0 : i32
    %dma_wait3A_546 = tpu.memref_slice %arg10[%dma_wait3A_544, %dma_wait3A_545] : memref<10240x16xf32, #tpu.memory_space<vmem_shared>> -> memref<10240x16xf32, #tpu.memory_space<vmem_shared>>
    tpu.wait_indirect_dma semaphore(%arg14 : memref<!tpu.dma_semaphore, #tpu.memory_space<semaphore_mem>>) src(%dma_wait3A_540 : memref<128x16xf32, #tpu.memory_space<vmem>>) dst(%dma_wait3A_546 : memref<10240x16xf32, #tpu.memory_space<vmem_shared>>)
    %barrier3A_547 = arith.constant 0 : index
    tpu.barrier barrier_id(%barrier3A_547)
    %mul3A_548 = arith.constant 640 : i32
    %mul3A_549 = arith.muli %arg1, %mul3A_548 : i32
    %mul3A_550 = arith.constant 640 : i32
    %mul3A_551 = arith.muli %arg1, %mul3A_550 : i32
    "tpu.region"() ({
      %run_scoped3A = tpu.sem_alloc : memref<!tpu.dma_semaphore, #tpu.memory_space<semaphore_mem>>
      %dma_start3A_552 = arith.constant 0 : i32
      %dma_start3A_553 = tpu.memref_slice %arg5[%arg0, %mul3A_551, %dma_start3A_552] : memref<2x10240x16xf32, #tpu.memory_space<hbm>> -> memref<1x640x16xf32, #tpu.memory_space<hbm>>
      %dma_start3A_554 = tpu.memref_squeeze %dma_start3A_553 : memref<1x640x16xf32, #tpu.memory_space<hbm>> -> memref<640x16xf32, #tpu.memory_space<hbm>>
      %dma_start3A_555 = arith.constant 0 : i32
      %dma_start3A_556 = tpu.memref_slice %arg10[%mul3A_549, %dma_start3A_555] : memref<10240x16xf32, #tpu.memory_space<vmem_shared>> -> memref<640x16xf32, #tpu.memory_space<vmem_shared>>
      tpu.enqueue_dma source(%dma_start3A_556 : memref<640x16xf32, #tpu.memory_space<vmem_shared>>) target(%dma_start3A_554 : memref<640x16xf32, #tpu.memory_space<hbm>>) target_semaphore(%run_scoped3A : memref<!tpu.dma_semaphore, #tpu.memory_space<semaphore_mem>>)
      %dma_wait3A_557 = arith.constant 0 : i32
      %dma_wait3A_558 = tpu.memref_slice %arg5[%arg0, %mul3A_551, %dma_wait3A_557] : memref<2x10240x16xf32, #tpu.memory_space<hbm>> -> memref<1x640x16xf32, #tpu.memory_space<hbm>>
      %dma_wait3A_559 = tpu.memref_squeeze %dma_wait3A_558 : memref<1x640x16xf32, #tpu.memory_space<hbm>> -> memref<640x16xf32, #tpu.memory_space<hbm>>
      %dma_wait3A_560 = arith.constant 0 : i32
      %dma_wait3A_561 = tpu.memref_slice %arg10[%mul3A_549, %dma_wait3A_560] : memref<10240x16xf32, #tpu.memory_space<vmem_shared>> -> memref<640x16xf32, #tpu.memory_space<vmem_shared>>
      tpu.wait_dma2 semaphore(%run_scoped3A : memref<!tpu.dma_semaphore, #tpu.memory_space<semaphore_mem>>) src(%dma_wait3A_561 : memref<640x16xf32, #tpu.memory_space<vmem_shared>>) dst(%dma_wait3A_559 : memref<640x16xf32, #tpu.memory_space<hbm>>)
      tpu.yield
    }) : () -> ()
    return
  }
}

#map = affine_map<(d0, d1) -> (0, 0, 0)>
#map1 = affine_map<(d0, d1) -> (0, 0)>
module attributes {stable_mosaic.version = 14 : i64} {
  func.func @k(%arg0: i32, %arg1: i32, %arg2: memref<2x2528x128xi32, #tpu.memory_space<hbm>>, %arg3: memref<32x10112xi32, #tpu.memory_space<hbm>>, %arg4: memref<10000x16xf32, #tpu.memory_space<hbm>>, %arg5: memref<2x10240x16xf32, #tpu.memory_space<hbm>>, %arg6: memref<10112xi32, #tpu.memory_space<vmem>>, %arg7: memref<79x128xi32, #tpu.memory_space<vmem>>, %arg8: memref<2x1024x16xf32, #tpu.memory_space<vmem>>, %arg9: memref<640x16xf32, #tpu.memory_space<vmem>>, %arg10: memref<10240x16xf32, #tpu.memory_space<vmem_shared>>, %arg11: memref<!tpu.dma_semaphore, #tpu.memory_space<semaphore_mem>>, %arg12: memref<!tpu.dma_semaphore, #tpu.memory_space<semaphore_mem>>, %arg13: memref<!tpu.dma_semaphore, #tpu.memory_space<semaphore_mem>>, %arg14: memref<!tpu.dma_semaphore, #tpu.memory_space<semaphore_mem>>, %arg15: memref<!tpu.dma_semaphore, #tpu.memory_space<semaphore_mem>>) attributes {dimension_semantics = [#tpu.dimension_semantics<core_parallel>, #tpu.dimension_semantics<subcore_parallel>], iteration_bounds = array<i64: 2, 16>, scalar_prefetch = 0 : i64, scratch_operands = 10 : i64, tpu.core_type = #tpu.core_type<sc_vector_subcore>, window_params = [{transform_indices = #map}, {transform_indices = #map1}, {transform_indices = #map1}, {transform_indices = #map}]} {
    %mul3A = arith.constant 2 : i32
    %mul3A_0 = arith.muli %arg1, %mul3A : i32
    %add3A = arith.addi %mul3A_0, %arg0 : i32
    %mul3A_1 = arith.constant 79 : i32
    %mul3A_2 = arith.muli %add3A, %mul3A_1 : i32
    %dma_start3A = arith.constant 0 : i32
    %dma_start3A_3 = tpu.memref_slice %arg3[%add3A, %dma_start3A] : memref<32x10112xi32, #tpu.memory_space<hbm>> -> memref<1x10112xi32, #tpu.memory_space<hbm>>
    %dma_start3A_4 = tpu.memref_squeeze %dma_start3A_3 : memref<1x10112xi32, #tpu.memory_space<hbm>> -> memref<10112xi32, #tpu.memory_space<hbm>>
    %dma_start3A_5 = arith.constant 0 : i32
    %dma_start3A_6 = tpu.memref_slice %arg3[%add3A, %dma_start3A_5] : memref<32x10112xi32, #tpu.memory_space<hbm>> -> memref<1x10112xi32, #tpu.memory_space<hbm>>
    %dma_start3A_7 = tpu.memref_squeeze %dma_start3A_6 : memref<1x10112xi32, #tpu.memory_space<hbm>> -> memref<10112xi32, #tpu.memory_space<hbm>>
    tpu.enqueue_dma source(%dma_start3A_7 : memref<10112xi32, #tpu.memory_space<hbm>>) target(%arg6 : memref<10112xi32, #tpu.memory_space<vmem>>) target_semaphore(%arg11 : memref<!tpu.dma_semaphore, #tpu.memory_space<semaphore_mem>>)
    %dma_start3A_8 = arith.constant 1 : i32
    %dma_start3A_9 = arith.constant 0 : i32
    %dma_start3A_10 = tpu.memref_slice %arg2[%dma_start3A_8, %mul3A_2, %dma_start3A_9] : memref<2x2528x128xi32, #tpu.memory_space<hbm>> -> memref<1x79x128xi32, #tpu.memory_space<hbm>>
    %dma_start3A_11 = tpu.memref_squeeze %dma_start3A_10 : memref<1x79x128xi32, #tpu.memory_space<hbm>> -> memref<79x128xi32, #tpu.memory_space<hbm>>
    %dma_start3A_12 = arith.constant 0 : i32
    %dma_start3A_13 = tpu.memref_slice %arg2[%dma_start3A_8, %mul3A_2, %dma_start3A_12] : memref<2x2528x128xi32, #tpu.memory_space<hbm>> -> memref<1x79x128xi32, #tpu.memory_space<hbm>>
    %dma_start3A_14 = tpu.memref_squeeze %dma_start3A_13 : memref<1x79x128xi32, #tpu.memory_space<hbm>> -> memref<79x128xi32, #tpu.memory_space<hbm>>
    tpu.enqueue_dma source(%dma_start3A_14 : memref<79x128xi32, #tpu.memory_space<hbm>>) target(%arg7 : memref<79x128xi32, #tpu.memory_space<vmem>>) target_semaphore(%arg11 : memref<!tpu.dma_semaphore, #tpu.memory_space<semaphore_mem>>)
    %scan3A = arith.constant 0 : i32
    %scan3A_15 = arith.constant 640 : i32
    %scan3A_16 = arith.addi %scan3A, %scan3A_15 : i32
    %scan3A_17 = arith.constant 1 : i32
    scf.for %scan3A_552 = %scan3A to %scan3A_16 step %scan3A_17  : i32 {
      %mul3A_553 = arith.constant 1 : i32
      %mul3A_554 = arith.muli %scan3A_552, %mul3A_553 : i32
      %add3A_555 = arith.constant 0 : i32
      %add3A_556 = arith.addi %add3A_555, %mul3A_554 : i32
      %broadcast_in_dim3A = arith.constant 0.000000e+00 : f32
      %broadcast_in_dim3A_557 = vector.broadcast %broadcast_in_dim3A : f32 to vector<16xf32>
      %swap3A = arith.index_cast %add3A_556 : i32 to index
      %swap3A_558 = arith.constant 0 : index
      %swap3A_559 = tpu.vector_load %arg9[%swap3A, %swap3A_558] {strides = array<i32>} : memref<640x16xf32, #tpu.memory_space<vmem>>, vector<16xf32>,
      tpu.vector_store %arg9[%swap3A, %swap3A_558], %broadcast_in_dim3A_557 {strides = array<i32>} : memref<640x16xf32, #tpu.memory_space<vmem>>, vector<16xf32>,
    }
    %scan3A_18 = arith.constant 640 : i32
    %mul3A_19 = arith.constant 640 : i32
    %mul3A_20 = arith.muli %arg1, %mul3A_19 : i32
    "tpu.region"() ({
      %run_scoped3A = tpu.sem_alloc : memref<!tpu.dma_semaphore, #tpu.memory_space<semaphore_mem>>
      %dma_start3A_552 = arith.constant 0 : i32
      %dma_start3A_553 = tpu.memref_slice %arg10[%mul3A_20, %dma_start3A_552] : memref<10240x16xf32, #tpu.memory_space<vmem_shared>> -> memref<640x16xf32, #tpu.memory_space<vmem_shared>>
      %dma_start3A_554 = arith.constant 0 : i32
      %dma_start3A_555 = tpu.memref_slice %arg10[%mul3A_20, %dma_start3A_554] : memref<10240x16xf32, #tpu.memory_space<vmem_shared>> -> memref<640x16xf32, #tpu.memory_space<vmem_shared>>
      tpu.enqueue_dma source(%arg9 : memref<640x16xf32, #tpu.memory_space<vmem>>) target(%dma_start3A_555 : memref<640x16xf32, #tpu.memory_space<vmem_shared>>) target_semaphore(%run_scoped3A : memref<!tpu.dma_semaphore, #tpu.memory_space<semaphore_mem>>)
      %dma_wait3A_556 = arith.constant 0 : i32
      %dma_wait3A_557 = tpu.memref_slice %arg10[%mul3A_20, %dma_wait3A_556] : memref<10240x16xf32, #tpu.memory_space<vmem_shared>> -> memref<640x16xf32, #tpu.memory_space<vmem_shared>>
      %dma_wait3A_558 = arith.constant 0 : i32
      %dma_wait3A_559 = tpu.memref_slice %arg10[%mul3A_20, %dma_wait3A_558] : memref<10240x16xf32, #tpu.memory_space<vmem_shared>> -> memref<640x16xf32, #tpu.memory_space<vmem_shared>>
      tpu.wait_dma2 semaphore(%run_scoped3A : memref<!tpu.dma_semaphore, #tpu.memory_space<semaphore_mem>>) src(%arg9 : memref<640x16xf32, #tpu.memory_space<vmem>>) dst(%dma_wait3A_559 : memref<640x16xf32, #tpu.memory_space<vmem_shared>>)
      tpu.yield
    }) : () -> ()
    %dma_wait3A = arith.constant 0 : i32
    %dma_wait3A_21 = tpu.memref_slice %arg3[%add3A, %dma_wait3A] : memref<32x10112xi32, #tpu.memory_space<hbm>> -> memref<1x10112xi32, #tpu.memory_space<hbm>>
    %dma_wait3A_22 = tpu.memref_squeeze %dma_wait3A_21 : memref<1x10112xi32, #tpu.memory_space<hbm>> -> memref<10112xi32, #tpu.memory_space<hbm>>
    %dma_wait3A_23 = arith.constant 0 : i32
    %dma_wait3A_24 = tpu.memref_slice %arg3[%add3A, %dma_wait3A_23] : memref<32x10112xi32, #tpu.memory_space<hbm>> -> memref<1x10112xi32, #tpu.memory_space<hbm>>
    %dma_wait3A_25 = tpu.memref_squeeze %dma_wait3A_24 : memref<1x10112xi32, #tpu.memory_space<hbm>> -> memref<10112xi32, #tpu.memory_space<hbm>>
    tpu.wait_dma2 semaphore(%arg11 : memref<!tpu.dma_semaphore, #tpu.memory_space<semaphore_mem>>) src(%dma_wait3A_25 : memref<10112xi32, #tpu.memory_space<hbm>>) dst(%arg6 : memref<10112xi32, #tpu.memory_space<vmem>>)
    %dma_wait3A_26 = arith.constant 1 : i32
    %dma_wait3A_27 = arith.constant 0 : i32
    %dma_wait3A_28 = tpu.memref_slice %arg2[%dma_wait3A_26, %mul3A_2, %dma_wait3A_27] : memref<2x2528x128xi32, #tpu.memory_space<hbm>> -> memref<1x79x128xi32, #tpu.memory_space<hbm>>
    %dma_wait3A_29 = tpu.memref_squeeze %dma_wait3A_28 : memref<1x79x128xi32, #tpu.memory_space<hbm>> -> memref<79x128xi32, #tpu.memory_space<hbm>>
    %dma_wait3A_30 = arith.constant 0 : i32
    %dma_wait3A_31 = tpu.memref_slice %arg2[%dma_wait3A_26, %mul3A_2, %dma_wait3A_30] : memref<2x2528x128xi32, #tpu.memory_space<hbm>> -> memref<1x79x128xi32, #tpu.memory_space<hbm>>
    %dma_wait3A_32 = tpu.memref_squeeze %dma_wait3A_31 : memref<1x79x128xi32, #tpu.memory_space<hbm>> -> memref<79x128xi32, #tpu.memory_space<hbm>>
    tpu.wait_dma2 semaphore(%arg11 : memref<!tpu.dma_semaphore, #tpu.memory_space<semaphore_mem>>) src(%dma_wait3A_32 : memref<79x128xi32, #tpu.memory_space<hbm>>) dst(%arg7 : memref<79x128xi32, #tpu.memory_space<vmem>>)
    %barrier3A = arith.constant 0 : index
    tpu.barrier barrier_id(%barrier3A)
    %dma_start3A_33 = arith.constant 0 : i32
    %dma_start3A_34 = arith.constant 0 : i32
    %dma_start3A_35 = arith.constant 0 : i32
    %dma_start3A_36 = tpu.memref_slice %arg8[%dma_start3A_33, %dma_start3A_34, %dma_start3A_35] : memref<2x1024x16xf32, #tpu.memory_space<vmem>> -> memref<1x1024x16xf32, #tpu.memory_space<vmem>>
    %dma_start3A_37 = tpu.memref_squeeze %dma_start3A_36 : memref<1x1024x16xf32, #tpu.memory_space<vmem>> -> memref<1024x16xf32, #tpu.memory_space<vmem>>
    %dma_start3A_38 = arith.constant 0 : i32
    %dma_start3A_39 = tpu.memref_slice %arg6[%dma_start3A_38] : memref<10112xi32, #tpu.memory_space<vmem>> -> memref<1024xi32, #tpu.memory_space<vmem>>
    %dma_start3A_40 = arith.constant 0 : i32
    %dma_start3A_41 = arith.constant 0 : i32
    %dma_start3A_42 = tpu.memref_slice %arg4[%dma_start3A_40, %dma_start3A_41] : memref<10000x16xf32, #tpu.memory_space<hbm>> -> memref<10000x16xf32, #tpu.memory_space<hbm>>
    tpu.enqueue_indirect_dma source(%dma_start3A_42 : memref<10000x16xf32, #tpu.memory_space<hbm>>) target(%dma_start3A_37 : memref<1024x16xf32, #tpu.memory_space<vmem>>) offsets(%dma_start3A_39 : memref<1024xi32, #tpu.memory_space<vmem>>) semaphore(%arg12 : memref<!tpu.dma_semaphore, #tpu.memory_space<semaphore_mem>>)
    %dma_wait3A_43 = arith.constant 0 : i32
    %dma_wait3A_44 = arith.constant 0 : i32
    %dma_wait3A_45 = arith.constant 0 : i32
    %dma_wait3A_46 = tpu.memref_slice %arg8[%dma_wait3A_43, %dma_wait3A_44, %dma_wait3A_45] : memref<2x1024x16xf32, #tpu.memory_space<vmem>> -> memref<1x1024x16xf32, #tpu.memory_space<vmem>>
    %dma_wait3A_47 = tpu.memref_squeeze %dma_wait3A_46 : memref<1x1024x16xf32, #tpu.memory_space<vmem>> -> memref<1024x16xf32, #tpu.memory_space<vmem>>
    %dma_wait3A_48 = arith.constant 0 : i32
    %dma_wait3A_49 = tpu.memref_slice %arg6[%dma_wait3A_48] : memref<10112xi32, #tpu.memory_space<vmem>> -> memref<1024xi32, #tpu.memory_space<vmem>>
    %dma_wait3A_50 = arith.constant 0 : i32
    %dma_wait3A_51 = arith.constant 0 : i32
    %dma_wait3A_52 = tpu.memref_slice %arg4[%dma_wait3A_50, %dma_wait3A_51] : memref<10000x16xf32, #tpu.memory_space<hbm>> -> memref<10000x16xf32, #tpu.memory_space<hbm>>
    tpu.wait_indirect_dma semaphore(%arg12 : memref<!tpu.dma_semaphore, #tpu.memory_space<semaphore_mem>>) src(%dma_wait3A_52 : memref<10000x16xf32, #tpu.memory_space<hbm>>) dst(%dma_wait3A_47 : memref<1024x16xf32, #tpu.memory_space<vmem>>)
    %dma_start3A_53 = arith.constant 1 : i32
    %dma_start3A_54 = arith.constant 0 : i32
    %dma_start3A_55 = arith.constant 0 : i32
    %dma_start3A_56 = tpu.memref_slice %arg8[%dma_start3A_53, %dma_start3A_54, %dma_start3A_55] : memref<2x1024x16xf32, #tpu.memory_space<vmem>> -> memref<1x1024x16xf32, #tpu.memory_space<vmem>>
    %dma_start3A_57 = tpu.memref_squeeze %dma_start3A_56 : memref<1x1024x16xf32, #tpu.memory_space<vmem>> -> memref<1024x16xf32, #tpu.memory_space<vmem>>
    %dma_start3A_58 = arith.constant 1024 : i32
    %dma_start3A_59 = tpu.memref_slice %arg6[%dma_start3A_58] : memref<10112xi32, #tpu.memory_space<vmem>> -> memref<1024xi32, #tpu.memory_space<vmem>>
    %dma_start3A_60 = arith.constant 0 : i32
    %dma_start3A_61 = arith.constant 0 : i32
    %dma_start3A_62 = tpu.memref_slice %arg4[%dma_start3A_60, %dma_start3A_61] : memref<10000x16xf32, #tpu.memory_space<hbm>> -> memref<10000x16xf32, #tpu.memory_space<hbm>>
    tpu.enqueue_indirect_dma source(%dma_start3A_62 : memref<10000x16xf32, #tpu.memory_space<hbm>>) target(%dma_start3A_57 : memref<1024x16xf32, #tpu.memory_space<vmem>>) offsets(%dma_start3A_59 : memref<1024xi32, #tpu.memory_space<vmem>>) semaphore(%arg13 : memref<!tpu.dma_semaphore, #tpu.memory_space<semaphore_mem>>)
    %scan3A_63 = arith.constant 0 : i32
    %scan3A_64 = arith.constant 4 : i32
    %scan3A_65 = arith.addi %scan3A_63, %scan3A_64 : i32
    %scan3A_66 = arith.constant 1 : i32
    scf.for %scan3A_552 = %scan3A_63 to %scan3A_65 step %scan3A_66  : i32 {
      %mul3A_553 = arith.constant 1 : i32
      %mul3A_554 = arith.muli %scan3A_552, %mul3A_553 : i32
      %add3A_555 = arith.constant 0 : i32
      %add3A_556 = arith.addi %add3A_555, %mul3A_554 : i32
      %ge3A = arith.constant 1 : i32
      %ge3A_557 = arith.cmpi sge, %add3A_556, %ge3A : i32
      %convert_element_type3A = arith.extui %ge3A_557 : i1 to i32
      %cond3A = arith.constant 0 : i32
      %cond3A_558 = arith.cmpi ne, %convert_element_type3A, %cond3A : i32
      scf.if %cond3A_558 {
        %dma_wait3A_593 = arith.constant 0 : i32
        %dma_wait3A_594 = arith.constant 0 : i32
        %dma_wait3A_595 = arith.constant 0 : i32
        %dma_wait3A_596 = arith.constant 0 : i32
        %dma_wait3A_597 = tpu.memref_slice %arg8[%dma_wait3A_593, %dma_wait3A_595, %dma_wait3A_596] : memref<2x1024x16xf32, #tpu.memory_space<vmem>> -> memref<1x128x16xf32, #tpu.memory_space<vmem>>
        %dma_wait3A_598 = tpu.memref_squeeze %dma_wait3A_597 : memref<1x128x16xf32, #tpu.memory_space<vmem>> -> memref<128x16xf32, #tpu.memory_space<vmem>>
        %dma_wait3A_599 = arith.constant 0 : i32
        %dma_wait3A_600 = tpu.memref_slice %arg7[%dma_wait3A_594, %dma_wait3A_599] : memref<79x128xi32, #tpu.memory_space<vmem>> -> memref<1x128xi32, #tpu.memory_space<vmem>>
        %dma_wait3A_601 = tpu.memref_squeeze %dma_wait3A_600 : memref<1x128xi32, #tpu.memory_space<vmem>> -> memref<128xi32, #tpu.memory_space<vmem>>
        %dma_wait3A_602 = arith.constant 0 : i32
        %dma_wait3A_603 = arith.constant 0 : i32
        %dma_wait3A_604 = tpu.memref_slice %arg10[%dma_wait3A_602, %dma_wait3A_603] : memref<10240x16xf32, #tpu.memory_space<vmem_shared>> -> memref<10240x16xf32, #tpu.memory_space<vmem_shared>>
        tpu.wait_indirect_dma semaphore(%arg14 : memref<!tpu.dma_semaphore, #tpu.memory_space<semaphore_mem>>) src(%dma_wait3A_598 : memref<128x16xf32, #tpu.memory_space<vmem>>) dst(%dma_wait3A_604 : memref<10240x16xf32, #tpu.memory_space<vmem_shared>>)
        %dma_wait3A_605 = arith.constant 0 : i32
        %dma_wait3A_606 = arith.constant 0 : i32
        %dma_wait3A_607 = arith.constant 0 : i32
        %dma_wait3A_608 = arith.constant 0 : i32
        %dma_wait3A_609 = tpu.memref_slice %arg8[%dma_wait3A_605, %dma_wait3A_607, %dma_wait3A_608] : memref<2x1024x16xf32, #tpu.memory_space<vmem>> -> memref<1x128x16xf32, #tpu.memory_space<vmem>>
        %dma_wait3A_610 = tpu.memref_squeeze %dma_wait3A_609 : memref<1x128x16xf32, #tpu.memory_space<vmem>> -> memref<128x16xf32, #tpu.memory_space<vmem>>
        %dma_wait3A_611 = arith.constant 0 : i32
        %dma_wait3A_612 = tpu.memref_slice %arg7[%dma_wait3A_606, %dma_wait3A_611] : memref<79x128xi32, #tpu.memory_space<vmem>> -> memref<1x128xi32, #tpu.memory_space<vmem>>
        %dma_wait3A_613 = tpu.memref_squeeze %dma_wait3A_612 : memref<1x128xi32, #tpu.memory_space<vmem>> -> memref<128xi32, #tpu.memory_space<vmem>>
        %dma_wait3A_614 = arith.constant 0 : i32
        %dma_wait3A_615 = arith.constant 0 : i32
        %dma_wait3A_616 = tpu.memref_slice %arg10[%dma_wait3A_614, %dma_wait3A_615] : memref<10240x16xf32, #tpu.memory_space<vmem_shared>> -> memref<10240x16xf32, #tpu.memory_space<vmem_shared>>
        tpu.wait_indirect_dma semaphore(%arg15 : memref<!tpu.dma_semaphore, #tpu.memory_space<semaphore_mem>>) src(%dma_wait3A_610 : memref<128x16xf32, #tpu.memory_space<vmem>>) dst(%dma_wait3A_616 : memref<10240x16xf32, #tpu.memory_space<vmem_shared>>)
      } else {
      }
      %mul3A_559 = arith.constant 2 : i32
      %mul3A_560 = arith.muli %mul3A_559, %add3A_556 : i32
      %mul3A_561 = arith.constant 128 : i32
      %mul3A_562 = arith.muli %mul3A_560, %mul3A_561 : i32
      %add3A_563 = arith.constant 0 : i32
      %add3A_564 = arith.addi %add3A_563, %mul3A_560 : i32
      %dma_start3A_565 = arith.constant 0 : i32
      %dma_start3A_566 = arith.constant 0 : i32
      %dma_start3A_567 = tpu.memref_slice %arg8[%dma_start3A_565, %mul3A_562, %dma_start3A_566] : memref<2x1024x16xf32, #tpu.memory_space<vmem>> -> memref<1x128x16xf32, #tpu.memory_space<vmem>>
      %dma_start3A_568 = tpu.memref_squeeze %dma_start3A_567 : memref<1x128x16xf32, #tpu.memory_space<vmem>> -> memref<128x16xf32, #tpu.memory_space<vmem>>
      %dma_start3A_569 = arith.constant 0 : i32
      %dma_start3A_570 = tpu.memref_slice %arg7[%add3A_564, %dma_start3A_569] : memref<79x128xi32, #tpu.memory_space<vmem>> -> memref<1x128xi32, #tpu.memory_space<vmem>>
      %dma_start3A_571 = tpu.memref_squeeze %dma_start3A_570 : memref<1x128xi32, #tpu.memory_space<vmem>> -> memref<128xi32, #tpu.memory_space<vmem>>
      %dma_start3A_572 = arith.constant 0 : i32
      %dma_start3A_573 = arith.constant 0 : i32
      %dma_start3A_574 = tpu.memref_slice %arg10[%dma_start3A_572, %dma_start3A_573] : memref<10240x16xf32, #tpu.memory_space<vmem_shared>> -> memref<10240x16xf32, #tpu.memory_space<vmem_shared>>
      tpu.enqueue_indirect_dma source(%dma_start3A_568 : memref<128x16xf32, #tpu.memory_space<vmem>>) target(%dma_start3A_574 : memref<10240x16xf32, #tpu.memory_space<vmem_shared>>) offsets(%dma_start3A_571 : memref<128xi32, #tpu.memory_space<vmem>>) semaphore(%arg14 : memref<!tpu.dma_semaphore, #tpu.memory_space<semaphore_mem>>) {add = true}
      %mul3A_575 = arith.constant 2 : i32
      %mul3A_576 = arith.muli %mul3A_575, %add3A_556 : i32
      %add3A_577 = arith.constant 1 : i32
      %add3A_578 = arith.addi %mul3A_576, %add3A_577 : i32
      %mul3A_579 = arith.constant 128 : i32
      %mul3A_580 = arith.muli %add3A_578, %mul3A_579 : i32
      %add3A_581 = arith.constant 0 : i32
      %add3A_582 = arith.addi %add3A_581, %add3A_578 : i32
      %dma_start3A_583 = arith.constant 0 : i32
      %dma_start3A_584 = arith.constant 0 : i32
      %dma_start3A_585 = tpu.memref_slice %arg8[%dma_start3A_583, %mul3A_580, %dma_start3A_584] : memref<2x1024x16xf32, #tpu.memory_space<vmem>> -> memref<1x128x16xf32, #tpu.memory_space<vmem>>
      %dma_start3A_586 = tpu.memref_squeeze %dma_start3A_585 : memref<1x128x16xf32, #tpu.memory_space<vmem>> -> memref<128x16xf32, #tpu.memory_space<vmem>>
      %dma_start3A_587 = arith.constant 0 : i32
      %dma_start3A_588 = tpu.memref_slice %arg7[%add3A_582, %dma_start3A_587] : memref<79x128xi32, #tpu.memory_space<vmem>> -> memref<1x128xi32, #tpu.memory_space<vmem>>
      %dma_start3A_589 = tpu.memref_squeeze %dma_start3A_588 : memref<1x128xi32, #tpu.memory_space<vmem>> -> memref<128xi32, #tpu.memory_space<vmem>>
      %dma_start3A_590 = arith.constant 0 : i32
      %dma_start3A_591 = arith.constant 0 : i32
      %dma_start3A_592 = tpu.memref_slice %arg10[%dma_start3A_590, %dma_start3A_591] : memref<10240x16xf32, #tpu.memory_space<vmem_shared>> -> memref<10240x16xf32, #tpu.memory_space<vmem_shared>>
      tpu.enqueue_indirect_dma source(%dma_start3A_586 : memref<128x16xf32, #tpu.memory_space<vmem>>) target(%dma_start3A_592 : memref<10240x16xf32, #tpu.memory_space<vmem_shared>>) offsets(%dma_start3A_589 : memref<128xi32, #tpu.memory_space<vmem>>) semaphore(%arg15 : memref<!tpu.dma_semaphore, #tpu.memory_space<semaphore_mem>>) {add = true}
    }
    %scan3A_67 = arith.constant 4 : i32
    %dma_wait3A_68 = arith.constant 0 : i32
    %dma_wait3A_69 = arith.constant 0 : i32
    %dma_wait3A_70 = arith.constant 0 : i32
    %dma_wait3A_71 = arith.constant 0 : i32
    %dma_wait3A_72 = tpu.memref_slice %arg8[%dma_wait3A_68, %dma_wait3A_70, %dma_wait3A_71] : memref<2x1024x16xf32, #tpu.memory_space<vmem>> -> memref<1x128x16xf32, #tpu.memory_space<vmem>>
    %dma_wait3A_73 = tpu.memref_squeeze %dma_wait3A_72 : memref<1x128x16xf32, #tpu.memory_space<vmem>> -> memref<128x16xf32, #tpu.memory_space<vmem>>
    %dma_wait3A_74 = arith.constant 0 : i32
    %dma_wait3A_75 = tpu.memref_slice %arg7[%dma_wait3A_69, %dma_wait3A_74] : memref<79x128xi32, #tpu.memory_space<vmem>> -> memref<1x128xi32, #tpu.memory_space<vmem>>
    %dma_wait3A_76 = tpu.memref_squeeze %dma_wait3A_75 : memref<1x128xi32, #tpu.memory_space<vmem>> -> memref<128xi32, #tpu.memory_space<vmem>>
    %dma_wait3A_77 = arith.constant 0 : i32
    %dma_wait3A_78 = arith.constant 0 : i32
    %dma_wait3A_79 = tpu.memref_slice %arg10[%dma_wait3A_77, %dma_wait3A_78] : memref<10240x16xf32, #tpu.memory_space<vmem_shared>> -> memref<10240x16xf32, #tpu.memory_space<vmem_shared>>
    tpu.wait_indirect_dma semaphore(%arg14 : memref<!tpu.dma_semaphore, #tpu.memory_space<semaphore_mem>>) src(%dma_wait3A_73 : memref<128x16xf32, #tpu.memory_space<vmem>>) dst(%dma_wait3A_79 : memref<10240x16xf32, #tpu.memory_space<vmem_shared>>)
    %dma_wait3A_80 = arith.constant 0 : i32
    %dma_wait3A_81 = arith.constant 0 : i32
    %dma_wait3A_82 = arith.constant 0 : i32
    %dma_wait3A_83 = arith.constant 0 : i32
    %dma_wait3A_84 = tpu.memref_slice %arg8[%dma_wait3A_80, %dma_wait3A_82, %dma_wait3A_83] : memref<2x1024x16xf32, #tpu.memory_space<vmem>> -> memref<1x128x16xf32, #tpu.memory_space<vmem>>
    %dma_wait3A_85 = tpu.memref_squeeze %dma_wait3A_84 : memref<1x128x16xf32, #tpu.memory_space<vmem>> -> memref<128x16xf32, #tpu.memory_space<vmem>>
    %dma_wait3A_86 = arith.constant 0 : i32
    %dma_wait3A_87 = tpu.memref_slice %arg7[%dma_wait3A_81, %dma_wait3A_86] : memref<79x128xi32, #tpu.memory_space<vmem>> -> memref<1x128xi32, #tpu.memory_space<vmem>>
    %dma_wait3A_88 = tpu.memref_squeeze %dma_wait3A_87 : memref<1x128xi32, #tpu.memory_space<vmem>> -> memref<128xi32, #tpu.memory_space<vmem>>
    %dma_wait3A_89 = arith.constant 0 : i32
    %dma_wait3A_90 = arith.constant 0 : i32
    %dma_wait3A_91 = tpu.memref_slice %arg10[%dma_wait3A_89, %dma_wait3A_90] : memref<10240x16xf32, #tpu.memory_space<vmem_shared>> -> memref<10240x16xf32, #tpu.memory_space<vmem_shared>>
    tpu.wait_indirect_dma semaphore(%arg15 : memref<!tpu.dma_semaphore, #tpu.memory_space<semaphore_mem>>) src(%dma_wait3A_85 : memref<128x16xf32, #tpu.memory_space<vmem>>) dst(%dma_wait3A_91 : memref<10240x16xf32, #tpu.memory_space<vmem_shared>>)
    %dma_wait3A_92 = arith.constant 1 : i32
    %dma_wait3A_93 = arith.constant 0 : i32
    %dma_wait3A_94 = arith.constant 0 : i32
    %dma_wait3A_95 = tpu.memref_slice %arg8[%dma_wait3A_92, %dma_wait3A_93, %dma_wait3A_94] : memref<2x1024x16xf32, #tpu.memory_space<vmem>> -> memref<1x1024x16xf32, #tpu.memory_space<vmem>>
    %dma_wait3A_96 = tpu.memref_squeeze %dma_wait3A_95 : memref<1x1024x16xf32, #tpu.memory_space<vmem>> -> memref<1024x16xf32, #tpu.memory_space<vmem>>
    %dma_wait3A_97 = arith.constant 0 : i32
    %dma_wait3A_98 = tpu.memref_slice %arg6[%dma_wait3A_97] : memref<10112xi32, #tpu.memory_space<vmem>> -> memref<1024xi32, #tpu.memory_space<vmem>>
    %dma_wait3A_99 = arith.constant 0 : i32
    %dma_wait3A_100 = arith.constant 0 : i32
    %dma_wait3A_101 = tpu.memref_slice %arg4[%dma_wait3A_99, %dma_wait3A_100] : memref<10000x16xf32, #tpu.memory_space<hbm>> -> memref<10000x16xf32, #tpu.memory_space<hbm>>
    tpu.wait_indirect_dma semaphore(%arg13 : memref<!tpu.dma_semaphore, #tpu.memory_space<semaphore_mem>>) src(%dma_wait3A_101 : memref<10000x16xf32, #tpu.memory_space<hbm>>) dst(%dma_wait3A_96 : memref<1024x16xf32, #tpu.memory_space<vmem>>)
    %dma_start3A_102 = arith.constant 0 : i32
    %dma_start3A_103 = arith.constant 0 : i32
    %dma_start3A_104 = arith.constant 0 : i32
    %dma_start3A_105 = tpu.memref_slice %arg8[%dma_start3A_102, %dma_start3A_103, %dma_start3A_104] : memref<2x1024x16xf32, #tpu.memory_space<vmem>> -> memref<1x1024x16xf32, #tpu.memory_space<vmem>>
    %dma_start3A_106 = tpu.memref_squeeze %dma_start3A_105 : memref<1x1024x16xf32, #tpu.memory_space<vmem>> -> memref<1024x16xf32, #tpu.memory_space<vmem>>
    %dma_start3A_107 = arith.constant 2048 : i32
    %dma_start3A_108 = tpu.memref_slice %arg6[%dma_start3A_107] : memref<10112xi32, #tpu.memory_space<vmem>> -> memref<1024xi32, #tpu.memory_space<vmem>>
    %dma_start3A_109 = arith.constant 0 : i32
    %dma_start3A_110 = arith.constant 0 : i32
    %dma_start3A_111 = tpu.memref_slice %arg4[%dma_start3A_109, %dma_start3A_110] : memref<10000x16xf32, #tpu.memory_space<hbm>> -> memref<10000x16xf32, #tpu.memory_space<hbm>>
    tpu.enqueue_indirect_dma source(%dma_start3A_111 : memref<10000x16xf32, #tpu.memory_space<hbm>>) target(%dma_start3A_106 : memref<1024x16xf32, #tpu.memory_space<vmem>>) offsets(%dma_start3A_108 : memref<1024xi32, #tpu.memory_space<vmem>>) semaphore(%arg12 : memref<!tpu.dma_semaphore, #tpu.memory_space<semaphore_mem>>)
    %scan3A_112 = arith.constant 0 : i32
    %scan3A_113 = arith.constant 4 : i32
    %scan3A_114 = arith.addi %scan3A_112, %scan3A_113 : i32
    %scan3A_115 = arith.constant 1 : i32
    scf.for %scan3A_552 = %scan3A_112 to %scan3A_114 step %scan3A_115  : i32 {
      %mul3A_553 = arith.constant 1 : i32
      %mul3A_554 = arith.muli %scan3A_552, %mul3A_553 : i32
      %add3A_555 = arith.constant 0 : i32
      %add3A_556 = arith.addi %add3A_555, %mul3A_554 : i32
      %ge3A = arith.constant 1 : i32
      %ge3A_557 = arith.cmpi sge, %add3A_556, %ge3A : i32
      %convert_element_type3A = arith.extui %ge3A_557 : i1 to i32
      %cond3A = arith.constant 0 : i32
      %cond3A_558 = arith.cmpi ne, %convert_element_type3A, %cond3A : i32
      scf.if %cond3A_558 {
        %dma_wait3A_593 = arith.constant 1 : i32
        %dma_wait3A_594 = arith.constant 0 : i32
        %dma_wait3A_595 = arith.constant 0 : i32
        %dma_wait3A_596 = arith.constant 0 : i32
        %dma_wait3A_597 = tpu.memref_slice %arg8[%dma_wait3A_593, %dma_wait3A_595, %dma_wait3A_596] : memref<2x1024x16xf32, #tpu.memory_space<vmem>> -> memref<1x128x16xf32, #tpu.memory_space<vmem>>
        %dma_wait3A_598 = tpu.memref_squeeze %dma_wait3A_597 : memref<1x128x16xf32, #tpu.memory_space<vmem>> -> memref<128x16xf32, #tpu.memory_space<vmem>>
        %dma_wait3A_599 = arith.constant 0 : i32
        %dma_wait3A_600 = tpu.memref_slice %arg7[%dma_wait3A_594, %dma_wait3A_599] : memref<79x128xi32, #tpu.memory_space<vmem>> -> memref<1x128xi32, #tpu.memory_space<vmem>>
        %dma_wait3A_601 = tpu.memref_squeeze %dma_wait3A_600 : memref<1x128xi32, #tpu.memory_space<vmem>> -> memref<128xi32, #tpu.memory_space<vmem>>
        %dma_wait3A_602 = arith.constant 0 : i32
        %dma_wait3A_603 = arith.constant 0 : i32
        %dma_wait3A_604 = tpu.memref_slice %arg10[%dma_wait3A_602, %dma_wait3A_603] : memref<10240x16xf32, #tpu.memory_space<vmem_shared>> -> memref<10240x16xf32, #tpu.memory_space<vmem_shared>>
        tpu.wait_indirect_dma semaphore(%arg14 : memref<!tpu.dma_semaphore, #tpu.memory_space<semaphore_mem>>) src(%dma_wait3A_598 : memref<128x16xf32, #tpu.memory_space<vmem>>) dst(%dma_wait3A_604 : memref<10240x16xf32, #tpu.memory_space<vmem_shared>>)
        %dma_wait3A_605 = arith.constant 1 : i32
        %dma_wait3A_606 = arith.constant 0 : i32
        %dma_wait3A_607 = arith.constant 0 : i32
        %dma_wait3A_608 = arith.constant 0 : i32
        %dma_wait3A_609 = tpu.memref_slice %arg8[%dma_wait3A_605, %dma_wait3A_607, %dma_wait3A_608] : memref<2x1024x16xf32, #tpu.memory_space<vmem>> -> memref<1x128x16xf32, #tpu.memory_space<vmem>>
        %dma_wait3A_610 = tpu.memref_squeeze %dma_wait3A_609 : memref<1x128x16xf32, #tpu.memory_space<vmem>> -> memref<128x16xf32, #tpu.memory_space<vmem>>
        %dma_wait3A_611 = arith.constant 0 : i32
        %dma_wait3A_612 = tpu.memref_slice %arg7[%dma_wait3A_606, %dma_wait3A_611] : memref<79x128xi32, #tpu.memory_space<vmem>> -> memref<1x128xi32, #tpu.memory_space<vmem>>
        %dma_wait3A_613 = tpu.memref_squeeze %dma_wait3A_612 : memref<1x128xi32, #tpu.memory_space<vmem>> -> memref<128xi32, #tpu.memory_space<vmem>>
        %dma_wait3A_614 = arith.constant 0 : i32
        %dma_wait3A_615 = arith.constant 0 : i32
        %dma_wait3A_616 = tpu.memref_slice %arg10[%dma_wait3A_614, %dma_wait3A_615] : memref<10240x16xf32, #tpu.memory_space<vmem_shared>> -> memref<10240x16xf32, #tpu.memory_space<vmem_shared>>
        tpu.wait_indirect_dma semaphore(%arg15 : memref<!tpu.dma_semaphore, #tpu.memory_space<semaphore_mem>>) src(%dma_wait3A_610 : memref<128x16xf32, #tpu.memory_space<vmem>>) dst(%dma_wait3A_616 : memref<10240x16xf32, #tpu.memory_space<vmem_shared>>)
      } else {
      }
      %mul3A_559 = arith.constant 2 : i32
      %mul3A_560 = arith.muli %mul3A_559, %add3A_556 : i32
      %mul3A_561 = arith.constant 128 : i32
      %mul3A_562 = arith.muli %mul3A_560, %mul3A_561 : i32
      %add3A_563 = arith.constant 8 : i32
      %add3A_564 = arith.addi %add3A_563, %mul3A_560 : i32
      %dma_start3A_565 = arith.constant 1 : i32
      %dma_start3A_566 = arith.constant 0 : i32
      %dma_start3A_567 = tpu.memref_slice %arg8[%dma_start3A_565, %mul3A_562, %dma_start3A_566] : memref<2x1024x16xf32, #tpu.memory_space<vmem>> -> memref<1x128x16xf32, #tpu.memory_space<vmem>>
      %dma_start3A_568 = tpu.memref_squeeze %dma_start3A_567 : memref<1x128x16xf32, #tpu.memory_space<vmem>> -> memref<128x16xf32, #tpu.memory_space<vmem>>
      %dma_start3A_569 = arith.constant 0 : i32
      %dma_start3A_570 = tpu.memref_slice %arg7[%add3A_564, %dma_start3A_569] : memref<79x128xi32, #tpu.memory_space<vmem>> -> memref<1x128xi32, #tpu.memory_space<vmem>>
      %dma_start3A_571 = tpu.memref_squeeze %dma_start3A_570 : memref<1x128xi32, #tpu.memory_space<vmem>> -> memref<128xi32, #tpu.memory_space<vmem>>
      %dma_start3A_572 = arith.constant 0 : i32
      %dma_start3A_573 = arith.constant 0 : i32
      %dma_start3A_574 = tpu.memref_slice %arg10[%dma_start3A_572, %dma_start3A_573] : memref<10240x16xf32, #tpu.memory_space<vmem_shared>> -> memref<10240x16xf32, #tpu.memory_space<vmem_shared>>
      tpu.enqueue_indirect_dma source(%dma_start3A_568 : memref<128x16xf32, #tpu.memory_space<vmem>>) target(%dma_start3A_574 : memref<10240x16xf32, #tpu.memory_space<vmem_shared>>) offsets(%dma_start3A_571 : memref<128xi32, #tpu.memory_space<vmem>>) semaphore(%arg14 : memref<!tpu.dma_semaphore, #tpu.memory_space<semaphore_mem>>) {add = true}
      %mul3A_575 = arith.constant 2 : i32
      %mul3A_576 = arith.muli %mul3A_575, %add3A_556 : i32
      %add3A_577 = arith.constant 1 : i32
      %add3A_578 = arith.addi %mul3A_576, %add3A_577 : i32
      %mul3A_579 = arith.constant 128 : i32
      %mul3A_580 = arith.muli %add3A_578, %mul3A_579 : i32
      %add3A_581 = arith.constant 8 : i32
      %add3A_582 = arith.addi %add3A_581, %add3A_578 : i32
      %dma_start3A_583 = arith.constant 1 : i32
      %dma_start3A_584 = arith.constant 0 : i32
      %dma_start3A_585 = tpu.memref_slice %arg8[%dma_start3A_583, %mul3A_580, %dma_start3A_584] : memref<2x1024x16xf32, #tpu.memory_space<vmem>> -> memref<1x128x16xf32, #tpu.memory_space<vmem>>
      %dma_start3A_586 = tpu.memref_squeeze %dma_start3A_585 : memref<1x128x16xf32, #tpu.memory_space<vmem>> -> memref<128x16xf32, #tpu.memory_space<vmem>>
      %dma_start3A_587 = arith.constant 0 : i32
      %dma_start3A_588 = tpu.memref_slice %arg7[%add3A_582, %dma_start3A_587] : memref<79x128xi32, #tpu.memory_space<vmem>> -> memref<1x128xi32, #tpu.memory_space<vmem>>
      %dma_start3A_589 = tpu.memref_squeeze %dma_start3A_588 : memref<1x128xi32, #tpu.memory_space<vmem>> -> memref<128xi32, #tpu.memory_space<vmem>>
      %dma_start3A_590 = arith.constant 0 : i32
      %dma_start3A_591 = arith.constant 0 : i32
      %dma_start3A_592 = tpu.memref_slice %arg10[%dma_start3A_590, %dma_start3A_591] : memref<10240x16xf32, #tpu.memory_space<vmem_shared>> -> memref<10240x16xf32, #tpu.memory_space<vmem_shared>>
      tpu.enqueue_indirect_dma source(%dma_start3A_586 : memref<128x16xf32, #tpu.memory_space<vmem>>) target(%dma_start3A_592 : memref<10240x16xf32, #tpu.memory_space<vmem_shared>>) offsets(%dma_start3A_589 : memref<128xi32, #tpu.memory_space<vmem>>) semaphore(%arg15 : memref<!tpu.dma_semaphore, #tpu.memory_space<semaphore_mem>>) {add = true}
    }
    %scan3A_116 = arith.constant 4 : i32
    %dma_wait3A_117 = arith.constant 1 : i32
    %dma_wait3A_118 = arith.constant 0 : i32
    %dma_wait3A_119 = arith.constant 0 : i32
    %dma_wait3A_120 = arith.constant 0 : i32
    %dma_wait3A_121 = tpu.memref_slice %arg8[%dma_wait3A_117, %dma_wait3A_119, %dma_wait3A_120] : memref<2x1024x16xf32, #tpu.memory_space<vmem>> -> memref<1x128x16xf32, #tpu.memory_space<vmem>>
    %dma_wait3A_122 = tpu.memref_squeeze %dma_wait3A_121 : memref<1x128x16xf32, #tpu.memory_space<vmem>> -> memref<128x16xf32, #tpu.memory_space<vmem>>
    %dma_wait3A_123 = arith.constant 0 : i32
    %dma_wait3A_124 = tpu.memref_slice %arg7[%dma_wait3A_118, %dma_wait3A_123] : memref<79x128xi32, #tpu.memory_space<vmem>> -> memref<1x128xi32, #tpu.memory_space<vmem>>
    %dma_wait3A_125 = tpu.memref_squeeze %dma_wait3A_124 : memref<1x128xi32, #tpu.memory_space<vmem>> -> memref<128xi32, #tpu.memory_space<vmem>>
    %dma_wait3A_126 = arith.constant 0 : i32
    %dma_wait3A_127 = arith.constant 0 : i32
    %dma_wait3A_128 = tpu.memref_slice %arg10[%dma_wait3A_126, %dma_wait3A_127] : memref<10240x16xf32, #tpu.memory_space<vmem_shared>> -> memref<10240x16xf32, #tpu.memory_space<vmem_shared>>
    tpu.wait_indirect_dma semaphore(%arg14 : memref<!tpu.dma_semaphore, #tpu.memory_space<semaphore_mem>>) src(%dma_wait3A_122 : memref<128x16xf32, #tpu.memory_space<vmem>>) dst(%dma_wait3A_128 : memref<10240x16xf32, #tpu.memory_space<vmem_shared>>)
    %dma_wait3A_129 = arith.constant 1 : i32
    %dma_wait3A_130 = arith.constant 0 : i32
    %dma_wait3A_131 = arith.constant 0 : i32
    %dma_wait3A_132 = arith.constant 0 : i32
    %dma_wait3A_133 = tpu.memref_slice %arg8[%dma_wait3A_129, %dma_wait3A_131, %dma_wait3A_132] : memref<2x1024x16xf32, #tpu.memory_space<vmem>> -> memref<1x128x16xf32, #tpu.memory_space<vmem>>
    %dma_wait3A_134 = tpu.memref_squeeze %dma_wait3A_133 : memref<1x128x16xf32, #tpu.memory_space<vmem>> -> memref<128x16xf32, #tpu.memory_space<vmem>>
    %dma_wait3A_135 = arith.constant 0 : i32
    %dma_wait3A_136 = tpu.memref_slice %arg7[%dma_wait3A_130, %dma_wait3A_135] : memref<79x128xi32, #tpu.memory_space<vmem>> -> memref<1x128xi32, #tpu.memory_space<vmem>>
    %dma_wait3A_137 = tpu.memref_squeeze %dma_wait3A_136 : memref<1x128xi32, #tpu.memory_space<vmem>> -> memref<128xi32, #tpu.memory_space<vmem>>
    %dma_wait3A_138 = arith.constant 0 : i32
    %dma_wait3A_139 = arith.constant 0 : i32
    %dma_wait3A_140 = tpu.memref_slice %arg10[%dma_wait3A_138, %dma_wait3A_139] : memref<10240x16xf32, #tpu.memory_space<vmem_shared>> -> memref<10240x16xf32, #tpu.memory_space<vmem_shared>>
    tpu.wait_indirect_dma semaphore(%arg15 : memref<!tpu.dma_semaphore, #tpu.memory_space<semaphore_mem>>) src(%dma_wait3A_134 : memref<128x16xf32, #tpu.memory_space<vmem>>) dst(%dma_wait3A_140 : memref<10240x16xf32, #tpu.memory_space<vmem_shared>>)
    %dma_wait3A_141 = arith.constant 0 : i32
    %dma_wait3A_142 = arith.constant 0 : i32
    %dma_wait3A_143 = arith.constant 0 : i32
    %dma_wait3A_144 = tpu.memref_slice %arg8[%dma_wait3A_141, %dma_wait3A_142, %dma_wait3A_143] : memref<2x1024x16xf32, #tpu.memory_space<vmem>> -> memref<1x1024x16xf32, #tpu.memory_space<vmem>>
    %dma_wait3A_145 = tpu.memref_squeeze %dma_wait3A_144 : memref<1x1024x16xf32, #tpu.memory_space<vmem>> -> memref<1024x16xf32, #tpu.memory_space<vmem>>
    %dma_wait3A_146 = arith.constant 0 : i32
    %dma_wait3A_147 = tpu.memref_slice %arg6[%dma_wait3A_146] : memref<10112xi32, #tpu.memory_space<vmem>> -> memref<1024xi32, #tpu.memory_space<vmem>>
    %dma_wait3A_148 = arith.constant 0 : i32
    %dma_wait3A_149 = arith.constant 0 : i32
    %dma_wait3A_150 = tpu.memref_slice %arg4[%dma_wait3A_148, %dma_wait3A_149] : memref<10000x16xf32, #tpu.memory_space<hbm>> -> memref<10000x16xf32, #tpu.memory_space<hbm>>
    tpu.wait_indirect_dma semaphore(%arg12 : memref<!tpu.dma_semaphore, #tpu.memory_space<semaphore_mem>>) src(%dma_wait3A_150 : memref<10000x16xf32, #tpu.memory_space<hbm>>) dst(%dma_wait3A_145 : memref<1024x16xf32, #tpu.memory_space<vmem>>)
    %dma_start3A_151 = arith.constant 1 : i32
    %dma_start3A_152 = arith.constant 0 : i32
    %dma_start3A_153 = arith.constant 0 : i32
    %dma_start3A_154 = tpu.memref_slice %arg8[%dma_start3A_151, %dma_start3A_152, %dma_start3A_153] : memref<2x1024x16xf32, #tpu.memory_space<vmem>> -> memref<1x1024x16xf32, #tpu.memory_space<vmem>>
    %dma_start3A_155 = tpu.memref_squeeze %dma_start3A_154 : memref<1x1024x16xf32, #tpu.memory_space<vmem>> -> memref<1024x16xf32, #tpu.memory_space<vmem>>
    %dma_start3A_156 = arith.constant 3072 : i32
    %dma_start3A_157 = tpu.memref_slice %arg6[%dma_start3A_156] : memref<10112xi32, #tpu.memory_space<vmem>> -> memref<1024xi32, #tpu.memory_space<vmem>>
    %dma_start3A_158 = arith.constant 0 : i32
    %dma_start3A_159 = arith.constant 0 : i32
    %dma_start3A_160 = tpu.memref_slice %arg4[%dma_start3A_158, %dma_start3A_159] : memref<10000x16xf32, #tpu.memory_space<hbm>> -> memref<10000x16xf32, #tpu.memory_space<hbm>>
    tpu.enqueue_indirect_dma source(%dma_start3A_160 : memref<10000x16xf32, #tpu.memory_space<hbm>>) target(%dma_start3A_155 : memref<1024x16xf32, #tpu.memory_space<vmem>>) offsets(%dma_start3A_157 : memref<1024xi32, #tpu.memory_space<vmem>>) semaphore(%arg13 : memref<!tpu.dma_semaphore, #tpu.memory_space<semaphore_mem>>)
    %scan3A_161 = arith.constant 0 : i32
    %scan3A_162 = arith.constant 4 : i32
    %scan3A_163 = arith.addi %scan3A_161, %scan3A_162 : i32
    %scan3A_164 = arith.constant 1 : i32
    scf.for %scan3A_552 = %scan3A_161 to %scan3A_163 step %scan3A_164  : i32 {
      %mul3A_553 = arith.constant 1 : i32
      %mul3A_554 = arith.muli %scan3A_552, %mul3A_553 : i32
      %add3A_555 = arith.constant 0 : i32
      %add3A_556 = arith.addi %add3A_555, %mul3A_554 : i32
      %ge3A = arith.constant 1 : i32
      %ge3A_557 = arith.cmpi sge, %add3A_556, %ge3A : i32
      %convert_element_type3A = arith.extui %ge3A_557 : i1 to i32
      %cond3A = arith.constant 0 : i32
      %cond3A_558 = arith.cmpi ne, %convert_element_type3A, %cond3A : i32
      scf.if %cond3A_558 {
        %dma_wait3A_593 = arith.constant 0 : i32
        %dma_wait3A_594 = arith.constant 0 : i32
        %dma_wait3A_595 = arith.constant 0 : i32
        %dma_wait3A_596 = arith.constant 0 : i32
        %dma_wait3A_597 = tpu.memref_slice %arg8[%dma_wait3A_593, %dma_wait3A_595, %dma_wait3A_596] : memref<2x1024x16xf32, #tpu.memory_space<vmem>> -> memref<1x128x16xf32, #tpu.memory_space<vmem>>
        %dma_wait3A_598 = tpu.memref_squeeze %dma_wait3A_597 : memref<1x128x16xf32, #tpu.memory_space<vmem>> -> memref<128x16xf32, #tpu.memory_space<vmem>>
        %dma_wait3A_599 = arith.constant 0 : i32
        %dma_wait3A_600 = tpu.memref_slice %arg7[%dma_wait3A_594, %dma_wait3A_599] : memref<79x128xi32, #tpu.memory_space<vmem>> -> memref<1x128xi32, #tpu.memory_space<vmem>>
        %dma_wait3A_601 = tpu.memref_squeeze %dma_wait3A_600 : memref<1x128xi32, #tpu.memory_space<vmem>> -> memref<128xi32, #tpu.memory_space<vmem>>
        %dma_wait3A_602 = arith.constant 0 : i32
        %dma_wait3A_603 = arith.constant 0 : i32
        %dma_wait3A_604 = tpu.memref_slice %arg10[%dma_wait3A_602, %dma_wait3A_603] : memref<10240x16xf32, #tpu.memory_space<vmem_shared>> -> memref<10240x16xf32, #tpu.memory_space<vmem_shared>>
        tpu.wait_indirect_dma semaphore(%arg14 : memref<!tpu.dma_semaphore, #tpu.memory_space<semaphore_mem>>) src(%dma_wait3A_598 : memref<128x16xf32, #tpu.memory_space<vmem>>) dst(%dma_wait3A_604 : memref<10240x16xf32, #tpu.memory_space<vmem_shared>>)
        %dma_wait3A_605 = arith.constant 0 : i32
        %dma_wait3A_606 = arith.constant 0 : i32
        %dma_wait3A_607 = arith.constant 0 : i32
        %dma_wait3A_608 = arith.constant 0 : i32
        %dma_wait3A_609 = tpu.memref_slice %arg8[%dma_wait3A_605, %dma_wait3A_607, %dma_wait3A_608] : memref<2x1024x16xf32, #tpu.memory_space<vmem>> -> memref<1x128x16xf32, #tpu.memory_space<vmem>>
        %dma_wait3A_610 = tpu.memref_squeeze %dma_wait3A_609 : memref<1x128x16xf32, #tpu.memory_space<vmem>> -> memref<128x16xf32, #tpu.memory_space<vmem>>
        %dma_wait3A_611 = arith.constant 0 : i32
        %dma_wait3A_612 = tpu.memref_slice %arg7[%dma_wait3A_606, %dma_wait3A_611] : memref<79x128xi32, #tpu.memory_space<vmem>> -> memref<1x128xi32, #tpu.memory_space<vmem>>
        %dma_wait3A_613 = tpu.memref_squeeze %dma_wait3A_612 : memref<1x128xi32, #tpu.memory_space<vmem>> -> memref<128xi32, #tpu.memory_space<vmem>>
        %dma_wait3A_614 = arith.constant 0 : i32
        %dma_wait3A_615 = arith.constant 0 : i32
        %dma_wait3A_616 = tpu.memref_slice %arg10[%dma_wait3A_614, %dma_wait3A_615] : memref<10240x16xf32, #tpu.memory_space<vmem_shared>> -> memref<10240x16xf32, #tpu.memory_space<vmem_shared>>
        tpu.wait_indirect_dma semaphore(%arg15 : memref<!tpu.dma_semaphore, #tpu.memory_space<semaphore_mem>>) src(%dma_wait3A_610 : memref<128x16xf32, #tpu.memory_space<vmem>>) dst(%dma_wait3A_616 : memref<10240x16xf32, #tpu.memory_space<vmem_shared>>)
      } else {
      }
      %mul3A_559 = arith.constant 2 : i32
      %mul3A_560 = arith.muli %mul3A_559, %add3A_556 : i32
      %mul3A_561 = arith.constant 128 : i32
      %mul3A_562 = arith.muli %mul3A_560, %mul3A_561 : i32
      %add3A_563 = arith.constant 16 : i32
      %add3A_564 = arith.addi %add3A_563, %mul3A_560 : i32
      %dma_start3A_565 = arith.constant 0 : i32
      %dma_start3A_566 = arith.constant 0 : i32
      %dma_start3A_567 = tpu.memref_slice %arg8[%dma_start3A_565, %mul3A_562, %dma_start3A_566] : memref<2x1024x16xf32, #tpu.memory_space<vmem>> -> memref<1x128x16xf32, #tpu.memory_space<vmem>>
      %dma_start3A_568 = tpu.memref_squeeze %dma_start3A_567 : memref<1x128x16xf32, #tpu.memory_space<vmem>> -> memref<128x16xf32, #tpu.memory_space<vmem>>
      %dma_start3A_569 = arith.constant 0 : i32
      %dma_start3A_570 = tpu.memref_slice %arg7[%add3A_564, %dma_start3A_569] : memref<79x128xi32, #tpu.memory_space<vmem>> -> memref<1x128xi32, #tpu.memory_space<vmem>>
      %dma_start3A_571 = tpu.memref_squeeze %dma_start3A_570 : memref<1x128xi32, #tpu.memory_space<vmem>> -> memref<128xi32, #tpu.memory_space<vmem>>
      %dma_start3A_572 = arith.constant 0 : i32
      %dma_start3A_573 = arith.constant 0 : i32
      %dma_start3A_574 = tpu.memref_slice %arg10[%dma_start3A_572, %dma_start3A_573] : memref<10240x16xf32, #tpu.memory_space<vmem_shared>> -> memref<10240x16xf32, #tpu.memory_space<vmem_shared>>
      tpu.enqueue_indirect_dma source(%dma_start3A_568 : memref<128x16xf32, #tpu.memory_space<vmem>>) target(%dma_start3A_574 : memref<10240x16xf32, #tpu.memory_space<vmem_shared>>) offsets(%dma_start3A_571 : memref<128xi32, #tpu.memory_space<vmem>>) semaphore(%arg14 : memref<!tpu.dma_semaphore, #tpu.memory_space<semaphore_mem>>) {add = true}
      %mul3A_575 = arith.constant 2 : i32
      %mul3A_576 = arith.muli %mul3A_575, %add3A_556 : i32
      %add3A_577 = arith.constant 1 : i32
      %add3A_578 = arith.addi %mul3A_576, %add3A_577 : i32
      %mul3A_579 = arith.constant 128 : i32
      %mul3A_580 = arith.muli %add3A_578, %mul3A_579 : i32
      %add3A_581 = arith.constant 16 : i32
      %add3A_582 = arith.addi %add3A_581, %add3A_578 : i32
      %dma_start3A_583 = arith.constant 0 : i32
      %dma_start3A_584 = arith.constant 0 : i32
      %dma_start3A_585 = tpu.memref_slice %arg8[%dma_start3A_583, %mul3A_580, %dma_start3A_584] : memref<2x1024x16xf32, #tpu.memory_space<vmem>> -> memref<1x128x16xf32, #tpu.memory_space<vmem>>
      %dma_start3A_586 = tpu.memref_squeeze %dma_start3A_585 : memref<1x128x16xf32, #tpu.memory_space<vmem>> -> memref<128x16xf32, #tpu.memory_space<vmem>>
      %dma_start3A_587 = arith.constant 0 : i32
      %dma_start3A_588 = tpu.memref_slice %arg7[%add3A_582, %dma_start3A_587] : memref<79x128xi32, #tpu.memory_space<vmem>> -> memref<1x128xi32, #tpu.memory_space<vmem>>
      %dma_start3A_589 = tpu.memref_squeeze %dma_start3A_588 : memref<1x128xi32, #tpu.memory_space<vmem>> -> memref<128xi32, #tpu.memory_space<vmem>>
      %dma_start3A_590 = arith.constant 0 : i32
      %dma_start3A_591 = arith.constant 0 : i32
      %dma_start3A_592 = tpu.memref_slice %arg10[%dma_start3A_590, %dma_start3A_591] : memref<10240x16xf32, #tpu.memory_space<vmem_shared>> -> memref<10240x16xf32, #tpu.memory_space<vmem_shared>>
      tpu.enqueue_indirect_dma source(%dma_start3A_586 : memref<128x16xf32, #tpu.memory_space<vmem>>) target(%dma_start3A_592 : memref<10240x16xf32, #tpu.memory_space<vmem_shared>>) offsets(%dma_start3A_589 : memref<128xi32, #tpu.memory_space<vmem>>) semaphore(%arg15 : memref<!tpu.dma_semaphore, #tpu.memory_space<semaphore_mem>>) {add = true}
    }
    %scan3A_165 = arith.constant 4 : i32
    %dma_wait3A_166 = arith.constant 0 : i32
    %dma_wait3A_167 = arith.constant 0 : i32
    %dma_wait3A_168 = arith.constant 0 : i32
    %dma_wait3A_169 = arith.constant 0 : i32
    %dma_wait3A_170 = tpu.memref_slice %arg8[%dma_wait3A_166, %dma_wait3A_168, %dma_wait3A_169] : memref<2x1024x16xf32, #tpu.memory_space<vmem>> -> memref<1x128x16xf32, #tpu.memory_space<vmem>>
    %dma_wait3A_171 = tpu.memref_squeeze %dma_wait3A_170 : memref<1x128x16xf32, #tpu.memory_space<vmem>> -> memref<128x16xf32, #tpu.memory_space<vmem>>
    %dma_wait3A_172 = arith.constant 0 : i32
    %dma_wait3A_173 = tpu.memref_slice %arg7[%dma_wait3A_167, %dma_wait3A_172] : memref<79x128xi32, #tpu.memory_space<vmem>> -> memref<1x128xi32, #tpu.memory_space<vmem>>
    %dma_wait3A_174 = tpu.memref_squeeze %dma_wait3A_173 : memref<1x128xi32, #tpu.memory_space<vmem>> -> memref<128xi32, #tpu.memory_space<vmem>>
    %dma_wait3A_175 = arith.constant 0 : i32
    %dma_wait3A_176 = arith.constant 0 : i32
    %dma_wait3A_177 = tpu.memref_slice %arg10[%dma_wait3A_175, %dma_wait3A_176] : memref<10240x16xf32, #tpu.memory_space<vmem_shared>> -> memref<10240x16xf32, #tpu.memory_space<vmem_shared>>
    tpu.wait_indirect_dma semaphore(%arg14 : memref<!tpu.dma_semaphore, #tpu.memory_space<semaphore_mem>>) src(%dma_wait3A_171 : memref<128x16xf32, #tpu.memory_space<vmem>>) dst(%dma_wait3A_177 : memref<10240x16xf32, #tpu.memory_space<vmem_shared>>)
    %dma_wait3A_178 = arith.constant 0 : i32
    %dma_wait3A_179 = arith.constant 0 : i32
    %dma_wait3A_180 = arith.constant 0 : i32
    %dma_wait3A_181 = arith.constant 0 : i32
    %dma_wait3A_182 = tpu.memref_slice %arg8[%dma_wait3A_178, %dma_wait3A_180, %dma_wait3A_181] : memref<2x1024x16xf32, #tpu.memory_space<vmem>> -> memref<1x128x16xf32, #tpu.memory_space<vmem>>
    %dma_wait3A_183 = tpu.memref_squeeze %dma_wait3A_182 : memref<1x128x16xf32, #tpu.memory_space<vmem>> -> memref<128x16xf32, #tpu.memory_space<vmem>>
    %dma_wait3A_184 = arith.constant 0 : i32
    %dma_wait3A_185 = tpu.memref_slice %arg7[%dma_wait3A_179, %dma_wait3A_184] : memref<79x128xi32, #tpu.memory_space<vmem>> -> memref<1x128xi32, #tpu.memory_space<vmem>>
    %dma_wait3A_186 = tpu.memref_squeeze %dma_wait3A_185 : memref<1x128xi32, #tpu.memory_space<vmem>> -> memref<128xi32, #tpu.memory_space<vmem>>
    %dma_wait3A_187 = arith.constant 0 : i32
    %dma_wait3A_188 = arith.constant 0 : i32
    %dma_wait3A_189 = tpu.memref_slice %arg10[%dma_wait3A_187, %dma_wait3A_188] : memref<10240x16xf32, #tpu.memory_space<vmem_shared>> -> memref<10240x16xf32, #tpu.memory_space<vmem_shared>>
    tpu.wait_indirect_dma semaphore(%arg15 : memref<!tpu.dma_semaphore, #tpu.memory_space<semaphore_mem>>) src(%dma_wait3A_183 : memref<128x16xf32, #tpu.memory_space<vmem>>) dst(%dma_wait3A_189 : memref<10240x16xf32, #tpu.memory_space<vmem_shared>>)
    %dma_wait3A_190 = arith.constant 1 : i32
    %dma_wait3A_191 = arith.constant 0 : i32
    %dma_wait3A_192 = arith.constant 0 : i32
    %dma_wait3A_193 = tpu.memref_slice %arg8[%dma_wait3A_190, %dma_wait3A_191, %dma_wait3A_192] : memref<2x1024x16xf32, #tpu.memory_space<vmem>> -> memref<1x1024x16xf32, #tpu.memory_space<vmem>>
    %dma_wait3A_194 = tpu.memref_squeeze %dma_wait3A_193 : memref<1x1024x16xf32, #tpu.memory_space<vmem>> -> memref<1024x16xf32, #tpu.memory_space<vmem>>
    %dma_wait3A_195 = arith.constant 0 : i32
    %dma_wait3A_196 = tpu.memref_slice %arg6[%dma_wait3A_195] : memref<10112xi32, #tpu.memory_space<vmem>> -> memref<1024xi32, #tpu.memory_space<vmem>>
    %dma_wait3A_197 = arith.constant 0 : i32
    %dma_wait3A_198 = arith.constant 0 : i32
    %dma_wait3A_199 = tpu.memref_slice %arg4[%dma_wait3A_197, %dma_wait3A_198] : memref<10000x16xf32, #tpu.memory_space<hbm>> -> memref<10000x16xf32, #tpu.memory_space<hbm>>
    tpu.wait_indirect_dma semaphore(%arg13 : memref<!tpu.dma_semaphore, #tpu.memory_space<semaphore_mem>>) src(%dma_wait3A_199 : memref<10000x16xf32, #tpu.memory_space<hbm>>) dst(%dma_wait3A_194 : memref<1024x16xf32, #tpu.memory_space<vmem>>)
    %dma_start3A_200 = arith.constant 0 : i32
    %dma_start3A_201 = arith.constant 0 : i32
    %dma_start3A_202 = arith.constant 0 : i32
    %dma_start3A_203 = tpu.memref_slice %arg8[%dma_start3A_200, %dma_start3A_201, %dma_start3A_202] : memref<2x1024x16xf32, #tpu.memory_space<vmem>> -> memref<1x1024x16xf32, #tpu.memory_space<vmem>>
    %dma_start3A_204 = tpu.memref_squeeze %dma_start3A_203 : memref<1x1024x16xf32, #tpu.memory_space<vmem>> -> memref<1024x16xf32, #tpu.memory_space<vmem>>
    %dma_start3A_205 = arith.constant 4096 : i32
    %dma_start3A_206 = tpu.memref_slice %arg6[%dma_start3A_205] : memref<10112xi32, #tpu.memory_space<vmem>> -> memref<1024xi32, #tpu.memory_space<vmem>>
    %dma_start3A_207 = arith.constant 0 : i32
    %dma_start3A_208 = arith.constant 0 : i32
    %dma_start3A_209 = tpu.memref_slice %arg4[%dma_start3A_207, %dma_start3A_208] : memref<10000x16xf32, #tpu.memory_space<hbm>> -> memref<10000x16xf32, #tpu.memory_space<hbm>>
    tpu.enqueue_indirect_dma source(%dma_start3A_209 : memref<10000x16xf32, #tpu.memory_space<hbm>>) target(%dma_start3A_204 : memref<1024x16xf32, #tpu.memory_space<vmem>>) offsets(%dma_start3A_206 : memref<1024xi32, #tpu.memory_space<vmem>>) semaphore(%arg12 : memref<!tpu.dma_semaphore, #tpu.memory_space<semaphore_mem>>)
    %scan3A_210 = arith.constant 0 : i32
    %scan3A_211 = arith.constant 4 : i32
    %scan3A_212 = arith.addi %scan3A_210, %scan3A_211 : i32
    %scan3A_213 = arith.constant 1 : i32
    scf.for %scan3A_552 = %scan3A_210 to %scan3A_212 step %scan3A_213  : i32 {
      %mul3A_553 = arith.constant 1 : i32
      %mul3A_554 = arith.muli %scan3A_552, %mul3A_553 : i32
      %add3A_555 = arith.constant 0 : i32
      %add3A_556 = arith.addi %add3A_555, %mul3A_554 : i32
      %ge3A = arith.constant 1 : i32
      %ge3A_557 = arith.cmpi sge, %add3A_556, %ge3A : i32
      %convert_element_type3A = arith.extui %ge3A_557 : i1 to i32
      %cond3A = arith.constant 0 : i32
      %cond3A_558 = arith.cmpi ne, %convert_element_type3A, %cond3A : i32
      scf.if %cond3A_558 {
        %dma_wait3A_593 = arith.constant 1 : i32
        %dma_wait3A_594 = arith.constant 0 : i32
        %dma_wait3A_595 = arith.constant 0 : i32
        %dma_wait3A_596 = arith.constant 0 : i32
        %dma_wait3A_597 = tpu.memref_slice %arg8[%dma_wait3A_593, %dma_wait3A_595, %dma_wait3A_596] : memref<2x1024x16xf32, #tpu.memory_space<vmem>> -> memref<1x128x16xf32, #tpu.memory_space<vmem>>
        %dma_wait3A_598 = tpu.memref_squeeze %dma_wait3A_597 : memref<1x128x16xf32, #tpu.memory_space<vmem>> -> memref<128x16xf32, #tpu.memory_space<vmem>>
        %dma_wait3A_599 = arith.constant 0 : i32
        %dma_wait3A_600 = tpu.memref_slice %arg7[%dma_wait3A_594, %dma_wait3A_599] : memref<79x128xi32, #tpu.memory_space<vmem>> -> memref<1x128xi32, #tpu.memory_space<vmem>>
        %dma_wait3A_601 = tpu.memref_squeeze %dma_wait3A_600 : memref<1x128xi32, #tpu.memory_space<vmem>> -> memref<128xi32, #tpu.memory_space<vmem>>
        %dma_wait3A_602 = arith.constant 0 : i32
        %dma_wait3A_603 = arith.constant 0 : i32
        %dma_wait3A_604 = tpu.memref_slice %arg10[%dma_wait3A_602, %dma_wait3A_603] : memref<10240x16xf32, #tpu.memory_space<vmem_shared>> -> memref<10240x16xf32, #tpu.memory_space<vmem_shared>>
        tpu.wait_indirect_dma semaphore(%arg14 : memref<!tpu.dma_semaphore, #tpu.memory_space<semaphore_mem>>) src(%dma_wait3A_598 : memref<128x16xf32, #tpu.memory_space<vmem>>) dst(%dma_wait3A_604 : memref<10240x16xf32, #tpu.memory_space<vmem_shared>>)
        %dma_wait3A_605 = arith.constant 1 : i32
        %dma_wait3A_606 = arith.constant 0 : i32
        %dma_wait3A_607 = arith.constant 0 : i32
        %dma_wait3A_608 = arith.constant 0 : i32
        %dma_wait3A_609 = tpu.memref_slice %arg8[%dma_wait3A_605, %dma_wait3A_607, %dma_wait3A_608] : memref<2x1024x16xf32, #tpu.memory_space<vmem>> -> memref<1x128x16xf32, #tpu.memory_space<vmem>>
        %dma_wait3A_610 = tpu.memref_squeeze %dma_wait3A_609 : memref<1x128x16xf32, #tpu.memory_space<vmem>> -> memref<128x16xf32, #tpu.memory_space<vmem>>
        %dma_wait3A_611 = arith.constant 0 : i32
        %dma_wait3A_612 = tpu.memref_slice %arg7[%dma_wait3A_606, %dma_wait3A_611] : memref<79x128xi32, #tpu.memory_space<vmem>> -> memref<1x128xi32, #tpu.memory_space<vmem>>
        %dma_wait3A_613 = tpu.memref_squeeze %dma_wait3A_612 : memref<1x128xi32, #tpu.memory_space<vmem>> -> memref<128xi32, #tpu.memory_space<vmem>>
        %dma_wait3A_614 = arith.constant 0 : i32
        %dma_wait3A_615 = arith.constant 0 : i32
        %dma_wait3A_616 = tpu.memref_slice %arg10[%dma_wait3A_614, %dma_wait3A_615] : memref<10240x16xf32, #tpu.memory_space<vmem_shared>> -> memref<10240x16xf32, #tpu.memory_space<vmem_shared>>
        tpu.wait_indirect_dma semaphore(%arg15 : memref<!tpu.dma_semaphore, #tpu.memory_space<semaphore_mem>>) src(%dma_wait3A_610 : memref<128x16xf32, #tpu.memory_space<vmem>>) dst(%dma_wait3A_616 : memref<10240x16xf32, #tpu.memory_space<vmem_shared>>)
      } else {
      }
      %mul3A_559 = arith.constant 2 : i32
      %mul3A_560 = arith.muli %mul3A_559, %add3A_556 : i32
      %mul3A_561 = arith.constant 128 : i32
      %mul3A_562 = arith.muli %mul3A_560, %mul3A_561 : i32
      %add3A_563 = arith.constant 24 : i32
      %add3A_564 = arith.addi %add3A_563, %mul3A_560 : i32
      %dma_start3A_565 = arith.constant 1 : i32
      %dma_start3A_566 = arith.constant 0 : i32
      %dma_start3A_567 = tpu.memref_slice %arg8[%dma_start3A_565, %mul3A_562, %dma_start3A_566] : memref<2x1024x16xf32, #tpu.memory_space<vmem>> -> memref<1x128x16xf32, #tpu.memory_space<vmem>>
      %dma_start3A_568 = tpu.memref_squeeze %dma_start3A_567 : memref<1x128x16xf32, #tpu.memory_space<vmem>> -> memref<128x16xf32, #tpu.memory_space<vmem>>
      %dma_start3A_569 = arith.constant 0 : i32
      %dma_start3A_570 = tpu.memref_slice %arg7[%add3A_564, %dma_start3A_569] : memref<79x128xi32, #tpu.memory_space<vmem>> -> memref<1x128xi32, #tpu.memory_space<vmem>>
      %dma_start3A_571 = tpu.memref_squeeze %dma_start3A_570 : memref<1x128xi32, #tpu.memory_space<vmem>> -> memref<128xi32, #tpu.memory_space<vmem>>
      %dma_start3A_572 = arith.constant 0 : i32
      %dma_start3A_573 = arith.constant 0 : i32
      %dma_start3A_574 = tpu.memref_slice %arg10[%dma_start3A_572, %dma_start3A_573] : memref<10240x16xf32, #tpu.memory_space<vmem_shared>> -> memref<10240x16xf32, #tpu.memory_space<vmem_shared>>
      tpu.enqueue_indirect_dma source(%dma_start3A_568 : memref<128x16xf32, #tpu.memory_space<vmem>>) target(%dma_start3A_574 : memref<10240x16xf32, #tpu.memory_space<vmem_shared>>) offsets(%dma_start3A_571 : memref<128xi32, #tpu.memory_space<vmem>>) semaphore(%arg14 : memref<!tpu.dma_semaphore, #tpu.memory_space<semaphore_mem>>) {add = true}
      %mul3A_575 = arith.constant 2 : i32
      %mul3A_576 = arith.muli %mul3A_575, %add3A_556 : i32
      %add3A_577 = arith.constant 1 : i32
      %add3A_578 = arith.addi %mul3A_576, %add3A_577 : i32
      %mul3A_579 = arith.constant 128 : i32
      %mul3A_580 = arith.muli %add3A_578, %mul3A_579 : i32
      %add3A_581 = arith.constant 24 : i32
      %add3A_582 = arith.addi %add3A_581, %add3A_578 : i32
      %dma_start3A_583 = arith.constant 1 : i32
      %dma_start3A_584 = arith.constant 0 : i32
      %dma_start3A_585 = tpu.memref_slice %arg8[%dma_start3A_583, %mul3A_580, %dma_start3A_584] : memref<2x1024x16xf32, #tpu.memory_space<vmem>> -> memref<1x128x16xf32, #tpu.memory_space<vmem>>
      %dma_start3A_586 = tpu.memref_squeeze %dma_start3A_585 : memref<1x128x16xf32, #tpu.memory_space<vmem>> -> memref<128x16xf32, #tpu.memory_space<vmem>>
      %dma_start3A_587 = arith.constant 0 : i32
      %dma_start3A_588 = tpu.memref_slice %arg7[%add3A_582, %dma_start3A_587] : memref<79x128xi32, #tpu.memory_space<vmem>> -> memref<1x128xi32, #tpu.memory_space<vmem>>
      %dma_start3A_589 = tpu.memref_squeeze %dma_start3A_588 : memref<1x128xi32, #tpu.memory_space<vmem>> -> memref<128xi32, #tpu.memory_space<vmem>>
      %dma_start3A_590 = arith.constant 0 : i32
      %dma_start3A_591 = arith.constant 0 : i32
      %dma_start3A_592 = tpu.memref_slice %arg10[%dma_start3A_590, %dma_start3A_591] : memref<10240x16xf32, #tpu.memory_space<vmem_shared>> -> memref<10240x16xf32, #tpu.memory_space<vmem_shared>>
      tpu.enqueue_indirect_dma source(%dma_start3A_586 : memref<128x16xf32, #tpu.memory_space<vmem>>) target(%dma_start3A_592 : memref<10240x16xf32, #tpu.memory_space<vmem_shared>>) offsets(%dma_start3A_589 : memref<128xi32, #tpu.memory_space<vmem>>) semaphore(%arg15 : memref<!tpu.dma_semaphore, #tpu.memory_space<semaphore_mem>>) {add = true}
    }
    %scan3A_214 = arith.constant 4 : i32
    %dma_wait3A_215 = arith.constant 1 : i32
    %dma_wait3A_216 = arith.constant 0 : i32
    %dma_wait3A_217 = arith.constant 0 : i32
    %dma_wait3A_218 = arith.constant 0 : i32
    %dma_wait3A_219 = tpu.memref_slice %arg8[%dma_wait3A_215, %dma_wait3A_217, %dma_wait3A_218] : memref<2x1024x16xf32, #tpu.memory_space<vmem>> -> memref<1x128x16xf32, #tpu.memory_space<vmem>>
    %dma_wait3A_220 = tpu.memref_squeeze %dma_wait3A_219 : memref<1x128x16xf32, #tpu.memory_space<vmem>> -> memref<128x16xf32, #tpu.memory_space<vmem>>
    %dma_wait3A_221 = arith.constant 0 : i32
    %dma_wait3A_222 = tpu.memref_slice %arg7[%dma_wait3A_216, %dma_wait3A_221] : memref<79x128xi32, #tpu.memory_space<vmem>> -> memref<1x128xi32, #tpu.memory_space<vmem>>
    %dma_wait3A_223 = tpu.memref_squeeze %dma_wait3A_222 : memref<1x128xi32, #tpu.memory_space<vmem>> -> memref<128xi32, #tpu.memory_space<vmem>>
    %dma_wait3A_224 = arith.constant 0 : i32
    %dma_wait3A_225 = arith.constant 0 : i32
    %dma_wait3A_226 = tpu.memref_slice %arg10[%dma_wait3A_224, %dma_wait3A_225] : memref<10240x16xf32, #tpu.memory_space<vmem_shared>> -> memref<10240x16xf32, #tpu.memory_space<vmem_shared>>
    tpu.wait_indirect_dma semaphore(%arg14 : memref<!tpu.dma_semaphore, #tpu.memory_space<semaphore_mem>>) src(%dma_wait3A_220 : memref<128x16xf32, #tpu.memory_space<vmem>>) dst(%dma_wait3A_226 : memref<10240x16xf32, #tpu.memory_space<vmem_shared>>)
    %dma_wait3A_227 = arith.constant 1 : i32
    %dma_wait3A_228 = arith.constant 0 : i32
    %dma_wait3A_229 = arith.constant 0 : i32
    %dma_wait3A_230 = arith.constant 0 : i32
    %dma_wait3A_231 = tpu.memref_slice %arg8[%dma_wait3A_227, %dma_wait3A_229, %dma_wait3A_230] : memref<2x1024x16xf32, #tpu.memory_space<vmem>> -> memref<1x128x16xf32, #tpu.memory_space<vmem>>
    %dma_wait3A_232 = tpu.memref_squeeze %dma_wait3A_231 : memref<1x128x16xf32, #tpu.memory_space<vmem>> -> memref<128x16xf32, #tpu.memory_space<vmem>>
    %dma_wait3A_233 = arith.constant 0 : i32
    %dma_wait3A_234 = tpu.memref_slice %arg7[%dma_wait3A_228, %dma_wait3A_233] : memref<79x128xi32, #tpu.memory_space<vmem>> -> memref<1x128xi32, #tpu.memory_space<vmem>>
    %dma_wait3A_235 = tpu.memref_squeeze %dma_wait3A_234 : memref<1x128xi32, #tpu.memory_space<vmem>> -> memref<128xi32, #tpu.memory_space<vmem>>
    %dma_wait3A_236 = arith.constant 0 : i32
    %dma_wait3A_237 = arith.constant 0 : i32
    %dma_wait3A_238 = tpu.memref_slice %arg10[%dma_wait3A_236, %dma_wait3A_237] : memref<10240x16xf32, #tpu.memory_space<vmem_shared>> -> memref<10240x16xf32, #tpu.memory_space<vmem_shared>>
    tpu.wait_indirect_dma semaphore(%arg15 : memref<!tpu.dma_semaphore, #tpu.memory_space<semaphore_mem>>) src(%dma_wait3A_232 : memref<128x16xf32, #tpu.memory_space<vmem>>) dst(%dma_wait3A_238 : memref<10240x16xf32, #tpu.memory_space<vmem_shared>>)
    %dma_wait3A_239 = arith.constant 0 : i32
    %dma_wait3A_240 = arith.constant 0 : i32
    %dma_wait3A_241 = arith.constant 0 : i32
    %dma_wait3A_242 = tpu.memref_slice %arg8[%dma_wait3A_239, %dma_wait3A_240, %dma_wait3A_241] : memref<2x1024x16xf32, #tpu.memory_space<vmem>> -> memref<1x1024x16xf32, #tpu.memory_space<vmem>>
    %dma_wait3A_243 = tpu.memref_squeeze %dma_wait3A_242 : memref<1x1024x16xf32, #tpu.memory_space<vmem>> -> memref<1024x16xf32, #tpu.memory_space<vmem>>
    %dma_wait3A_244 = arith.constant 0 : i32
    %dma_wait3A_245 = tpu.memref_slice %arg6[%dma_wait3A_244] : memref<10112xi32, #tpu.memory_space<vmem>> -> memref<1024xi32, #tpu.memory_space<vmem>>
    %dma_wait3A_246 = arith.constant 0 : i32
    %dma_wait3A_247 = arith.constant 0 : i32
    %dma_wait3A_248 = tpu.memref_slice %arg4[%dma_wait3A_246, %dma_wait3A_247] : memref<10000x16xf32, #tpu.memory_space<hbm>> -> memref<10000x16xf32, #tpu.memory_space<hbm>>
    tpu.wait_indirect_dma semaphore(%arg12 : memref<!tpu.dma_semaphore, #tpu.memory_space<semaphore_mem>>) src(%dma_wait3A_248 : memref<10000x16xf32, #tpu.memory_space<hbm>>) dst(%dma_wait3A_243 : memref<1024x16xf32, #tpu.memory_space<vmem>>)
    %dma_start3A_249 = arith.constant 1 : i32
    %dma_start3A_250 = arith.constant 0 : i32
    %dma_start3A_251 = arith.constant 0 : i32
    %dma_start3A_252 = tpu.memref_slice %arg8[%dma_start3A_249, %dma_start3A_250, %dma_start3A_251] : memref<2x1024x16xf32, #tpu.memory_space<vmem>> -> memref<1x1024x16xf32, #tpu.memory_space<vmem>>
    %dma_start3A_253 = tpu.memref_squeeze %dma_start3A_252 : memref<1x1024x16xf32, #tpu.memory_space<vmem>> -> memref<1024x16xf32, #tpu.memory_space<vmem>>
    %dma_start3A_254 = arith.constant 5120 : i32
    %dma_start3A_255 = tpu.memref_slice %arg6[%dma_start3A_254] : memref<10112xi32, #tpu.memory_space<vmem>> -> memref<1024xi32, #tpu.memory_space<vmem>>
    %dma_start3A_256 = arith.constant 0 : i32
    %dma_start3A_257 = arith.constant 0 : i32
    %dma_start3A_258 = tpu.memref_slice %arg4[%dma_start3A_256, %dma_start3A_257] : memref<10000x16xf32, #tpu.memory_space<hbm>> -> memref<10000x16xf32, #tpu.memory_space<hbm>>
    tpu.enqueue_indirect_dma source(%dma_start3A_258 : memref<10000x16xf32, #tpu.memory_space<hbm>>) target(%dma_start3A_253 : memref<1024x16xf32, #tpu.memory_space<vmem>>) offsets(%dma_start3A_255 : memref<1024xi32, #tpu.memory_space<vmem>>) semaphore(%arg13 : memref<!tpu.dma_semaphore, #tpu.memory_space<semaphore_mem>>)
    %scan3A_259 = arith.constant 0 : i32
    %scan3A_260 = arith.constant 4 : i32
    %scan3A_261 = arith.addi %scan3A_259, %scan3A_260 : i32
    %scan3A_262 = arith.constant 1 : i32
    scf.for %scan3A_552 = %scan3A_259 to %scan3A_261 step %scan3A_262  : i32 {
      %mul3A_553 = arith.constant 1 : i32
      %mul3A_554 = arith.muli %scan3A_552, %mul3A_553 : i32
      %add3A_555 = arith.constant 0 : i32
      %add3A_556 = arith.addi %add3A_555, %mul3A_554 : i32
      %ge3A = arith.constant 1 : i32
      %ge3A_557 = arith.cmpi sge, %add3A_556, %ge3A : i32
      %convert_element_type3A = arith.extui %ge3A_557 : i1 to i32
      %cond3A = arith.constant 0 : i32
      %cond3A_558 = arith.cmpi ne, %convert_element_type3A, %cond3A : i32
      scf.if %cond3A_558 {
        %dma_wait3A_593 = arith.constant 0 : i32
        %dma_wait3A_594 = arith.constant 0 : i32
        %dma_wait3A_595 = arith.constant 0 : i32
        %dma_wait3A_596 = arith.constant 0 : i32
        %dma_wait3A_597 = tpu.memref_slice %arg8[%dma_wait3A_593, %dma_wait3A_595, %dma_wait3A_596] : memref<2x1024x16xf32, #tpu.memory_space<vmem>> -> memref<1x128x16xf32, #tpu.memory_space<vmem>>
        %dma_wait3A_598 = tpu.memref_squeeze %dma_wait3A_597 : memref<1x128x16xf32, #tpu.memory_space<vmem>> -> memref<128x16xf32, #tpu.memory_space<vmem>>
        %dma_wait3A_599 = arith.constant 0 : i32
        %dma_wait3A_600 = tpu.memref_slice %arg7[%dma_wait3A_594, %dma_wait3A_599] : memref<79x128xi32, #tpu.memory_space<vmem>> -> memref<1x128xi32, #tpu.memory_space<vmem>>
        %dma_wait3A_601 = tpu.memref_squeeze %dma_wait3A_600 : memref<1x128xi32, #tpu.memory_space<vmem>> -> memref<128xi32, #tpu.memory_space<vmem>>
        %dma_wait3A_602 = arith.constant 0 : i32
        %dma_wait3A_603 = arith.constant 0 : i32
        %dma_wait3A_604 = tpu.memref_slice %arg10[%dma_wait3A_602, %dma_wait3A_603] : memref<10240x16xf32, #tpu.memory_space<vmem_shared>> -> memref<10240x16xf32, #tpu.memory_space<vmem_shared>>
        tpu.wait_indirect_dma semaphore(%arg14 : memref<!tpu.dma_semaphore, #tpu.memory_space<semaphore_mem>>) src(%dma_wait3A_598 : memref<128x16xf32, #tpu.memory_space<vmem>>) dst(%dma_wait3A_604 : memref<10240x16xf32, #tpu.memory_space<vmem_shared>>)
        %dma_wait3A_605 = arith.constant 0 : i32
        %dma_wait3A_606 = arith.constant 0 : i32
        %dma_wait3A_607 = arith.constant 0 : i32
        %dma_wait3A_608 = arith.constant 0 : i32
        %dma_wait3A_609 = tpu.memref_slice %arg8[%dma_wait3A_605, %dma_wait3A_607, %dma_wait3A_608] : memref<2x1024x16xf32, #tpu.memory_space<vmem>> -> memref<1x128x16xf32, #tpu.memory_space<vmem>>
        %dma_wait3A_610 = tpu.memref_squeeze %dma_wait3A_609 : memref<1x128x16xf32, #tpu.memory_space<vmem>> -> memref<128x16xf32, #tpu.memory_space<vmem>>
        %dma_wait3A_611 = arith.constant 0 : i32
        %dma_wait3A_612 = tpu.memref_slice %arg7[%dma_wait3A_606, %dma_wait3A_611] : memref<79x128xi32, #tpu.memory_space<vmem>> -> memref<1x128xi32, #tpu.memory_space<vmem>>
        %dma_wait3A_613 = tpu.memref_squeeze %dma_wait3A_612 : memref<1x128xi32, #tpu.memory_space<vmem>> -> memref<128xi32, #tpu.memory_space<vmem>>
        %dma_wait3A_614 = arith.constant 0 : i32
        %dma_wait3A_615 = arith.constant 0 : i32
        %dma_wait3A_616 = tpu.memref_slice %arg10[%dma_wait3A_614, %dma_wait3A_615] : memref<10240x16xf32, #tpu.memory_space<vmem_shared>> -> memref<10240x16xf32, #tpu.memory_space<vmem_shared>>
        tpu.wait_indirect_dma semaphore(%arg15 : memref<!tpu.dma_semaphore, #tpu.memory_space<semaphore_mem>>) src(%dma_wait3A_610 : memref<128x16xf32, #tpu.memory_space<vmem>>) dst(%dma_wait3A_616 : memref<10240x16xf32, #tpu.memory_space<vmem_shared>>)
      } else {
      }
      %mul3A_559 = arith.constant 2 : i32
      %mul3A_560 = arith.muli %mul3A_559, %add3A_556 : i32
      %mul3A_561 = arith.constant 128 : i32
      %mul3A_562 = arith.muli %mul3A_560, %mul3A_561 : i32
      %add3A_563 = arith.constant 32 : i32
      %add3A_564 = arith.addi %add3A_563, %mul3A_560 : i32
      %dma_start3A_565 = arith.constant 0 : i32
      %dma_start3A_566 = arith.constant 0 : i32
      %dma_start3A_567 = tpu.memref_slice %arg8[%dma_start3A_565, %mul3A_562, %dma_start3A_566] : memref<2x1024x16xf32, #tpu.memory_space<vmem>> -> memref<1x128x16xf32, #tpu.memory_space<vmem>>
      %dma_start3A_568 = tpu.memref_squeeze %dma_start3A_567 : memref<1x128x16xf32, #tpu.memory_space<vmem>> -> memref<128x16xf32, #tpu.memory_space<vmem>>
      %dma_start3A_569 = arith.constant 0 : i32
      %dma_start3A_570 = tpu.memref_slice %arg7[%add3A_564, %dma_start3A_569] : memref<79x128xi32, #tpu.memory_space<vmem>> -> memref<1x128xi32, #tpu.memory_space<vmem>>
      %dma_start3A_571 = tpu.memref_squeeze %dma_start3A_570 : memref<1x128xi32, #tpu.memory_space<vmem>> -> memref<128xi32, #tpu.memory_space<vmem>>
      %dma_start3A_572 = arith.constant 0 : i32
      %dma_start3A_573 = arith.constant 0 : i32
      %dma_start3A_574 = tpu.memref_slice %arg10[%dma_start3A_572, %dma_start3A_573] : memref<10240x16xf32, #tpu.memory_space<vmem_shared>> -> memref<10240x16xf32, #tpu.memory_space<vmem_shared>>
      tpu.enqueue_indirect_dma source(%dma_start3A_568 : memref<128x16xf32, #tpu.memory_space<vmem>>) target(%dma_start3A_574 : memref<10240x16xf32, #tpu.memory_space<vmem_shared>>) offsets(%dma_start3A_571 : memref<128xi32, #tpu.memory_space<vmem>>) semaphore(%arg14 : memref<!tpu.dma_semaphore, #tpu.memory_space<semaphore_mem>>) {add = true}
      %mul3A_575 = arith.constant 2 : i32
      %mul3A_576 = arith.muli %mul3A_575, %add3A_556 : i32
      %add3A_577 = arith.constant 1 : i32
      %add3A_578 = arith.addi %mul3A_576, %add3A_577 : i32
      %mul3A_579 = arith.constant 128 : i32
      %mul3A_580 = arith.muli %add3A_578, %mul3A_579 : i32
      %add3A_581 = arith.constant 32 : i32
      %add3A_582 = arith.addi %add3A_581, %add3A_578 : i32
      %dma_start3A_583 = arith.constant 0 : i32
      %dma_start3A_584 = arith.constant 0 : i32
      %dma_start3A_585 = tpu.memref_slice %arg8[%dma_start3A_583, %mul3A_580, %dma_start3A_584] : memref<2x1024x16xf32, #tpu.memory_space<vmem>> -> memref<1x128x16xf32, #tpu.memory_space<vmem>>
      %dma_start3A_586 = tpu.memref_squeeze %dma_start3A_585 : memref<1x128x16xf32, #tpu.memory_space<vmem>> -> memref<128x16xf32, #tpu.memory_space<vmem>>
      %dma_start3A_587 = arith.constant 0 : i32
      %dma_start3A_588 = tpu.memref_slice %arg7[%add3A_582, %dma_start3A_587] : memref<79x128xi32, #tpu.memory_space<vmem>> -> memref<1x128xi32, #tpu.memory_space<vmem>>
      %dma_start3A_589 = tpu.memref_squeeze %dma_start3A_588 : memref<1x128xi32, #tpu.memory_space<vmem>> -> memref<128xi32, #tpu.memory_space<vmem>>
      %dma_start3A_590 = arith.constant 0 : i32
      %dma_start3A_591 = arith.constant 0 : i32
      %dma_start3A_592 = tpu.memref_slice %arg10[%dma_start3A_590, %dma_start3A_591] : memref<10240x16xf32, #tpu.memory_space<vmem_shared>> -> memref<10240x16xf32, #tpu.memory_space<vmem_shared>>
      tpu.enqueue_indirect_dma source(%dma_start3A_586 : memref<128x16xf32, #tpu.memory_space<vmem>>) target(%dma_start3A_592 : memref<10240x16xf32, #tpu.memory_space<vmem_shared>>) offsets(%dma_start3A_589 : memref<128xi32, #tpu.memory_space<vmem>>) semaphore(%arg15 : memref<!tpu.dma_semaphore, #tpu.memory_space<semaphore_mem>>) {add = true}
    }
    %scan3A_263 = arith.constant 4 : i32
    %dma_wait3A_264 = arith.constant 0 : i32
    %dma_wait3A_265 = arith.constant 0 : i32
    %dma_wait3A_266 = arith.constant 0 : i32
    %dma_wait3A_267 = arith.constant 0 : i32
    %dma_wait3A_268 = tpu.memref_slice %arg8[%dma_wait3A_264, %dma_wait3A_266, %dma_wait3A_267] : memref<2x1024x16xf32, #tpu.memory_space<vmem>> -> memref<1x128x16xf32, #tpu.memory_space<vmem>>
    %dma_wait3A_269 = tpu.memref_squeeze %dma_wait3A_268 : memref<1x128x16xf32, #tpu.memory_space<vmem>> -> memref<128x16xf32, #tpu.memory_space<vmem>>
    %dma_wait3A_270 = arith.constant 0 : i32
    %dma_wait3A_271 = tpu.memref_slice %arg7[%dma_wait3A_265, %dma_wait3A_270] : memref<79x128xi32, #tpu.memory_space<vmem>> -> memref<1x128xi32, #tpu.memory_space<vmem>>
    %dma_wait3A_272 = tpu.memref_squeeze %dma_wait3A_271 : memref<1x128xi32, #tpu.memory_space<vmem>> -> memref<128xi32, #tpu.memory_space<vmem>>
    %dma_wait3A_273 = arith.constant 0 : i32
    %dma_wait3A_274 = arith.constant 0 : i32
    %dma_wait3A_275 = tpu.memref_slice %arg10[%dma_wait3A_273, %dma_wait3A_274] : memref<10240x16xf32, #tpu.memory_space<vmem_shared>> -> memref<10240x16xf32, #tpu.memory_space<vmem_shared>>
    tpu.wait_indirect_dma semaphore(%arg14 : memref<!tpu.dma_semaphore, #tpu.memory_space<semaphore_mem>>) src(%dma_wait3A_269 : memref<128x16xf32, #tpu.memory_space<vmem>>) dst(%dma_wait3A_275 : memref<10240x16xf32, #tpu.memory_space<vmem_shared>>)
    %dma_wait3A_276 = arith.constant 0 : i32
    %dma_wait3A_277 = arith.constant 0 : i32
    %dma_wait3A_278 = arith.constant 0 : i32
    %dma_wait3A_279 = arith.constant 0 : i32
    %dma_wait3A_280 = tpu.memref_slice %arg8[%dma_wait3A_276, %dma_wait3A_278, %dma_wait3A_279] : memref<2x1024x16xf32, #tpu.memory_space<vmem>> -> memref<1x128x16xf32, #tpu.memory_space<vmem>>
    %dma_wait3A_281 = tpu.memref_squeeze %dma_wait3A_280 : memref<1x128x16xf32, #tpu.memory_space<vmem>> -> memref<128x16xf32, #tpu.memory_space<vmem>>
    %dma_wait3A_282 = arith.constant 0 : i32
    %dma_wait3A_283 = tpu.memref_slice %arg7[%dma_wait3A_277, %dma_wait3A_282] : memref<79x128xi32, #tpu.memory_space<vmem>> -> memref<1x128xi32, #tpu.memory_space<vmem>>
    %dma_wait3A_284 = tpu.memref_squeeze %dma_wait3A_283 : memref<1x128xi32, #tpu.memory_space<vmem>> -> memref<128xi32, #tpu.memory_space<vmem>>
    %dma_wait3A_285 = arith.constant 0 : i32
    %dma_wait3A_286 = arith.constant 0 : i32
    %dma_wait3A_287 = tpu.memref_slice %arg10[%dma_wait3A_285, %dma_wait3A_286] : memref<10240x16xf32, #tpu.memory_space<vmem_shared>> -> memref<10240x16xf32, #tpu.memory_space<vmem_shared>>
    tpu.wait_indirect_dma semaphore(%arg15 : memref<!tpu.dma_semaphore, #tpu.memory_space<semaphore_mem>>) src(%dma_wait3A_281 : memref<128x16xf32, #tpu.memory_space<vmem>>) dst(%dma_wait3A_287 : memref<10240x16xf32, #tpu.memory_space<vmem_shared>>)
    %dma_wait3A_288 = arith.constant 1 : i32
    %dma_wait3A_289 = arith.constant 0 : i32
    %dma_wait3A_290 = arith.constant 0 : i32
    %dma_wait3A_291 = tpu.memref_slice %arg8[%dma_wait3A_288, %dma_wait3A_289, %dma_wait3A_290] : memref<2x1024x16xf32, #tpu.memory_space<vmem>> -> memref<1x1024x16xf32, #tpu.memory_space<vmem>>
    %dma_wait3A_292 = tpu.memref_squeeze %dma_wait3A_291 : memref<1x1024x16xf32, #tpu.memory_space<vmem>> -> memref<1024x16xf32, #tpu.memory_space<vmem>>
    %dma_wait3A_293 = arith.constant 0 : i32
    %dma_wait3A_294 = tpu.memref_slice %arg6[%dma_wait3A_293] : memref<10112xi32, #tpu.memory_space<vmem>> -> memref<1024xi32, #tpu.memory_space<vmem>>
    %dma_wait3A_295 = arith.constant 0 : i32
    %dma_wait3A_296 = arith.constant 0 : i32
    %dma_wait3A_297 = tpu.memref_slice %arg4[%dma_wait3A_295, %dma_wait3A_296] : memref<10000x16xf32, #tpu.memory_space<hbm>> -> memref<10000x16xf32, #tpu.memory_space<hbm>>
    tpu.wait_indirect_dma semaphore(%arg13 : memref<!tpu.dma_semaphore, #tpu.memory_space<semaphore_mem>>) src(%dma_wait3A_297 : memref<10000x16xf32, #tpu.memory_space<hbm>>) dst(%dma_wait3A_292 : memref<1024x16xf32, #tpu.memory_space<vmem>>)
    %dma_start3A_298 = arith.constant 0 : i32
    %dma_start3A_299 = arith.constant 0 : i32
    %dma_start3A_300 = arith.constant 0 : i32
    %dma_start3A_301 = tpu.memref_slice %arg8[%dma_start3A_298, %dma_start3A_299, %dma_start3A_300] : memref<2x1024x16xf32, #tpu.memory_space<vmem>> -> memref<1x1024x16xf32, #tpu.memory_space<vmem>>
    %dma_start3A_302 = tpu.memref_squeeze %dma_start3A_301 : memref<1x1024x16xf32, #tpu.memory_space<vmem>> -> memref<1024x16xf32, #tpu.memory_space<vmem>>
    %dma_start3A_303 = arith.constant 6144 : i32
    %dma_start3A_304 = tpu.memref_slice %arg6[%dma_start3A_303] : memref<10112xi32, #tpu.memory_space<vmem>> -> memref<1024xi32, #tpu.memory_space<vmem>>
    %dma_start3A_305 = arith.constant 0 : i32
    %dma_start3A_306 = arith.constant 0 : i32
    %dma_start3A_307 = tpu.memref_slice %arg4[%dma_start3A_305, %dma_start3A_306] : memref<10000x16xf32, #tpu.memory_space<hbm>> -> memref<10000x16xf32, #tpu.memory_space<hbm>>
    tpu.enqueue_indirect_dma source(%dma_start3A_307 : memref<10000x16xf32, #tpu.memory_space<hbm>>) target(%dma_start3A_302 : memref<1024x16xf32, #tpu.memory_space<vmem>>) offsets(%dma_start3A_304 : memref<1024xi32, #tpu.memory_space<vmem>>) semaphore(%arg12 : memref<!tpu.dma_semaphore, #tpu.memory_space<semaphore_mem>>)
    %scan3A_308 = arith.constant 0 : i32
    %scan3A_309 = arith.constant 4 : i32
    %scan3A_310 = arith.addi %scan3A_308, %scan3A_309 : i32
    %scan3A_311 = arith.constant 1 : i32
    scf.for %scan3A_552 = %scan3A_308 to %scan3A_310 step %scan3A_311  : i32 {
      %mul3A_553 = arith.constant 1 : i32
      %mul3A_554 = arith.muli %scan3A_552, %mul3A_553 : i32
      %add3A_555 = arith.constant 0 : i32
      %add3A_556 = arith.addi %add3A_555, %mul3A_554 : i32
      %ge3A = arith.constant 1 : i32
      %ge3A_557 = arith.cmpi sge, %add3A_556, %ge3A : i32
      %convert_element_type3A = arith.extui %ge3A_557 : i1 to i32
      %cond3A = arith.constant 0 : i32
      %cond3A_558 = arith.cmpi ne, %convert_element_type3A, %cond3A : i32
      scf.if %cond3A_558 {
        %dma_wait3A_593 = arith.constant 1 : i32
        %dma_wait3A_594 = arith.constant 0 : i32
        %dma_wait3A_595 = arith.constant 0 : i32
        %dma_wait3A_596 = arith.constant 0 : i32
        %dma_wait3A_597 = tpu.memref_slice %arg8[%dma_wait3A_593, %dma_wait3A_595, %dma_wait3A_596] : memref<2x1024x16xf32, #tpu.memory_space<vmem>> -> memref<1x128x16xf32, #tpu.memory_space<vmem>>
        %dma_wait3A_598 = tpu.memref_squeeze %dma_wait3A_597 : memref<1x128x16xf32, #tpu.memory_space<vmem>> -> memref<128x16xf32, #tpu.memory_space<vmem>>
        %dma_wait3A_599 = arith.constant 0 : i32
        %dma_wait3A_600 = tpu.memref_slice %arg7[%dma_wait3A_594, %dma_wait3A_599] : memref<79x128xi32, #tpu.memory_space<vmem>> -> memref<1x128xi32, #tpu.memory_space<vmem>>
        %dma_wait3A_601 = tpu.memref_squeeze %dma_wait3A_600 : memref<1x128xi32, #tpu.memory_space<vmem>> -> memref<128xi32, #tpu.memory_space<vmem>>
        %dma_wait3A_602 = arith.constant 0 : i32
        %dma_wait3A_603 = arith.constant 0 : i32
        %dma_wait3A_604 = tpu.memref_slice %arg10[%dma_wait3A_602, %dma_wait3A_603] : memref<10240x16xf32, #tpu.memory_space<vmem_shared>> -> memref<10240x16xf32, #tpu.memory_space<vmem_shared>>
        tpu.wait_indirect_dma semaphore(%arg14 : memref<!tpu.dma_semaphore, #tpu.memory_space<semaphore_mem>>) src(%dma_wait3A_598 : memref<128x16xf32, #tpu.memory_space<vmem>>) dst(%dma_wait3A_604 : memref<10240x16xf32, #tpu.memory_space<vmem_shared>>)
        %dma_wait3A_605 = arith.constant 1 : i32
        %dma_wait3A_606 = arith.constant 0 : i32
        %dma_wait3A_607 = arith.constant 0 : i32
        %dma_wait3A_608 = arith.constant 0 : i32
        %dma_wait3A_609 = tpu.memref_slice %arg8[%dma_wait3A_605, %dma_wait3A_607, %dma_wait3A_608] : memref<2x1024x16xf32, #tpu.memory_space<vmem>> -> memref<1x128x16xf32, #tpu.memory_space<vmem>>
        %dma_wait3A_610 = tpu.memref_squeeze %dma_wait3A_609 : memref<1x128x16xf32, #tpu.memory_space<vmem>> -> memref<128x16xf32, #tpu.memory_space<vmem>>
        %dma_wait3A_611 = arith.constant 0 : i32
        %dma_wait3A_612 = tpu.memref_slice %arg7[%dma_wait3A_606, %dma_wait3A_611] : memref<79x128xi32, #tpu.memory_space<vmem>> -> memref<1x128xi32, #tpu.memory_space<vmem>>
        %dma_wait3A_613 = tpu.memref_squeeze %dma_wait3A_612 : memref<1x128xi32, #tpu.memory_space<vmem>> -> memref<128xi32, #tpu.memory_space<vmem>>
        %dma_wait3A_614 = arith.constant 0 : i32
        %dma_wait3A_615 = arith.constant 0 : i32
        %dma_wait3A_616 = tpu.memref_slice %arg10[%dma_wait3A_614, %dma_wait3A_615] : memref<10240x16xf32, #tpu.memory_space<vmem_shared>> -> memref<10240x16xf32, #tpu.memory_space<vmem_shared>>
        tpu.wait_indirect_dma semaphore(%arg15 : memref<!tpu.dma_semaphore, #tpu.memory_space<semaphore_mem>>) src(%dma_wait3A_610 : memref<128x16xf32, #tpu.memory_space<vmem>>) dst(%dma_wait3A_616 : memref<10240x16xf32, #tpu.memory_space<vmem_shared>>)
      } else {
      }
      %mul3A_559 = arith.constant 2 : i32
      %mul3A_560 = arith.muli %mul3A_559, %add3A_556 : i32
      %mul3A_561 = arith.constant 128 : i32
      %mul3A_562 = arith.muli %mul3A_560, %mul3A_561 : i32
      %add3A_563 = arith.constant 40 : i32
      %add3A_564 = arith.addi %add3A_563, %mul3A_560 : i32
      %dma_start3A_565 = arith.constant 1 : i32
      %dma_start3A_566 = arith.constant 0 : i32
      %dma_start3A_567 = tpu.memref_slice %arg8[%dma_start3A_565, %mul3A_562, %dma_start3A_566] : memref<2x1024x16xf32, #tpu.memory_space<vmem>> -> memref<1x128x16xf32, #tpu.memory_space<vmem>>
      %dma_start3A_568 = tpu.memref_squeeze %dma_start3A_567 : memref<1x128x16xf32, #tpu.memory_space<vmem>> -> memref<128x16xf32, #tpu.memory_space<vmem>>
      %dma_start3A_569 = arith.constant 0 : i32
      %dma_start3A_570 = tpu.memref_slice %arg7[%add3A_564, %dma_start3A_569] : memref<79x128xi32, #tpu.memory_space<vmem>> -> memref<1x128xi32, #tpu.memory_space<vmem>>
      %dma_start3A_571 = tpu.memref_squeeze %dma_start3A_570 : memref<1x128xi32, #tpu.memory_space<vmem>> -> memref<128xi32, #tpu.memory_space<vmem>>
      %dma_start3A_572 = arith.constant 0 : i32
      %dma_start3A_573 = arith.constant 0 : i32
      %dma_start3A_574 = tpu.memref_slice %arg10[%dma_start3A_572, %dma_start3A_573] : memref<10240x16xf32, #tpu.memory_space<vmem_shared>> -> memref<10240x16xf32, #tpu.memory_space<vmem_shared>>
      tpu.enqueue_indirect_dma source(%dma_start3A_568 : memref<128x16xf32, #tpu.memory_space<vmem>>) target(%dma_start3A_574 : memref<10240x16xf32, #tpu.memory_space<vmem_shared>>) offsets(%dma_start3A_571 : memref<128xi32, #tpu.memory_space<vmem>>) semaphore(%arg14 : memref<!tpu.dma_semaphore, #tpu.memory_space<semaphore_mem>>) {add = true}
      %mul3A_575 = arith.constant 2 : i32
      %mul3A_576 = arith.muli %mul3A_575, %add3A_556 : i32
      %add3A_577 = arith.constant 1 : i32
      %add3A_578 = arith.addi %mul3A_576, %add3A_577 : i32
      %mul3A_579 = arith.constant 128 : i32
      %mul3A_580 = arith.muli %add3A_578, %mul3A_579 : i32
      %add3A_581 = arith.constant 40 : i32
      %add3A_582 = arith.addi %add3A_581, %add3A_578 : i32
      %dma_start3A_583 = arith.constant 1 : i32
      %dma_start3A_584 = arith.constant 0 : i32
      %dma_start3A_585 = tpu.memref_slice %arg8[%dma_start3A_583, %mul3A_580, %dma_start3A_584] : memref<2x1024x16xf32, #tpu.memory_space<vmem>> -> memref<1x128x16xf32, #tpu.memory_space<vmem>>
      %dma_start3A_586 = tpu.memref_squeeze %dma_start3A_585 : memref<1x128x16xf32, #tpu.memory_space<vmem>> -> memref<128x16xf32, #tpu.memory_space<vmem>>
      %dma_start3A_587 = arith.constant 0 : i32
      %dma_start3A_588 = tpu.memref_slice %arg7[%add3A_582, %dma_start3A_587] : memref<79x128xi32, #tpu.memory_space<vmem>> -> memref<1x128xi32, #tpu.memory_space<vmem>>
      %dma_start3A_589 = tpu.memref_squeeze %dma_start3A_588 : memref<1x128xi32, #tpu.memory_space<vmem>> -> memref<128xi32, #tpu.memory_space<vmem>>
      %dma_start3A_590 = arith.constant 0 : i32
      %dma_start3A_591 = arith.constant 0 : i32
      %dma_start3A_592 = tpu.memref_slice %arg10[%dma_start3A_590, %dma_start3A_591] : memref<10240x16xf32, #tpu.memory_space<vmem_shared>> -> memref<10240x16xf32, #tpu.memory_space<vmem_shared>>
      tpu.enqueue_indirect_dma source(%dma_start3A_586 : memref<128x16xf32, #tpu.memory_space<vmem>>) target(%dma_start3A_592 : memref<10240x16xf32, #tpu.memory_space<vmem_shared>>) offsets(%dma_start3A_589 : memref<128xi32, #tpu.memory_space<vmem>>) semaphore(%arg15 : memref<!tpu.dma_semaphore, #tpu.memory_space<semaphore_mem>>) {add = true}
    }
    %scan3A_312 = arith.constant 4 : i32
    %dma_wait3A_313 = arith.constant 1 : i32
    %dma_wait3A_314 = arith.constant 0 : i32
    %dma_wait3A_315 = arith.constant 0 : i32
    %dma_wait3A_316 = arith.constant 0 : i32
    %dma_wait3A_317 = tpu.memref_slice %arg8[%dma_wait3A_313, %dma_wait3A_315, %dma_wait3A_316] : memref<2x1024x16xf32, #tpu.memory_space<vmem>> -> memref<1x128x16xf32, #tpu.memory_space<vmem>>
    %dma_wait3A_318 = tpu.memref_squeeze %dma_wait3A_317 : memref<1x128x16xf32, #tpu.memory_space<vmem>> -> memref<128x16xf32, #tpu.memory_space<vmem>>
    %dma_wait3A_319 = arith.constant 0 : i32
    %dma_wait3A_320 = tpu.memref_slice %arg7[%dma_wait3A_314, %dma_wait3A_319] : memref<79x128xi32, #tpu.memory_space<vmem>> -> memref<1x128xi32, #tpu.memory_space<vmem>>
    %dma_wait3A_321 = tpu.memref_squeeze %dma_wait3A_320 : memref<1x128xi32, #tpu.memory_space<vmem>> -> memref<128xi32, #tpu.memory_space<vmem>>
    %dma_wait3A_322 = arith.constant 0 : i32
    %dma_wait3A_323 = arith.constant 0 : i32
    %dma_wait3A_324 = tpu.memref_slice %arg10[%dma_wait3A_322, %dma_wait3A_323] : memref<10240x16xf32, #tpu.memory_space<vmem_shared>> -> memref<10240x16xf32, #tpu.memory_space<vmem_shared>>
    tpu.wait_indirect_dma semaphore(%arg14 : memref<!tpu.dma_semaphore, #tpu.memory_space<semaphore_mem>>) src(%dma_wait3A_318 : memref<128x16xf32, #tpu.memory_space<vmem>>) dst(%dma_wait3A_324 : memref<10240x16xf32, #tpu.memory_space<vmem_shared>>)
    %dma_wait3A_325 = arith.constant 1 : i32
    %dma_wait3A_326 = arith.constant 0 : i32
    %dma_wait3A_327 = arith.constant 0 : i32
    %dma_wait3A_328 = arith.constant 0 : i32
    %dma_wait3A_329 = tpu.memref_slice %arg8[%dma_wait3A_325, %dma_wait3A_327, %dma_wait3A_328] : memref<2x1024x16xf32, #tpu.memory_space<vmem>> -> memref<1x128x16xf32, #tpu.memory_space<vmem>>
    %dma_wait3A_330 = tpu.memref_squeeze %dma_wait3A_329 : memref<1x128x16xf32, #tpu.memory_space<vmem>> -> memref<128x16xf32, #tpu.memory_space<vmem>>
    %dma_wait3A_331 = arith.constant 0 : i32
    %dma_wait3A_332 = tpu.memref_slice %arg7[%dma_wait3A_326, %dma_wait3A_331] : memref<79x128xi32, #tpu.memory_space<vmem>> -> memref<1x128xi32, #tpu.memory_space<vmem>>
    %dma_wait3A_333 = tpu.memref_squeeze %dma_wait3A_332 : memref<1x128xi32, #tpu.memory_space<vmem>> -> memref<128xi32, #tpu.memory_space<vmem>>
    %dma_wait3A_334 = arith.constant 0 : i32
    %dma_wait3A_335 = arith.constant 0 : i32
    %dma_wait3A_336 = tpu.memref_slice %arg10[%dma_wait3A_334, %dma_wait3A_335] : memref<10240x16xf32, #tpu.memory_space<vmem_shared>> -> memref<10240x16xf32, #tpu.memory_space<vmem_shared>>
    tpu.wait_indirect_dma semaphore(%arg15 : memref<!tpu.dma_semaphore, #tpu.memory_space<semaphore_mem>>) src(%dma_wait3A_330 : memref<128x16xf32, #tpu.memory_space<vmem>>) dst(%dma_wait3A_336 : memref<10240x16xf32, #tpu.memory_space<vmem_shared>>)
    %dma_wait3A_337 = arith.constant 0 : i32
    %dma_wait3A_338 = arith.constant 0 : i32
    %dma_wait3A_339 = arith.constant 0 : i32
    %dma_wait3A_340 = tpu.memref_slice %arg8[%dma_wait3A_337, %dma_wait3A_338, %dma_wait3A_339] : memref<2x1024x16xf32, #tpu.memory_space<vmem>> -> memref<1x1024x16xf32, #tpu.memory_space<vmem>>
    %dma_wait3A_341 = tpu.memref_squeeze %dma_wait3A_340 : memref<1x1024x16xf32, #tpu.memory_space<vmem>> -> memref<1024x16xf32, #tpu.memory_space<vmem>>
    %dma_wait3A_342 = arith.constant 0 : i32
    %dma_wait3A_343 = tpu.memref_slice %arg6[%dma_wait3A_342] : memref<10112xi32, #tpu.memory_space<vmem>> -> memref<1024xi32, #tpu.memory_space<vmem>>
    %dma_wait3A_344 = arith.constant 0 : i32
    %dma_wait3A_345 = arith.constant 0 : i32
    %dma_wait3A_346 = tpu.memref_slice %arg4[%dma_wait3A_344, %dma_wait3A_345] : memref<10000x16xf32, #tpu.memory_space<hbm>> -> memref<10000x16xf32, #tpu.memory_space<hbm>>
    tpu.wait_indirect_dma semaphore(%arg12 : memref<!tpu.dma_semaphore, #tpu.memory_space<semaphore_mem>>) src(%dma_wait3A_346 : memref<10000x16xf32, #tpu.memory_space<hbm>>) dst(%dma_wait3A_341 : memref<1024x16xf32, #tpu.memory_space<vmem>>)
    %dma_start3A_347 = arith.constant 1 : i32
    %dma_start3A_348 = arith.constant 0 : i32
    %dma_start3A_349 = arith.constant 0 : i32
    %dma_start3A_350 = tpu.memref_slice %arg8[%dma_start3A_347, %dma_start3A_348, %dma_start3A_349] : memref<2x1024x16xf32, #tpu.memory_space<vmem>> -> memref<1x1024x16xf32, #tpu.memory_space<vmem>>
    %dma_start3A_351 = tpu.memref_squeeze %dma_start3A_350 : memref<1x1024x16xf32, #tpu.memory_space<vmem>> -> memref<1024x16xf32, #tpu.memory_space<vmem>>
    %dma_start3A_352 = arith.constant 7168 : i32
    %dma_start3A_353 = tpu.memref_slice %arg6[%dma_start3A_352] : memref<10112xi32, #tpu.memory_space<vmem>> -> memref<1024xi32, #tpu.memory_space<vmem>>
    %dma_start3A_354 = arith.constant 0 : i32
    %dma_start3A_355 = arith.constant 0 : i32
    %dma_start3A_356 = tpu.memref_slice %arg4[%dma_start3A_354, %dma_start3A_355] : memref<10000x16xf32, #tpu.memory_space<hbm>> -> memref<10000x16xf32, #tpu.memory_space<hbm>>
    tpu.enqueue_indirect_dma source(%dma_start3A_356 : memref<10000x16xf32, #tpu.memory_space<hbm>>) target(%dma_start3A_351 : memref<1024x16xf32, #tpu.memory_space<vmem>>) offsets(%dma_start3A_353 : memref<1024xi32, #tpu.memory_space<vmem>>) semaphore(%arg13 : memref<!tpu.dma_semaphore, #tpu.memory_space<semaphore_mem>>)
    %scan3A_357 = arith.constant 0 : i32
    %scan3A_358 = arith.constant 4 : i32
    %scan3A_359 = arith.addi %scan3A_357, %scan3A_358 : i32
    %scan3A_360 = arith.constant 1 : i32
    scf.for %scan3A_552 = %scan3A_357 to %scan3A_359 step %scan3A_360  : i32 {
      %mul3A_553 = arith.constant 1 : i32
      %mul3A_554 = arith.muli %scan3A_552, %mul3A_553 : i32
      %add3A_555 = arith.constant 0 : i32
      %add3A_556 = arith.addi %add3A_555, %mul3A_554 : i32
      %ge3A = arith.constant 1 : i32
      %ge3A_557 = arith.cmpi sge, %add3A_556, %ge3A : i32
      %convert_element_type3A = arith.extui %ge3A_557 : i1 to i32
      %cond3A = arith.constant 0 : i32
      %cond3A_558 = arith.cmpi ne, %convert_element_type3A, %cond3A : i32
      scf.if %cond3A_558 {
        %dma_wait3A_593 = arith.constant 0 : i32
        %dma_wait3A_594 = arith.constant 0 : i32
        %dma_wait3A_595 = arith.constant 0 : i32
        %dma_wait3A_596 = arith.constant 0 : i32
        %dma_wait3A_597 = tpu.memref_slice %arg8[%dma_wait3A_593, %dma_wait3A_595, %dma_wait3A_596] : memref<2x1024x16xf32, #tpu.memory_space<vmem>> -> memref<1x128x16xf32, #tpu.memory_space<vmem>>
        %dma_wait3A_598 = tpu.memref_squeeze %dma_wait3A_597 : memref<1x128x16xf32, #tpu.memory_space<vmem>> -> memref<128x16xf32, #tpu.memory_space<vmem>>
        %dma_wait3A_599 = arith.constant 0 : i32
        %dma_wait3A_600 = tpu.memref_slice %arg7[%dma_wait3A_594, %dma_wait3A_599] : memref<79x128xi32, #tpu.memory_space<vmem>> -> memref<1x128xi32, #tpu.memory_space<vmem>>
        %dma_wait3A_601 = tpu.memref_squeeze %dma_wait3A_600 : memref<1x128xi32, #tpu.memory_space<vmem>> -> memref<128xi32, #tpu.memory_space<vmem>>
        %dma_wait3A_602 = arith.constant 0 : i32
        %dma_wait3A_603 = arith.constant 0 : i32
        %dma_wait3A_604 = tpu.memref_slice %arg10[%dma_wait3A_602, %dma_wait3A_603] : memref<10240x16xf32, #tpu.memory_space<vmem_shared>> -> memref<10240x16xf32, #tpu.memory_space<vmem_shared>>
        tpu.wait_indirect_dma semaphore(%arg14 : memref<!tpu.dma_semaphore, #tpu.memory_space<semaphore_mem>>) src(%dma_wait3A_598 : memref<128x16xf32, #tpu.memory_space<vmem>>) dst(%dma_wait3A_604 : memref<10240x16xf32, #tpu.memory_space<vmem_shared>>)
        %dma_wait3A_605 = arith.constant 0 : i32
        %dma_wait3A_606 = arith.constant 0 : i32
        %dma_wait3A_607 = arith.constant 0 : i32
        %dma_wait3A_608 = arith.constant 0 : i32
        %dma_wait3A_609 = tpu.memref_slice %arg8[%dma_wait3A_605, %dma_wait3A_607, %dma_wait3A_608] : memref<2x1024x16xf32, #tpu.memory_space<vmem>> -> memref<1x128x16xf32, #tpu.memory_space<vmem>>
        %dma_wait3A_610 = tpu.memref_squeeze %dma_wait3A_609 : memref<1x128x16xf32, #tpu.memory_space<vmem>> -> memref<128x16xf32, #tpu.memory_space<vmem>>
        %dma_wait3A_611 = arith.constant 0 : i32
        %dma_wait3A_612 = tpu.memref_slice %arg7[%dma_wait3A_606, %dma_wait3A_611] : memref<79x128xi32, #tpu.memory_space<vmem>> -> memref<1x128xi32, #tpu.memory_space<vmem>>
        %dma_wait3A_613 = tpu.memref_squeeze %dma_wait3A_612 : memref<1x128xi32, #tpu.memory_space<vmem>> -> memref<128xi32, #tpu.memory_space<vmem>>
        %dma_wait3A_614 = arith.constant 0 : i32
        %dma_wait3A_615 = arith.constant 0 : i32
        %dma_wait3A_616 = tpu.memref_slice %arg10[%dma_wait3A_614, %dma_wait3A_615] : memref<10240x16xf32, #tpu.memory_space<vmem_shared>> -> memref<10240x16xf32, #tpu.memory_space<vmem_shared>>
        tpu.wait_indirect_dma semaphore(%arg15 : memref<!tpu.dma_semaphore, #tpu.memory_space<semaphore_mem>>) src(%dma_wait3A_610 : memref<128x16xf32, #tpu.memory_space<vmem>>) dst(%dma_wait3A_616 : memref<10240x16xf32, #tpu.memory_space<vmem_shared>>)
      } else {
      }
      %mul3A_559 = arith.constant 2 : i32
      %mul3A_560 = arith.muli %mul3A_559, %add3A_556 : i32
      %mul3A_561 = arith.constant 128 : i32
      %mul3A_562 = arith.muli %mul3A_560, %mul3A_561 : i32
      %add3A_563 = arith.constant 48 : i32
      %add3A_564 = arith.addi %add3A_563, %mul3A_560 : i32
      %dma_start3A_565 = arith.constant 0 : i32
      %dma_start3A_566 = arith.constant 0 : i32
      %dma_start3A_567 = tpu.memref_slice %arg8[%dma_start3A_565, %mul3A_562, %dma_start3A_566] : memref<2x1024x16xf32, #tpu.memory_space<vmem>> -> memref<1x128x16xf32, #tpu.memory_space<vmem>>
      %dma_start3A_568 = tpu.memref_squeeze %dma_start3A_567 : memref<1x128x16xf32, #tpu.memory_space<vmem>> -> memref<128x16xf32, #tpu.memory_space<vmem>>
      %dma_start3A_569 = arith.constant 0 : i32
      %dma_start3A_570 = tpu.memref_slice %arg7[%add3A_564, %dma_start3A_569] : memref<79x128xi32, #tpu.memory_space<vmem>> -> memref<1x128xi32, #tpu.memory_space<vmem>>
      %dma_start3A_571 = tpu.memref_squeeze %dma_start3A_570 : memref<1x128xi32, #tpu.memory_space<vmem>> -> memref<128xi32, #tpu.memory_space<vmem>>
      %dma_start3A_572 = arith.constant 0 : i32
      %dma_start3A_573 = arith.constant 0 : i32
      %dma_start3A_574 = tpu.memref_slice %arg10[%dma_start3A_572, %dma_start3A_573] : memref<10240x16xf32, #tpu.memory_space<vmem_shared>> -> memref<10240x16xf32, #tpu.memory_space<vmem_shared>>
      tpu.enqueue_indirect_dma source(%dma_start3A_568 : memref<128x16xf32, #tpu.memory_space<vmem>>) target(%dma_start3A_574 : memref<10240x16xf32, #tpu.memory_space<vmem_shared>>) offsets(%dma_start3A_571 : memref<128xi32, #tpu.memory_space<vmem>>) semaphore(%arg14 : memref<!tpu.dma_semaphore, #tpu.memory_space<semaphore_mem>>) {add = true}
      %mul3A_575 = arith.constant 2 : i32
      %mul3A_576 = arith.muli %mul3A_575, %add3A_556 : i32
      %add3A_577 = arith.constant 1 : i32
      %add3A_578 = arith.addi %mul3A_576, %add3A_577 : i32
      %mul3A_579 = arith.constant 128 : i32
      %mul3A_580 = arith.muli %add3A_578, %mul3A_579 : i32
      %add3A_581 = arith.constant 48 : i32
      %add3A_582 = arith.addi %add3A_581, %add3A_578 : i32
      %dma_start3A_583 = arith.constant 0 : i32
      %dma_start3A_584 = arith.constant 0 : i32
      %dma_start3A_585 = tpu.memref_slice %arg8[%dma_start3A_583, %mul3A_580, %dma_start3A_584] : memref<2x1024x16xf32, #tpu.memory_space<vmem>> -> memref<1x128x16xf32, #tpu.memory_space<vmem>>
      %dma_start3A_586 = tpu.memref_squeeze %dma_start3A_585 : memref<1x128x16xf32, #tpu.memory_space<vmem>> -> memref<128x16xf32, #tpu.memory_space<vmem>>
      %dma_start3A_587 = arith.constant 0 : i32
      %dma_start3A_588 = tpu.memref_slice %arg7[%add3A_582, %dma_start3A_587] : memref<79x128xi32, #tpu.memory_space<vmem>> -> memref<1x128xi32, #tpu.memory_space<vmem>>
      %dma_start3A_589 = tpu.memref_squeeze %dma_start3A_588 : memref<1x128xi32, #tpu.memory_space<vmem>> -> memref<128xi32, #tpu.memory_space<vmem>>
      %dma_start3A_590 = arith.constant 0 : i32
      %dma_start3A_591 = arith.constant 0 : i32
      %dma_start3A_592 = tpu.memref_slice %arg10[%dma_start3A_590, %dma_start3A_591] : memref<10240x16xf32, #tpu.memory_space<vmem_shared>> -> memref<10240x16xf32, #tpu.memory_space<vmem_shared>>
      tpu.enqueue_indirect_dma source(%dma_start3A_586 : memref<128x16xf32, #tpu.memory_space<vmem>>) target(%dma_start3A_592 : memref<10240x16xf32, #tpu.memory_space<vmem_shared>>) offsets(%dma_start3A_589 : memref<128xi32, #tpu.memory_space<vmem>>) semaphore(%arg15 : memref<!tpu.dma_semaphore, #tpu.memory_space<semaphore_mem>>) {add = true}
    }
    %scan3A_361 = arith.constant 4 : i32
    %dma_wait3A_362 = arith.constant 0 : i32
    %dma_wait3A_363 = arith.constant 0 : i32
    %dma_wait3A_364 = arith.constant 0 : i32
    %dma_wait3A_365 = arith.constant 0 : i32
    %dma_wait3A_366 = tpu.memref_slice %arg8[%dma_wait3A_362, %dma_wait3A_364, %dma_wait3A_365] : memref<2x1024x16xf32, #tpu.memory_space<vmem>> -> memref<1x128x16xf32, #tpu.memory_space<vmem>>
    %dma_wait3A_367 = tpu.memref_squeeze %dma_wait3A_366 : memref<1x128x16xf32, #tpu.memory_space<vmem>> -> memref<128x16xf32, #tpu.memory_space<vmem>>
    %dma_wait3A_368 = arith.constant 0 : i32
    %dma_wait3A_369 = tpu.memref_slice %arg7[%dma_wait3A_363, %dma_wait3A_368] : memref<79x128xi32, #tpu.memory_space<vmem>> -> memref<1x128xi32, #tpu.memory_space<vmem>>
    %dma_wait3A_370 = tpu.memref_squeeze %dma_wait3A_369 : memref<1x128xi32, #tpu.memory_space<vmem>> -> memref<128xi32, #tpu.memory_space<vmem>>
    %dma_wait3A_371 = arith.constant 0 : i32
    %dma_wait3A_372 = arith.constant 0 : i32
    %dma_wait3A_373 = tpu.memref_slice %arg10[%dma_wait3A_371, %dma_wait3A_372] : memref<10240x16xf32, #tpu.memory_space<vmem_shared>> -> memref<10240x16xf32, #tpu.memory_space<vmem_shared>>
    tpu.wait_indirect_dma semaphore(%arg14 : memref<!tpu.dma_semaphore, #tpu.memory_space<semaphore_mem>>) src(%dma_wait3A_367 : memref<128x16xf32, #tpu.memory_space<vmem>>) dst(%dma_wait3A_373 : memref<10240x16xf32, #tpu.memory_space<vmem_shared>>)
    %dma_wait3A_374 = arith.constant 0 : i32
    %dma_wait3A_375 = arith.constant 0 : i32
    %dma_wait3A_376 = arith.constant 0 : i32
    %dma_wait3A_377 = arith.constant 0 : i32
    %dma_wait3A_378 = tpu.memref_slice %arg8[%dma_wait3A_374, %dma_wait3A_376, %dma_wait3A_377] : memref<2x1024x16xf32, #tpu.memory_space<vmem>> -> memref<1x128x16xf32, #tpu.memory_space<vmem>>
    %dma_wait3A_379 = tpu.memref_squeeze %dma_wait3A_378 : memref<1x128x16xf32, #tpu.memory_space<vmem>> -> memref<128x16xf32, #tpu.memory_space<vmem>>
    %dma_wait3A_380 = arith.constant 0 : i32
    %dma_wait3A_381 = tpu.memref_slice %arg7[%dma_wait3A_375, %dma_wait3A_380] : memref<79x128xi32, #tpu.memory_space<vmem>> -> memref<1x128xi32, #tpu.memory_space<vmem>>
    %dma_wait3A_382 = tpu.memref_squeeze %dma_wait3A_381 : memref<1x128xi32, #tpu.memory_space<vmem>> -> memref<128xi32, #tpu.memory_space<vmem>>
    %dma_wait3A_383 = arith.constant 0 : i32
    %dma_wait3A_384 = arith.constant 0 : i32
    %dma_wait3A_385 = tpu.memref_slice %arg10[%dma_wait3A_383, %dma_wait3A_384] : memref<10240x16xf32, #tpu.memory_space<vmem_shared>> -> memref<10240x16xf32, #tpu.memory_space<vmem_shared>>
    tpu.wait_indirect_dma semaphore(%arg15 : memref<!tpu.dma_semaphore, #tpu.memory_space<semaphore_mem>>) src(%dma_wait3A_379 : memref<128x16xf32, #tpu.memory_space<vmem>>) dst(%dma_wait3A_385 : memref<10240x16xf32, #tpu.memory_space<vmem_shared>>)
    %dma_wait3A_386 = arith.constant 1 : i32
    %dma_wait3A_387 = arith.constant 0 : i32
    %dma_wait3A_388 = arith.constant 0 : i32
    %dma_wait3A_389 = tpu.memref_slice %arg8[%dma_wait3A_386, %dma_wait3A_387, %dma_wait3A_388] : memref<2x1024x16xf32, #tpu.memory_space<vmem>> -> memref<1x1024x16xf32, #tpu.memory_space<vmem>>
    %dma_wait3A_390 = tpu.memref_squeeze %dma_wait3A_389 : memref<1x1024x16xf32, #tpu.memory_space<vmem>> -> memref<1024x16xf32, #tpu.memory_space<vmem>>
    %dma_wait3A_391 = arith.constant 0 : i32
    %dma_wait3A_392 = tpu.memref_slice %arg6[%dma_wait3A_391] : memref<10112xi32, #tpu.memory_space<vmem>> -> memref<1024xi32, #tpu.memory_space<vmem>>
    %dma_wait3A_393 = arith.constant 0 : i32
    %dma_wait3A_394 = arith.constant 0 : i32
    %dma_wait3A_395 = tpu.memref_slice %arg4[%dma_wait3A_393, %dma_wait3A_394] : memref<10000x16xf32, #tpu.memory_space<hbm>> -> memref<10000x16xf32, #tpu.memory_space<hbm>>
    tpu.wait_indirect_dma semaphore(%arg13 : memref<!tpu.dma_semaphore, #tpu.memory_space<semaphore_mem>>) src(%dma_wait3A_395 : memref<10000x16xf32, #tpu.memory_space<hbm>>) dst(%dma_wait3A_390 : memref<1024x16xf32, #tpu.memory_space<vmem>>)
    %dma_start3A_396 = arith.constant 0 : i32
    %dma_start3A_397 = arith.constant 0 : i32
    %dma_start3A_398 = arith.constant 0 : i32
    %dma_start3A_399 = tpu.memref_slice %arg8[%dma_start3A_396, %dma_start3A_397, %dma_start3A_398] : memref<2x1024x16xf32, #tpu.memory_space<vmem>> -> memref<1x1024x16xf32, #tpu.memory_space<vmem>>
    %dma_start3A_400 = tpu.memref_squeeze %dma_start3A_399 : memref<1x1024x16xf32, #tpu.memory_space<vmem>> -> memref<1024x16xf32, #tpu.memory_space<vmem>>
    %dma_start3A_401 = arith.constant 8192 : i32
    %dma_start3A_402 = tpu.memref_slice %arg6[%dma_start3A_401] : memref<10112xi32, #tpu.memory_space<vmem>> -> memref<1024xi32, #tpu.memory_space<vmem>>
    %dma_start3A_403 = arith.constant 0 : i32
    %dma_start3A_404 = arith.constant 0 : i32
    %dma_start3A_405 = tpu.memref_slice %arg4[%dma_start3A_403, %dma_start3A_404] : memref<10000x16xf32, #tpu.memory_space<hbm>> -> memref<10000x16xf32, #tpu.memory_space<hbm>>
    tpu.enqueue_indirect_dma source(%dma_start3A_405 : memref<10000x16xf32, #tpu.memory_space<hbm>>) target(%dma_start3A_400 : memref<1024x16xf32, #tpu.memory_space<vmem>>) offsets(%dma_start3A_402 : memref<1024xi32, #tpu.memory_space<vmem>>) semaphore(%arg12 : memref<!tpu.dma_semaphore, #tpu.memory_space<semaphore_mem>>)
    %scan3A_406 = arith.constant 0 : i32
    %scan3A_407 = arith.constant 4 : i32
    %scan3A_408 = arith.addi %scan3A_406, %scan3A_407 : i32
    %scan3A_409 = arith.constant 1 : i32
    scf.for %scan3A_552 = %scan3A_406 to %scan3A_408 step %scan3A_409  : i32 {
      %mul3A_553 = arith.constant 1 : i32
      %mul3A_554 = arith.muli %scan3A_552, %mul3A_553 : i32
      %add3A_555 = arith.constant 0 : i32
      %add3A_556 = arith.addi %add3A_555, %mul3A_554 : i32
      %ge3A = arith.constant 1 : i32
      %ge3A_557 = arith.cmpi sge, %add3A_556, %ge3A : i32
      %convert_element_type3A = arith.extui %ge3A_557 : i1 to i32
      %cond3A = arith.constant 0 : i32
      %cond3A_558 = arith.cmpi ne, %convert_element_type3A, %cond3A : i32
      scf.if %cond3A_558 {
        %dma_wait3A_593 = arith.constant 1 : i32
        %dma_wait3A_594 = arith.constant 0 : i32
        %dma_wait3A_595 = arith.constant 0 : i32
        %dma_wait3A_596 = arith.constant 0 : i32
        %dma_wait3A_597 = tpu.memref_slice %arg8[%dma_wait3A_593, %dma_wait3A_595, %dma_wait3A_596] : memref<2x1024x16xf32, #tpu.memory_space<vmem>> -> memref<1x128x16xf32, #tpu.memory_space<vmem>>
        %dma_wait3A_598 = tpu.memref_squeeze %dma_wait3A_597 : memref<1x128x16xf32, #tpu.memory_space<vmem>> -> memref<128x16xf32, #tpu.memory_space<vmem>>
        %dma_wait3A_599 = arith.constant 0 : i32
        %dma_wait3A_600 = tpu.memref_slice %arg7[%dma_wait3A_594, %dma_wait3A_599] : memref<79x128xi32, #tpu.memory_space<vmem>> -> memref<1x128xi32, #tpu.memory_space<vmem>>
        %dma_wait3A_601 = tpu.memref_squeeze %dma_wait3A_600 : memref<1x128xi32, #tpu.memory_space<vmem>> -> memref<128xi32, #tpu.memory_space<vmem>>
        %dma_wait3A_602 = arith.constant 0 : i32
        %dma_wait3A_603 = arith.constant 0 : i32
        %dma_wait3A_604 = tpu.memref_slice %arg10[%dma_wait3A_602, %dma_wait3A_603] : memref<10240x16xf32, #tpu.memory_space<vmem_shared>> -> memref<10240x16xf32, #tpu.memory_space<vmem_shared>>
        tpu.wait_indirect_dma semaphore(%arg14 : memref<!tpu.dma_semaphore, #tpu.memory_space<semaphore_mem>>) src(%dma_wait3A_598 : memref<128x16xf32, #tpu.memory_space<vmem>>) dst(%dma_wait3A_604 : memref<10240x16xf32, #tpu.memory_space<vmem_shared>>)
        %dma_wait3A_605 = arith.constant 1 : i32
        %dma_wait3A_606 = arith.constant 0 : i32
        %dma_wait3A_607 = arith.constant 0 : i32
        %dma_wait3A_608 = arith.constant 0 : i32
        %dma_wait3A_609 = tpu.memref_slice %arg8[%dma_wait3A_605, %dma_wait3A_607, %dma_wait3A_608] : memref<2x1024x16xf32, #tpu.memory_space<vmem>> -> memref<1x128x16xf32, #tpu.memory_space<vmem>>
        %dma_wait3A_610 = tpu.memref_squeeze %dma_wait3A_609 : memref<1x128x16xf32, #tpu.memory_space<vmem>> -> memref<128x16xf32, #tpu.memory_space<vmem>>
        %dma_wait3A_611 = arith.constant 0 : i32
        %dma_wait3A_612 = tpu.memref_slice %arg7[%dma_wait3A_606, %dma_wait3A_611] : memref<79x128xi32, #tpu.memory_space<vmem>> -> memref<1x128xi32, #tpu.memory_space<vmem>>
        %dma_wait3A_613 = tpu.memref_squeeze %dma_wait3A_612 : memref<1x128xi32, #tpu.memory_space<vmem>> -> memref<128xi32, #tpu.memory_space<vmem>>
        %dma_wait3A_614 = arith.constant 0 : i32
        %dma_wait3A_615 = arith.constant 0 : i32
        %dma_wait3A_616 = tpu.memref_slice %arg10[%dma_wait3A_614, %dma_wait3A_615] : memref<10240x16xf32, #tpu.memory_space<vmem_shared>> -> memref<10240x16xf32, #tpu.memory_space<vmem_shared>>
        tpu.wait_indirect_dma semaphore(%arg15 : memref<!tpu.dma_semaphore, #tpu.memory_space<semaphore_mem>>) src(%dma_wait3A_610 : memref<128x16xf32, #tpu.memory_space<vmem>>) dst(%dma_wait3A_616 : memref<10240x16xf32, #tpu.memory_space<vmem_shared>>)
      } else {
      }
      %mul3A_559 = arith.constant 2 : i32
      %mul3A_560 = arith.muli %mul3A_559, %add3A_556 : i32
      %mul3A_561 = arith.constant 128 : i32
      %mul3A_562 = arith.muli %mul3A_560, %mul3A_561 : i32
      %add3A_563 = arith.constant 56 : i32
      %add3A_564 = arith.addi %add3A_563, %mul3A_560 : i32
      %dma_start3A_565 = arith.constant 1 : i32
      %dma_start3A_566 = arith.constant 0 : i32
      %dma_start3A_567 = tpu.memref_slice %arg8[%dma_start3A_565, %mul3A_562, %dma_start3A_566] : memref<2x1024x16xf32, #tpu.memory_space<vmem>> -> memref<1x128x16xf32, #tpu.memory_space<vmem>>
      %dma_start3A_568 = tpu.memref_squeeze %dma_start3A_567 : memref<1x128x16xf32, #tpu.memory_space<vmem>> -> memref<128x16xf32, #tpu.memory_space<vmem>>
      %dma_start3A_569 = arith.constant 0 : i32
      %dma_start3A_570 = tpu.memref_slice %arg7[%add3A_564, %dma_start3A_569] : memref<79x128xi32, #tpu.memory_space<vmem>> -> memref<1x128xi32, #tpu.memory_space<vmem>>
      %dma_start3A_571 = tpu.memref_squeeze %dma_start3A_570 : memref<1x128xi32, #tpu.memory_space<vmem>> -> memref<128xi32, #tpu.memory_space<vmem>>
      %dma_start3A_572 = arith.constant 0 : i32
      %dma_start3A_573 = arith.constant 0 : i32
      %dma_start3A_574 = tpu.memref_slice %arg10[%dma_start3A_572, %dma_start3A_573] : memref<10240x16xf32, #tpu.memory_space<vmem_shared>> -> memref<10240x16xf32, #tpu.memory_space<vmem_shared>>
      tpu.enqueue_indirect_dma source(%dma_start3A_568 : memref<128x16xf32, #tpu.memory_space<vmem>>) target(%dma_start3A_574 : memref<10240x16xf32, #tpu.memory_space<vmem_shared>>) offsets(%dma_start3A_571 : memref<128xi32, #tpu.memory_space<vmem>>) semaphore(%arg14 : memref<!tpu.dma_semaphore, #tpu.memory_space<semaphore_mem>>) {add = true}
      %mul3A_575 = arith.constant 2 : i32
      %mul3A_576 = arith.muli %mul3A_575, %add3A_556 : i32
      %add3A_577 = arith.constant 1 : i32
      %add3A_578 = arith.addi %mul3A_576, %add3A_577 : i32
      %mul3A_579 = arith.constant 128 : i32
      %mul3A_580 = arith.muli %add3A_578, %mul3A_579 : i32
      %add3A_581 = arith.constant 56 : i32
      %add3A_582 = arith.addi %add3A_581, %add3A_578 : i32
      %dma_start3A_583 = arith.constant 1 : i32
      %dma_start3A_584 = arith.constant 0 : i32
      %dma_start3A_585 = tpu.memref_slice %arg8[%dma_start3A_583, %mul3A_580, %dma_start3A_584] : memref<2x1024x16xf32, #tpu.memory_space<vmem>> -> memref<1x128x16xf32, #tpu.memory_space<vmem>>
      %dma_start3A_586 = tpu.memref_squeeze %dma_start3A_585 : memref<1x128x16xf32, #tpu.memory_space<vmem>> -> memref<128x16xf32, #tpu.memory_space<vmem>>
      %dma_start3A_587 = arith.constant 0 : i32
      %dma_start3A_588 = tpu.memref_slice %arg7[%add3A_582, %dma_start3A_587] : memref<79x128xi32, #tpu.memory_space<vmem>> -> memref<1x128xi32, #tpu.memory_space<vmem>>
      %dma_start3A_589 = tpu.memref_squeeze %dma_start3A_588 : memref<1x128xi32, #tpu.memory_space<vmem>> -> memref<128xi32, #tpu.memory_space<vmem>>
      %dma_start3A_590 = arith.constant 0 : i32
      %dma_start3A_591 = arith.constant 0 : i32
      %dma_start3A_592 = tpu.memref_slice %arg10[%dma_start3A_590, %dma_start3A_591] : memref<10240x16xf32, #tpu.memory_space<vmem_shared>> -> memref<10240x16xf32, #tpu.memory_space<vmem_shared>>
      tpu.enqueue_indirect_dma source(%dma_start3A_586 : memref<128x16xf32, #tpu.memory_space<vmem>>) target(%dma_start3A_592 : memref<10240x16xf32, #tpu.memory_space<vmem_shared>>) offsets(%dma_start3A_589 : memref<128xi32, #tpu.memory_space<vmem>>) semaphore(%arg15 : memref<!tpu.dma_semaphore, #tpu.memory_space<semaphore_mem>>) {add = true}
    }
    %scan3A_410 = arith.constant 4 : i32
    %dma_wait3A_411 = arith.constant 1 : i32
    %dma_wait3A_412 = arith.constant 0 : i32
    %dma_wait3A_413 = arith.constant 0 : i32
    %dma_wait3A_414 = arith.constant 0 : i32
    %dma_wait3A_415 = tpu.memref_slice %arg8[%dma_wait3A_411, %dma_wait3A_413, %dma_wait3A_414] : memref<2x1024x16xf32, #tpu.memory_space<vmem>> -> memref<1x128x16xf32, #tpu.memory_space<vmem>>
    %dma_wait3A_416 = tpu.memref_squeeze %dma_wait3A_415 : memref<1x128x16xf32, #tpu.memory_space<vmem>> -> memref<128x16xf32, #tpu.memory_space<vmem>>
    %dma_wait3A_417 = arith.constant 0 : i32
    %dma_wait3A_418 = tpu.memref_slice %arg7[%dma_wait3A_412, %dma_wait3A_417] : memref<79x128xi32, #tpu.memory_space<vmem>> -> memref<1x128xi32, #tpu.memory_space<vmem>>
    %dma_wait3A_419 = tpu.memref_squeeze %dma_wait3A_418 : memref<1x128xi32, #tpu.memory_space<vmem>> -> memref<128xi32, #tpu.memory_space<vmem>>
    %dma_wait3A_420 = arith.constant 0 : i32
    %dma_wait3A_421 = arith.constant 0 : i32
    %dma_wait3A_422 = tpu.memref_slice %arg10[%dma_wait3A_420, %dma_wait3A_421] : memref<10240x16xf32, #tpu.memory_space<vmem_shared>> -> memref<10240x16xf32, #tpu.memory_space<vmem_shared>>
    tpu.wait_indirect_dma semaphore(%arg14 : memref<!tpu.dma_semaphore, #tpu.memory_space<semaphore_mem>>) src(%dma_wait3A_416 : memref<128x16xf32, #tpu.memory_space<vmem>>) dst(%dma_wait3A_422 : memref<10240x16xf32, #tpu.memory_space<vmem_shared>>)
    %dma_wait3A_423 = arith.constant 1 : i32
    %dma_wait3A_424 = arith.constant 0 : i32
    %dma_wait3A_425 = arith.constant 0 : i32
    %dma_wait3A_426 = arith.constant 0 : i32
    %dma_wait3A_427 = tpu.memref_slice %arg8[%dma_wait3A_423, %dma_wait3A_425, %dma_wait3A_426] : memref<2x1024x16xf32, #tpu.memory_space<vmem>> -> memref<1x128x16xf32, #tpu.memory_space<vmem>>
    %dma_wait3A_428 = tpu.memref_squeeze %dma_wait3A_427 : memref<1x128x16xf32, #tpu.memory_space<vmem>> -> memref<128x16xf32, #tpu.memory_space<vmem>>
    %dma_wait3A_429 = arith.constant 0 : i32
    %dma_wait3A_430 = tpu.memref_slice %arg7[%dma_wait3A_424, %dma_wait3A_429] : memref<79x128xi32, #tpu.memory_space<vmem>> -> memref<1x128xi32, #tpu.memory_space<vmem>>
    %dma_wait3A_431 = tpu.memref_squeeze %dma_wait3A_430 : memref<1x128xi32, #tpu.memory_space<vmem>> -> memref<128xi32, #tpu.memory_space<vmem>>
    %dma_wait3A_432 = arith.constant 0 : i32
    %dma_wait3A_433 = arith.constant 0 : i32
    %dma_wait3A_434 = tpu.memref_slice %arg10[%dma_wait3A_432, %dma_wait3A_433] : memref<10240x16xf32, #tpu.memory_space<vmem_shared>> -> memref<10240x16xf32, #tpu.memory_space<vmem_shared>>
    tpu.wait_indirect_dma semaphore(%arg15 : memref<!tpu.dma_semaphore, #tpu.memory_space<semaphore_mem>>) src(%dma_wait3A_428 : memref<128x16xf32, #tpu.memory_space<vmem>>) dst(%dma_wait3A_434 : memref<10240x16xf32, #tpu.memory_space<vmem_shared>>)
    %dma_wait3A_435 = arith.constant 0 : i32
    %dma_wait3A_436 = arith.constant 0 : i32
    %dma_wait3A_437 = arith.constant 0 : i32
    %dma_wait3A_438 = tpu.memref_slice %arg8[%dma_wait3A_435, %dma_wait3A_436, %dma_wait3A_437] : memref<2x1024x16xf32, #tpu.memory_space<vmem>> -> memref<1x1024x16xf32, #tpu.memory_space<vmem>>
    %dma_wait3A_439 = tpu.memref_squeeze %dma_wait3A_438 : memref<1x1024x16xf32, #tpu.memory_space<vmem>> -> memref<1024x16xf32, #tpu.memory_space<vmem>>
    %dma_wait3A_440 = arith.constant 0 : i32
    %dma_wait3A_441 = tpu.memref_slice %arg6[%dma_wait3A_440] : memref<10112xi32, #tpu.memory_space<vmem>> -> memref<1024xi32, #tpu.memory_space<vmem>>
    %dma_wait3A_442 = arith.constant 0 : i32
    %dma_wait3A_443 = arith.constant 0 : i32
    %dma_wait3A_444 = tpu.memref_slice %arg4[%dma_wait3A_442, %dma_wait3A_443] : memref<10000x16xf32, #tpu.memory_space<hbm>> -> memref<10000x16xf32, #tpu.memory_space<hbm>>
    tpu.wait_indirect_dma semaphore(%arg12 : memref<!tpu.dma_semaphore, #tpu.memory_space<semaphore_mem>>) src(%dma_wait3A_444 : memref<10000x16xf32, #tpu.memory_space<hbm>>) dst(%dma_wait3A_439 : memref<1024x16xf32, #tpu.memory_space<vmem>>)
    %dma_start3A_445 = arith.constant 1 : i32
    %dma_start3A_446 = arith.constant 0 : i32
    %dma_start3A_447 = arith.constant 0 : i32
    %dma_start3A_448 = tpu.memref_slice %arg8[%dma_start3A_445, %dma_start3A_446, %dma_start3A_447] : memref<2x1024x16xf32, #tpu.memory_space<vmem>> -> memref<1x896x16xf32, #tpu.memory_space<vmem>>
    %dma_start3A_449 = tpu.memref_squeeze %dma_start3A_448 : memref<1x896x16xf32, #tpu.memory_space<vmem>> -> memref<896x16xf32, #tpu.memory_space<vmem>>
    %dma_start3A_450 = arith.constant 9216 : i32
    %dma_start3A_451 = tpu.memref_slice %arg6[%dma_start3A_450] : memref<10112xi32, #tpu.memory_space<vmem>> -> memref<896xi32, #tpu.memory_space<vmem>>
    %dma_start3A_452 = arith.constant 0 : i32
    %dma_start3A_453 = arith.constant 0 : i32
    %dma_start3A_454 = tpu.memref_slice %arg4[%dma_start3A_452, %dma_start3A_453] : memref<10000x16xf32, #tpu.memory_space<hbm>> -> memref<10000x16xf32, #tpu.memory_space<hbm>>
    tpu.enqueue_indirect_dma source(%dma_start3A_454 : memref<10000x16xf32, #tpu.memory_space<hbm>>) target(%dma_start3A_449 : memref<896x16xf32, #tpu.memory_space<vmem>>) offsets(%dma_start3A_451 : memref<896xi32, #tpu.memory_space<vmem>>) semaphore(%arg13 : memref<!tpu.dma_semaphore, #tpu.memory_space<semaphore_mem>>)
    %scan3A_455 = arith.constant 0 : i32
    %scan3A_456 = arith.constant 4 : i32
    %scan3A_457 = arith.addi %scan3A_455, %scan3A_456 : i32
    %scan3A_458 = arith.constant 1 : i32
    scf.for %scan3A_552 = %scan3A_455 to %scan3A_457 step %scan3A_458  : i32 {
      %mul3A_553 = arith.constant 1 : i32
      %mul3A_554 = arith.muli %scan3A_552, %mul3A_553 : i32
      %add3A_555 = arith.constant 0 : i32
      %add3A_556 = arith.addi %add3A_555, %mul3A_554 : i32
      %ge3A = arith.constant 1 : i32
      %ge3A_557 = arith.cmpi sge, %add3A_556, %ge3A : i32
      %convert_element_type3A = arith.extui %ge3A_557 : i1 to i32
      %cond3A = arith.constant 0 : i32
      %cond3A_558 = arith.cmpi ne, %convert_element_type3A, %cond3A : i32
      scf.if %cond3A_558 {
        %dma_wait3A_593 = arith.constant 0 : i32
        %dma_wait3A_594 = arith.constant 0 : i32
        %dma_wait3A_595 = arith.constant 0 : i32
        %dma_wait3A_596 = arith.constant 0 : i32
        %dma_wait3A_597 = tpu.memref_slice %arg8[%dma_wait3A_593, %dma_wait3A_595, %dma_wait3A_596] : memref<2x1024x16xf32, #tpu.memory_space<vmem>> -> memref<1x128x16xf32, #tpu.memory_space<vmem>>
        %dma_wait3A_598 = tpu.memref_squeeze %dma_wait3A_597 : memref<1x128x16xf32, #tpu.memory_space<vmem>> -> memref<128x16xf32, #tpu.memory_space<vmem>>
        %dma_wait3A_599 = arith.constant 0 : i32
        %dma_wait3A_600 = tpu.memref_slice %arg7[%dma_wait3A_594, %dma_wait3A_599] : memref<79x128xi32, #tpu.memory_space<vmem>> -> memref<1x128xi32, #tpu.memory_space<vmem>>
        %dma_wait3A_601 = tpu.memref_squeeze %dma_wait3A_600 : memref<1x128xi32, #tpu.memory_space<vmem>> -> memref<128xi32, #tpu.memory_space<vmem>>
        %dma_wait3A_602 = arith.constant 0 : i32
        %dma_wait3A_603 = arith.constant 0 : i32
        %dma_wait3A_604 = tpu.memref_slice %arg10[%dma_wait3A_602, %dma_wait3A_603] : memref<10240x16xf32, #tpu.memory_space<vmem_shared>> -> memref<10240x16xf32, #tpu.memory_space<vmem_shared>>
        tpu.wait_indirect_dma semaphore(%arg14 : memref<!tpu.dma_semaphore, #tpu.memory_space<semaphore_mem>>) src(%dma_wait3A_598 : memref<128x16xf32, #tpu.memory_space<vmem>>) dst(%dma_wait3A_604 : memref<10240x16xf32, #tpu.memory_space<vmem_shared>>)
        %dma_wait3A_605 = arith.constant 0 : i32
        %dma_wait3A_606 = arith.constant 0 : i32
        %dma_wait3A_607 = arith.constant 0 : i32
        %dma_wait3A_608 = arith.constant 0 : i32
        %dma_wait3A_609 = tpu.memref_slice %arg8[%dma_wait3A_605, %dma_wait3A_607, %dma_wait3A_608] : memref<2x1024x16xf32, #tpu.memory_space<vmem>> -> memref<1x128x16xf32, #tpu.memory_space<vmem>>
        %dma_wait3A_610 = tpu.memref_squeeze %dma_wait3A_609 : memref<1x128x16xf32, #tpu.memory_space<vmem>> -> memref<128x16xf32, #tpu.memory_space<vmem>>
        %dma_wait3A_611 = arith.constant 0 : i32
        %dma_wait3A_612 = tpu.memref_slice %arg7[%dma_wait3A_606, %dma_wait3A_611] : memref<79x128xi32, #tpu.memory_space<vmem>> -> memref<1x128xi32, #tpu.memory_space<vmem>>
        %dma_wait3A_613 = tpu.memref_squeeze %dma_wait3A_612 : memref<1x128xi32, #tpu.memory_space<vmem>> -> memref<128xi32, #tpu.memory_space<vmem>>
        %dma_wait3A_614 = arith.constant 0 : i32
        %dma_wait3A_615 = arith.constant 0 : i32
        %dma_wait3A_616 = tpu.memref_slice %arg10[%dma_wait3A_614, %dma_wait3A_615] : memref<10240x16xf32, #tpu.memory_space<vmem_shared>> -> memref<10240x16xf32, #tpu.memory_space<vmem_shared>>
        tpu.wait_indirect_dma semaphore(%arg15 : memref<!tpu.dma_semaphore, #tpu.memory_space<semaphore_mem>>) src(%dma_wait3A_610 : memref<128x16xf32, #tpu.memory_space<vmem>>) dst(%dma_wait3A_616 : memref<10240x16xf32, #tpu.memory_space<vmem_shared>>)
      } else {
      }
      %mul3A_559 = arith.constant 2 : i32
      %mul3A_560 = arith.muli %mul3A_559, %add3A_556 : i32
      %mul3A_561 = arith.constant 128 : i32
      %mul3A_562 = arith.muli %mul3A_560, %mul3A_561 : i32
      %add3A_563 = arith.constant 64 : i32
      %add3A_564 = arith.addi %add3A_563, %mul3A_560 : i32
      %dma_start3A_565 = arith.constant 0 : i32
      %dma_start3A_566 = arith.constant 0 : i32
      %dma_start3A_567 = tpu.memref_slice %arg8[%dma_start3A_565, %mul3A_562, %dma_start3A_566] : memref<2x1024x16xf32, #tpu.memory_space<vmem>> -> memref<1x128x16xf32, #tpu.memory_space<vmem>>
      %dma_start3A_568 = tpu.memref_squeeze %dma_start3A_567 : memref<1x128x16xf32, #tpu.memory_space<vmem>> -> memref<128x16xf32, #tpu.memory_space<vmem>>
      %dma_start3A_569 = arith.constant 0 : i32
      %dma_start3A_570 = tpu.memref_slice %arg7[%add3A_564, %dma_start3A_569] : memref<79x128xi32, #tpu.memory_space<vmem>> -> memref<1x128xi32, #tpu.memory_space<vmem>>
      %dma_start3A_571 = tpu.memref_squeeze %dma_start3A_570 : memref<1x128xi32, #tpu.memory_space<vmem>> -> memref<128xi32, #tpu.memory_space<vmem>>
      %dma_start3A_572 = arith.constant 0 : i32
      %dma_start3A_573 = arith.constant 0 : i32
      %dma_start3A_574 = tpu.memref_slice %arg10[%dma_start3A_572, %dma_start3A_573] : memref<10240x16xf32, #tpu.memory_space<vmem_shared>> -> memref<10240x16xf32, #tpu.memory_space<vmem_shared>>
      tpu.enqueue_indirect_dma source(%dma_start3A_568 : memref<128x16xf32, #tpu.memory_space<vmem>>) target(%dma_start3A_574 : memref<10240x16xf32, #tpu.memory_space<vmem_shared>>) offsets(%dma_start3A_571 : memref<128xi32, #tpu.memory_space<vmem>>) semaphore(%arg14 : memref<!tpu.dma_semaphore, #tpu.memory_space<semaphore_mem>>) {add = true}
      %mul3A_575 = arith.constant 2 : i32
      %mul3A_576 = arith.muli %mul3A_575, %add3A_556 : i32
      %add3A_577 = arith.constant 1 : i32
      %add3A_578 = arith.addi %mul3A_576, %add3A_577 : i32
      %mul3A_579 = arith.constant 128 : i32
      %mul3A_580 = arith.muli %add3A_578, %mul3A_579 : i32
      %add3A_581 = arith.constant 64 : i32
      %add3A_582 = arith.addi %add3A_581, %add3A_578 : i32
      %dma_start3A_583 = arith.constant 0 : i32
      %dma_start3A_584 = arith.constant 0 : i32
      %dma_start3A_585 = tpu.memref_slice %arg8[%dma_start3A_583, %mul3A_580, %dma_start3A_584] : memref<2x1024x16xf32, #tpu.memory_space<vmem>> -> memref<1x128x16xf32, #tpu.memory_space<vmem>>
      %dma_start3A_586 = tpu.memref_squeeze %dma_start3A_585 : memref<1x128x16xf32, #tpu.memory_space<vmem>> -> memref<128x16xf32, #tpu.memory_space<vmem>>
      %dma_start3A_587 = arith.constant 0 : i32
      %dma_start3A_588 = tpu.memref_slice %arg7[%add3A_582, %dma_start3A_587] : memref<79x128xi32, #tpu.memory_space<vmem>> -> memref<1x128xi32, #tpu.memory_space<vmem>>
      %dma_start3A_589 = tpu.memref_squeeze %dma_start3A_588 : memref<1x128xi32, #tpu.memory_space<vmem>> -> memref<128xi32, #tpu.memory_space<vmem>>
      %dma_start3A_590 = arith.constant 0 : i32
      %dma_start3A_591 = arith.constant 0 : i32
      %dma_start3A_592 = tpu.memref_slice %arg10[%dma_start3A_590, %dma_start3A_591] : memref<10240x16xf32, #tpu.memory_space<vmem_shared>> -> memref<10240x16xf32, #tpu.memory_space<vmem_shared>>
      tpu.enqueue_indirect_dma source(%dma_start3A_586 : memref<128x16xf32, #tpu.memory_space<vmem>>) target(%dma_start3A_592 : memref<10240x16xf32, #tpu.memory_space<vmem_shared>>) offsets(%dma_start3A_589 : memref<128xi32, #tpu.memory_space<vmem>>) semaphore(%arg15 : memref<!tpu.dma_semaphore, #tpu.memory_space<semaphore_mem>>) {add = true}
    }
    %scan3A_459 = arith.constant 4 : i32
    %dma_wait3A_460 = arith.constant 0 : i32
    %dma_wait3A_461 = arith.constant 0 : i32
    %dma_wait3A_462 = arith.constant 0 : i32
    %dma_wait3A_463 = arith.constant 0 : i32
    %dma_wait3A_464 = tpu.memref_slice %arg8[%dma_wait3A_460, %dma_wait3A_462, %dma_wait3A_463] : memref<2x1024x16xf32, #tpu.memory_space<vmem>> -> memref<1x128x16xf32, #tpu.memory_space<vmem>>
    %dma_wait3A_465 = tpu.memref_squeeze %dma_wait3A_464 : memref<1x128x16xf32, #tpu.memory_space<vmem>> -> memref<128x16xf32, #tpu.memory_space<vmem>>
    %dma_wait3A_466 = arith.constant 0 : i32
    %dma_wait3A_467 = tpu.memref_slice %arg7[%dma_wait3A_461, %dma_wait3A_466] : memref<79x128xi32, #tpu.memory_space<vmem>> -> memref<1x128xi32, #tpu.memory_space<vmem>>
    %dma_wait3A_468 = tpu.memref_squeeze %dma_wait3A_467 : memref<1x128xi32, #tpu.memory_space<vmem>> -> memref<128xi32, #tpu.memory_space<vmem>>
    %dma_wait3A_469 = arith.constant 0 : i32
    %dma_wait3A_470 = arith.constant 0 : i32
    %dma_wait3A_471 = tpu.memref_slice %arg10[%dma_wait3A_469, %dma_wait3A_470] : memref<10240x16xf32, #tpu.memory_space<vmem_shared>> -> memref<10240x16xf32, #tpu.memory_space<vmem_shared>>
    tpu.wait_indirect_dma semaphore(%arg14 : memref<!tpu.dma_semaphore, #tpu.memory_space<semaphore_mem>>) src(%dma_wait3A_465 : memref<128x16xf32, #tpu.memory_space<vmem>>) dst(%dma_wait3A_471 : memref<10240x16xf32, #tpu.memory_space<vmem_shared>>)
    %dma_wait3A_472 = arith.constant 0 : i32
    %dma_wait3A_473 = arith.constant 0 : i32
    %dma_wait3A_474 = arith.constant 0 : i32
    %dma_wait3A_475 = arith.constant 0 : i32
    %dma_wait3A_476 = tpu.memref_slice %arg8[%dma_wait3A_472, %dma_wait3A_474, %dma_wait3A_475] : memref<2x1024x16xf32, #tpu.memory_space<vmem>> -> memref<1x128x16xf32, #tpu.memory_space<vmem>>
    %dma_wait3A_477 = tpu.memref_squeeze %dma_wait3A_476 : memref<1x128x16xf32, #tpu.memory_space<vmem>> -> memref<128x16xf32, #tpu.memory_space<vmem>>
    %dma_wait3A_478 = arith.constant 0 : i32
    %dma_wait3A_479 = tpu.memref_slice %arg7[%dma_wait3A_473, %dma_wait3A_478] : memref<79x128xi32, #tpu.memory_space<vmem>> -> memref<1x128xi32, #tpu.memory_space<vmem>>
    %dma_wait3A_480 = tpu.memref_squeeze %dma_wait3A_479 : memref<1x128xi32, #tpu.memory_space<vmem>> -> memref<128xi32, #tpu.memory_space<vmem>>
    %dma_wait3A_481 = arith.constant 0 : i32
    %dma_wait3A_482 = arith.constant 0 : i32
    %dma_wait3A_483 = tpu.memref_slice %arg10[%dma_wait3A_481, %dma_wait3A_482] : memref<10240x16xf32, #tpu.memory_space<vmem_shared>> -> memref<10240x16xf32, #tpu.memory_space<vmem_shared>>
    tpu.wait_indirect_dma semaphore(%arg15 : memref<!tpu.dma_semaphore, #tpu.memory_space<semaphore_mem>>) src(%dma_wait3A_477 : memref<128x16xf32, #tpu.memory_space<vmem>>) dst(%dma_wait3A_483 : memref<10240x16xf32, #tpu.memory_space<vmem_shared>>)
    %dma_wait3A_484 = arith.constant 1 : i32
    %dma_wait3A_485 = arith.constant 0 : i32
    %dma_wait3A_486 = arith.constant 0 : i32
    %dma_wait3A_487 = tpu.memref_slice %arg8[%dma_wait3A_484, %dma_wait3A_485, %dma_wait3A_486] : memref<2x1024x16xf32, #tpu.memory_space<vmem>> -> memref<1x896x16xf32, #tpu.memory_space<vmem>>
    %dma_wait3A_488 = tpu.memref_squeeze %dma_wait3A_487 : memref<1x896x16xf32, #tpu.memory_space<vmem>> -> memref<896x16xf32, #tpu.memory_space<vmem>>
    %dma_wait3A_489 = arith.constant 0 : i32
    %dma_wait3A_490 = tpu.memref_slice %arg6[%dma_wait3A_489] : memref<10112xi32, #tpu.memory_space<vmem>> -> memref<896xi32, #tpu.memory_space<vmem>>
    %dma_wait3A_491 = arith.constant 0 : i32
    %dma_wait3A_492 = arith.constant 0 : i32
    %dma_wait3A_493 = tpu.memref_slice %arg4[%dma_wait3A_491, %dma_wait3A_492] : memref<10000x16xf32, #tpu.memory_space<hbm>> -> memref<10000x16xf32, #tpu.memory_space<hbm>>
    tpu.wait_indirect_dma semaphore(%arg13 : memref<!tpu.dma_semaphore, #tpu.memory_space<semaphore_mem>>) src(%dma_wait3A_493 : memref<10000x16xf32, #tpu.memory_space<hbm>>) dst(%dma_wait3A_488 : memref<896x16xf32, #tpu.memory_space<vmem>>)
    %scan3A_494 = arith.constant 0 : i32
    %scan3A_495 = arith.constant 3 : i32
    %scan3A_496 = arith.addi %scan3A_494, %scan3A_495 : i32
    %scan3A_497 = arith.constant 1 : i32
    scf.for %scan3A_552 = %scan3A_494 to %scan3A_496 step %scan3A_497  : i32 {
      %mul3A_553 = arith.constant 1 : i32
      %mul3A_554 = arith.muli %scan3A_552, %mul3A_553 : i32
      %add3A_555 = arith.constant 0 : i32
      %add3A_556 = arith.addi %add3A_555, %mul3A_554 : i32
      %ge3A = arith.constant 1 : i32
      %ge3A_557 = arith.cmpi sge, %add3A_556, %ge3A : i32
      %convert_element_type3A = arith.extui %ge3A_557 : i1 to i32
      %cond3A = arith.constant 0 : i32
      %cond3A_558 = arith.cmpi ne, %convert_element_type3A, %cond3A : i32
      scf.if %cond3A_558 {
        %dma_wait3A_593 = arith.constant 1 : i32
        %dma_wait3A_594 = arith.constant 0 : i32
        %dma_wait3A_595 = arith.constant 0 : i32
        %dma_wait3A_596 = arith.constant 0 : i32
        %dma_wait3A_597 = tpu.memref_slice %arg8[%dma_wait3A_593, %dma_wait3A_595, %dma_wait3A_596] : memref<2x1024x16xf32, #tpu.memory_space<vmem>> -> memref<1x128x16xf32, #tpu.memory_space<vmem>>
        %dma_wait3A_598 = tpu.memref_squeeze %dma_wait3A_597 : memref<1x128x16xf32, #tpu.memory_space<vmem>> -> memref<128x16xf32, #tpu.memory_space<vmem>>
        %dma_wait3A_599 = arith.constant 0 : i32
        %dma_wait3A_600 = tpu.memref_slice %arg7[%dma_wait3A_594, %dma_wait3A_599] : memref<79x128xi32, #tpu.memory_space<vmem>> -> memref<1x128xi32, #tpu.memory_space<vmem>>
        %dma_wait3A_601 = tpu.memref_squeeze %dma_wait3A_600 : memref<1x128xi32, #tpu.memory_space<vmem>> -> memref<128xi32, #tpu.memory_space<vmem>>
        %dma_wait3A_602 = arith.constant 0 : i32
        %dma_wait3A_603 = arith.constant 0 : i32
        %dma_wait3A_604 = tpu.memref_slice %arg10[%dma_wait3A_602, %dma_wait3A_603] : memref<10240x16xf32, #tpu.memory_space<vmem_shared>> -> memref<10240x16xf32, #tpu.memory_space<vmem_shared>>
        tpu.wait_indirect_dma semaphore(%arg14 : memref<!tpu.dma_semaphore, #tpu.memory_space<semaphore_mem>>) src(%dma_wait3A_598 : memref<128x16xf32, #tpu.memory_space<vmem>>) dst(%dma_wait3A_604 : memref<10240x16xf32, #tpu.memory_space<vmem_shared>>)
        %dma_wait3A_605 = arith.constant 1 : i32
        %dma_wait3A_606 = arith.constant 0 : i32
        %dma_wait3A_607 = arith.constant 0 : i32
        %dma_wait3A_608 = arith.constant 0 : i32
        %dma_wait3A_609 = tpu.memref_slice %arg8[%dma_wait3A_605, %dma_wait3A_607, %dma_wait3A_608] : memref<2x1024x16xf32, #tpu.memory_space<vmem>> -> memref<1x128x16xf32, #tpu.memory_space<vmem>>
        %dma_wait3A_610 = tpu.memref_squeeze %dma_wait3A_609 : memref<1x128x16xf32, #tpu.memory_space<vmem>> -> memref<128x16xf32, #tpu.memory_space<vmem>>
        %dma_wait3A_611 = arith.constant 0 : i32
        %dma_wait3A_612 = tpu.memref_slice %arg7[%dma_wait3A_606, %dma_wait3A_611] : memref<79x128xi32, #tpu.memory_space<vmem>> -> memref<1x128xi32, #tpu.memory_space<vmem>>
        %dma_wait3A_613 = tpu.memref_squeeze %dma_wait3A_612 : memref<1x128xi32, #tpu.memory_space<vmem>> -> memref<128xi32, #tpu.memory_space<vmem>>
        %dma_wait3A_614 = arith.constant 0 : i32
        %dma_wait3A_615 = arith.constant 0 : i32
        %dma_wait3A_616 = tpu.memref_slice %arg10[%dma_wait3A_614, %dma_wait3A_615] : memref<10240x16xf32, #tpu.memory_space<vmem_shared>> -> memref<10240x16xf32, #tpu.memory_space<vmem_shared>>
        tpu.wait_indirect_dma semaphore(%arg15 : memref<!tpu.dma_semaphore, #tpu.memory_space<semaphore_mem>>) src(%dma_wait3A_610 : memref<128x16xf32, #tpu.memory_space<vmem>>) dst(%dma_wait3A_616 : memref<10240x16xf32, #tpu.memory_space<vmem_shared>>)
      } else {
      }
      %mul3A_559 = arith.constant 2 : i32
      %mul3A_560 = arith.muli %mul3A_559, %add3A_556 : i32
      %mul3A_561 = arith.constant 128 : i32
      %mul3A_562 = arith.muli %mul3A_560, %mul3A_561 : i32
      %add3A_563 = arith.constant 72 : i32
      %add3A_564 = arith.addi %add3A_563, %mul3A_560 : i32
      %dma_start3A_565 = arith.constant 1 : i32
      %dma_start3A_566 = arith.constant 0 : i32
      %dma_start3A_567 = tpu.memref_slice %arg8[%dma_start3A_565, %mul3A_562, %dma_start3A_566] : memref<2x1024x16xf32, #tpu.memory_space<vmem>> -> memref<1x128x16xf32, #tpu.memory_space<vmem>>
      %dma_start3A_568 = tpu.memref_squeeze %dma_start3A_567 : memref<1x128x16xf32, #tpu.memory_space<vmem>> -> memref<128x16xf32, #tpu.memory_space<vmem>>
      %dma_start3A_569 = arith.constant 0 : i32
      %dma_start3A_570 = tpu.memref_slice %arg7[%add3A_564, %dma_start3A_569] : memref<79x128xi32, #tpu.memory_space<vmem>> -> memref<1x128xi32, #tpu.memory_space<vmem>>
      %dma_start3A_571 = tpu.memref_squeeze %dma_start3A_570 : memref<1x128xi32, #tpu.memory_space<vmem>> -> memref<128xi32, #tpu.memory_space<vmem>>
      %dma_start3A_572 = arith.constant 0 : i32
      %dma_start3A_573 = arith.constant 0 : i32
      %dma_start3A_574 = tpu.memref_slice %arg10[%dma_start3A_572, %dma_start3A_573] : memref<10240x16xf32, #tpu.memory_space<vmem_shared>> -> memref<10240x16xf32, #tpu.memory_space<vmem_shared>>
      tpu.enqueue_indirect_dma source(%dma_start3A_568 : memref<128x16xf32, #tpu.memory_space<vmem>>) target(%dma_start3A_574 : memref<10240x16xf32, #tpu.memory_space<vmem_shared>>) offsets(%dma_start3A_571 : memref<128xi32, #tpu.memory_space<vmem>>) semaphore(%arg14 : memref<!tpu.dma_semaphore, #tpu.memory_space<semaphore_mem>>) {add = true}
      %mul3A_575 = arith.constant 2 : i32
      %mul3A_576 = arith.muli %mul3A_575, %add3A_556 : i32
      %add3A_577 = arith.constant 1 : i32
      %add3A_578 = arith.addi %mul3A_576, %add3A_577 : i32
      %mul3A_579 = arith.constant 128 : i32
      %mul3A_580 = arith.muli %add3A_578, %mul3A_579 : i32
      %add3A_581 = arith.constant 72 : i32
      %add3A_582 = arith.addi %add3A_581, %add3A_578 : i32
      %dma_start3A_583 = arith.constant 1 : i32
      %dma_start3A_584 = arith.constant 0 : i32
      %dma_start3A_585 = tpu.memref_slice %arg8[%dma_start3A_583, %mul3A_580, %dma_start3A_584] : memref<2x1024x16xf32, #tpu.memory_space<vmem>> -> memref<1x128x16xf32, #tpu.memory_space<vmem>>
      %dma_start3A_586 = tpu.memref_squeeze %dma_start3A_585 : memref<1x128x16xf32, #tpu.memory_space<vmem>> -> memref<128x16xf32, #tpu.memory_space<vmem>>
      %dma_start3A_587 = arith.constant 0 : i32
      %dma_start3A_588 = tpu.memref_slice %arg7[%add3A_582, %dma_start3A_587] : memref<79x128xi32, #tpu.memory_space<vmem>> -> memref<1x128xi32, #tpu.memory_space<vmem>>
      %dma_start3A_589 = tpu.memref_squeeze %dma_start3A_588 : memref<1x128xi32, #tpu.memory_space<vmem>> -> memref<128xi32, #tpu.memory_space<vmem>>
      %dma_start3A_590 = arith.constant 0 : i32
      %dma_start3A_591 = arith.constant 0 : i32
      %dma_start3A_592 = tpu.memref_slice %arg10[%dma_start3A_590, %dma_start3A_591] : memref<10240x16xf32, #tpu.memory_space<vmem_shared>> -> memref<10240x16xf32, #tpu.memory_space<vmem_shared>>
      tpu.enqueue_indirect_dma source(%dma_start3A_586 : memref<128x16xf32, #tpu.memory_space<vmem>>) target(%dma_start3A_592 : memref<10240x16xf32, #tpu.memory_space<vmem_shared>>) offsets(%dma_start3A_589 : memref<128xi32, #tpu.memory_space<vmem>>) semaphore(%arg15 : memref<!tpu.dma_semaphore, #tpu.memory_space<semaphore_mem>>) {add = true}
    }
    %scan3A_498 = arith.constant 3 : i32
    %dma_wait3A_499 = arith.constant 1 : i32
    %dma_wait3A_500 = arith.constant 0 : i32
    %dma_wait3A_501 = arith.constant 0 : i32
    %dma_wait3A_502 = arith.constant 0 : i32
    %dma_wait3A_503 = tpu.memref_slice %arg8[%dma_wait3A_499, %dma_wait3A_501, %dma_wait3A_502] : memref<2x1024x16xf32, #tpu.memory_space<vmem>> -> memref<1x128x16xf32, #tpu.memory_space<vmem>>
    %dma_wait3A_504 = tpu.memref_squeeze %dma_wait3A_503 : memref<1x128x16xf32, #tpu.memory_space<vmem>> -> memref<128x16xf32, #tpu.memory_space<vmem>>
    %dma_wait3A_505 = arith.constant 0 : i32
    %dma_wait3A_506 = tpu.memref_slice %arg7[%dma_wait3A_500, %dma_wait3A_505] : memref<79x128xi32, #tpu.memory_space<vmem>> -> memref<1x128xi32, #tpu.memory_space<vmem>>
    %dma_wait3A_507 = tpu.memref_squeeze %dma_wait3A_506 : memref<1x128xi32, #tpu.memory_space<vmem>> -> memref<128xi32, #tpu.memory_space<vmem>>
    %dma_wait3A_508 = arith.constant 0 : i32
    %dma_wait3A_509 = arith.constant 0 : i32
    %dma_wait3A_510 = tpu.memref_slice %arg10[%dma_wait3A_508, %dma_wait3A_509] : memref<10240x16xf32, #tpu.memory_space<vmem_shared>> -> memref<10240x16xf32, #tpu.memory_space<vmem_shared>>
    tpu.wait_indirect_dma semaphore(%arg14 : memref<!tpu.dma_semaphore, #tpu.memory_space<semaphore_mem>>) src(%dma_wait3A_504 : memref<128x16xf32, #tpu.memory_space<vmem>>) dst(%dma_wait3A_510 : memref<10240x16xf32, #tpu.memory_space<vmem_shared>>)
    %dma_wait3A_511 = arith.constant 1 : i32
    %dma_wait3A_512 = arith.constant 0 : i32
    %dma_wait3A_513 = arith.constant 0 : i32
    %dma_wait3A_514 = arith.constant 0 : i32
    %dma_wait3A_515 = tpu.memref_slice %arg8[%dma_wait3A_511, %dma_wait3A_513, %dma_wait3A_514] : memref<2x1024x16xf32, #tpu.memory_space<vmem>> -> memref<1x128x16xf32, #tpu.memory_space<vmem>>
    %dma_wait3A_516 = tpu.memref_squeeze %dma_wait3A_515 : memref<1x128x16xf32, #tpu.memory_space<vmem>> -> memref<128x16xf32, #tpu.memory_space<vmem>>
    %dma_wait3A_517 = arith.constant 0 : i32
    %dma_wait3A_518 = tpu.memref_slice %arg7[%dma_wait3A_512, %dma_wait3A_517] : memref<79x128xi32, #tpu.memory_space<vmem>> -> memref<1x128xi32, #tpu.memory_space<vmem>>
    %dma_wait3A_519 = tpu.memref_squeeze %dma_wait3A_518 : memref<1x128xi32, #tpu.memory_space<vmem>> -> memref<128xi32, #tpu.memory_space<vmem>>
    %dma_wait3A_520 = arith.constant 0 : i32
    %dma_wait3A_521 = arith.constant 0 : i32
    %dma_wait3A_522 = tpu.memref_slice %arg10[%dma_wait3A_520, %dma_wait3A_521] : memref<10240x16xf32, #tpu.memory_space<vmem_shared>> -> memref<10240x16xf32, #tpu.memory_space<vmem_shared>>
    tpu.wait_indirect_dma semaphore(%arg15 : memref<!tpu.dma_semaphore, #tpu.memory_space<semaphore_mem>>) src(%dma_wait3A_516 : memref<128x16xf32, #tpu.memory_space<vmem>>) dst(%dma_wait3A_522 : memref<10240x16xf32, #tpu.memory_space<vmem_shared>>)
    %dma_start3A_523 = arith.constant 1 : i32
    %dma_start3A_524 = arith.constant 78 : i32
    %dma_start3A_525 = arith.constant 768 : i32
    %dma_start3A_526 = arith.constant 0 : i32
    %dma_start3A_527 = tpu.memref_slice %arg8[%dma_start3A_523, %dma_start3A_525, %dma_start3A_526] : memref<2x1024x16xf32, #tpu.memory_space<vmem>> -> memref<1x128x16xf32, #tpu.memory_space<vmem>>
    %dma_start3A_528 = tpu.memref_squeeze %dma_start3A_527 : memref<1x128x16xf32, #tpu.memory_space<vmem>> -> memref<128x16xf32, #tpu.memory_space<vmem>>
    %dma_start3A_529 = arith.constant 0 : i32
    %dma_start3A_530 = tpu.memref_slice %arg7[%dma_start3A_524, %dma_start3A_529] : memref<79x128xi32, #tpu.memory_space<vmem>> -> memref<1x128xi32, #tpu.memory_space<vmem>>
    %dma_start3A_531 = tpu.memref_squeeze %dma_start3A_530 : memref<1x128xi32, #tpu.memory_space<vmem>> -> memref<128xi32, #tpu.memory_space<vmem>>
    %dma_start3A_532 = arith.constant 0 : i32
    %dma_start3A_533 = arith.constant 0 : i32
    %dma_start3A_534 = tpu.memref_slice %arg10[%dma_start3A_532, %dma_start3A_533] : memref<10240x16xf32, #tpu.memory_space<vmem_shared>> -> memref<10240x16xf32, #tpu.memory_space<vmem_shared>>
    tpu.enqueue_indirect_dma source(%dma_start3A_528 : memref<128x16xf32, #tpu.memory_space<vmem>>) target(%dma_start3A_534 : memref<10240x16xf32, #tpu.memory_space<vmem_shared>>) offsets(%dma_start3A_531 : memref<128xi32, #tpu.memory_space<vmem>>) semaphore(%arg14 : memref<!tpu.dma_semaphore, #tpu.memory_space<semaphore_mem>>) {add = true}
    %dma_wait3A_535 = arith.constant 1 : i32
    %dma_wait3A_536 = arith.constant 0 : i32
    %dma_wait3A_537 = arith.constant 0 : i32
    %dma_wait3A_538 = arith.constant 0 : i32
    %dma_wait3A_539 = tpu.memref_slice %arg8[%dma_wait3A_535, %dma_wait3A_537, %dma_wait3A_538] : memref<2x1024x16xf32, #tpu.memory_space<vmem>> -> memref<1x128x16xf32, #tpu.memory_space<vmem>>
    %dma_wait3A_540 = tpu.memref_squeeze %dma_wait3A_539 : memref<1x128x16xf32, #tpu.memory_space<vmem>> -> memref<128x16xf32, #tpu.memory_space<vmem>>
    %dma_wait3A_541 = arith.constant 0 : i32
    %dma_wait3A_542 = tpu.memref_slice %arg7[%dma_wait3A_536, %dma_wait3A_541] : memref<79x128xi32, #tpu.memory_space<vmem>> -> memref<1x128xi32, #tpu.memory_space<vmem>>
    %dma_wait3A_543 = tpu.memref_squeeze %dma_wait3A_542 : memref<1x128xi32, #tpu.memory_space<vmem>> -> memref<128xi32, #tpu.memory_space<vmem>>
    %dma_wait3A_544 = arith.constant 0 : i32
    %dma_wait3A_545 = arith.constant 0 : i32
    %dma_wait3A_546 = tpu.memref_slice %arg10[%dma_wait3A_544, %dma_wait3A_545] : memref<10240x16xf32, #tpu.memory_space<vmem_shared>> -> memref<10240x16xf32, #tpu.memory_space<vmem_shared>>
    tpu.wait_indirect_dma semaphore(%arg14 : memref<!tpu.dma_semaphore, #tpu.memory_space<semaphore_mem>>) src(%dma_wait3A_540 : memref<128x16xf32, #tpu.memory_space<vmem>>) dst(%dma_wait3A_546 : memref<10240x16xf32, #tpu.memory_space<vmem_shared>>)
    %barrier3A_547 = arith.constant 0 : index
    tpu.barrier barrier_id(%barrier3A_547)
    %mul3A_548 = arith.constant 640 : i32
    %mul3A_549 = arith.muli %arg1, %mul3A_548 : i32
    %mul3A_550 = arith.constant 640 : i32
    %mul3A_551 = arith.muli %arg1, %mul3A_550 : i32
    "tpu.region"() ({
      %run_scoped3A = tpu.sem_alloc : memref<!tpu.dma_semaphore, #tpu.memory_space<semaphore_mem>>
      %dma_start3A_552 = arith.constant 0 : i32
      %dma_start3A_553 = tpu.memref_slice %arg5[%arg0, %mul3A_551, %dma_start3A_552] : memref<2x10240x16xf32, #tpu.memory_space<hbm>> -> memref<1x640x16xf32, #tpu.memory_space<hbm>>
      %dma_start3A_554 = tpu.memref_squeeze %dma_start3A_553 : memref<1x640x16xf32, #tpu.memory_space<hbm>> -> memref<640x16xf32, #tpu.memory_space<hbm>>
      %dma_start3A_555 = arith.constant 0 : i32
      %dma_start3A_556 = tpu.memref_slice %arg10[%mul3A_549, %dma_start3A_555] : memref<10240x16xf32, #tpu.memory_space<vmem_shared>> -> memref<640x16xf32, #tpu.memory_space<vmem_shared>>
      tpu.enqueue_dma source(%dma_start3A_556 : memref<640x16xf32, #tpu.memory_space<vmem_shared>>) target(%dma_start3A_554 : memref<640x16xf32, #tpu.memory_space<hbm>>) target_semaphore(%run_scoped3A : memref<!tpu.dma_semaphore, #tpu.memory_space<semaphore_mem>>)
      %dma_wait3A_557 = arith.constant 0 : i32
      %dma_wait3A_558 = tpu.memref_slice %arg5[%arg0, %mul3A_551, %dma_wait3A_557] : memref<2x10240x16xf32, #tpu.memory_space<hbm>> -> memref<1x640x16xf32, #tpu.memory_space<hbm>>
      %dma_wait3A_559 = tpu.memref_squeeze %dma_wait3A_558 : memref<1x640x16xf32, #tpu.memory_space<hbm>> -> memref<640x16xf32, #tpu.memory_space<hbm>>
      %dma_wait3A_560 = arith.constant 0 : i32
      %dma_wait3A_561 = tpu.memref_slice %arg10[%mul3A_549, %dma_wait3A_560] : memref<10240x16xf32, #tpu.memory_space<vmem_shared>> -> memref<640x16xf32, #tpu.memory_space<vmem_shared>>
      tpu.wait_dma2 semaphore(%run_scoped3A : memref<!tpu.dma_semaphore, #tpu.memory_space<semaphore_mem>>) src(%dma_wait3A_561 : memref<640x16xf32, #tpu.memory_space<vmem_shared>>) dst(%dma_wait3A_559 : memref<640x16xf32, #tpu.memory_space<hbm>>)
      tpu.yield
    }) : () -> ()
    return
  }
}

module attributes {stable_mosaic.version = 14 : i64} {
  func.func @body(%arg0: memref<1250x1024xf32, #tpu.memory_space<vmem>>, %arg1: memref<1024x128xf32, #tpu.memory_space<vmem>>, %arg2: memref<1250x128xf32, #tpu.memory_space<vmem>>) attributes {dimension_semantics = [], scalar_prefetch = 0 : i64, scratch_operands = 0 : i64, tpu.core_type = #tpu.core_type<tc>} {
    %get3A = arith.constant 0 : index
    %get3A_0 = arith.constant 0 : index
    %get3A_1 = vector.load %arg0[%get3A, %get3A_0] : memref<1250x1024xf32, #tpu.memory_space<vmem>>, vector<1250x1024xf32>
    %get3A_2 = arith.constant 0 : index
    %get3A_3 = arith.constant 0 : index
    %get3A_4 = vector.load %arg1[%get3A_2, %get3A_3] : memref<1024x128xf32, #tpu.memory_space<vmem>>, vector<1024x128xf32>
    %convert_element_type3A = arith.truncf %get3A_1 : vector<1250x1024xf32> to vector<1250x1024xbf16>
    %convert_element_type3A_5 = arith.extf %convert_element_type3A : vector<1250x1024xbf16> to vector<1250x1024xf32>
    %sub3A = arith.subf %get3A_1, %convert_element_type3A_5 : vector<1250x1024xf32>
    %convert_element_type3A_6 = arith.truncf %sub3A : vector<1250x1024xf32> to vector<1250x1024xbf16>
    %convert_element_type3A_7 = arith.truncf %get3A_4 : vector<1024x128xf32> to vector<1024x128xbf16>
    %convert_element_type3A_8 = arith.extf %convert_element_type3A_7 : vector<1024x128xbf16> to vector<1024x128xf32>
    %sub3A_9 = arith.subf %get3A_4, %convert_element_type3A_8 : vector<1024x128xf32>
    %convert_element_type3A_10 = arith.truncf %sub3A_9 : vector<1024x128xf32> to vector<1024x128xbf16>
    %dot_general3A = arith.constant dense<0.000000e+00> : vector<1250x128xf32>
    %dot_general3A_11 = tpu.matmul %convert_element_type3A, %convert_element_type3A_7, %dot_general3A {dimension_numbers = #tpu.dot_dimension_numbers<[1], [0], [0], [1], [0, 0, 1, 1], [], []>, transpose_lhs_hint = false} : vector<1250x1024xbf16>, vector<1024x128xbf16>, vector<1250x128xf32> -> vector<1250x128xf32>
    %dot_general3A_12 = arith.constant dense<0.000000e+00> : vector<1250x128xf32>
    %dot_general3A_13 = tpu.matmul %convert_element_type3A, %convert_element_type3A_10, %dot_general3A_12 {dimension_numbers = #tpu.dot_dimension_numbers<[1], [0], [0], [1], [0, 0, 1, 1], [], []>, transpose_lhs_hint = false} : vector<1250x1024xbf16>, vector<1024x128xbf16>, vector<1250x128xf32> -> vector<1250x128xf32>
    %add3A = arith.addf %dot_general3A_11, %dot_general3A_13 : vector<1250x128xf32>
    %dot_general3A_14 = arith.constant dense<0.000000e+00> : vector<1250x128xf32>
    %dot_general3A_15 = tpu.matmul %convert_element_type3A_6, %convert_element_type3A_7, %dot_general3A_14 {dimension_numbers = #tpu.dot_dimension_numbers<[1], [0], [0], [1], [0, 0, 1, 1], [], []>, transpose_lhs_hint = false} : vector<1250x1024xbf16>, vector<1024x128xbf16>, vector<1250x128xf32> -> vector<1250x128xf32>
    %add3A_16 = arith.addf %add3A, %dot_general3A_15 : vector<1250x128xf32>
    %swap3A = arith.constant 0 : index
    %swap3A_17 = arith.constant 0 : index
    %swap3A_18 = vector.load %arg2[%swap3A, %swap3A_17] : memref<1250x128xf32, #tpu.memory_space<vmem>>, vector<1250x128xf32>
    tpu.vector_store %arg2[%swap3A, %swap3A_17], %add3A_16 {strides = array<i32>} : memref<1250x128xf32, #tpu.memory_space<vmem>>, vector<1250x128xf32>,
    return
  }
}

module attributes {stable_mosaic.version = 14 : i64} {
  func.func @body(%arg0: memref<1250x128xf32, #tpu.memory_space<vmem>>, %arg1: memref<1280x128xf32, #tpu.memory_space<vmem>>, %arg2: memref<1250x128xf32, #tpu.memory_space<vmem>>) attributes {dimension_semantics = [], scalar_prefetch = 0 : i64, scratch_operands = 0 : i64, tpu.core_type = #tpu.core_type<tc>} {
    %get3A = arith.constant 0 : index
    %get3A_0 = arith.constant 0 : index
    %get3A_1 = vector.load %arg0[%get3A, %get3A_0] : memref<1250x128xf32, #tpu.memory_space<vmem>>, vector<1250x128xf32>
    %get3A_2 = arith.constant 0 : index
    %get3A_3 = arith.constant 0 : index
    %get3A_4 = vector.load %arg1[%get3A_2, %get3A_3] : memref<1280x128xf32, #tpu.memory_space<vmem>>, vector<1250x128xf32>
    %mul3A = arith.mulf %get3A_1, %get3A_4 : vector<1250x128xf32>
    %swap3A = arith.constant 0 : index
    %swap3A_5 = arith.constant 0 : index
    %swap3A_6 = vector.load %arg2[%swap3A, %swap3A_5] : memref<1250x128xf32, #tpu.memory_space<vmem>>, vector<1250x128xf32>
    tpu.vector_store %arg2[%swap3A, %swap3A_5], %mul3A {strides = array<i32>} : memref<1250x128xf32, #tpu.memory_space<vmem>>, vector<1250x128xf32>,
    return
  }
}

module attributes {stable_mosaic.version = 14 : i64} {
  func.func @body(%arg0: memref<2x1280x128xf32, #tpu.memory_space<vmem>>, %arg1: memref<1250x128xf32, #tpu.memory_space<vmem>>, %arg2: memref<1280x128xf32, #tpu.memory_space<vmem>>, %arg3: memref<128x128xf32, #tpu.memory_space<vmem>>, %arg4: memref<1x128xf32, #tpu.memory_space<vmem>>, %arg5: memref<1250x128xf32, #tpu.memory_space<vmem>>) attributes {dimension_semantics = [], scalar_prefetch = 0 : i64, scratch_operands = 0 : i64, tpu.core_type = #tpu.core_type<tc>} {
    %get3A = arith.constant 0 : index
    %get3A_0 = arith.constant 0 : index
    %get3A_1 = vector.load %arg2[%get3A, %get3A_0] : memref<1280x128xf32, #tpu.memory_space<vmem>>, vector<1250x128xf32>
    %get3A_2 = arith.constant 0 : index
    %get3A_3 = arith.constant 0 : index
    %get3A_4 = arith.constant 0 : index
    %get3A_5 = vector.load %arg0[%get3A_2, %get3A_3, %get3A_4] : memref<2x1280x128xf32, #tpu.memory_space<vmem>>, vector<1x1250x128xf32>
    %get3A_6 = vector.shape_cast %get3A_5 : vector<1x1250x128xf32> to vector<1250x128xf32>
    %get3A_7 = arith.constant 1 : index
    %get3A_8 = arith.constant 0 : index
    %get3A_9 = arith.constant 0 : index
    %get3A_10 = vector.load %arg0[%get3A_7, %get3A_8, %get3A_9] : memref<2x1280x128xf32, #tpu.memory_space<vmem>>, vector<1x1250x128xf32>
    %get3A_11 = vector.shape_cast %get3A_10 : vector<1x1250x128xf32> to vector<1250x128xf32>
    %add3A = arith.addf %get3A_6, %get3A_11 : vector<1250x128xf32>
    %get3A_12 = arith.constant 0 : index
    %get3A_13 = arith.constant 0 : index
    %get3A_14 = vector.load %arg1[%get3A_12, %get3A_13] : memref<1250x128xf32, #tpu.memory_space<vmem>>, vector<1250x128xf32>
    %add3A_15 = arith.addf %add3A, %get3A_14 : vector<1250x128xf32>
    %mul3A = arith.mulf %add3A_15, %get3A_1 : vector<1250x128xf32>
    %get3A_16 = arith.constant 0 : index
    %get3A_17 = arith.constant 0 : index
    %get3A_18 = vector.load %arg4[%get3A_16, %get3A_17] : memref<1x128xf32, #tpu.memory_space<vmem>>, vector<1x128xf32>
    %add3A_19 = vector.broadcast %get3A_18 : vector<1x128xf32> to vector<1250x128xf32>
    %add3A_20 = arith.addf %mul3A, %add3A_19 : vector<1250x128xf32>
    %max3A = arith.constant 0.000000e+00 : f32
    %max3A_21 = vector.broadcast %max3A : f32 to vector<1250x128xf32>
    %max3A_22 = arith.maximumf %add3A_20, %max3A_21 : vector<1250x128xf32>
    %get3A_23 = arith.constant 0 : index
    %get3A_24 = arith.constant 0 : index
    %get3A_25 = vector.load %arg3[%get3A_23, %get3A_24] : memref<128x128xf32, #tpu.memory_space<vmem>>, vector<128x128xf32>
    %dot_general3A = arith.constant dense<0.000000e+00> : vector<1250x128xf32>
    %dot_general3A_26 = tpu.matmul %max3A_22, %get3A_25, %dot_general3A {dimension_numbers = #tpu.dot_dimension_numbers<[1], [0], [0], [1], [0, 0, 1, 1], [], []>, transpose_lhs_hint = false} : vector<1250x128xf32>, vector<128x128xf32>, vector<1250x128xf32> -> vector<1250x128xf32>
    %mul3A_27 = arith.mulf %dot_general3A_26, %get3A_1 : vector<1250x128xf32>
    %swap3A = arith.constant 0 : index
    %swap3A_28 = arith.constant 0 : index
    %swap3A_29 = vector.load %arg5[%swap3A, %swap3A_28] : memref<1250x128xf32, #tpu.memory_space<vmem>>, vector<1250x128xf32>
    tpu.vector_store %arg5[%swap3A, %swap3A_28], %mul3A_27 {strides = array<i32>} : memref<1250x128xf32, #tpu.memory_space<vmem>>, vector<1250x128xf32>,
    return
  }
}

module attributes {stable_mosaic.version = 14 : i64} {
  func.func @body(%arg0: memref<2x1280x128xf32, #tpu.memory_space<vmem>>, %arg1: memref<1250x128xf32, #tpu.memory_space<vmem>>, %arg2: memref<1280x128xf32, #tpu.memory_space<vmem>>, %arg3: memref<1x128xf32, #tpu.memory_space<vmem>>, %arg4: memref<128x128xf32, #tpu.memory_space<vmem>>, %arg5: memref<1250x128xf32, #tpu.memory_space<vmem>>) attributes {dimension_semantics = [], scalar_prefetch = 0 : i64, scratch_operands = 0 : i64, tpu.core_type = #tpu.core_type<tc>} {
    %get3A = arith.constant 0 : index
    %get3A_0 = arith.constant 0 : index
    %get3A_1 = arith.constant 0 : index
    %get3A_2 = vector.load %arg0[%get3A, %get3A_0, %get3A_1] : memref<2x1280x128xf32, #tpu.memory_space<vmem>>, vector<1x1250x128xf32>
    %get3A_3 = vector.shape_cast %get3A_2 : vector<1x1250x128xf32> to vector<1250x128xf32>
    %get3A_4 = arith.constant 1 : index
    %get3A_5 = arith.constant 0 : index
    %get3A_6 = arith.constant 0 : index
    %get3A_7 = vector.load %arg0[%get3A_4, %get3A_5, %get3A_6] : memref<2x1280x128xf32, #tpu.memory_space<vmem>>, vector<1x1250x128xf32>
    %get3A_8 = vector.shape_cast %get3A_7 : vector<1x1250x128xf32> to vector<1250x128xf32>
    %add3A = arith.addf %get3A_3, %get3A_8 : vector<1250x128xf32>
    %get3A_9 = arith.constant 0 : index
    %get3A_10 = arith.constant 0 : index
    %get3A_11 = vector.load %arg1[%get3A_9, %get3A_10] : memref<1250x128xf32, #tpu.memory_space<vmem>>, vector<1250x128xf32>
    %add3A_12 = arith.addf %add3A, %get3A_11 : vector<1250x128xf32>
    %get3A_13 = arith.constant 0 : index
    %get3A_14 = arith.constant 0 : index
    %get3A_15 = vector.load %arg2[%get3A_13, %get3A_14] : memref<1280x128xf32, #tpu.memory_space<vmem>>, vector<1250x128xf32>
    %mul3A = arith.mulf %add3A_12, %get3A_15 : vector<1250x128xf32>
    %get3A_16 = arith.constant 0 : index
    %get3A_17 = arith.constant 0 : index
    %get3A_18 = vector.load %arg3[%get3A_16, %get3A_17] : memref<1x128xf32, #tpu.memory_space<vmem>>, vector<1x128xf32>
    %add3A_19 = vector.broadcast %get3A_18 : vector<1x128xf32> to vector<1250x128xf32>
    %add3A_20 = arith.addf %mul3A, %add3A_19 : vector<1250x128xf32>
    %exp3A = math.exp %add3A_20 : vector<1250x128xf32>
    %get3A_21 = arith.constant 0 : index
    %get3A_22 = arith.constant 0 : index
    %get3A_23 = vector.load %arg4[%get3A_21, %get3A_22] : memref<128x128xf32, #tpu.memory_space<vmem>>, vector<128x128xf32>
    %dot_general3A = arith.constant dense<0.000000e+00> : vector<1250x128xf32>
    %dot_general3A_24 = tpu.matmul %exp3A, %get3A_23, %dot_general3A {dimension_numbers = #tpu.dot_dimension_numbers<[1], [0], [0], [1], [0, 0, 1, 1], [], []>, transpose_lhs_hint = false} : vector<1250x128xf32>, vector<128x128xf32>, vector<1250x128xf32> -> vector<1250x128xf32>
    %log3A = math.log %dot_general3A_24 : vector<1250x128xf32>
    %sub3A = arith.subf %add3A_20, %log3A : vector<1250x128xf32>
    %swap3A = arith.constant 0 : index
    %swap3A_25 = arith.constant 0 : index
    %swap3A_26 = vector.load %arg5[%swap3A, %swap3A_25] : memref<1250x128xf32, #tpu.memory_space<vmem>>, vector<1250x128xf32>
    tpu.vector_store %arg5[%swap3A, %swap3A_25], %sub3A {strides = array<i32>} : memref<1250x128xf32, #tpu.memory_space<vmem>>, vector<1250x128xf32>,
    return
  }
}

</mosaic_0001>

<sc_bundles>
// kernel: kernel.12.cloned.1.call-start
scs
__scs_entry_jumppad:
0x0: {  	(pc) =	sbr.rel $0x88, $3  }
0x1: {  	(tag) =	ssettag $0x0;
	lr =	simm.s32 $0x1  }
0x2: {  	[smem:$0x3F9B] =	sst lr;
	_ =	strace $0xD0000000  }
0x3: {  	_ = 	snop  }
0x4: {  	_ = 	snop  }
0x5: {  	_ = 	snop  }
0x6: {  	_ = 	snop  }
0x7: {  	_ = 	snop  }
__scs_overlays_trampoline_lowered:
0x8: {  	[smem:$0x3FAA] =	sst s0  }
0x9: {  	[smem:$0x3FAB] =	sst s1  }
0xa: {  	[smem:$0x3FAC] =	sst s2  }
0xb: {  	[smem:$0x3FAD] =	sst s3  }
0xc: {  	[smem:$0x3FAE] =	sst s4  }
0xd: {  	[smem:$0x3FAF] =	sst s5  }
0xe: {  	[smem:$0x3FB0] =	sst s6  }
0xf: {  	[smem:$0x3FB1] =	sst s7  }
0x10: {  	[smem:$0x3FB2] =	sst s8  }
0x11: {  	[smem:$0x3FB3] =	sst s9;
	s0 =	simm.s32 @!p0 $0x0  }
0x12: {  	s1 =	sld [smem:$0x3F99];
	s0 =	simm.s32 @p0 $0x1  }
0x13: {  	[smem:$0x3FB4] =	sst s0;
	s0 =	simm.s32 @!p1 $0x0  }
0x14: {  	s2 =	sld [smem:$0x3F98];
	s0 =	simm.s32 @p1 $0x1  }
0x15: {  	[smem:$0x3FB5] =	sst s0;
	s0 =	simm.s32 @!p2 $0x0  }
0x16: {  	s3 =	sld [smem:$0x3FDB];
	s0 =	simm.s32 @p2 $0x1  }
0x17: {  	s4 =	simm.s32 $0x1BF5;
	[smem:$0x3FB7] =	sst s0  }
0x18: {  	s0 =	sld [smem:$0x3F9A];
	_ =	swait.ge [sflag:s4], $0x0  }
0x19: {  	s7 =	sld [smem:$0x3F9B]  }
0x1a: {  	s8 =	sadd.s32 $0xFFFFE003, lr  }
0x1b: {  	s9 =	sadd.s32 $0xFFFFFEF7, lr;
	s5 =	simm.s32 $0xFFFFFFFF;
	p2 =	slt.u32 s8, $0xFFFFF086  }
0x1c: {  	p1 =	slt.u32 s9, $0xF7A;
	s5 =	simm.s32 @!p2 $0x0  }
0x1d: {  	s5 =	simm.s32 @p1 $0x1;
	p0 =	seq.s32 s7, s2  }
0x1e: {  	s7 =	smul.u32 @!p0 $0xF7A, s2;
	p2 =	seq.s32 @!p0 s5, $0x0  }
0x1f: {  	s9 =	smul.u32 $0xF7A, s1;
	s8 =	simm.s32 @!p0 $0x1BF5;
	p2 =	por !p2, p0  }
0x20: {  	[sflag:s8] =	ssyncset.s32 @!p0 $0xFFFFF086;
	s6 =	sadd.s32 @!p0 s3, s7;
	s7 =	simm.s32 @!p0 $0x108  }
0x21: {  	s3 =	sadd.s32 s3, s9;
	s6 =	sadd.s32 @!p0 $0x88, s6;
	s7 =	simm.s32 @p2 $0x1082  }
0x22: {  	[simem:s7], [sflag:s8] =	dma.local @!p0 [hbm:s6], $0xF7A  }
0x23: {  	s9 =	sor.u32 $0xD0000000, s2;
	s6 =	simm.s32 $0x108;
	_ =	swait.ge @!p0 [sflag:s8], $0x0  }
0x24: {  	s3 =	sadd.s32 $0x88, s3;
	s6 =	simm.s32 @!p1 $0x1082;
	[sflag:s4] =	ssyncset.s32 $0xFFFFF086  }
0x25: {  	[simem:s6], [sflag:s4] =	dma.local [hbm:s3], $0xF7A  }
0x26: {  	[smem:$0x3F9B] =	sst s1;
	(tag) =	ssettag s2;
	_ =	strace s9  }
0x27: {  	s1 =	sld [smem:$0x3FAB]  }
0x28: {  	s2 =	sld [smem:$0x3FAC]  }
0x29: {  	s4 =	sld [smem:$0x3FAE]  }
0x2a: {  	p0 =	seq.s32 s5, $0x0;
	s5 =	sld [smem:$0x3FAF]  }
0x2b: {  	s6 =	sld [smem:$0x3FB0]  }
0x2c: {  	s7 =	sld [smem:$0x3FB1]  }
0x2d: {  	s3 =	simm.s32 $0x108;
	s8 =	sld [smem:$0x3FB2]  }
0x2e: {  	s3 =	simm.s32 @!p0 $0x1082;
	s9 =	sld [smem:$0x3FB3]  }
0x2f: {  	lr =	sadd.s32 s0, s3;
	s0 =	sld [smem:$0x3FAA]  }
0x30: {  	s3 =	sld [smem:$0x3FAD]  }
0x31: {  	[smem:$0x3FB6] =	sst s10  }
0x32: {  	s10 =	sld [smem:$0x3FB4];
	_ =	sdelay $0x3  }
0x33: {  	p0 =	seq.s32 s10, $0x1;
	s10 =	sld [smem:$0x3FB6];
	_ =	sdelay $0x3  }
0x34: {  	[smem:$0x3FB6] =	sst s10  }
0x35: {  	s10 =	sld [smem:$0x3FB5];
	_ =	sdelay $0x3  }
0x36: {  	p1 =	seq.s32 s10, $0x1;
	s10 =	sld [smem:$0x3FB6];
	_ =	sdelay $0x3  }
0x37: {  	[smem:$0x3FB6] =	sst s10  }
0x38: {  	s10 =	sld [smem:$0x3FB7]  }
0x39: {  	_ = 	snop;
	(pc) =	sbr.ind lr, $3  }
0x3a: {  	_ = 	snop  }
0x3b: {  	_ = 	snop  }
0x3c: {  	p2 =	seq.s32 s10, $0x1;
	s10 =	sld [smem:$0x3FB6]  }
0x3d: {  	_ =	shalt  }
0x3e: {  	_ =	shalt  }
0x3f: {  	_ =	shalt  }
0x40: {  	_ =	shalt  }
0x41: {  	_ =	shalt  }
0x42: {  	_ =	shalt  }
0x43: {  	_ =	shalt  }
0x44: {  	_ =	shalt  }
0x45: {  	_ =	shalt  }
0x46: {  	_ =	shalt  }
0x47: {  	_ =	shalt  }
0x48: {  	_ =	shalt  }
0x49: {  	_ =	shalt  }
0x4a: {  	_ =	shalt  }
0x4b: {  	_ =	shalt  }
0x4c: {  	_ =	shalt  }
0x4d: {  	_ =	shalt  }
0x4e: {  	_ =	shalt  }
0x4f: {  	_ =	shalt  }
0x50: {  	_ =	shalt  }
0x51: {  	_ =	shalt  }
0x52: {  	_ =	shalt  }
0x53: {  	_ =	shalt  }
0x54: {  	_ =	shalt  }
0x55: {  	_ =	shalt  }
0x56: {  	_ =	shalt  }
0x57: {  	_ =	shalt  }
0x58: {  	_ =	shalt  }
0x59: {  	_ =	shalt  }
0x5a: {  	_ =	shalt  }
0x5b: {  	_ =	shalt  }
0x5c: {  	_ =	shalt  }
0x5d: {  	_ =	shalt  }
0x5e: {  	_ =	shalt  }
0x5f: {  	_ =	shalt  }
0x60: {  	_ =	shalt  }
0x61: {  	_ =	shalt  }
0x62: {  	_ =	shalt  }
0x63: {  	_ =	shalt  }
0x64: {  	_ =	shalt  }
0x65: {  	_ =	shalt  }
0x66: {  	_ =	shalt  }
0x67: {  	_ =	shalt  }
0x68: {  	_ =	shalt  }
0x69: {  	_ =	shalt  }
0x6a: {  	_ =	shalt  }
0x6b: {  	_ =	shalt  }
0x6c: {  	_ =	shalt  }
0x6d: {  	_ =	shalt  }
0x6e: {  	_ =	shalt  }
0x6f: {  	_ =	shalt  }
0x70: {  	_ =	shalt  }
0x71: {  	_ =	shalt  }
0x72: {  	_ =	shalt  }
0x73: {  	_ =	shalt  }
0x74: {  	_ =	shalt  }
0x75: {  	_ =	shalt  }
0x76: {  	_ =	shalt  }
0x77: {  	_ =	shalt  }
0x78: {  	_ =	shalt  }
0x79: {  	_ =	shalt  }
0x7a: {  	_ =	shalt  }
0x7b: {  	_ =	shalt  }
0x7c: {  	_ =	shalt  }
0x7d: {  	_ =	shalt  }
0x7e: {  	_ =	shalt  }
0x7f: {  	_ =	shalt  }
0x80: {  	_ =	shalt  }
0x81: {  	_ =	shalt  }
0x82: {  	_ =	shalt  }
0x83: {  	_ =	shalt  }
0x84: {  	_ =	shalt  }
0x85: {  	_ =	shalt  }
0x86: {  	_ =	shalt  }
0x87: {  	_ =	shalt  }
.Lfunc_end0:
.L_simem_size_0:
called_computation.1_lowered:
.L_overlay_start_0:
0x88: {  	s2 =	sld [smem:$0x3FD9]  }
0x89: {  	s3 =	sld [smem:$0x3FFE];
	_ =	sdelay $0x1  }
0x8a: {  	s1 =	srdreg.scid  }
0x8b: {  	s0 =	sand.u32 $0x1, s1  }
0x8c: {  	s17 =	sshll.u32 s0, $0xA;
	s2 =	sadd.s32 s3, s2  }
0x8d: {  	s2 =	sadd.s32 s2, s17  }
0x8e: {  	[smem:$0x3FC2] =	sst s2  }
0x8f: {  	_ = 	snop  }
0x90: {  	s2 =	sld [smem:$0x3FD0];
	(tm) =	ssettm $0x1  }
0x91: {  	s18 =	sld [smem:$0x3FFB];
	_ =	sdelay $0x3  }
0x92: {  	_ =	strace s18  }
0x93: {  	s3 =	sld [smem:$0x3FFC];
	_ =	sdelay $0x3  }
0x94: {  	_ =	strace s3  }
0x95: {  	s3 =	sld [smem:$0x3FFD];
	_ =	sdelay $0x3  }
0x96: {  	_ =	strace s3  }
0x97: {  	_ =	strace $0x8FFFFFFF  }
0x98: {  	s19 =	sld [smem:$0x3FDB];
	_ =	sdelay $0x1  }
0x99: {  	s4 =	simm.s32 $_scs_section_size  }
0x9a: {  	s5 =	simm.s32 $_size__tile_overlayer_lowered;
	s6 =	simm.s32 $_tile_overlayer_lowered  }
0x9b: {  	s22 =	simm.s32 $0x1BFF;
	s21 =	sshll.u32 s6, $0x1;
	s3 =	sadd.s32 s4, s19  }
0x9c: {  	s7 =	simm.s32 $0x0;
	s20 =	sshll.u32 s5, $0x1;
	s5 =	sadd.s32 s21, s3  }
0x9d: {  	[timem:s7], [sflag:s22] =	dma.local [hbm:s5], s20  }
0x9e: {  	_ =	swait.ge [sflag:s22], s20  }
0x9f: {  	s4 =	ssub.s32 $0x0, s20;
	[sflag:s22] =	ssyncset.done $0x0  }
0xa0: {  	[sflag:s22] =	ssyncadd.s32 s4;
	_ =	sdelay $0x1  }
0xa1: {  	s23 =	simm.s32 $0x1B8B  }
0xa2: {  	_ =	swait.ge [sflag:s23], $0x1  }
0xa3: {  	[sflag:s23] =	ssyncset.done $0x0  }
0xa4: {  	s25 =	simm.s32 $0x1B8E;
	s24 =	sld [smem:$0x3FFE];
	[sflag:s23] =	ssyncadd.s32 $0xFFFFFFFF  }
0xa5: {  	s26 =	simm.s32 $execute0_lowered;
	[smem:$0x3FD2] =	sst s25  }
0xa6: {  	s5 =	sshll.u32 s26, $0x1;
	_ =	strace $0x80000049;
	[dreg:$0x1] =	wrdreg $0xFFFFFFFF  }
0xa7: {  	s28 =	simm.s32 $_size_execute0_lowered;
	s3 =	sadd.s32 s3, s5;
	[dreg:$0x0] =	wrdreg $0x0  }
0xa8: {  	s5 =	sshll.u32 s28, $0x1;
	[dreg:$0x2] =	wrdreg s3  }
0xa9: {  	[dreg:$0x3] =	wrdreg s5  }
0xaa: {  	[dreg:$0x4] =	wrdreg $0xC0  }
0xab: {  	_ =	task [dreg:s7], $0x5FFFF  }
0xac: {  	[dreg:$0x1] =	wrdreg $0xFFFFFFFF  }
0xad: {  	[dreg:$0x0] =	wrdreg $0x60  }
0xae: {  	[dreg:$0x2] =	wrdreg s24  }
0xaf: {  	[dreg:$0x3] =	wrdreg s2  }
0xb0: {  	[dreg:$0x4] =	wrdreg $0xF7000  }
0xb1: {  	[dreg:$0x5] =	wrdreg $0x9  }
0xb2: {  	_ =	task.clear_ibuf [dreg:s7], $0x6FFFF;
	_ =	strace $0x90000049  }
0xb3: {  	s29 =	simm.s32 $0x9;
	_ =	strace $0x8000004B  }
0xb4: {  	_ =	swait.ge [sflag:s29], $0x1  }
0xb5: {  	[sflag:s29] =	ssyncadd.s32 $0xFFFFFFFF  }
0xb6: {  	_ =	strace $0x9000004B  }
0xb7: {  	_ =	sfence  }
0xb8: {  	s30 =	sld [smem:$0x0];
	_ =	sdelay $0x2  }
0xb9: {  	s31 =	sshll.u32 s1, $0xD;
	s1 =	sshrl.u32 s1, $0x2  }
0xba: {  	s3 =	sand.u32 $0x4000, s31;
	s1 =	sadd.s32 s1, s30  }
0xbb: {  	s0 =	sor.u32 s3, s0;
	s1 =	sshll.u32 s1, $0x11  }
0xbc: {  	s0 =	sor.u32 s1, s0  }
0xbd: {  	s0 =	sadd.s32 $0x8F2B, s0  }
0xbe: {  	[sflag:s0] =	ssyncadd.remote.s32 $0x1  }
0xbf: {  	_ =	sfence.sel $0xFFFF  }
0xc0: {  	[dreg:$0x0] =	wrdreg $0xFFFFFFFF;
	(pc) =	sbr.abs _section_cstart, $3  }
0xc1: {  	[dreg:$0x1] =	wrdreg $0xFFFFFFFF  }
0xc2: {  	_ =	task.clear_ibuf [dreg:s7], $0x2FFFF;
	_ =	strace $0x9FFFFFFF  }
0xc3: {  	(tm) =	ssettm $0x7FFFFFFF  }
tec
execute0_lowered:
.L_overlay_start_1:
0x0: {  	(tag) =	ssettag $0x1  }
0x1: {  	s5 =	rddreg [dreg:$0x0]  }
0x2: {  	s0 =	srdreg.scid;
	s2 =	rddreg [dreg:$0x1]  }
0x3: {  	s4 =	stileid.u32;
	s3 =	rddreg [dreg:$0x2]  }
0x4: {  	s12 =	simm.s32 $0x6;
	s13 =	simm.s32 $0x1;
	s14 =	simm.s32 $0x400  }
0x5: {  	s15 =	simm.s32 $0x4F00;
	s16 =	simm.s32 $0x2;
	s17 =	simm.s32 $0x8F00  }
0x6: {  	s18 =	simm.s32 $0x80;
	s20 =	simm.s32 $0x5700;
	s21 =	simm.s32 $0x4  }
0x7: {  	s22 =	simm.s32 $0x5;
	s24 =	simm.s32 $0x5F00;
	s29 =	simm.s32 $0x6F00  }
0x8: {  	s31 =	simm.s32 $0x7700;
	s11 =	simm.s32 $0x7F00;
	s23 =	simm.s32 $0x8700  }
0x9: {  	s30 =	simm.s32 $0xA700;
	s28 =	simm.s32 $0xAF00;
	s19 =	simm.s32 $0xB700  }
0xa: {  	s0 =	sand.u32 $0x1, s0;
	s1 =	sshll.u32 s4, $0x1;
	s7 =	smul.u32 $0x2800, s4  }
0xb: {  	s10 =	simm.s32 $0xBF00;
	s1 =	sor.u32 s0, s1;
	s8 =	smul.u32 $0x28000, s0  }
0xc: {  	s4 =	simm.s32 $0x0;
	s0 =	ssub.s32 $0x2, s0;
	s6 =	smul.u32 $0x4F0, s1  }
0xd: {  	[smem:$0x7FF] =	sst s4;
	s1 =	smul.u32 $0x2780, s1;
	s9 =	sshrl.u32 s0, $0x1  }
0xe: {  	_ =	strace $0x8000004A;
	s8 =	sadd.s32 s7, s8;
	s0 =	ssub.s32 s0, s9  }
0xf: {  	s7 =	sadd.s32 s7, s3;
	s9 =	simm.s32 $0x2780;
	s6 =	sadd.s32 s6, s5  }
0x10: {  	s8 =	sshrl.u32 s8, $0x3;
	s1 =	sshrl.u32 s1, $0x3;
	s0 =	smax.u32 s0, $0x1  }
0x11: {  	s8 =	sadd.s32 s8, s5;
	s1 =	sadd.s32 s5, s1;
	s25 =	sadd.s32 $0x1B800, s6  }
0x12: {  	[dreg:$0x7] =	wrdreg s0;
	s0 =	simm.s32 $0x3;
	s5 =	simm.s32 $0xC700  }
0x13: {  	s6 =	simm.s32 $0x0;
	[dreg:$0x4] =	wrdreg s25;
	s1 =	sadd.s32 $0xCA00, s1  }
0x14: {  	s26 =	sadd.s32 $0x25600, s8;
	s25 =	simm.s32 $0x9F00;
	[dreg:$0x5] =	wrdreg s1  }
0x15: {  	v0 =	vimm.f32 $0.0e+00;
	[dreg:$0x6] =	wrdreg s26;
	s26 =	simm.s32 $0x6700;
	s1 =	simm.s32 $0x9700  }
.LBB2_1:
0x16: {  	s8 =	rddreg [dreg:$0x4]  }
0x17: {  	[tilespmem:s4], [sflag:$0x1] =	stream.linear.gather [hbm4b:s8+s4], $0x2780, $0x38;
	[tilespmem:$0x11F00] =	vst v63  }
0x18: {  	s8 =	rddreg [dreg:$0x5]  }
0x19: {  	[tilespmem:s9], [sflag:$0x1] =	stream.linear.gather [hbm4b:s8+s4], $0x2780, $0x38;
	[tilespmem:$0x11F00] =	vst v63  }
0x1a: {  	s8 =	simm.s32 $0x40;
	s9 =	simm.s32 $0x0  }
.LBB2_2:
0x1b: {  	p0 =	sne.s32 s8, $0x9FC0;
	[tilespmem:s9+$0xCF00] =	vst v0;
	s9 =	smov.u32 s8;
	s8 =	sadd.s32 $0x40, s8  }
.Ltmp0:
0x1c: {  	(pc) =	sbr.rel @p0 .LBB2_2-.Ltmp0, $2  }
0x1d: {  	_ =	sdelay $0x2  }
0x1e: {  	s9 =	sshra.s32 s9, $0x2  }
0x1f: {  	[tilespmem:s9+$0xCF00] =	vst v0;
	s8 =	simm.s32 $0xCF00  }
0x20: {  	[spmem:s7] =	stream.linear.scatter [tilespmem:s8], [sflag:$0x6], $0x2800, $0x38;
	[tilespmem:$0x11F00] =	vst v63  }
0x21: {  	_ =	swait.ge [sflag:s12], $0x2800  }
0x22: {  	[sflag:s12] =	ssyncset.done $0x0  }
0x23: {  	[sflag:s12] =	ssyncadd.s32 $0xFFFFD800  }
0x24: {  	_ =	swait.ge [sflag:s13], $0x2780  }
0x25: {  	[sflag:s13] =	ssyncset.done $0x0  }
0x26: {  	[sflag:s13] =	ssyncadd.s32 $0xFFFFD880  }
0x27: {  	_ =	swait.ge [sflag:s13], $0x2780  }
0x28: {  	[sflag:s13] =	ssyncset.done $0x0  }
0x29: {  	[sflag:s13] =	ssyncadd.s32 $0xFFFFD880  }
0x2a: {  	[bflag:$0x0] =	sbarrier.arrive $0xFFFF  }
0x2b: {  	[tilespmem:s15], [sflag:$0x2] =	stream.indirect.gather [hbm4b:s2+s14], $0x10, s4, s14, $0xb8;
	[tilespmem:$0x11F00] =	vst v63  }
0x2c: {  	_ =	swait.ge [sflag:s16], $0x4000  }
0x2d: {  	[sflag:s16] =	ssyncset.done $0x0  }
0x2e: {  	[sflag:s16] =	ssyncadd.s32 $0xFFFFC000  }
0x2f: {  	[tilespmem:s17], [sflag:$0x3] =	stream.indirect.gather [hbm4b:s2+s14], $0x10, s14, s14, $0xb8;
	[tilespmem:$0x11F00] =	vst v63  }
0x30: {  	s9 =	simm.s32 $0x2780  }
0x31: {  	[spmem:s3] =	stream.indirect.scatter.add.f32 [tilespmem:s15], [sflag:$0x4], $0x10, s9, s18, $0xb8;
	[tilespmem:$0x11F00] =	vst v63  }
0x32: {  	s8 =	simm.s32 $0x2800  }
0x33: {  	[spmem:s3] =	stream.indirect.scatter.add.f32 [tilespmem:s20], [sflag:$0x5], $0x10, s8, s18, $0xb8;
	[tilespmem:$0x11F00] =	vst v63  }
0x34: {  	_ =	swait.ge [sflag:s21], $0x800  }
0x35: {  	[sflag:s21] =	ssyncset.done $0x0  }
0x36: {  	[sflag:s21] =	ssyncadd.s32 $0xFFFFF800  }
0x37: {  	_ =	swait.ge [sflag:s22], $0x800  }
0x38: {  	[sflag:s22] =	ssyncset.done $0x0  }
0x39: {  	s9 =	simm.s32 $0x2880;
	[sflag:s22] =	ssyncadd.s32 $0xFFFFF800  }
0x3a: {  	[spmem:s3] =	stream.indirect.scatter.add.f32 [tilespmem:s24], [sflag:$0x4], $0x10, s9, s18, $0xb8;
	[tilespmem:$0x11F00] =	vst v63  }
0x3b: {  	s8 =	simm.s32 $0x2900  }
0x3c: {  	[spmem:s3] =	stream.indirect.scatter.add.f32 [tilespmem:s26], [sflag:$0x5], $0x10, s8, s18, $0xb8;
	[tilespmem:$0x11F00] =	vst v63  }
0x3d: {  	_ =	swait.ge [sflag:s21], $0x800  }
0x3e: {  	[sflag:s21] =	ssyncset.done $0x0  }
0x3f: {  	[sflag:s21] =	ssyncadd.s32 $0xFFFFF800  }
0x40: {  	_ =	swait.ge [sflag:s22], $0x800  }
0x41: {  	[sflag:s22] =	ssyncset.done $0x0  }
0x42: {  	s9 =	simm.s32 $0x2980;
	[sflag:s22] =	ssyncadd.s32 $0xFFFFF800  }
0x43: {  	[spmem:s3] =	stream.indirect.scatter.add.f32 [tilespmem:s29], [sflag:$0x4], $0x10, s9, s18, $0xb8;
	[tilespmem:$0x11F00] =	vst v63  }
0x44: {  	s8 =	simm.s32 $0x2A00  }
0x45: {  	[spmem:s3] =	stream.indirect.scatter.add.f32 [tilespmem:s31], [sflag:$0x5], $0x10, s8, s18, $0xb8;
	[tilespmem:$0x11F00] =	vst v63  }
0x46: {  	_ =	swait.ge [sflag:s21], $0x800  }
0x47: {  	[sflag:s21] =	ssyncset.done $0x0  }
0x48: {  	[sflag:s21] =	ssyncadd.s32 $0xFFFFF800  }
0x49: {  	_ =	swait.ge [sflag:s22], $0x800  }
0x4a: {  	[sflag:s22] =	ssyncset.done $0x0  }
0x4b: {  	s9 =	simm.s32 $0x2A80;
	[sflag:s22] =	ssyncadd.s32 $0xFFFFF800  }
0x4c: {  	[spmem:s3] =	stream.indirect.scatter.add.f32 [tilespmem:s11], [sflag:$0x4], $0x10, s9, s18, $0xb8;
	[tilespmem:$0x11F00] =	vst v63  }
0x4d: {  	s8 =	simm.s32 $0x2B00  }
0x4e: {  	[spmem:s3] =	stream.indirect.scatter.add.f32 [tilespmem:s23], [sflag:$0x5], $0x10, s8, s18, $0xb8;
	[tilespmem:$0x11F00] =	vst v63  }
0x4f: {  	_ =	swait.ge [sflag:s21], $0x800  }
0x50: {  	[sflag:s21] =	ssyncset.done $0x0  }
0x51: {  	[sflag:s21] =	ssyncadd.s32 $0xFFFFF800  }
0x52: {  	_ =	swait.ge [sflag:s22], $0x800  }
0x53: {  	[sflag:s22] =	ssyncset.done $0x0  }
0x54: {  	[sflag:s22] =	ssyncadd.s32 $0xFFFFF800  }
0x55: {  	_ =	swait.ge [sflag:s0], $0x4000  }
0x56: {  	[sflag:s0] =	ssyncset.done $0x0  }
0x57: {  	s9 =	simm.s32 $0x800;
	[sflag:s0] =	ssyncadd.s32 $0xFFFFC000  }
0x58: {  	[tilespmem:s15], [sflag:$0x2] =	stream.indirect.gather [hbm4b:s2+s14], $0x10, s9, s14, $0xb8;
	[tilespmem:$0x11F00] =	vst v63  }
0x59: {  	s8 =	simm.s32 $0x2B80  }
0x5a: {  	[spmem:s3] =	stream.indirect.scatter.add.f32 [tilespmem:s17], [sflag:$0x4], $0x10, s8, s18, $0xb8;
	[tilespmem:$0x11F00] =	vst v63  }
0x5b: {  	s9 =	simm.s32 $0x2C00  }
0x5c: {  	[spmem:s3] =	stream.indirect.scatter.add.f32 [tilespmem:s1], [sflag:$0x5], $0x10, s9, s18, $0xb8;
	[tilespmem:$0x11F00] =	vst v63  }
0x5d: {  	_ =	swait.ge [sflag:s21], $0x800  }
0x5e: {  	[sflag:s21] =	ssyncset.done $0x0  }
0x5f: {  	[sflag:s21] =	ssyncadd.s32 $0xFFFFF800  }
0x60: {  	_ =	swait.ge [sflag:s22], $0x800  }
0x61: {  	[sflag:s22] =	ssyncset.done $0x0  }
0x62: {  	s8 =	simm.s32 $0x2C80;
	[sflag:s22] =	ssyncadd.s32 $0xFFFFF800  }
0x63: {  	[spmem:s3] =	stream.indirect.scatter.add.f32 [tilespmem:s25], [sflag:$0x4], $0x10, s8, s18, $0xb8;
	[tilespmem:$0x11F00] =	vst v63  }
0x64: {  	s9 =	simm.s32 $0x2D00  }
0x65: {  	[spmem:s3] =	stream.indirect.scatter.add.f32 [tilespmem:s30], [sflag:$0x5], $0x10, s9, s18, $0xb8;
	[tilespmem:$0x11F00] =	vst v63  }
0x66: {  	_ =	swait.ge [sflag:s21], $0x800  }
0x67: {  	[sflag:s21] =	ssyncset.done $0x0  }
0x68: {  	[sflag:s21] =	ssyncadd.s32 $0xFFFFF800  }
0x69: {  	_ =	swait.ge [sflag:s22], $0x800  }
0x6a: {  	[sflag:s22] =	ssyncset.done $0x0  }
0x6b: {  	s8 =	simm.s32 $0x2D80;
	[sflag:s22] =	ssyncadd.s32 $0xFFFFF800  }
0x6c: {  	[spmem:s3] =	stream.indirect.scatter.add.f32 [tilespmem:s28], [sflag:$0x4], $0x10, s8, s18, $0xb8;
	[tilespmem:$0x11F00] =	vst v63  }
0x6d: {  	s9 =	simm.s32 $0x2E00  }
0x6e: {  	[spmem:s3] =	stream.indirect.scatter.add.f32 [tilespmem:s19], [sflag:$0x5], $0x10, s9, s18, $0xb8;
	[tilespmem:$0x11F00] =	vst v63  }
0x6f: {  	_ =	swait.ge [sflag:s21], $0x800  }
0x70: {  	[sflag:s21] =	ssyncset.done $0x0  }
0x71: {  	[sflag:s21] =	ssyncadd.s32 $0xFFFFF800  }
0x72: {  	_ =	swait.ge [sflag:s22], $0x800  }
0x73: {  	[sflag:s22] =	ssyncset.done $0x0  }
0x74: {  	s8 =	simm.s32 $0x2E80;
	[sflag:s22] =	ssyncadd.s32 $0xFFFFF800  }
0x75: {  	[spmem:s3] =	stream.indirect.scatter.add.f32 [tilespmem:s10], [sflag:$0x4], $0x10, s8, s18, $0xb8;
	[tilespmem:$0x11F00] =	vst v63  }
0x76: {  	s9 =	simm.s32 $0x2F00  }
0x77: {  	[spmem:s3] =	stream.indirect.scatter.add.f32 [tilespmem:s5], [sflag:$0x5], $0x10, s9, s18, $0xb8;
	[tilespmem:$0x11F00] =	vst v63  }
0x78: {  	_ =	swait.ge [sflag:s21], $0x800  }
0x79: {  	[sflag:s21] =	ssyncset.done $0x0  }
0x7a: {  	[sflag:s21] =	ssyncadd.s32 $0xFFFFF800  }
0x7b: {  	_ =	swait.ge [sflag:s22], $0x800  }
0x7c: {  	[sflag:s22] =	ssyncset.done $0x0  }
0x7d: {  	[sflag:s22] =	ssyncadd.s32 $0xFFFFF800  }
0x7e: {  	_ =	swait.ge [sflag:s16], $0x4000  }
0x7f: {  	[sflag:s16] =	ssyncset.done $0x0  }
0x80: {  	s8 =	simm.s32 $0xC00;
	[sflag:s16] =	ssyncadd.s32 $0xFFFFC000  }
0x81: {  	[tilespmem:s17], [sflag:$0x3] =	stream.indirect.gather [hbm4b:s2+s14], $0x10, s8, s14, $0xb8;
	[tilespmem:$0x11F00] =	vst v63  }
0x82: {  	s9 =	simm.s32 $0x2F80  }
0x83: {  	[spmem:s3] =	stream.indirect.scatter.add.f32 [tilespmem:s15], [sflag:$0x4], $0x10, s9, s18, $0xb8;
	[tilespmem:$0x11F00] =	vst v63  }
0x84: {  	s8 =	simm.s32 $0x3000  }
0x85: {  	[spmem:s3] =	stream.indirect.scatter.add.f32 [tilespmem:s20], [sflag:$0x5], $0x10, s8, s18, $0xb8;
	[tilespmem:$0x11F00] =	vst v63  }
0x86: {  	_ =	swait.ge [sflag:s21], $0x800  }
0x87: {  	[sflag:s21] =	ssyncset.done $0x0  }
0x88: {  	[sflag:s21] =	ssyncadd.s32 $0xFFFFF800  }
0x89: {  	_ =	swait.ge [sflag:s22], $0x800  }
0x8a: {  	[sflag:s22] =	ssyncset.done $0x0  }
0x8b: {  	s9 =	simm.s32 $0x3080;
	[sflag:s22] =	ssyncadd.s32 $0xFFFFF800  }
0x8c: {  	[spmem:s3] =	stream.indirect.scatter.add.f32 [tilespmem:s24], [sflag:$0x4], $0x10, s9, s18, $0xb8;
	[tilespmem:$0x11F00] =	vst v63  }
0x8d: {  	s8 =	simm.s32 $0x3100  }
0x8e: {  	[spmem:s3] =	stream.indirect.scatter.add.f32 [tilespmem:s26], [sflag:$0x5], $0x10, s8, s18, $0xb8;
	[tilespmem:$0x11F00] =	vst v63  }
0x8f: {  	_ =	swait.ge [sflag:s21], $0x800  }
0x90: {  	[sflag:s21] =	ssyncset.done $0x0  }
0x91: {  	[sflag:s21] =	ssyncadd.s32 $0xFFFFF800  }
0x92: {  	_ =	swait.ge [sflag:s22], $0x800  }
0x93: {  	[sflag:s22] =	ssyncset.done $0x0  }
0x94: {  	s9 =	simm.s32 $0x3180;
	[sflag:s22] =	ssyncadd.s32 $0xFFFFF800  }
0x95: {  	[spmem:s3] =	stream.indirect.scatter.add.f32 [tilespmem:s29], [sflag:$0x4], $0x10, s9, s18, $0xb8;
	[tilespmem:$0x11F00] =	vst v63  }
0x96: {  	s8 =	simm.s32 $0x3200  }
0x97: {  	[spmem:s3] =	stream.indirect.scatter.add.f32 [tilespmem:s31], [sflag:$0x5], $0x10, s8, s18, $0xb8;
	[tilespmem:$0x11F00] =	vst v63  }
0x98: {  	_ =	swait.ge [sflag:s21], $0x800  }
0x99: {  	[sflag:s21] =	ssyncset.done $0x0  }
0x9a: {  	[sflag:s21] =	ssyncadd.s32 $0xFFFFF800  }
0x9b: {  	_ =	swait.ge [sflag:s22], $0x800  }
0x9c: {  	[sflag:s22] =	ssyncset.done $0x0  }
0x9d: {  	s9 =	simm.s32 $0x3280;
	[sflag:s22] =	ssyncadd.s32 $0xFFFFF800  }
0x9e: {  	[spmem:s3] =	stream.indirect.scatter.add.f32 [tilespmem:s11], [sflag:$0x4], $0x10, s9, s18, $0xb8;
	[tilespmem:$0x11F00] =	vst v63  }
0x9f: {  	s8 =	simm.s32 $0x3300  }
0xa0: {  	[spmem:s3] =	stream.indirect.scatter.add.f32 [tilespmem:s23], [sflag:$0x5], $0x10, s8, s18, $0xb8;
	[tilespmem:$0x11F00] =	vst v63  }
0xa1: {  	_ =	swait.ge [sflag:s21], $0x800  }
0xa2: {  	[sflag:s21] =	ssyncset.done $0x0  }
0xa3: {  	[sflag:s21] =	ssyncadd.s32 $0xFFFFF800  }
0xa4: {  	_ =	swait.ge [sflag:s22], $0x800  }
0xa5: {  	[sflag:s22] =	ssyncset.done $0x0  }
0xa6: {  	[sflag:s22] =	ssyncadd.s32 $0xFFFFF800  }
0xa7: {  	_ =	swait.ge [sflag:s0], $0x4000  }
0xa8: {  	[sflag:s0] =	ssyncset.done $0x0  }
0xa9: {  	s9 =	simm.s32 $0x1000;
	[sflag:s0] =	ssyncadd.s32 $0xFFFFC000  }
0xaa: {  	[tilespmem:s15], [sflag:$0x2] =	stream.indirect.gather [hbm4b:s2+s14], $0x10, s9, s14, $0xb8;
	[tilespmem:$0x11F00] =	vst v63  }
0xab: {  	s8 =	simm.s32 $0x3380  }
0xac: {  	[spmem:s3] =	stream.indirect.scatter.add.f32 [tilespmem:s17], [sflag:$0x4], $0x10, s8, s18, $0xb8;
	[tilespmem:$0x11F00] =	vst v63  }
0xad: {  	s9 =	simm.s32 $0x3400  }
0xae: {  	[spmem:s3] =	stream.indirect.scatter.add.f32 [tilespmem:s1], [sflag:$0x5], $0x10, s9, s18, $0xb8;
	[tilespmem:$0x11F00] =	vst v63  }
0xaf: {  	_ =	swait.ge [sflag:s21], $0x800  }
0xb0: {  	[sflag:s21] =	ssyncset.done $0x0  }
0xb1: {  	[sflag:s21] =	ssyncadd.s32 $0xFFFFF800  }
0xb2: {  	_ =	swait.ge [sflag:s22], $0x800  }
0xb3: {  	[sflag:s22] =	ssyncset.done $0x0  }
0xb4: {  	s8 =	simm.s32 $0x3480;
	[sflag:s22] =	ssyncadd.s32 $0xFFFFF800  }
0xb5: {  	[spmem:s3] =	stream.indirect.scatter.add.f32 [tilespmem:s25], [sflag:$0x4], $0x10, s8, s18, $0xb8;
	[tilespmem:$0x11F00] =	vst v63  }
0xb6: {  	s9 =	simm.s32 $0x3500  }
0xb7: {  	[spmem:s3] =	stream.indirect.scatter.add.f32 [tilespmem:s30], [sflag:$0x5], $0x10, s9, s18, $0xb8;
	[tilespmem:$0x11F00] =	vst v63  }
0xb8: {  	_ =	swait.ge [sflag:s21], $0x800  }
0xb9: {  	[sflag:s21] =	ssyncset.done $0x0  }
0xba: {  	[sflag:s21] =	ssyncadd.s32 $0xFFFFF800  }
0xbb: {  	_ =	swait.ge [sflag:s22], $0x800  }
0xbc: {  	[sflag:s22] =	ssyncset.done $0x0  }
0xbd: {  	s8 =	simm.s32 $0x3580;
	[sflag:s22] =	ssyncadd.s32 $0xFFFFF800  }
0xbe: {  	[spmem:s3] =	stream.indirect.scatter.add.f32 [tilespmem:s28], [sflag:$0x4], $0x10, s8, s18, $0xb8;
	[tilespmem:$0x11F00] =	vst v63  }
0xbf: {  	s9 =	simm.s32 $0x3600  }
0xc0: {  	[spmem:s3] =	stream.indirect.scatter.add.f32 [tilespmem:s19], [sflag:$0x5], $0x10, s9, s18, $0xb8;
	[tilespmem:$0x11F00] =	vst v63  }
0xc1: {  	_ =	swait.ge [sflag:s21], $0x800  }
0xc2: {  	[sflag:s21] =	ssyncset.done $0x0  }
0xc3: {  	[sflag:s21] =	ssyncadd.s32 $0xFFFFF800  }
0xc4: {  	_ =	swait.ge [sflag:s22], $0x800  }
0xc5: {  	[sflag:s22] =	ssyncset.done $0x0  }
0xc6: {  	s8 =	simm.s32 $0x3680;
	[sflag:s22] =	ssyncadd.s32 $0xFFFFF800  }
0xc7: {  	[spmem:s3] =	stream.indirect.scatter.add.f32 [tilespmem:s10], [sflag:$0x4], $0x10, s8, s18, $0xb8;
	[tilespmem:$0x11F00] =	vst v63  }
0xc8: {  	s9 =	simm.s32 $0x3700  }
0xc9: {  	[spmem:s3] =	stream.indirect.scatter.add.f32 [tilespmem:s5], [sflag:$0x5], $0x10, s9, s18, $0xb8;
	[tilespmem:$0x11F00] =	vst v63  }
0xca: {  	_ =	swait.ge [sflag:s21], $0x800  }
0xcb: {  	[sflag:s21] =	ssyncset.done $0x0  }
0xcc: {  	[sflag:s21] =	ssyncadd.s32 $0xFFFFF800  }
0xcd: {  	_ =	swait.ge [sflag:s22], $0x800  }
0xce: {  	[sflag:s22] =	ssyncset.done $0x0  }
0xcf: {  	[sflag:s22] =	ssyncadd.s32 $0xFFFFF800  }
0xd0: {  	_ =	swait.ge [sflag:s16], $0x4000  }
0xd1: {  	[sflag:s16] =	ssyncset.done $0x0  }
0xd2: {  	s8 =	simm.s32 $0x1400;
	[sflag:s16] =	ssyncadd.s32 $0xFFFFC000  }
0xd3: {  	[tilespmem:s17], [sflag:$0x3] =	stream.indirect.gather [hbm4b:s2+s14], $0x10, s8, s14, $0xb8;
	[tilespmem:$0x11F00] =	vst v63  }
0xd4: {  	s9 =	simm.s32 $0x3780  }
0xd5: {  	[spmem:s3] =	stream.indirect.scatter.add.f32 [tilespmem:s15], [sflag:$0x4], $0x10, s9, s18, $0xb8;
	[tilespmem:$0x11F00] =	vst v63  }
0xd6: {  	s8 =	simm.s32 $0x3800  }
0xd7: {  	[spmem:s3] =	stream.indirect.scatter.add.f32 [tilespmem:s20], [sflag:$0x5], $0x10, s8, s18, $0xb8;
	[tilespmem:$0x11F00] =	vst v63  }
0xd8: {  	_ =	swait.ge [sflag:s21], $0x800  }
0xd9: {  	[sflag:s21] =	ssyncset.done $0x0  }
0xda: {  	[sflag:s21] =	ssyncadd.s32 $0xFFFFF800  }
0xdb: {  	_ =	swait.ge [sflag:s22], $0x800  }
0xdc: {  	[sflag:s22] =	ssyncset.done $0x0  }
0xdd: {  	s9 =	simm.s32 $0x3880;
	[sflag:s22] =	ssyncadd.s32 $0xFFFFF800  }
0xde: {  	[spmem:s3] =	stream.indirect.scatter.add.f32 [tilespmem:s24], [sflag:$0x4], $0x10, s9, s18, $0xb8;
	[tilespmem:$0x11F00] =	vst v63  }
0xdf: {  	s8 =	simm.s32 $0x3900  }
0xe0: {  	[spmem:s3] =	stream.indirect.scatter.add.f32 [tilespmem:s26], [sflag:$0x5], $0x10, s8, s18, $0xb8;
	[tilespmem:$0x11F00] =	vst v63  }
0xe1: {  	_ =	swait.ge [sflag:s21], $0x800  }
0xe2: {  	[sflag:s21] =	ssyncset.done $0x0  }
0xe3: {  	[sflag:s21] =	ssyncadd.s32 $0xFFFFF800  }
0xe4: {  	_ =	swait.ge [sflag:s22], $0x800  }
0xe5: {  	[sflag:s22] =	ssyncset.done $0x0  }
0xe6: {  	s9 =	simm.s32 $0x3980;
	[sflag:s22] =	ssyncadd.s32 $0xFFFFF800  }
0xe7: {  	[spmem:s3] =	stream.indirect.scatter.add.f32 [tilespmem:s29], [sflag:$0x4], $0x10, s9, s18, $0xb8;
	[tilespmem:$0x11F00] =	vst v63  }
0xe8: {  	s8 =	simm.s32 $0x3A00  }
0xe9: {  	[spmem:s3] =	stream.indirect.scatter.add.f32 [tilespmem:s31], [sflag:$0x5], $0x10, s8, s18, $0xb8;
	[tilespmem:$0x11F00] =	vst v63  }
0xea: {  	_ =	swait.ge [sflag:s21], $0x800  }
0xeb: {  	[sflag:s21] =	ssyncset.done $0x0  }
0xec: {  	[sflag:s21] =	ssyncadd.s32 $0xFFFFF800  }
0xed: {  	_ =	swait.ge [sflag:s22], $0x800  }
0xee: {  	[sflag:s22] =	ssyncset.done $0x0  }
0xef: {  	s9 =	simm.s32 $0x3A80;
	[sflag:s22] =	ssyncadd.s32 $0xFFFFF800  }
0xf0: {  	[spmem:s3] =	stream.indirect.scatter.add.f32 [tilespmem:s11], [sflag:$0x4], $0x10, s9, s18, $0xb8;
	[tilespmem:$0x11F00] =	vst v63  }
0xf1: {  	s8 =	simm.s32 $0x3B00  }
0xf2: {  	[spmem:s3] =	stream.indirect.scatter.add.f32 [tilespmem:s23], [sflag:$0x5], $0x10, s8, s18, $0xb8;
	[tilespmem:$0x11F00] =	vst v63  }
0xf3: {  	_ =	swait.ge [sflag:s21], $0x800  }
0xf4: {  	[sflag:s21] =	ssyncset.done $0x0  }
0xf5: {  	[sflag:s21] =	ssyncadd.s32 $0xFFFFF800  }
0xf6: {  	_ =	swait.ge [sflag:s22], $0x800  }
0xf7: {  	[sflag:s22] =	ssyncset.done $0x0  }
0xf8: {  	[sflag:s22] =	ssyncadd.s32 $0xFFFFF800  }
0xf9: {  	_ =	swait.ge [sflag:s0], $0x4000  }
0xfa: {  	[sflag:s0] =	ssyncset.done $0x0  }
0xfb: {  	s9 =	simm.s32 $0x1800;
	[sflag:s0] =	ssyncadd.s32 $0xFFFFC000  }
0xfc: {  	[tilespmem:s15], [sflag:$0x2] =	stream.indirect.gather [hbm4b:s2+s14], $0x10, s9, s14, $0xb8;
	[tilespmem:$0x11F00] =	vst v63  }
0xfd: {  	s8 =	simm.s32 $0x3B80  }
0xfe: {  	[spmem:s3] =	stream.indirect.scatter.add.f32 [tilespmem:s17], [sflag:$0x4], $0x10, s8, s18, $0xb8;
	[tilespmem:$0x11F00] =	vst v63  }
0xff: {  	s9 =	simm.s32 $0x3C00  }
0x100: {  	[spmem:s3] =	stream.indirect.scatter.add.f32 [tilespmem:s1], [sflag:$0x5], $0x10, s9, s18, $0xb8;
	[tilespmem:$0x11F00] =	vst v63  }
0x101: {  	_ =	swait.ge [sflag:s21], $0x800  }
0x102: {  	[sflag:s21] =	ssyncset.done $0x0  }
0x103: {  	[sflag:s21] =	ssyncadd.s32 $0xFFFFF800  }
0x104: {  	_ =	swait.ge [sflag:s22], $0x800  }
0x105: {  	[sflag:s22] =	ssyncset.done $0x0  }
0x106: {  	s8 =	simm.s32 $0x3C80;
	[sflag:s22] =	ssyncadd.s32 $0xFFFFF800  }
0x107: {  	[spmem:s3] =	stream.indirect.scatter.add.f32 [tilespmem:s25], [sflag:$0x4], $0x10, s8, s18, $0xb8;
	[tilespmem:$0x11F00] =	vst v63  }
0x108: {  	s9 =	simm.s32 $0x3D00  }
0x109: {  	[spmem:s3] =	stream.indirect.scatter.add.f32 [tilespmem:s30], [sflag:$0x5], $0x10, s9, s18, $0xb8;
	[tilespmem:$0x11F00] =	vst v63  }
0x10a: {  	_ =	swait.ge [sflag:s21], $0x800  }
0x10b: {  	[sflag:s21] =	ssyncset.done $0x0  }
0x10c: {  	[sflag:s21] =	ssyncadd.s32 $0xFFFFF800  }
0x10d: {  	_ =	swait.ge [sflag:s22], $0x800  }
0x10e: {  	[sflag:s22] =	ssyncset.done $0x0  }
0x10f: {  	s8 =	simm.s32 $0x3D80;
	[sflag:s22] =	ssyncadd.s32 $0xFFFFF800  }
0x110: {  	[spmem:s3] =	stream.indirect.scatter.add.f32 [tilespmem:s28], [sflag:$0x4], $0x10, s8, s18, $0xb8;
	[tilespmem:$0x11F00] =	vst v63  }
0x111: {  	s9 =	simm.s32 $0x3E00  }
0x112: {  	[spmem:s3] =	stream.indirect.scatter.add.f32 [tilespmem:s19], [sflag:$0x5], $0x10, s9, s18, $0xb8;
	[tilespmem:$0x11F00] =	vst v63  }
0x113: {  	_ =	swait.ge [sflag:s21], $0x800  }
0x114: {  	[sflag:s21] =	ssyncset.done $0x0  }
0x115: {  	[sflag:s21] =	ssyncadd.s32 $0xFFFFF800  }
0x116: {  	_ =	swait.ge [sflag:s22], $0x800  }
0x117: {  	[sflag:s22] =	ssyncset.done $0x0  }
0x118: {  	s8 =	simm.s32 $0x3E80;
	[sflag:s22] =	ssyncadd.s32 $0xFFFFF800  }
0x119: {  	[spmem:s3] =	stream.indirect.scatter.add.f32 [tilespmem:s10], [sflag:$0x4], $0x10, s8, s18, $0xb8;
	[tilespmem:$0x11F00] =	vst v63  }
0x11a: {  	s9 =	simm.s32 $0x3F00  }
0x11b: {  	[spmem:s3] =	stream.indirect.scatter.add.f32 [tilespmem:s5], [sflag:$0x5], $0x10, s9, s18, $0xb8;
	[tilespmem:$0x11F00] =	vst v63  }
0x11c: {  	_ =	swait.ge [sflag:s21], $0x800  }
0x11d: {  	[sflag:s21] =	ssyncset.done $0x0  }
0x11e: {  	[sflag:s21] =	ssyncadd.s32 $0xFFFFF800  }
0x11f: {  	_ =	swait.ge [sflag:s22], $0x800  }
0x120: {  	[sflag:s22] =	ssyncset.done $0x0  }
0x121: {  	[sflag:s22] =	ssyncadd.s32 $0xFFFFF800  }
0x122: {  	_ =	swait.ge [sflag:s16], $0x4000  }
0x123: {  	[sflag:s16] =	ssyncset.done $0x0  }
0x124: {  	s8 =	simm.s32 $0x1C00;
	[sflag:s16] =	ssyncadd.s32 $0xFFFFC000  }
0x125: {  	[tilespmem:s17], [sflag:$0x3] =	stream.indirect.gather [hbm4b:s2+s14], $0x10, s8, s14, $0xb8;
	[tilespmem:$0x11F00] =	vst v63  }
0x126: {  	s9 =	simm.s32 $0x3F80  }
0x127: {  	[spmem:s3] =	stream.indirect.scatter.add.f32 [tilespmem:s15], [sflag:$0x4], $0x10, s9, s18, $0xb8;
	[tilespmem:$0x11F00] =	vst v63  }
0x128: {  	s8 =	simm.s32 $0x4000  }
0x129: {  	[spmem:s3] =	stream.indirect.scatter.add.f32 [tilespmem:s20], [sflag:$0x5], $0x10, s8, s18, $0xb8;
	[tilespmem:$0x11F00] =	vst v63  }
0x12a: {  	_ =	swait.ge [sflag:s21], $0x800  }
0x12b: {  	[sflag:s21] =	ssyncset.done $0x0  }
0x12c: {  	[sflag:s21] =	ssyncadd.s32 $0xFFFFF800  }
0x12d: {  	_ =	swait.ge [sflag:s22], $0x800  }
0x12e: {  	[sflag:s22] =	ssyncset.done $0x0  }
0x12f: {  	s9 =	simm.s32 $0x4080;
	[sflag:s22] =	ssyncadd.s32 $0xFFFFF800  }
0x130: {  	[spmem:s3] =	stream.indirect.scatter.add.f32 [tilespmem:s24], [sflag:$0x4], $0x10, s9, s18, $0xb8;
	[tilespmem:$0x11F00] =	vst v63  }
0x131: {  	s8 =	simm.s32 $0x4100  }
0x132: {  	[spmem:s3] =	stream.indirect.scatter.add.f32 [tilespmem:s26], [sflag:$0x5], $0x10, s8, s18, $0xb8;
	[tilespmem:$0x11F00] =	vst v63  }
0x133: {  	_ =	swait.ge [sflag:s21], $0x800  }
0x134: {  	[sflag:s21] =	ssyncset.done $0x0  }
0x135: {  	[sflag:s21] =	ssyncadd.s32 $0xFFFFF800  }
0x136: {  	_ =	swait.ge [sflag:s22], $0x800  }
0x137: {  	[sflag:s22] =	ssyncset.done $0x0  }
0x138: {  	s9 =	simm.s32 $0x4180;
	[sflag:s22] =	ssyncadd.s32 $0xFFFFF800  }
0x139: {  	[spmem:s3] =	stream.indirect.scatter.add.f32 [tilespmem:s29], [sflag:$0x4], $0x10, s9, s18, $0xb8;
	[tilespmem:$0x11F00] =	vst v63  }
0x13a: {  	s8 =	simm.s32 $0x4200  }
0x13b: {  	[spmem:s3] =	stream.indirect.scatter.add.f32 [tilespmem:s31], [sflag:$0x5], $0x10, s8, s18, $0xb8;
	[tilespmem:$0x11F00] =	vst v63  }
0x13c: {  	_ =	swait.ge [sflag:s21], $0x800  }
0x13d: {  	[sflag:s21] =	ssyncset.done $0x0  }
0x13e: {  	[sflag:s21] =	ssyncadd.s32 $0xFFFFF800  }
0x13f: {  	_ =	swait.ge [sflag:s22], $0x800  }
0x140: {  	[sflag:s22] =	ssyncset.done $0x0  }
0x141: {  	s9 =	simm.s32 $0x4280;
	[sflag:s22] =	ssyncadd.s32 $0xFFFFF800  }
0x142: {  	[spmem:s3] =	stream.indirect.scatter.add.f32 [tilespmem:s11], [sflag:$0x4], $0x10, s9, s18, $0xb8;
	[tilespmem:$0x11F00] =	vst v63  }
0x143: {  	s8 =	simm.s32 $0x4300  }
0x144: {  	[spmem:s3] =	stream.indirect.scatter.add.f32 [tilespmem:s23], [sflag:$0x5], $0x10, s8, s18, $0xb8;
	[tilespmem:$0x11F00] =	vst v63  }
0x145: {  	_ =	swait.ge [sflag:s21], $0x800  }
0x146: {  	[sflag:s21] =	ssyncset.done $0x0  }
0x147: {  	[sflag:s21] =	ssyncadd.s32 $0xFFFFF800  }
0x148: {  	_ =	swait.ge [sflag:s22], $0x800  }
0x149: {  	[sflag:s22] =	ssyncset.done $0x0  }
0x14a: {  	[sflag:s22] =	ssyncadd.s32 $0xFFFFF800  }
0x14b: {  	_ =	swait.ge [sflag:s0], $0x4000  }
0x14c: {  	[sflag:s0] =	ssyncset.done $0x0  }
0x14d: {  	s9 =	simm.s32 $0x2000;
	[sflag:s0] =	ssyncadd.s32 $0xFFFFC000  }
0x14e: {  	[tilespmem:s15], [sflag:$0x2] =	stream.indirect.gather [hbm4b:s2+s14], $0x10, s9, s14, $0xb8;
	[tilespmem:$0x11F00] =	vst v63  }
0x14f: {  	s8 =	simm.s32 $0x4380  }
0x150: {  	[spmem:s3] =	stream.indirect.scatter.add.f32 [tilespmem:s17], [sflag:$0x4], $0x10, s8, s18, $0xb8;
	[tilespmem:$0x11F00] =	vst v63  }
0x151: {  	s9 =	simm.s32 $0x4400  }
0x152: {  	[spmem:s3] =	stream.indirect.scatter.add.f32 [tilespmem:s1], [sflag:$0x5], $0x10, s9, s18, $0xb8;
	[tilespmem:$0x11F00] =	vst v63  }
0x153: {  	_ =	swait.ge [sflag:s21], $0x800  }
0x154: {  	[sflag:s21] =	ssyncset.done $0x0  }
0x155: {  	[sflag:s21] =	ssyncadd.s32 $0xFFFFF800  }
0x156: {  	_ =	swait.ge [sflag:s22], $0x800  }
0x157: {  	[sflag:s22] =	ssyncset.done $0x0  }
0x158: {  	s8 =	simm.s32 $0x4480;
	[sflag:s22] =	ssyncadd.s32 $0xFFFFF800  }
0x159: {  	[spmem:s3] =	stream.indirect.scatter.add.f32 [tilespmem:s25], [sflag:$0x4], $0x10, s8, s18, $0xb8;
	[tilespmem:$0x11F00] =	vst v63  }
0x15a: {  	s9 =	simm.s32 $0x4500  }
0x15b: {  	[spmem:s3] =	stream.indirect.scatter.add.f32 [tilespmem:s30], [sflag:$0x5], $0x10, s9, s18, $0xb8;
	[tilespmem:$0x11F00] =	vst v63  }
0x15c: {  	_ =	swait.ge [sflag:s21], $0x800  }
0x15d: {  	[sflag:s21] =	ssyncset.done $0x0  }
0x15e: {  	[sflag:s21] =	ssyncadd.s32 $0xFFFFF800  }
0x15f: {  	_ =	swait.ge [sflag:s22], $0x800  }
0x160: {  	[sflag:s22] =	ssyncset.done $0x0  }
0x161: {  	s8 =	simm.s32 $0x4580;
	[sflag:s22] =	ssyncadd.s32 $0xFFFFF800  }
0x162: {  	[spmem:s3] =	stream.indirect.scatter.add.f32 [tilespmem:s28], [sflag:$0x4], $0x10, s8, s18, $0xb8;
	[tilespmem:$0x11F00] =	vst v63  }
0x163: {  	s9 =	simm.s32 $0x4600  }
0x164: {  	[spmem:s3] =	stream.indirect.scatter.add.f32 [tilespmem:s19], [sflag:$0x5], $0x10, s9, s18, $0xb8;
	[tilespmem:$0x11F00] =	vst v63  }
0x165: {  	_ =	swait.ge [sflag:s21], $0x800  }
0x166: {  	[sflag:s21] =	ssyncset.done $0x0  }
0x167: {  	[sflag:s21] =	ssyncadd.s32 $0xFFFFF800  }
0x168: {  	_ =	swait.ge [sflag:s22], $0x800  }
0x169: {  	[sflag:s22] =	ssyncset.done $0x0  }
0x16a: {  	s8 =	simm.s32 $0x4680;
	[sflag:s22] =	ssyncadd.s32 $0xFFFFF800  }
0x16b: {  	[spmem:s3] =	stream.indirect.scatter.add.f32 [tilespmem:s10], [sflag:$0x4], $0x10, s8, s18, $0xb8;
	[tilespmem:$0x11F00] =	vst v63  }
0x16c: {  	s9 =	simm.s32 $0x4700  }
0x16d: {  	[spmem:s3] =	stream.indirect.scatter.add.f32 [tilespmem:s5], [sflag:$0x5], $0x10, s9, s18, $0xb8;
	[tilespmem:$0x11F00] =	vst v63  }
0x16e: {  	_ =	swait.ge [sflag:s21], $0x800  }
0x16f: {  	[sflag:s21] =	ssyncset.done $0x0  }
0x170: {  	[sflag:s21] =	ssyncadd.s32 $0xFFFFF800  }
0x171: {  	_ =	swait.ge [sflag:s22], $0x800  }
0x172: {  	[sflag:s22] =	ssyncset.done $0x0  }
0x173: {  	[sflag:s22] =	ssyncadd.s32 $0xFFFFF800  }
0x174: {  	_ =	swait.ge [sflag:s16], $0x4000  }
0x175: {  	[sflag:s16] =	ssyncset.done $0x0  }
0x176: {  	s8 =	simm.s32 $0x380;
	s9 =	simm.s32 $0x2400;
	[sflag:s16] =	ssyncadd.s32 $0xFFFFC000  }
0x177: {  	[tilespmem:s17], [sflag:$0x3] =	stream.indirect.gather [hbm4b:s2+s8], $0x10, s9, s8, $0xb8;
	[tilespmem:$0x11F00] =	vst v63  }
0x178: {  	s8 =	simm.s32 $0x4780  }
0x179: {  	[spmem:s3] =	stream.indirect.scatter.add.f32 [tilespmem:s15], [sflag:$0x4], $0x10, s8, s18, $0xb8;
	[tilespmem:$0x11F00] =	vst v63  }
0x17a: {  	s9 =	simm.s32 $0x4800  }
0x17b: {  	[spmem:s3] =	stream.indirect.scatter.add.f32 [tilespmem:s20], [sflag:$0x5], $0x10, s9, s18, $0xb8;
	[tilespmem:$0x11F00] =	vst v63  }
0x17c: {  	_ =	swait.ge [sflag:s21], $0x800  }
0x17d: {  	[sflag:s21] =	ssyncset.done $0x0  }
0x17e: {  	[sflag:s21] =	ssyncadd.s32 $0xFFFFF800  }
0x17f: {  	_ =	swait.ge [sflag:s22], $0x800  }
0x180: {  	[sflag:s22] =	ssyncset.done $0x0  }
0x181: {  	s8 =	simm.s32 $0x4880;
	[sflag:s22] =	ssyncadd.s32 $0xFFFFF800  }
0x182: {  	[spmem:s3] =	stream.indirect.scatter.add.f32 [tilespmem:s24], [sflag:$0x4], $0x10, s8, s18, $0xb8;
	[tilespmem:$0x11F00] =	vst v63  }
0x183: {  	s9 =	simm.s32 $0x4900  }
0x184: {  	[spmem:s3] =	stream.indirect.scatter.add.f32 [tilespmem:s26], [sflag:$0x5], $0x10, s9, s18, $0xb8;
	[tilespmem:$0x11F00] =	vst v63  }
0x185: {  	_ =	swait.ge [sflag:s21], $0x800  }
0x186: {  	[sflag:s21] =	ssyncset.done $0x0  }
0x187: {  	[sflag:s21] =	ssyncadd.s32 $0xFFFFF800  }
0x188: {  	_ =	swait.ge [sflag:s22], $0x800  }
0x189: {  	[sflag:s22] =	ssyncset.done $0x0  }
0x18a: {  	s8 =	simm.s32 $0x4980;
	[sflag:s22] =	ssyncadd.s32 $0xFFFFF800  }
0x18b: {  	[spmem:s3] =	stream.indirect.scatter.add.f32 [tilespmem:s29], [sflag:$0x4], $0x10, s8, s18, $0xb8;
	[tilespmem:$0x11F00] =	vst v63  }
0x18c: {  	s9 =	simm.s32 $0x4A00  }
0x18d: {  	[spmem:s3] =	stream.indirect.scatter.add.f32 [tilespmem:s31], [sflag:$0x5], $0x10, s9, s18, $0xb8;
	[tilespmem:$0x11F00] =	vst v63  }
0x18e: {  	_ =	swait.ge [sflag:s21], $0x800  }
0x18f: {  	[sflag:s21] =	ssyncset.done $0x0  }
0x190: {  	[sflag:s21] =	ssyncadd.s32 $0xFFFFF800  }
0x191: {  	_ =	swait.ge [sflag:s22], $0x800  }
0x192: {  	[sflag:s22] =	ssyncset.done $0x0  }
0x193: {  	s8 =	simm.s32 $0x4A80;
	[sflag:s22] =	ssyncadd.s32 $0xFFFFF800  }
0x194: {  	[spmem:s3] =	stream.indirect.scatter.add.f32 [tilespmem:s11], [sflag:$0x4], $0x10, s8, s18, $0xb8;
	[tilespmem:$0x11F00] =	vst v63  }
0x195: {  	s9 =	simm.s32 $0x4B00  }
0x196: {  	[spmem:s3] =	stream.indirect.scatter.add.f32 [tilespmem:s23], [sflag:$0x5], $0x10, s9, s18, $0xb8;
	[tilespmem:$0x11F00] =	vst v63  }
0x197: {  	_ =	swait.ge [sflag:s21], $0x800  }
0x198: {  	[sflag:s21] =	ssyncset.done $0x0  }
0x199: {  	[sflag:s21] =	ssyncadd.s32 $0xFFFFF800  }
0x19a: {  	_ =	swait.ge [sflag:s22], $0x800  }
0x19b: {  	[sflag:s22] =	ssyncset.done $0x0  }
0x19c: {  	[sflag:s22] =	ssyncadd.s32 $0xFFFFF800  }
0x19d: {  	_ =	swait.ge [sflag:s0], $0x3800  }
0x19e: {  	[sflag:s0] =	ssyncset.done $0x0  }
0x19f: {  	s8 =	simm.s32 $0x4B80;
	[sflag:s0] =	ssyncadd.s32 $0xFFFFC800  }
0x1a0: {  	[spmem:s3] =	stream.indirect.scatter.add.f32 [tilespmem:s17], [sflag:$0x4], $0x10, s8, s18, $0xb8;
	[tilespmem:$0x11F00] =	vst v63  }
0x1a1: {  	s9 =	simm.s32 $0x4C00  }
0x1a2: {  	[spmem:s3] =	stream.indirect.scatter.add.f32 [tilespmem:s1], [sflag:$0x5], $0x10, s9, s18, $0xb8;
	[tilespmem:$0x11F00] =	vst v63  }
0x1a3: {  	_ =	swait.ge [sflag:s21], $0x800  }
0x1a4: {  	[sflag:s21] =	ssyncset.done $0x0  }
0x1a5: {  	[sflag:s21] =	ssyncadd.s32 $0xFFFFF800  }
0x1a6: {  	_ =	swait.ge [sflag:s22], $0x800  }
0x1a7: {  	[sflag:s22] =	ssyncset.done $0x0  }
0x1a8: {  	s8 =	simm.s32 $0x4C80;
	[sflag:s22] =	ssyncadd.s32 $0xFFFFF800  }
0x1a9: {  	[spmem:s3] =	stream.indirect.scatter.add.f32 [tilespmem:s25], [sflag:$0x4], $0x10, s8, s18, $0xb8;
	[tilespmem:$0x11F00] =	vst v63  }
0x1aa: {  	s9 =	simm.s32 $0x4D00  }
0x1ab: {  	[spmem:s3] =	stream.indirect.scatter.add.f32 [tilespmem:s30], [sflag:$0x5], $0x10, s9, s18, $0xb8;
	[tilespmem:$0x11F00] =	vst v63  }
0x1ac: {  	_ =	swait.ge [sflag:s21], $0x800  }
0x1ad: {  	[sflag:s21] =	ssyncset.done $0x0  }
0x1ae: {  	[sflag:s21] =	ssyncadd.s32 $0xFFFFF800  }
0x1af: {  	_ =	swait.ge [sflag:s22], $0x800  }
0x1b0: {  	[sflag:s22] =	ssyncset.done $0x0  }
0x1b1: {  	s8 =	simm.s32 $0x4D80;
	[sflag:s22] =	ssyncadd.s32 $0xFFFFF800  }
0x1b2: {  	[spmem:s3] =	stream.indirect.scatter.add.f32 [tilespmem:s28], [sflag:$0x4], $0x10, s8, s18, $0xb8;
	[tilespmem:$0x11F00] =	vst v63  }
0x1b3: {  	s9 =	simm.s32 $0x4E00  }
0x1b4: {  	[spmem:s3] =	stream.indirect.scatter.add.f32 [tilespmem:s19], [sflag:$0x5], $0x10, s9, s18, $0xb8;
	[tilespmem:$0x11F00] =	vst v63  }
0x1b5: {  	_ =	swait.ge [sflag:s21], $0x800  }
0x1b6: {  	[sflag:s21] =	ssyncset.done $0x0  }
0x1b7: {  	[sflag:s21] =	ssyncadd.s32 $0xFFFFF800  }
0x1b8: {  	_ =	swait.ge [sflag:s22], $0x800  }
0x1b9: {  	[sflag:s22] =	ssyncset.done $0x0  }
0x1ba: {  	s8 =	simm.s32 $0x4E80;
	[sflag:s22] =	ssyncadd.s32 $0xFFFFF800  }
0x1bb: {  	[spmem:s3] =	stream.indirect.scatter.add.f32 [tilespmem:s10], [sflag:$0x4], $0x10, s8, s18, $0xb8;
	[tilespmem:$0x11F00] =	vst v63  }
0x1bc: {  	_ =	swait.ge [sflag:s21], $0x800  }
0x1bd: {  	[sflag:s21] =	ssyncset.done $0x0  }
0x1be: {  	s9 =	stileid.u32;
	[sflag:s21] =	ssyncadd.s32 $0xFFFFF800  }
0x1bf: {  	s8 =	sshll.u32 s9, $0x6;
	[bflag:$0x0] =	sbarrier.arrive $0xFFFF  }
0x1c0: {  	s9 =	sshrl.u32 s7, $0x3;
	s8 =	sor.u32 $0x1C06, s8;
	s4 =	rddreg [dreg:$0x6]  }
0x1c1: {  	[hbm:s4], [sflag:s8] =	dma.local [spmem:s9], $0x500  }
0x1c2: {  	_ =	swait.ge [sflag:s12], $0x500  }
0x1c3: {  	s6 =	sadd.s32 $0x1, s6;
	s8 =	rddreg [dreg:$0x7]  }
0x1c4: {  	p0 =	sne.s32 s6, s8  }
.Ltmp1:
0x1c5: {  	_ = 	snop;
	(pc) =	sbr.rel @p0 .LBB2_1-.Ltmp1, $3  }
0x1c6: {  	_ =	sdelay $0x1  }
0x1c7: {  	[sflag:s12] =	ssyncset.done $0x0  }
0x1c8: {  	s9 =	simm.s32 $0x2780;
	s4 =	simm.s32 $0x0;
	[sflag:s12] =	ssyncadd.s32 $0xFFFFFB00  }
0x1c9: {  	_ =	sfence.sel $0x180000  }
0x1ca: {  	[bflag:$0x0] =	sbarrier.arrive $0xFFFF  }
0x1cb: {  	_ =	strace $0x9000004A  }
0x1cc: {  	s0 =	stileid.u32;
	[bflag:$0x2] =	sbarrier.arrive $0xFFFF  }
0x1cd: {  	p0 =	sne.s32 s0, $0x0;
	s0 =	rddreg [dreg:$0x3]  }
0x1ce: {  	s0 =	sadd.s32 @!p0 $0x100000, s0  }
0x1cf: {  	[sflag:s0] =	ssyncadd.tile.s32 @!p0 $0x1;
	_ =	shalt  }
.Lfunc_end2:
_tile_overlayer_lowered:
.L_overlay_start_2:
0x1d0: {  	(tag) =	ssettag $0x2  }
0x1d1: {  	s0 =	rddreg [dreg:$0x0];
	s2 =	stileid.u32  }
0x1d2: {  	s1 =	rddreg [dreg:$0x1];
	p0 =	sne.s32 s2, $0x0  }
0x1d3: {  	s3 =	rddreg [dreg:$0x2];
	[bflag:$0x3] =	sbarrier.arrive $0xFFFF;
	s2 =	simm.s32 @!p0 $0x1C06  }
0x1d4: {  	[timem:s3], [sflag:s2] =	dma.local @!p0 [hbm:s0], s1  }
0x1d5: {  	s0 =	simm.s32 @!p0 $0x6  }
0x1d6: {  	_ =	swait.ge @!p0 [sflag:s0], s1  }
0x1d7: {  	s1 =	ssub.s32 @!p0 $0x0, s1;
	[sflag:s0] =	ssyncset.done @!p0 $0x0  }
0x1d8: {  	[sflag:s0] =	ssyncadd.s32 @!p0 s1  }
0x1d9: {  	[bflag:$0x3] =	sbarrier.arrive $0xFFFF  }
0x1da: {  	_ =	shalt  }

// kernel: kernel.15.cloned.1.call-start
scs
__scs_entry_jumppad:
0x0: {  	(pc) =	sbr.rel $0x88, $3  }
0x1: {  	(tag) =	ssettag $0x0;
	lr =	simm.s32 $0x1  }
0x2: {  	[smem:$0x3F9B] =	sst lr;
	_ =	strace $0xD0000000  }
0x3: {  	_ = 	snop  }
0x4: {  	_ = 	snop  }
0x5: {  	_ = 	snop  }
0x6: {  	_ = 	snop  }
0x7: {  	_ = 	snop  }
__scs_overlays_trampoline_lowered:
0x8: {  	[smem:$0x3FAA] =	sst s0  }
0x9: {  	[smem:$0x3FAB] =	sst s1  }
0xa: {  	[smem:$0x3FAC] =	sst s2  }
0xb: {  	[smem:$0x3FAD] =	sst s3  }
0xc: {  	[smem:$0x3FAE] =	sst s4  }
0xd: {  	[smem:$0x3FAF] =	sst s5  }
0xe: {  	[smem:$0x3FB0] =	sst s6  }
0xf: {  	[smem:$0x3FB1] =	sst s7  }
0x10: {  	[smem:$0x3FB2] =	sst s8  }
0x11: {  	[smem:$0x3FB3] =	sst s9;
	s0 =	simm.s32 @!p0 $0x0  }
0x12: {  	s1 =	sld [smem:$0x3F99];
	s0 =	simm.s32 @p0 $0x1  }
0x13: {  	[smem:$0x3FB4] =	sst s0;
	s0 =	simm.s32 @!p1 $0x0  }
0x14: {  	s2 =	sld [smem:$0x3F98];
	s0 =	simm.s32 @p1 $0x1  }
0x15: {  	[smem:$0x3FB5] =	sst s0;
	s0 =	simm.s32 @!p2 $0x0  }
0x16: {  	s3 =	sld [smem:$0x3FDB];
	s0 =	simm.s32 @p2 $0x1  }
0x17: {  	s4 =	simm.s32 $0x1BF5;
	[smem:$0x3FB7] =	sst s0  }
0x18: {  	s0 =	sld [smem:$0x3F9A];
	_ =	swait.ge [sflag:s4], $0x0  }
0x19: {  	s7 =	sld [smem:$0x3F9B]  }
0x1a: {  	s8 =	sadd.s32 $0xFFFFE003, lr  }
0x1b: {  	s9 =	sadd.s32 $0xFFFFFEF7, lr;
	s5 =	simm.s32 $0xFFFFFFFF;
	p2 =	slt.u32 s8, $0xFFFFF086  }
0x1c: {  	p1 =	slt.u32 s9, $0xF7A;
	s5 =	simm.s32 @!p2 $0x0  }
0x1d: {  	s5 =	simm.s32 @p1 $0x1;
	p0 =	seq.s32 s7, s2  }
0x1e: {  	s7 =	smul.u32 @!p0 $0xF7A, s2;
	p2 =	seq.s32 @!p0 s5, $0x0  }
0x1f: {  	s9 =	smul.u32 $0xF7A, s1;
	s8 =	simm.s32 @!p0 $0x1BF5;
	p2 =	por !p2, p0  }
0x20: {  	[sflag:s8] =	ssyncset.s32 @!p0 $0xFFFFF086;
	s6 =	sadd.s32 @!p0 s3, s7;
	s7 =	simm.s32 @!p0 $0x108  }
0x21: {  	s3 =	sadd.s32 s3, s9;
	s6 =	sadd.s32 @!p0 $0x88, s6;
	s7 =	simm.s32 @p2 $0x1082  }
0x22: {  	[simem:s7], [sflag:s8] =	dma.local @!p0 [hbm:s6], $0xF7A  }
0x23: {  	s9 =	sor.u32 $0xD0000000, s2;
	s6 =	simm.s32 $0x108;
	_ =	swait.ge @!p0 [sflag:s8], $0x0  }
0x24: {  	s3 =	sadd.s32 $0x88, s3;
	s6 =	simm.s32 @!p1 $0x1082;
	[sflag:s4] =	ssyncset.s32 $0xFFFFF086  }
0x25: {  	[simem:s6], [sflag:s4] =	dma.local [hbm:s3], $0xF7A  }
0x26: {  	[smem:$0x3F9B] =	sst s1;
	(tag) =	ssettag s2;
	_ =	strace s9  }
0x27: {  	s1 =	sld [smem:$0x3FAB]  }
0x28: {  	s2 =	sld [smem:$0x3FAC]  }
0x29: {  	s4 =	sld [smem:$0x3FAE]  }
0x2a: {  	p0 =	seq.s32 s5, $0x0;
	s5 =	sld [smem:$0x3FAF]  }
0x2b: {  	s6 =	sld [smem:$0x3FB0]  }
0x2c: {  	s7 =	sld [smem:$0x3FB1]  }
0x2d: {  	s3 =	simm.s32 $0x108;
	s8 =	sld [smem:$0x3FB2]  }
0x2e: {  	s3 =	simm.s32 @!p0 $0x1082;
	s9 =	sld [smem:$0x3FB3]  }
0x2f: {  	lr =	sadd.s32 s0, s3;
	s0 =	sld [smem:$0x3FAA]  }
0x30: {  	s3 =	sld [smem:$0x3FAD]  }
0x31: {  	[smem:$0x3FB6] =	sst s10  }
0x32: {  	s10 =	sld [smem:$0x3FB4];
	_ =	sdelay $0x3  }
0x33: {  	p0 =	seq.s32 s10, $0x1;
	s10 =	sld [smem:$0x3FB6];
	_ =	sdelay $0x3  }
0x34: {  	[smem:$0x3FB6] =	sst s10  }
0x35: {  	s10 =	sld [smem:$0x3FB5];
	_ =	sdelay $0x3  }
0x36: {  	p1 =	seq.s32 s10, $0x1;
	s10 =	sld [smem:$0x3FB6];
	_ =	sdelay $0x3  }
0x37: {  	[smem:$0x3FB6] =	sst s10  }
0x38: {  	s10 =	sld [smem:$0x3FB7]  }
0x39: {  	_ = 	snop;
	(pc) =	sbr.ind lr, $3  }
0x3a: {  	_ = 	snop  }
0x3b: {  	_ = 	snop  }
0x3c: {  	p2 =	seq.s32 s10, $0x1;
	s10 =	sld [smem:$0x3FB6]  }
0x3d: {  	_ =	shalt  }
0x3e: {  	_ =	shalt  }
0x3f: {  	_ =	shalt  }
0x40: {  	_ =	shalt  }
0x41: {  	_ =	shalt  }
0x42: {  	_ =	shalt  }
0x43: {  	_ =	shalt  }
0x44: {  	_ =	shalt  }
0x45: {  	_ =	shalt  }
0x46: {  	_ =	shalt  }
0x47: {  	_ =	shalt  }
0x48: {  	_ =	shalt  }
0x49: {  	_ =	shalt  }
0x4a: {  	_ =	shalt  }
0x4b: {  	_ =	shalt  }
0x4c: {  	_ =	shalt  }
0x4d: {  	_ =	shalt  }
0x4e: {  	_ =	shalt  }
0x4f: {  	_ =	shalt  }
0x50: {  	_ =	shalt  }
0x51: {  	_ =	shalt  }
0x52: {  	_ =	shalt  }
0x53: {  	_ =	shalt  }
0x54: {  	_ =	shalt  }
0x55: {  	_ =	shalt  }
0x56: {  	_ =	shalt  }
0x57: {  	_ =	shalt  }
0x58: {  	_ =	shalt  }
0x59: {  	_ =	shalt  }
0x5a: {  	_ =	shalt  }
0x5b: {  	_ =	shalt  }
0x5c: {  	_ =	shalt  }
0x5d: {  	_ =	shalt  }
0x5e: {  	_ =	shalt  }
0x5f: {  	_ =	shalt  }
0x60: {  	_ =	shalt  }
0x61: {  	_ =	shalt  }
0x62: {  	_ =	shalt  }
0x63: {  	_ =	shalt  }
0x64: {  	_ =	shalt  }
0x65: {  	_ =	shalt  }
0x66: {  	_ =	shalt  }
0x67: {  	_ =	shalt  }
0x68: {  	_ =	shalt  }
0x69: {  	_ =	shalt  }
0x6a: {  	_ =	shalt  }
0x6b: {  	_ =	shalt  }
0x6c: {  	_ =	shalt  }
0x6d: {  	_ =	shalt  }
0x6e: {  	_ =	shalt  }
0x6f: {  	_ =	shalt  }
0x70: {  	_ =	shalt  }
0x71: {  	_ =	shalt  }
0x72: {  	_ =	shalt  }
0x73: {  	_ =	shalt  }
0x74: {  	_ =	shalt  }
0x75: {  	_ =	shalt  }
0x76: {  	_ =	shalt  }
0x77: {  	_ =	shalt  }
0x78: {  	_ =	shalt  }
0x79: {  	_ =	shalt  }
0x7a: {  	_ =	shalt  }
0x7b: {  	_ =	shalt  }
0x7c: {  	_ =	shalt  }
0x7d: {  	_ =	shalt  }
0x7e: {  	_ =	shalt  }
0x7f: {  	_ =	shalt  }
0x80: {  	_ =	shalt  }
0x81: {  	_ =	shalt  }
0x82: {  	_ =	shalt  }
0x83: {  	_ =	shalt  }
0x84: {  	_ =	shalt  }
0x85: {  	_ =	shalt  }
0x86: {  	_ =	shalt  }
0x87: {  	_ =	shalt  }
.Lfunc_end0:
.L_simem_size_0:
called_computation.2_lowered:
.L_overlay_start_0:
0x88: {  	s2 =	sld [smem:$0x3FD9]  }
0x89: {  	s3 =	sld [smem:$0x3FFE];
	_ =	sdelay $0x1  }
0x8a: {  	s1 =	srdreg.scid  }
0x8b: {  	s0 =	sand.u32 $0x1, s1  }
0x8c: {  	s17 =	sshll.u32 s0, $0xA;
	s2 =	sadd.s32 s3, s2  }
0x8d: {  	s2 =	sadd.s32 s2, s17  }
0x8e: {  	[smem:$0x3FC2] =	sst s2  }
0x8f: {  	_ = 	snop  }
0x90: {  	s2 =	sld [smem:$0x3FD0];
	(tm) =	ssettm $0x1  }
0x91: {  	s18 =	sld [smem:$0x3FFB];
	_ =	sdelay $0x3  }
0x92: {  	_ =	strace s18  }
0x93: {  	s3 =	sld [smem:$0x3FFC];
	_ =	sdelay $0x3  }
0x94: {  	_ =	strace s3  }
0x95: {  	s3 =	sld [smem:$0x3FFD];
	_ =	sdelay $0x3  }
0x96: {  	_ =	strace s3  }
0x97: {  	_ =	strace $0x8FFFFFFF  }
0x98: {  	s19 =	sld [smem:$0x3FDB];
	_ =	sdelay $0x1  }
0x99: {  	s4 =	simm.s32 $_scs_section_size  }
0x9a: {  	s5 =	simm.s32 $_size__tile_overlayer_lowered;
	s6 =	simm.s32 $_tile_overlayer_lowered  }
0x9b: {  	s22 =	simm.s32 $0x1BFF;
	s21 =	sshll.u32 s6, $0x1;
	s3 =	sadd.s32 s4, s19  }
0x9c: {  	s7 =	simm.s32 $0x0;
	s20 =	sshll.u32 s5, $0x1;
	s5 =	sadd.s32 s21, s3  }
0x9d: {  	[timem:s7], [sflag:s22] =	dma.local [hbm:s5], s20  }
0x9e: {  	_ =	swait.ge [sflag:s22], s20  }
0x9f: {  	s4 =	ssub.s32 $0x0, s20;
	[sflag:s22] =	ssyncset.done $0x0  }
0xa0: {  	[sflag:s22] =	ssyncadd.s32 s4;
	_ =	sdelay $0x1  }
0xa1: {  	s23 =	simm.s32 $0x1B8B  }
0xa2: {  	_ =	swait.ge [sflag:s23], $0x1  }
0xa3: {  	[sflag:s23] =	ssyncset.done $0x0  }
0xa4: {  	s25 =	simm.s32 $0x1B8E;
	s24 =	sld [smem:$0x3FFE];
	[sflag:s23] =	ssyncadd.s32 $0xFFFFFFFF  }
0xa5: {  	s26 =	simm.s32 $execute0_lowered;
	[smem:$0x3FD2] =	sst s25  }
0xa6: {  	s5 =	sshll.u32 s26, $0x1;
	_ =	strace $0x8000004C;
	[dreg:$0x1] =	wrdreg $0xFFFFFFFF  }
0xa7: {  	s28 =	simm.s32 $_size_execute0_lowered;
	s3 =	sadd.s32 s3, s5;
	[dreg:$0x0] =	wrdreg $0x0  }
0xa8: {  	s5 =	sshll.u32 s28, $0x1;
	[dreg:$0x2] =	wrdreg s3  }
0xa9: {  	[dreg:$0x3] =	wrdreg s5  }
0xaa: {  	[dreg:$0x4] =	wrdreg $0xC0  }
0xab: {  	_ =	task [dreg:s7], $0x5FFFF  }
0xac: {  	[dreg:$0x1] =	wrdreg $0xFFFFFFFF  }
0xad: {  	[dreg:$0x0] =	wrdreg $0x60  }
0xae: {  	[dreg:$0x2] =	wrdreg s24  }
0xaf: {  	[dreg:$0x3] =	wrdreg s2  }
0xb0: {  	[dreg:$0x4] =	wrdreg $0xF7000  }
0xb1: {  	[dreg:$0x5] =	wrdreg $0x9  }
0xb2: {  	_ =	task.clear_ibuf [dreg:s7], $0x6FFFF;
	_ =	strace $0x9000004C  }
0xb3: {  	s29 =	simm.s32 $0x9;
	_ =	strace $0x8000004E  }
0xb4: {  	_ =	swait.ge [sflag:s29], $0x1  }
0xb5: {  	[sflag:s29] =	ssyncadd.s32 $0xFFFFFFFF  }
0xb6: {  	_ =	strace $0x9000004E  }
0xb7: {  	_ =	sfence  }
0xb8: {  	s30 =	sld [smem:$0x0];
	_ =	sdelay $0x2  }
0xb9: {  	s31 =	sshll.u32 s1, $0xD;
	s1 =	sshrl.u32 s1, $0x2  }
0xba: {  	s3 =	sand.u32 $0x4000, s31;
	s1 =	sadd.s32 s1, s30  }
0xbb: {  	s0 =	sor.u32 s3, s0;
	s1 =	sshll.u32 s1, $0x11  }
0xbc: {  	s0 =	sor.u32 s1, s0  }
0xbd: {  	s0 =	sadd.s32 $0x8F2B, s0  }
0xbe: {  	[sflag:s0] =	ssyncadd.remote.s32 $0x1  }
0xbf: {  	_ =	sfence.sel $0xFFFF  }
0xc0: {  	[dreg:$0x0] =	wrdreg $0xFFFFFFFF;
	(pc) =	sbr.abs _section_cstart, $3  }
0xc1: {  	[dreg:$0x1] =	wrdreg $0xFFFFFFFF  }
0xc2: {  	_ =	task.clear_ibuf [dreg:s7], $0x2FFFF;
	_ =	strace $0x9FFFFFFF  }
0xc3: {  	(tm) =	ssettm $0x7FFFFFFF  }
tec
execute0_lowered:
.L_overlay_start_1:
0x0: {  	(tag) =	ssettag $0x1  }
0x1: {  	s5 =	rddreg [dreg:$0x0]  }
0x2: {  	s0 =	srdreg.scid;
	s2 =	rddreg [dreg:$0x1]  }
0x3: {  	s4 =	stileid.u32;
	s3 =	rddreg [dreg:$0x2]  }
0x4: {  	s12 =	simm.s32 $0x6;
	s13 =	simm.s32 $0x1;
	s14 =	simm.s32 $0x400  }
0x5: {  	s15 =	simm.s32 $0x4F00;
	s16 =	simm.s32 $0x2;
	s17 =	simm.s32 $0x8F00  }
0x6: {  	s18 =	simm.s32 $0x80;
	s20 =	simm.s32 $0x5700;
	s21 =	simm.s32 $0x4  }
0x7: {  	s22 =	simm.s32 $0x5;
	s24 =	simm.s32 $0x5F00;
	s29 =	simm.s32 $0x6F00  }
0x8: {  	s31 =	simm.s32 $0x7700;
	s11 =	simm.s32 $0x7F00;
	s23 =	simm.s32 $0x8700  }
0x9: {  	s30 =	simm.s32 $0xA700;
	s28 =	simm.s32 $0xAF00;
	s19 =	simm.s32 $0xB700  }
0xa: {  	s0 =	sand.u32 $0x1, s0;
	s1 =	sshll.u32 s4, $0x1;
	s7 =	smul.u32 $0x2800, s4  }
0xb: {  	s10 =	simm.s32 $0xBF00;
	s1 =	sor.u32 s0, s1;
	s8 =	smul.u32 $0x28000, s0  }
0xc: {  	s4 =	simm.s32 $0x0;
	s0 =	ssub.s32 $0x2, s0;
	s6 =	smul.u32 $0x4F0, s1  }
0xd: {  	[smem:$0x7FF] =	sst s4;
	s1 =	smul.u32 $0x2780, s1;
	s9 =	sshrl.u32 s0, $0x1  }
0xe: {  	_ =	strace $0x8000004D;
	s8 =	sadd.s32 s7, s8;
	s0 =	ssub.s32 s0, s9  }
0xf: {  	s7 =	sadd.s32 s7, s3;
	s9 =	simm.s32 $0x2780;
	s6 =	sadd.s32 s6, s5  }
0x10: {  	s8 =	sshrl.u32 s8, $0x3;
	s1 =	sshrl.u32 s1, $0x3;
	s0 =	smax.u32 s0, $0x1  }
0x11: {  	s8 =	sadd.s32 s8, s5;
	s1 =	sadd.s32 s5, s1;
	s25 =	sadd.s32 $0x1B800, s6  }
0x12: {  	[dreg:$0x7] =	wrdreg s0;
	s0 =	simm.s32 $0x3;
	s5 =	simm.s32 $0xC700  }
0x13: {  	s6 =	simm.s32 $0x0;
	[dreg:$0x4] =	wrdreg s25;
	s1 =	sadd.s32 $0xCA00, s1  }
0x14: {  	s26 =	sadd.s32 $0x25600, s8;
	s25 =	simm.s32 $0x9F00;
	[dreg:$0x5] =	wrdreg s1  }
0x15: {  	v0 =	vimm.f32 $0.0e+00;
	[dreg:$0x6] =	wrdreg s26;
	s26 =	simm.s32 $0x6700;
	s1 =	simm.s32 $0x9700  }
.LBB2_1:
0x16: {  	s8 =	rddreg [dreg:$0x4]  }
0x17: {  	[tilespmem:s4], [sflag:$0x1] =	stream.linear.gather [hbm4b:s8+s4], $0x2780, $0x38;
	[tilespmem:$0x11F00] =	vst v63  }
0x18: {  	s8 =	rddreg [dreg:$0x5]  }
0x19: {  	[tilespmem:s9], [sflag:$0x1] =	stream.linear.gather [hbm4b:s8+s4], $0x2780, $0x38;
	[tilespmem:$0x11F00] =	vst v63  }
0x1a: {  	s8 =	simm.s32 $0x40;
	s9 =	simm.s32 $0x0  }
.LBB2_2:
0x1b: {  	p0 =	sne.s32 s8, $0x9FC0;
	[tilespmem:s9+$0xCF00] =	vst v0;
	s9 =	smov.u32 s8;
	s8 =	sadd.s32 $0x40, s8  }
.Ltmp0:
0x1c: {  	(pc) =	sbr.rel @p0 .LBB2_2-.Ltmp0, $2  }
0x1d: {  	_ =	sdelay $0x2  }
0x1e: {  	s9 =	sshra.s32 s9, $0x2  }
0x1f: {  	[tilespmem:s9+$0xCF00] =	vst v0;
	s8 =	simm.s32 $0xCF00  }
0x20: {  	[spmem:s7] =	stream.linear.scatter [tilespmem:s8], [sflag:$0x6], $0x2800, $0x38;
	[tilespmem:$0x11F00] =	vst v63  }
0x21: {  	_ =	swait.ge [sflag:s12], $0x2800  }
0x22: {  	[sflag:s12] =	ssyncset.done $0x0  }
0x23: {  	[sflag:s12] =	ssyncadd.s32 $0xFFFFD800  }
0x24: {  	_ =	swait.ge [sflag:s13], $0x2780  }
0x25: {  	[sflag:s13] =	ssyncset.done $0x0  }
0x26: {  	[sflag:s13] =	ssyncadd.s32 $0xFFFFD880  }
0x27: {  	_ =	swait.ge [sflag:s13], $0x2780  }
0x28: {  	[sflag:s13] =	ssyncset.done $0x0  }
0x29: {  	[sflag:s13] =	ssyncadd.s32 $0xFFFFD880  }
0x2a: {  	[bflag:$0x0] =	sbarrier.arrive $0xFFFF  }
0x2b: {  	[tilespmem:s15], [sflag:$0x2] =	stream.indirect.gather [hbm4b:s2+s14], $0x10, s4, s14, $0xb8;
	[tilespmem:$0x11F00] =	vst v63  }
0x2c: {  	_ =	swait.ge [sflag:s16], $0x4000  }
0x2d: {  	[sflag:s16] =	ssyncset.done $0x0  }
0x2e: {  	[sflag:s16] =	ssyncadd.s32 $0xFFFFC000  }
0x2f: {  	[tilespmem:s17], [sflag:$0x3] =	stream.indirect.gather [hbm4b:s2+s14], $0x10, s14, s14, $0xb8;
	[tilespmem:$0x11F00] =	vst v63  }
0x30: {  	s9 =	simm.s32 $0x2780  }
0x31: {  	[spmem:s3] =	stream.indirect.scatter.add.f32 [tilespmem:s15], [sflag:$0x4], $0x10, s9, s18, $0xb8;
	[tilespmem:$0x11F00] =	vst v63  }
0x32: {  	s8 =	simm.s32 $0x2800  }
0x33: {  	[spmem:s3] =	stream.indirect.scatter.add.f32 [tilespmem:s20], [sflag:$0x5], $0x10, s8, s18, $0xb8;
	[tilespmem:$0x11F00] =	vst v63  }
0x34: {  	_ =	swait.ge [sflag:s21], $0x800  }
0x35: {  	[sflag:s21] =	ssyncset.done $0x0  }
0x36: {  	[sflag:s21] =	ssyncadd.s32 $0xFFFFF800  }
0x37: {  	_ =	swait.ge [sflag:s22], $0x800  }
0x38: {  	[sflag:s22] =	ssyncset.done $0x0  }
0x39: {  	s9 =	simm.s32 $0x2880;
	[sflag:s22] =	ssyncadd.s32 $0xFFFFF800  }
0x3a: {  	[spmem:s3] =	stream.indirect.scatter.add.f32 [tilespmem:s24], [sflag:$0x4], $0x10, s9, s18, $0xb8;
	[tilespmem:$0x11F00] =	vst v63  }
0x3b: {  	s8 =	simm.s32 $0x2900  }
0x3c: {  	[spmem:s3] =	stream.indirect.scatter.add.f32 [tilespmem:s26], [sflag:$0x5], $0x10, s8, s18, $0xb8;
	[tilespmem:$0x11F00] =	vst v63  }
0x3d: {  	_ =	swait.ge [sflag:s21], $0x800  }
0x3e: {  	[sflag:s21] =	ssyncset.done $0x0  }
0x3f: {  	[sflag:s21] =	ssyncadd.s32 $0xFFFFF800  }
0x40: {  	_ =	swait.ge [sflag:s22], $0x800  }
0x41: {  	[sflag:s22] =	ssyncset.done $0x0  }
0x42: {  	s9 =	simm.s32 $0x2980;
	[sflag:s22] =	ssyncadd.s32 $0xFFFFF800  }
0x43: {  	[spmem:s3] =	stream.indirect.scatter.add.f32 [tilespmem:s29], [sflag:$0x4], $0x10, s9, s18, $0xb8;
	[tilespmem:$0x11F00] =	vst v63  }
0x44: {  	s8 =	simm.s32 $0x2A00  }
0x45: {  	[spmem:s3] =	stream.indirect.scatter.add.f32 [tilespmem:s31], [sflag:$0x5], $0x10, s8, s18, $0xb8;
	[tilespmem:$0x11F00] =	vst v63  }
0x46: {  	_ =	swait.ge [sflag:s21], $0x800  }
0x47: {  	[sflag:s21] =	ssyncset.done $0x0  }
0x48: {  	[sflag:s21] =	ssyncadd.s32 $0xFFFFF800  }
0x49: {  	_ =	swait.ge [sflag:s22], $0x800  }
0x4a: {  	[sflag:s22] =	ssyncset.done $0x0  }
0x4b: {  	s9 =	simm.s32 $0x2A80;
	[sflag:s22] =	ssyncadd.s32 $0xFFFFF800  }
0x4c: {  	[spmem:s3] =	stream.indirect.scatter.add.f32 [tilespmem:s11], [sflag:$0x4], $0x10, s9, s18, $0xb8;
	[tilespmem:$0x11F00] =	vst v63  }
0x4d: {  	s8 =	simm.s32 $0x2B00  }
0x4e: {  	[spmem:s3] =	stream.indirect.scatter.add.f32 [tilespmem:s23], [sflag:$0x5], $0x10, s8, s18, $0xb8;
	[tilespmem:$0x11F00] =	vst v63  }
0x4f: {  	_ =	swait.ge [sflag:s21], $0x800  }
0x50: {  	[sflag:s21] =	ssyncset.done $0x0  }
0x51: {  	[sflag:s21] =	ssyncadd.s32 $0xFFFFF800  }
0x52: {  	_ =	swait.ge [sflag:s22], $0x800  }
0x53: {  	[sflag:s22] =	ssyncset.done $0x0  }
0x54: {  	[sflag:s22] =	ssyncadd.s32 $0xFFFFF800  }
0x55: {  	_ =	swait.ge [sflag:s0], $0x4000  }
0x56: {  	[sflag:s0] =	ssyncset.done $0x0  }
0x57: {  	s9 =	simm.s32 $0x800;
	[sflag:s0] =	ssyncadd.s32 $0xFFFFC000  }
0x58: {  	[tilespmem:s15], [sflag:$0x2] =	stream.indirect.gather [hbm4b:s2+s14], $0x10, s9, s14, $0xb8;
	[tilespmem:$0x11F00] =	vst v63  }
0x59: {  	s8 =	simm.s32 $0x2B80  }
0x5a: {  	[spmem:s3] =	stream.indirect.scatter.add.f32 [tilespmem:s17], [sflag:$0x4], $0x10, s8, s18, $0xb8;
	[tilespmem:$0x11F00] =	vst v63  }
0x5b: {  	s9 =	simm.s32 $0x2C00  }
0x5c: {  	[spmem:s3] =	stream.indirect.scatter.add.f32 [tilespmem:s1], [sflag:$0x5], $0x10, s9, s18, $0xb8;
	[tilespmem:$0x11F00] =	vst v63  }
0x5d: {  	_ =	swait.ge [sflag:s21], $0x800  }
0x5e: {  	[sflag:s21] =	ssyncset.done $0x0  }
0x5f: {  	[sflag:s21] =	ssyncadd.s32 $0xFFFFF800  }
0x60: {  	_ =	swait.ge [sflag:s22], $0x800  }
0x61: {  	[sflag:s22] =	ssyncset.done $0x0  }
0x62: {  	s8 =	simm.s32 $0x2C80;
	[sflag:s22] =	ssyncadd.s32 $0xFFFFF800  }
0x63: {  	[spmem:s3] =	stream.indirect.scatter.add.f32 [tilespmem:s25], [sflag:$0x4], $0x10, s8, s18, $0xb8;
	[tilespmem:$0x11F00] =	vst v63  }
0x64: {  	s9 =	simm.s32 $0x2D00  }
0x65: {  	[spmem:s3] =	stream.indirect.scatter.add.f32 [tilespmem:s30], [sflag:$0x5], $0x10, s9, s18, $0xb8;
	[tilespmem:$0x11F00] =	vst v63  }
0x66: {  	_ =	swait.ge [sflag:s21], $0x800  }
0x67: {  	[sflag:s21] =	ssyncset.done $0x0  }
0x68: {  	[sflag:s21] =	ssyncadd.s32 $0xFFFFF800  }
0x69: {  	_ =	swait.ge [sflag:s22], $0x800  }
0x6a: {  	[sflag:s22] =	ssyncset.done $0x0  }
0x6b: {  	s8 =	simm.s32 $0x2D80;
	[sflag:s22] =	ssyncadd.s32 $0xFFFFF800  }
0x6c: {  	[spmem:s3] =	stream.indirect.scatter.add.f32 [tilespmem:s28], [sflag:$0x4], $0x10, s8, s18, $0xb8;
	[tilespmem:$0x11F00] =	vst v63  }
0x6d: {  	s9 =	simm.s32 $0x2E00  }
0x6e: {  	[spmem:s3] =	stream.indirect.scatter.add.f32 [tilespmem:s19], [sflag:$0x5], $0x10, s9, s18, $0xb8;
	[tilespmem:$0x11F00] =	vst v63  }
0x6f: {  	_ =	swait.ge [sflag:s21], $0x800  }
0x70: {  	[sflag:s21] =	ssyncset.done $0x0  }
0x71: {  	[sflag:s21] =	ssyncadd.s32 $0xFFFFF800  }
0x72: {  	_ =	swait.ge [sflag:s22], $0x800  }
0x73: {  	[sflag:s22] =	ssyncset.done $0x0  }
0x74: {  	s8 =	simm.s32 $0x2E80;
	[sflag:s22] =	ssyncadd.s32 $0xFFFFF800  }
0x75: {  	[spmem:s3] =	stream.indirect.scatter.add.f32 [tilespmem:s10], [sflag:$0x4], $0x10, s8, s18, $0xb8;
	[tilespmem:$0x11F00] =	vst v63  }
0x76: {  	s9 =	simm.s32 $0x2F00  }
0x77: {  	[spmem:s3] =	stream.indirect.scatter.add.f32 [tilespmem:s5], [sflag:$0x5], $0x10, s9, s18, $0xb8;
	[tilespmem:$0x11F00] =	vst v63  }
0x78: {  	_ =	swait.ge [sflag:s21], $0x800  }
0x79: {  	[sflag:s21] =	ssyncset.done $0x0  }
0x7a: {  	[sflag:s21] =	ssyncadd.s32 $0xFFFFF800  }
0x7b: {  	_ =	swait.ge [sflag:s22], $0x800  }
0x7c: {  	[sflag:s22] =	ssyncset.done $0x0  }
0x7d: {  	[sflag:s22] =	ssyncadd.s32 $0xFFFFF800  }
0x7e: {  	_ =	swait.ge [sflag:s16], $0x4000  }
0x7f: {  	[sflag:s16] =	ssyncset.done $0x0  }
0x80: {  	s8 =	simm.s32 $0xC00;
	[sflag:s16] =	ssyncadd.s32 $0xFFFFC000  }
0x81: {  	[tilespmem:s17], [sflag:$0x3] =	stream.indirect.gather [hbm4b:s2+s14], $0x10, s8, s14, $0xb8;
	[tilespmem:$0x11F00] =	vst v63  }
0x82: {  	s9 =	simm.s32 $0x2F80  }
0x83: {  	[spmem:s3] =	stream.indirect.scatter.add.f32 [tilespmem:s15], [sflag:$0x4], $0x10, s9, s18, $0xb8;
	[tilespmem:$0x11F00] =	vst v63  }
0x84: {  	s8 =	simm.s32 $0x3000  }
0x85: {  	[spmem:s3] =	stream.indirect.scatter.add.f32 [tilespmem:s20], [sflag:$0x5], $0x10, s8, s18, $0xb8;
	[tilespmem:$0x11F00] =	vst v63  }
0x86: {  	_ =	swait.ge [sflag:s21], $0x800  }
0x87: {  	[sflag:s21] =	ssyncset.done $0x0  }
0x88: {  	[sflag:s21] =	ssyncadd.s32 $0xFFFFF800  }
0x89: {  	_ =	swait.ge [sflag:s22], $0x800  }
0x8a: {  	[sflag:s22] =	ssyncset.done $0x0  }
0x8b: {  	s9 =	simm.s32 $0x3080;
	[sflag:s22] =	ssyncadd.s32 $0xFFFFF800  }
0x8c: {  	[spmem:s3] =	stream.indirect.scatter.add.f32 [tilespmem:s24], [sflag:$0x4], $0x10, s9, s18, $0xb8;
	[tilespmem:$0x11F00] =	vst v63  }
0x8d: {  	s8 =	simm.s32 $0x3100  }
0x8e: {  	[spmem:s3] =	stream.indirect.scatter.add.f32 [tilespmem:s26], [sflag:$0x5], $0x10, s8, s18, $0xb8;
	[tilespmem:$0x11F00] =	vst v63  }
0x8f: {  	_ =	swait.ge [sflag:s21], $0x800  }
0x90: {  	[sflag:s21] =	ssyncset.done $0x0  }
0x91: {  	[sflag:s21] =	ssyncadd.s32 $0xFFFFF800  }
0x92: {  	_ =	swait.ge [sflag:s22], $0x800  }
0x93: {  	[sflag:s22] =	ssyncset.done $0x0  }
0x94: {  	s9 =	simm.s32 $0x3180;
	[sflag:s22] =	ssyncadd.s32 $0xFFFFF800  }
0x95: {  	[spmem:s3] =	stream.indirect.scatter.add.f32 [tilespmem:s29], [sflag:$0x4], $0x10, s9, s18, $0xb8;
	[tilespmem:$0x11F00] =	vst v63  }
0x96: {  	s8 =	simm.s32 $0x3200  }
0x97: {  	[spmem:s3] =	stream.indirect.scatter.add.f32 [tilespmem:s31], [sflag:$0x5], $0x10, s8, s18, $0xb8;
	[tilespmem:$0x11F00] =	vst v63  }
0x98: {  	_ =	swait.ge [sflag:s21], $0x800  }
0x99: {  	[sflag:s21] =	ssyncset.done $0x0  }
0x9a: {  	[sflag:s21] =	ssyncadd.s32 $0xFFFFF800  }
0x9b: {  	_ =	swait.ge [sflag:s22], $0x800  }
0x9c: {  	[sflag:s22] =	ssyncset.done $0x0  }
0x9d: {  	s9 =	simm.s32 $0x3280;
	[sflag:s22] =	ssyncadd.s32 $0xFFFFF800  }
0x9e: {  	[spmem:s3] =	stream.indirect.scatter.add.f32 [tilespmem:s11], [sflag:$0x4], $0x10, s9, s18, $0xb8;
	[tilespmem:$0x11F00] =	vst v63  }
0x9f: {  	s8 =	simm.s32 $0x3300  }
0xa0: {  	[spmem:s3] =	stream.indirect.scatter.add.f32 [tilespmem:s23], [sflag:$0x5], $0x10, s8, s18, $0xb8;
	[tilespmem:$0x11F00] =	vst v63  }
0xa1: {  	_ =	swait.ge [sflag:s21], $0x800  }
0xa2: {  	[sflag:s21] =	ssyncset.done $0x0  }
0xa3: {  	[sflag:s21] =	ssyncadd.s32 $0xFFFFF800  }
0xa4: {  	_ =	swait.ge [sflag:s22], $0x800  }
0xa5: {  	[sflag:s22] =	ssyncset.done $0x0  }
0xa6: {  	[sflag:s22] =	ssyncadd.s32 $0xFFFFF800  }
0xa7: {  	_ =	swait.ge [sflag:s0], $0x4000  }
0xa8: {  	[sflag:s0] =	ssyncset.done $0x0  }
0xa9: {  	s9 =	simm.s32 $0x1000;
	[sflag:s0] =	ssyncadd.s32 $0xFFFFC000  }
0xaa: {  	[tilespmem:s15], [sflag:$0x2] =	stream.indirect.gather [hbm4b:s2+s14], $0x10, s9, s14, $0xb8;
	[tilespmem:$0x11F00] =	vst v63  }
0xab: {  	s8 =	simm.s32 $0x3380  }
0xac: {  	[spmem:s3] =	stream.indirect.scatter.add.f32 [tilespmem:s17], [sflag:$0x4], $0x10, s8, s18, $0xb8;
	[tilespmem:$0x11F00] =	vst v63  }
0xad: {  	s9 =	simm.s32 $0x3400  }
0xae: {  	[spmem:s3] =	stream.indirect.scatter.add.f32 [tilespmem:s1], [sflag:$0x5], $0x10, s9, s18, $0xb8;
	[tilespmem:$0x11F00] =	vst v63  }
0xaf: {  	_ =	swait.ge [sflag:s21], $0x800  }
0xb0: {  	[sflag:s21] =	ssyncset.done $0x0  }
0xb1: {  	[sflag:s21] =	ssyncadd.s32 $0xFFFFF800  }
0xb2: {  	_ =	swait.ge [sflag:s22], $0x800  }
0xb3: {  	[sflag:s22] =	ssyncset.done $0x0  }
0xb4: {  	s8 =	simm.s32 $0x3480;
	[sflag:s22] =	ssyncadd.s32 $0xFFFFF800  }
0xb5: {  	[spmem:s3] =	stream.indirect.scatter.add.f32 [tilespmem:s25], [sflag:$0x4], $0x10, s8, s18, $0xb8;
	[tilespmem:$0x11F00] =	vst v63  }
0xb6: {  	s9 =	simm.s32 $0x3500  }
0xb7: {  	[spmem:s3] =	stream.indirect.scatter.add.f32 [tilespmem:s30], [sflag:$0x5], $0x10, s9, s18, $0xb8;
	[tilespmem:$0x11F00] =	vst v63  }
0xb8: {  	_ =	swait.ge [sflag:s21], $0x800  }
0xb9: {  	[sflag:s21] =	ssyncset.done $0x0  }
0xba: {  	[sflag:s21] =	ssyncadd.s32 $0xFFFFF800  }
0xbb: {  	_ =	swait.ge [sflag:s22], $0x800  }
0xbc: {  	[sflag:s22] =	ssyncset.done $0x0  }
0xbd: {  	s8 =	simm.s32 $0x3580;
	[sflag:s22] =	ssyncadd.s32 $0xFFFFF800  }
0xbe: {  	[spmem:s3] =	stream.indirect.scatter.add.f32 [tilespmem:s28], [sflag:$0x4], $0x10, s8, s18, $0xb8;
	[tilespmem:$0x11F00] =	vst v63  }
0xbf: {  	s9 =	simm.s32 $0x3600  }
0xc0: {  	[spmem:s3] =	stream.indirect.scatter.add.f32 [tilespmem:s19], [sflag:$0x5], $0x10, s9, s18, $0xb8;
	[tilespmem:$0x11F00] =	vst v63  }
0xc1: {  	_ =	swait.ge [sflag:s21], $0x800  }
0xc2: {  	[sflag:s21] =	ssyncset.done $0x0  }
0xc3: {  	[sflag:s21] =	ssyncadd.s32 $0xFFFFF800  }
0xc4: {  	_ =	swait.ge [sflag:s22], $0x800  }
0xc5: {  	[sflag:s22] =	ssyncset.done $0x0  }
0xc6: {  	s8 =	simm.s32 $0x3680;
	[sflag:s22] =	ssyncadd.s32 $0xFFFFF800  }
0xc7: {  	[spmem:s3] =	stream.indirect.scatter.add.f32 [tilespmem:s10], [sflag:$0x4], $0x10, s8, s18, $0xb8;
	[tilespmem:$0x11F00] =	vst v63  }
0xc8: {  	s9 =	simm.s32 $0x3700  }
0xc9: {  	[spmem:s3] =	stream.indirect.scatter.add.f32 [tilespmem:s5], [sflag:$0x5], $0x10, s9, s18, $0xb8;
	[tilespmem:$0x11F00] =	vst v63  }
0xca: {  	_ =	swait.ge [sflag:s21], $0x800  }
0xcb: {  	[sflag:s21] =	ssyncset.done $0x0  }
0xcc: {  	[sflag:s21] =	ssyncadd.s32 $0xFFFFF800  }
0xcd: {  	_ =	swait.ge [sflag:s22], $0x800  }
0xce: {  	[sflag:s22] =	ssyncset.done $0x0  }
0xcf: {  	[sflag:s22] =	ssyncadd.s32 $0xFFFFF800  }
0xd0: {  	_ =	swait.ge [sflag:s16], $0x4000  }
0xd1: {  	[sflag:s16] =	ssyncset.done $0x0  }
0xd2: {  	s8 =	simm.s32 $0x1400;
	[sflag:s16] =	ssyncadd.s32 $0xFFFFC000  }
0xd3: {  	[tilespmem:s17], [sflag:$0x3] =	stream.indirect.gather [hbm4b:s2+s14], $0x10, s8, s14, $0xb8;
	[tilespmem:$0x11F00] =	vst v63  }
0xd4: {  	s9 =	simm.s32 $0x3780  }
0xd5: {  	[spmem:s3] =	stream.indirect.scatter.add.f32 [tilespmem:s15], [sflag:$0x4], $0x10, s9, s18, $0xb8;
	[tilespmem:$0x11F00] =	vst v63  }
0xd6: {  	s8 =	simm.s32 $0x3800  }
0xd7: {  	[spmem:s3] =	stream.indirect.scatter.add.f32 [tilespmem:s20], [sflag:$0x5], $0x10, s8, s18, $0xb8;
	[tilespmem:$0x11F00] =	vst v63  }
0xd8: {  	_ =	swait.ge [sflag:s21], $0x800  }
0xd9: {  	[sflag:s21] =	ssyncset.done $0x0  }
0xda: {  	[sflag:s21] =	ssyncadd.s32 $0xFFFFF800  }
0xdb: {  	_ =	swait.ge [sflag:s22], $0x800  }
0xdc: {  	[sflag:s22] =	ssyncset.done $0x0  }
0xdd: {  	s9 =	simm.s32 $0x3880;
	[sflag:s22] =	ssyncadd.s32 $0xFFFFF800  }
0xde: {  	[spmem:s3] =	stream.indirect.scatter.add.f32 [tilespmem:s24], [sflag:$0x4], $0x10, s9, s18, $0xb8;
	[tilespmem:$0x11F00] =	vst v63  }
0xdf: {  	s8 =	simm.s32 $0x3900  }
0xe0: {  	[spmem:s3] =	stream.indirect.scatter.add.f32 [tilespmem:s26], [sflag:$0x5], $0x10, s8, s18, $0xb8;
	[tilespmem:$0x11F00] =	vst v63  }
0xe1: {  	_ =	swait.ge [sflag:s21], $0x800  }
0xe2: {  	[sflag:s21] =	ssyncset.done $0x0  }
0xe3: {  	[sflag:s21] =	ssyncadd.s32 $0xFFFFF800  }
0xe4: {  	_ =	swait.ge [sflag:s22], $0x800  }
0xe5: {  	[sflag:s22] =	ssyncset.done $0x0  }
0xe6: {  	s9 =	simm.s32 $0x3980;
	[sflag:s22] =	ssyncadd.s32 $0xFFFFF800  }
0xe7: {  	[spmem:s3] =	stream.indirect.scatter.add.f32 [tilespmem:s29], [sflag:$0x4], $0x10, s9, s18, $0xb8;
	[tilespmem:$0x11F00] =	vst v63  }
0xe8: {  	s8 =	simm.s32 $0x3A00  }
0xe9: {  	[spmem:s3] =	stream.indirect.scatter.add.f32 [tilespmem:s31], [sflag:$0x5], $0x10, s8, s18, $0xb8;
	[tilespmem:$0x11F00] =	vst v63  }
0xea: {  	_ =	swait.ge [sflag:s21], $0x800  }
0xeb: {  	[sflag:s21] =	ssyncset.done $0x0  }
0xec: {  	[sflag:s21] =	ssyncadd.s32 $0xFFFFF800  }
0xed: {  	_ =	swait.ge [sflag:s22], $0x800  }
0xee: {  	[sflag:s22] =	ssyncset.done $0x0  }
0xef: {  	s9 =	simm.s32 $0x3A80;
	[sflag:s22] =	ssyncadd.s32 $0xFFFFF800  }
0xf0: {  	[spmem:s3] =	stream.indirect.scatter.add.f32 [tilespmem:s11], [sflag:$0x4], $0x10, s9, s18, $0xb8;
	[tilespmem:$0x11F00] =	vst v63  }
0xf1: {  	s8 =	simm.s32 $0x3B00  }
0xf2: {  	[spmem:s3] =	stream.indirect.scatter.add.f32 [tilespmem:s23], [sflag:$0x5], $0x10, s8, s18, $0xb8;
	[tilespmem:$0x11F00] =	vst v63  }
0xf3: {  	_ =	swait.ge [sflag:s21], $0x800  }
0xf4: {  	[sflag:s21] =	ssyncset.done $0x0  }
0xf5: {  	[sflag:s21] =	ssyncadd.s32 $0xFFFFF800  }
0xf6: {  	_ =	swait.ge [sflag:s22], $0x800  }
0xf7: {  	[sflag:s22] =	ssyncset.done $0x0  }
0xf8: {  	[sflag:s22] =	ssyncadd.s32 $0xFFFFF800  }
0xf9: {  	_ =	swait.ge [sflag:s0], $0x4000  }
0xfa: {  	[sflag:s0] =	ssyncset.done $0x0  }
0xfb: {  	s9 =	simm.s32 $0x1800;
	[sflag:s0] =	ssyncadd.s32 $0xFFFFC000  }
0xfc: {  	[tilespmem:s15], [sflag:$0x2] =	stream.indirect.gather [hbm4b:s2+s14], $0x10, s9, s14, $0xb8;
	[tilespmem:$0x11F00] =	vst v63  }
0xfd: {  	s8 =	simm.s32 $0x3B80  }
0xfe: {  	[spmem:s3] =	stream.indirect.scatter.add.f32 [tilespmem:s17], [sflag:$0x4], $0x10, s8, s18, $0xb8;
	[tilespmem:$0x11F00] =	vst v63  }
0xff: {  	s9 =	simm.s32 $0x3C00  }
0x100: {  	[spmem:s3] =	stream.indirect.scatter.add.f32 [tilespmem:s1], [sflag:$0x5], $0x10, s9, s18, $0xb8;
	[tilespmem:$0x11F00] =	vst v63  }
0x101: {  	_ =	swait.ge [sflag:s21], $0x800  }
0x102: {  	[sflag:s21] =	ssyncset.done $0x0  }
0x103: {  	[sflag:s21] =	ssyncadd.s32 $0xFFFFF800  }
0x104: {  	_ =	swait.ge [sflag:s22], $0x800  }
0x105: {  	[sflag:s22] =	ssyncset.done $0x0  }
0x106: {  	s8 =	simm.s32 $0x3C80;
	[sflag:s22] =	ssyncadd.s32 $0xFFFFF800  }
0x107: {  	[spmem:s3] =	stream.indirect.scatter.add.f32 [tilespmem:s25], [sflag:$0x4], $0x10, s8, s18, $0xb8;
	[tilespmem:$0x11F00] =	vst v63  }
0x108: {  	s9 =	simm.s32 $0x3D00  }
0x109: {  	[spmem:s3] =	stream.indirect.scatter.add.f32 [tilespmem:s30], [sflag:$0x5], $0x10, s9, s18, $0xb8;
	[tilespmem:$0x11F00] =	vst v63  }
0x10a: {  	_ =	swait.ge [sflag:s21], $0x800  }
0x10b: {  	[sflag:s21] =	ssyncset.done $0x0  }
0x10c: {  	[sflag:s21] =	ssyncadd.s32 $0xFFFFF800  }
0x10d: {  	_ =	swait.ge [sflag:s22], $0x800  }
0x10e: {  	[sflag:s22] =	ssyncset.done $0x0  }
0x10f: {  	s8 =	simm.s32 $0x3D80;
	[sflag:s22] =	ssyncadd.s32 $0xFFFFF800  }
0x110: {  	[spmem:s3] =	stream.indirect.scatter.add.f32 [tilespmem:s28], [sflag:$0x4], $0x10, s8, s18, $0xb8;
	[tilespmem:$0x11F00] =	vst v63  }
0x111: {  	s9 =	simm.s32 $0x3E00  }
0x112: {  	[spmem:s3] =	stream.indirect.scatter.add.f32 [tilespmem:s19], [sflag:$0x5], $0x10, s9, s18, $0xb8;
	[tilespmem:$0x11F00] =	vst v63  }
0x113: {  	_ =	swait.ge [sflag:s21], $0x800  }
0x114: {  	[sflag:s21] =	ssyncset.done $0x0  }
0x115: {  	[sflag:s21] =	ssyncadd.s32 $0xFFFFF800  }
0x116: {  	_ =	swait.ge [sflag:s22], $0x800  }
0x117: {  	[sflag:s22] =	ssyncset.done $0x0  }
0x118: {  	s8 =	simm.s32 $0x3E80;
	[sflag:s22] =	ssyncadd.s32 $0xFFFFF800  }
0x119: {  	[spmem:s3] =	stream.indirect.scatter.add.f32 [tilespmem:s10], [sflag:$0x4], $0x10, s8, s18, $0xb8;
	[tilespmem:$0x11F00] =	vst v63  }
0x11a: {  	s9 =	simm.s32 $0x3F00  }
0x11b: {  	[spmem:s3] =	stream.indirect.scatter.add.f32 [tilespmem:s5], [sflag:$0x5], $0x10, s9, s18, $0xb8;
	[tilespmem:$0x11F00] =	vst v63  }
0x11c: {  	_ =	swait.ge [sflag:s21], $0x800  }
0x11d: {  	[sflag:s21] =	ssyncset.done $0x0  }
0x11e: {  	[sflag:s21] =	ssyncadd.s32 $0xFFFFF800  }
0x11f: {  	_ =	swait.ge [sflag:s22], $0x800  }
0x120: {  	[sflag:s22] =	ssyncset.done $0x0  }
0x121: {  	[sflag:s22] =	ssyncadd.s32 $0xFFFFF800  }
0x122: {  	_ =	swait.ge [sflag:s16], $0x4000  }
0x123: {  	[sflag:s16] =	ssyncset.done $0x0  }
0x124: {  	s8 =	simm.s32 $0x1C00;
	[sflag:s16] =	ssyncadd.s32 $0xFFFFC000  }
0x125: {  	[tilespmem:s17], [sflag:$0x3] =	stream.indirect.gather [hbm4b:s2+s14], $0x10, s8, s14, $0xb8;
	[tilespmem:$0x11F00] =	vst v63  }
0x126: {  	s9 =	simm.s32 $0x3F80  }
0x127: {  	[spmem:s3] =	stream.indirect.scatter.add.f32 [tilespmem:s15], [sflag:$0x4], $0x10, s9, s18, $0xb8;
	[tilespmem:$0x11F00] =	vst v63  }
0x128: {  	s8 =	simm.s32 $0x4000  }
0x129: {  	[spmem:s3] =	stream.indirect.scatter.add.f32 [tilespmem:s20], [sflag:$0x5], $0x10, s8, s18, $0xb8;
	[tilespmem:$0x11F00] =	vst v63  }
0x12a: {  	_ =	swait.ge [sflag:s21], $0x800  }
0x12b: {  	[sflag:s21] =	ssyncset.done $0x0  }
0x12c: {  	[sflag:s21] =	ssyncadd.s32 $0xFFFFF800  }
0x12d: {  	_ =	swait.ge [sflag:s22], $0x800  }
0x12e: {  	[sflag:s22] =	ssyncset.done $0x0  }
0x12f: {  	s9 =	simm.s32 $0x4080;
	[sflag:s22] =	ssyncadd.s32 $0xFFFFF800  }
0x130: {  	[spmem:s3] =	stream.indirect.scatter.add.f32 [tilespmem:s24], [sflag:$0x4], $0x10, s9, s18, $0xb8;
	[tilespmem:$0x11F00] =	vst v63  }
0x131: {  	s8 =	simm.s32 $0x4100  }
0x132: {  	[spmem:s3] =	stream.indirect.scatter.add.f32 [tilespmem:s26], [sflag:$0x5], $0x10, s8, s18, $0xb8;
	[tilespmem:$0x11F00] =	vst v63  }
0x133: {  	_ =	swait.ge [sflag:s21], $0x800  }
0x134: {  	[sflag:s21] =	ssyncset.done $0x0  }
0x135: {  	[sflag:s21] =	ssyncadd.s32 $0xFFFFF800  }
0x136: {  	_ =	swait.ge [sflag:s22], $0x800  }
0x137: {  	[sflag:s22] =	ssyncset.done $0x0  }
0x138: {  	s9 =	simm.s32 $0x4180;
	[sflag:s22] =	ssyncadd.s32 $0xFFFFF800  }
0x139: {  	[spmem:s3] =	stream.indirect.scatter.add.f32 [tilespmem:s29], [sflag:$0x4], $0x10, s9, s18, $0xb8;
	[tilespmem:$0x11F00] =	vst v63  }
0x13a: {  	s8 =	simm.s32 $0x4200  }
0x13b: {  	[spmem:s3] =	stream.indirect.scatter.add.f32 [tilespmem:s31], [sflag:$0x5], $0x10, s8, s18, $0xb8;
	[tilespmem:$0x11F00] =	vst v63  }
0x13c: {  	_ =	swait.ge [sflag:s21], $0x800  }
0x13d: {  	[sflag:s21] =	ssyncset.done $0x0  }
0x13e: {  	[sflag:s21] =	ssyncadd.s32 $0xFFFFF800  }
0x13f: {  	_ =	swait.ge [sflag:s22], $0x800  }
0x140: {  	[sflag:s22] =	ssyncset.done $0x0  }
0x141: {  	s9 =	simm.s32 $0x4280;
	[sflag:s22] =	ssyncadd.s32 $0xFFFFF800  }
0x142: {  	[spmem:s3] =	stream.indirect.scatter.add.f32 [tilespmem:s11], [sflag:$0x4], $0x10, s9, s18, $0xb8;
	[tilespmem:$0x11F00] =	vst v63  }
0x143: {  	s8 =	simm.s32 $0x4300  }
0x144: {  	[spmem:s3] =	stream.indirect.scatter.add.f32 [tilespmem:s23], [sflag:$0x5], $0x10, s8, s18, $0xb8;
	[tilespmem:$0x11F00] =	vst v63  }
0x145: {  	_ =	swait.ge [sflag:s21], $0x800  }
0x146: {  	[sflag:s21] =	ssyncset.done $0x0  }
0x147: {  	[sflag:s21] =	ssyncadd.s32 $0xFFFFF800  }
0x148: {  	_ =	swait.ge [sflag:s22], $0x800  }
0x149: {  	[sflag:s22] =	ssyncset.done $0x0  }
0x14a: {  	[sflag:s22] =	ssyncadd.s32 $0xFFFFF800  }
0x14b: {  	_ =	swait.ge [sflag:s0], $0x4000  }
0x14c: {  	[sflag:s0] =	ssyncset.done $0x0  }
0x14d: {  	s9 =	simm.s32 $0x2000;
	[sflag:s0] =	ssyncadd.s32 $0xFFFFC000  }
0x14e: {  	[tilespmem:s15], [sflag:$0x2] =	stream.indirect.gather [hbm4b:s2+s14], $0x10, s9, s14, $0xb8;
	[tilespmem:$0x11F00] =	vst v63  }
0x14f: {  	s8 =	simm.s32 $0x4380  }
0x150: {  	[spmem:s3] =	stream.indirect.scatter.add.f32 [tilespmem:s17], [sflag:$0x4], $0x10, s8, s18, $0xb8;
	[tilespmem:$0x11F00] =	vst v63  }
0x151: {  	s9 =	simm.s32 $0x4400  }
0x152: {  	[spmem:s3] =	stream.indirect.scatter.add.f32 [tilespmem:s1], [sflag:$0x5], $0x10, s9, s18, $0xb8;
	[tilespmem:$0x11F00] =	vst v63  }
0x153: {  	_ =	swait.ge [sflag:s21], $0x800  }
0x154: {  	[sflag:s21] =	ssyncset.done $0x0  }
0x155: {  	[sflag:s21] =	ssyncadd.s32 $0xFFFFF800  }
0x156: {  	_ =	swait.ge [sflag:s22], $0x800  }
0x157: {  	[sflag:s22] =	ssyncset.done $0x0  }
0x158: {  	s8 =	simm.s32 $0x4480;
	[sflag:s22] =	ssyncadd.s32 $0xFFFFF800  }
0x159: {  	[spmem:s3] =	stream.indirect.scatter.add.f32 [tilespmem:s25], [sflag:$0x4], $0x10, s8, s18, $0xb8;
	[tilespmem:$0x11F00] =	vst v63  }
0x15a: {  	s9 =	simm.s32 $0x4500  }
0x15b: {  	[spmem:s3] =	stream.indirect.scatter.add.f32 [tilespmem:s30], [sflag:$0x5], $0x10, s9, s18, $0xb8;
	[tilespmem:$0x11F00] =	vst v63  }
0x15c: {  	_ =	swait.ge [sflag:s21], $0x800  }
0x15d: {  	[sflag:s21] =	ssyncset.done $0x0  }
0x15e: {  	[sflag:s21] =	ssyncadd.s32 $0xFFFFF800  }
0x15f: {  	_ =	swait.ge [sflag:s22], $0x800  }
0x160: {  	[sflag:s22] =	ssyncset.done $0x0  }
0x161: {  	s8 =	simm.s32 $0x4580;
	[sflag:s22] =	ssyncadd.s32 $0xFFFFF800  }
0x162: {  	[spmem:s3] =	stream.indirect.scatter.add.f32 [tilespmem:s28], [sflag:$0x4], $0x10, s8, s18, $0xb8;
	[tilespmem:$0x11F00] =	vst v63  }
0x163: {  	s9 =	simm.s32 $0x4600  }
0x164: {  	[spmem:s3] =	stream.indirect.scatter.add.f32 [tilespmem:s19], [sflag:$0x5], $0x10, s9, s18, $0xb8;
	[tilespmem:$0x11F00] =	vst v63  }
0x165: {  	_ =	swait.ge [sflag:s21], $0x800  }
0x166: {  	[sflag:s21] =	ssyncset.done $0x0  }
0x167: {  	[sflag:s21] =	ssyncadd.s32 $0xFFFFF800  }
0x168: {  	_ =	swait.ge [sflag:s22], $0x800  }
0x169: {  	[sflag:s22] =	ssyncset.done $0x0  }
0x16a: {  	s8 =	simm.s32 $0x4680;
	[sflag:s22] =	ssyncadd.s32 $0xFFFFF800  }
0x16b: {  	[spmem:s3] =	stream.indirect.scatter.add.f32 [tilespmem:s10], [sflag:$0x4], $0x10, s8, s18, $0xb8;
	[tilespmem:$0x11F00] =	vst v63  }
0x16c: {  	s9 =	simm.s32 $0x4700  }
0x16d: {  	[spmem:s3] =	stream.indirect.scatter.add.f32 [tilespmem:s5], [sflag:$0x5], $0x10, s9, s18, $0xb8;
	[tilespmem:$0x11F00] =	vst v63  }
0x16e: {  	_ =	swait.ge [sflag:s21], $0x800  }
0x16f: {  	[sflag:s21] =	ssyncset.done $0x0  }
0x170: {  	[sflag:s21] =	ssyncadd.s32 $0xFFFFF800  }
0x171: {  	_ =	swait.ge [sflag:s22], $0x800  }
0x172: {  	[sflag:s22] =	ssyncset.done $0x0  }
0x173: {  	[sflag:s22] =	ssyncadd.s32 $0xFFFFF800  }
0x174: {  	_ =	swait.ge [sflag:s16], $0x4000  }
0x175: {  	[sflag:s16] =	ssyncset.done $0x0  }
0x176: {  	s8 =	simm.s32 $0x380;
	s9 =	simm.s32 $0x2400;
	[sflag:s16] =	ssyncadd.s32 $0xFFFFC000  }
0x177: {  	[tilespmem:s17], [sflag:$0x3] =	stream.indirect.gather [hbm4b:s2+s8], $0x10, s9, s8, $0xb8;
	[tilespmem:$0x11F00] =	vst v63  }
0x178: {  	s8 =	simm.s32 $0x4780  }
0x179: {  	[spmem:s3] =	stream.indirect.scatter.add.f32 [tilespmem:s15], [sflag:$0x4], $0x10, s8, s18, $0xb8;
	[tilespmem:$0x11F00] =	vst v63  }
0x17a: {  	s9 =	simm.s32 $0x4800  }
0x17b: {  	[spmem:s3] =	stream.indirect.scatter.add.f32 [tilespmem:s20], [sflag:$0x5], $0x10, s9, s18, $0xb8;
	[tilespmem:$0x11F00] =	vst v63  }
0x17c: {  	_ =	swait.ge [sflag:s21], $0x800  }
0x17d: {  	[sflag:s21] =	ssyncset.done $0x0  }
0x17e: {  	[sflag:s21] =	ssyncadd.s32 $0xFFFFF800  }
0x17f: {  	_ =	swait.ge [sflag:s22], $0x800  }
0x180: {  	[sflag:s22] =	ssyncset.done $0x0  }
0x181: {  	s8 =	simm.s32 $0x4880;
	[sflag:s22] =	ssyncadd.s32 $0xFFFFF800  }
0x182: {  	[spmem:s3] =	stream.indirect.scatter.add.f32 [tilespmem:s24], [sflag:$0x4], $0x10, s8, s18, $0xb8;
	[tilespmem:$0x11F00] =	vst v63  }
0x183: {  	s9 =	simm.s32 $0x4900  }
0x184: {  	[spmem:s3] =	stream.indirect.scatter.add.f32 [tilespmem:s26], [sflag:$0x5], $0x10, s9, s18, $0xb8;
	[tilespmem:$0x11F00] =	vst v63  }
0x185: {  	_ =	swait.ge [sflag:s21], $0x800  }
0x186: {  	[sflag:s21] =	ssyncset.done $0x0  }
0x187: {  	[sflag:s21] =	ssyncadd.s32 $0xFFFFF800  }
0x188: {  	_ =	swait.ge [sflag:s22], $0x800  }
0x189: {  	[sflag:s22] =	ssyncset.done $0x0  }
0x18a: {  	s8 =	simm.s32 $0x4980;
	[sflag:s22] =	ssyncadd.s32 $0xFFFFF800  }
0x18b: {  	[spmem:s3] =	stream.indirect.scatter.add.f32 [tilespmem:s29], [sflag:$0x4], $0x10, s8, s18, $0xb8;
	[tilespmem:$0x11F00] =	vst v63  }
0x18c: {  	s9 =	simm.s32 $0x4A00  }
0x18d: {  	[spmem:s3] =	stream.indirect.scatter.add.f32 [tilespmem:s31], [sflag:$0x5], $0x10, s9, s18, $0xb8;
	[tilespmem:$0x11F00] =	vst v63  }
0x18e: {  	_ =	swait.ge [sflag:s21], $0x800  }
0x18f: {  	[sflag:s21] =	ssyncset.done $0x0  }
0x190: {  	[sflag:s21] =	ssyncadd.s32 $0xFFFFF800  }
0x191: {  	_ =	swait.ge [sflag:s22], $0x800  }
0x192: {  	[sflag:s22] =	ssyncset.done $0x0  }
0x193: {  	s8 =	simm.s32 $0x4A80;
	[sflag:s22] =	ssyncadd.s32 $0xFFFFF800  }
0x194: {  	[spmem:s3] =	stream.indirect.scatter.add.f32 [tilespmem:s11], [sflag:$0x4], $0x10, s8, s18, $0xb8;
	[tilespmem:$0x11F00] =	vst v63  }
0x195: {  	s9 =	simm.s32 $0x4B00  }
0x196: {  	[spmem:s3] =	stream.indirect.scatter.add.f32 [tilespmem:s23], [sflag:$0x5], $0x10, s9, s18, $0xb8;
	[tilespmem:$0x11F00] =	vst v63  }
0x197: {  	_ =	swait.ge [sflag:s21], $0x800  }
0x198: {  	[sflag:s21] =	ssyncset.done $0x0  }
0x199: {  	[sflag:s21] =	ssyncadd.s32 $0xFFFFF800  }
0x19a: {  	_ =	swait.ge [sflag:s22], $0x800  }
0x19b: {  	[sflag:s22] =	ssyncset.done $0x0  }
0x19c: {  	[sflag:s22] =	ssyncadd.s32 $0xFFFFF800  }
0x19d: {  	_ =	swait.ge [sflag:s0], $0x3800  }
0x19e: {  	[sflag:s0] =	ssyncset.done $0x0  }
0x19f: {  	s8 =	simm.s32 $0x4B80;
	[sflag:s0] =	ssyncadd.s32 $0xFFFFC800  }
0x1a0: {  	[spmem:s3] =	stream.indirect.scatter.add.f32 [tilespmem:s17], [sflag:$0x4], $0x10, s8, s18, $0xb8;
	[tilespmem:$0x11F00] =	vst v63  }
0x1a1: {  	s9 =	simm.s32 $0x4C00  }
0x1a2: {  	[spmem:s3] =	stream.indirect.scatter.add.f32 [tilespmem:s1], [sflag:$0x5], $0x10, s9, s18, $0xb8;
	[tilespmem:$0x11F00] =	vst v63  }
0x1a3: {  	_ =	swait.ge [sflag:s21], $0x800  }
0x1a4: {  	[sflag:s21] =	ssyncset.done $0x0  }
0x1a5: {  	[sflag:s21] =	ssyncadd.s32 $0xFFFFF800  }
0x1a6: {  	_ =	swait.ge [sflag:s22], $0x800  }
0x1a7: {  	[sflag:s22] =	ssyncset.done $0x0  }
0x1a8: {  	s8 =	simm.s32 $0x4C80;
	[sflag:s22] =	ssyncadd.s32 $0xFFFFF800  }
0x1a9: {  	[spmem:s3] =	stream.indirect.scatter.add.f32 [tilespmem:s25], [sflag:$0x4], $0x10, s8, s18, $0xb8;
	[tilespmem:$0x11F00] =	vst v63  }
0x1aa: {  	s9 =	simm.s32 $0x4D00  }
0x1ab: {  	[spmem:s3] =	stream.indirect.scatter.add.f32 [tilespmem:s30], [sflag:$0x5], $0x10, s9, s18, $0xb8;
	[tilespmem:$0x11F00] =	vst v63  }
0x1ac: {  	_ =	swait.ge [sflag:s21], $0x800  }
0x1ad: {  	[sflag:s21] =	ssyncset.done $0x0  }
0x1ae: {  	[sflag:s21] =	ssyncadd.s32 $0xFFFFF800  }
0x1af: {  	_ =	swait.ge [sflag:s22], $0x800  }
0x1b0: {  	[sflag:s22] =	ssyncset.done $0x0  }
0x1b1: {  	s8 =	simm.s32 $0x4D80;
	[sflag:s22] =	ssyncadd.s32 $0xFFFFF800  }
0x1b2: {  	[spmem:s3] =	stream.indirect.scatter.add.f32 [tilespmem:s28], [sflag:$0x4], $0x10, s8, s18, $0xb8;
	[tilespmem:$0x11F00] =	vst v63  }
0x1b3: {  	s9 =	simm.s32 $0x4E00  }
0x1b4: {  	[spmem:s3] =	stream.indirect.scatter.add.f32 [tilespmem:s19], [sflag:$0x5], $0x10, s9, s18, $0xb8;
	[tilespmem:$0x11F00] =	vst v63  }
0x1b5: {  	_ =	swait.ge [sflag:s21], $0x800  }
0x1b6: {  	[sflag:s21] =	ssyncset.done $0x0  }
0x1b7: {  	[sflag:s21] =	ssyncadd.s32 $0xFFFFF800  }
0x1b8: {  	_ =	swait.ge [sflag:s22], $0x800  }
0x1b9: {  	[sflag:s22] =	ssyncset.done $0x0  }
0x1ba: {  	s8 =	simm.s32 $0x4E80;
	[sflag:s22] =	ssyncadd.s32 $0xFFFFF800  }
0x1bb: {  	[spmem:s3] =	stream.indirect.scatter.add.f32 [tilespmem:s10], [sflag:$0x4], $0x10, s8, s18, $0xb8;
	[tilespmem:$0x11F00] =	vst v63  }
0x1bc: {  	_ =	swait.ge [sflag:s21], $0x800  }
0x1bd: {  	[sflag:s21] =	ssyncset.done $0x0  }
0x1be: {  	s9 =	stileid.u32;
	[sflag:s21] =	ssyncadd.s32 $0xFFFFF800  }
0x1bf: {  	s8 =	sshll.u32 s9, $0x6;
	[bflag:$0x0] =	sbarrier.arrive $0xFFFF  }
0x1c0: {  	s9 =	sshrl.u32 s7, $0x3;
	s8 =	sor.u32 $0x1C06, s8;
	s4 =	rddreg [dreg:$0x6]  }
0x1c1: {  	[hbm:s4], [sflag:s8] =	dma.local [spmem:s9], $0x500  }
0x1c2: {  	_ =	swait.ge [sflag:s12], $0x500  }
0x1c3: {  	s6 =	sadd.s32 $0x1, s6;
	s8 =	rddreg [dreg:$0x7]  }
0x1c4: {  	p0 =	sne.s32 s6, s8  }
.Ltmp1:
0x1c5: {  	_ = 	snop;
	(pc) =	sbr.rel @p0 .LBB2_1-.Ltmp1, $3  }
0x1c6: {  	_ =	sdelay $0x1  }
0x1c7: {  	[sflag:s12] =	ssyncset.done $0x0  }
0x1c8: {  	s9 =	simm.s32 $0x2780;
	s4 =	simm.s32 $0x0;
	[sflag:s12] =	ssyncadd.s32 $0xFFFFFB00  }
0x1c9: {  	_ =	sfence.sel $0x180000  }
0x1ca: {  	[bflag:$0x0] =	sbarrier.arrive $0xFFFF  }
0x1cb: {  	_ =	strace $0x9000004D  }
0x1cc: {  	s0 =	stileid.u32;
	[bflag:$0x2] =	sbarrier.arrive $0xFFFF  }
0x1cd: {  	p0 =	sne.s32 s0, $0x0;
	s0 =	rddreg [dreg:$0x3]  }
0x1ce: {  	s0 =	sadd.s32 @!p0 $0x100000, s0  }
0x1cf: {  	[sflag:s0] =	ssyncadd.tile.s32 @!p0 $0x1;
	_ =	shalt  }
.Lfunc_end2:
_tile_overlayer_lowered:
.L_overlay_start_2:
0x1d0: {  	(tag) =	ssettag $0x2  }
0x1d1: {  	s0 =	rddreg [dreg:$0x0];
	s2 =	stileid.u32  }
0x1d2: {  	s1 =	rddreg [dreg:$0x1];
	p0 =	sne.s32 s2, $0x0  }
0x1d3: {  	s3 =	rddreg [dreg:$0x2];
	[bflag:$0x3] =	sbarrier.arrive $0xFFFF;
	s2 =	simm.s32 @!p0 $0x1C06  }
0x1d4: {  	[timem:s3], [sflag:s2] =	dma.local @!p0 [hbm:s0], s1  }
0x1d5: {  	s0 =	simm.s32 @!p0 $0x6  }
0x1d6: {  	_ =	swait.ge @!p0 [sflag:s0], s1  }
0x1d7: {  	s1 =	ssub.s32 @!p0 $0x0, s1;
	[sflag:s0] =	ssyncset.done @!p0 $0x0  }
0x1d8: {  	[sflag:s0] =	ssyncadd.s32 @!p0 s1  }
0x1d9: {  	[bflag:$0x3] =	sbarrier.arrive $0xFFFF  }
0x1da: {  	_ =	shalt  }

// kernel: kernel.9.cloned.1.call-start
scs
__scs_entry_jumppad:
0x0: {  	(pc) =	sbr.rel $0x88, $3  }
0x1: {  	(tag) =	ssettag $0x0;
	lr =	simm.s32 $0x1  }
0x2: {  	[smem:$0x3F9B] =	sst lr;
	_ =	strace $0xD0000000  }
0x3: {  	_ = 	snop  }
0x4: {  	_ = 	snop  }
0x5: {  	_ = 	snop  }
0x6: {  	_ = 	snop  }
0x7: {  	_ = 	snop  }
__scs_overlays_trampoline_lowered:
0x8: {  	[smem:$0x3FAA] =	sst s0  }
0x9: {  	[smem:$0x3FAB] =	sst s1  }
0xa: {  	[smem:$0x3FAC] =	sst s2  }
0xb: {  	[smem:$0x3FAD] =	sst s3  }
0xc: {  	[smem:$0x3FAE] =	sst s4  }
0xd: {  	[smem:$0x3FAF] =	sst s5  }
0xe: {  	[smem:$0x3FB0] =	sst s6  }
0xf: {  	[smem:$0x3FB1] =	sst s7  }
0x10: {  	[smem:$0x3FB2] =	sst s8  }
0x11: {  	[smem:$0x3FB3] =	sst s9;
	s0 =	simm.s32 @!p0 $0x0  }
0x12: {  	s1 =	sld [smem:$0x3F99];
	s0 =	simm.s32 @p0 $0x1  }
0x13: {  	[smem:$0x3FB4] =	sst s0;
	s0 =	simm.s32 @!p1 $0x0  }
0x14: {  	s2 =	sld [smem:$0x3F98];
	s0 =	simm.s32 @p1 $0x1  }
0x15: {  	[smem:$0x3FB5] =	sst s0;
	s0 =	simm.s32 @!p2 $0x0  }
0x16: {  	s3 =	sld [smem:$0x3FDB];
	s0 =	simm.s32 @p2 $0x1  }
0x17: {  	s4 =	simm.s32 $0x1BF5;
	[smem:$0x3FB7] =	sst s0  }
0x18: {  	s0 =	sld [smem:$0x3F9A];
	_ =	swait.ge [sflag:s4], $0x0  }
0x19: {  	s7 =	sld [smem:$0x3F9B]  }
0x1a: {  	s8 =	sadd.s32 $0xFFFFE003, lr  }
0x1b: {  	s9 =	sadd.s32 $0xFFFFFEF7, lr;
	s5 =	simm.s32 $0xFFFFFFFF;
	p2 =	slt.u32 s8, $0xFFFFF086  }
0x1c: {  	p1 =	slt.u32 s9, $0xF7A;
	s5 =	simm.s32 @!p2 $0x0  }
0x1d: {  	s5 =	simm.s32 @p1 $0x1;
	p0 =	seq.s32 s7, s2  }
0x1e: {  	s7 =	smul.u32 @!p0 $0xF7A, s2;
	p2 =	seq.s32 @!p0 s5, $0x0  }
0x1f: {  	s9 =	smul.u32 $0xF7A, s1;
	s8 =	simm.s32 @!p0 $0x1BF5;
	p2 =	por !p2, p0  }
0x20: {  	[sflag:s8] =	ssyncset.s32 @!p0 $0xFFFFF086;
	s6 =	sadd.s32 @!p0 s3, s7;
	s7 =	simm.s32 @!p0 $0x108  }
0x21: {  	s3 =	sadd.s32 s3, s9;
	s6 =	sadd.s32 @!p0 $0x88, s6;
	s7 =	simm.s32 @p2 $0x1082  }
0x22: {  	[simem:s7], [sflag:s8] =	dma.local @!p0 [hbm:s6], $0xF7A  }
0x23: {  	s9 =	sor.u32 $0xD0000000, s2;
	s6 =	simm.s32 $0x108;
	_ =	swait.ge @!p0 [sflag:s8], $0x0  }
0x24: {  	s3 =	sadd.s32 $0x88, s3;
	s6 =	simm.s32 @!p1 $0x1082;
	[sflag:s4] =	ssyncset.s32 $0xFFFFF086  }
0x25: {  	[simem:s6], [sflag:s4] =	dma.local [hbm:s3], $0xF7A  }
0x26: {  	[smem:$0x3F9B] =	sst s1;
	(tag) =	ssettag s2;
	_ =	strace s9  }
0x27: {  	s1 =	sld [smem:$0x3FAB]  }
0x28: {  	s2 =	sld [smem:$0x3FAC]  }
0x29: {  	s4 =	sld [smem:$0x3FAE]  }
0x2a: {  	p0 =	seq.s32 s5, $0x0;
	s5 =	sld [smem:$0x3FAF]  }
0x2b: {  	s6 =	sld [smem:$0x3FB0]  }
0x2c: {  	s7 =	sld [smem:$0x3FB1]  }
0x2d: {  	s3 =	simm.s32 $0x108;
	s8 =	sld [smem:$0x3FB2]  }
0x2e: {  	s3 =	simm.s32 @!p0 $0x1082;
	s9 =	sld [smem:$0x3FB3]  }
0x2f: {  	lr =	sadd.s32 s0, s3;
	s0 =	sld [smem:$0x3FAA]  }
0x30: {  	s3 =	sld [smem:$0x3FAD]  }
0x31: {  	[smem:$0x3FB6] =	sst s10  }
0x32: {  	s10 =	sld [smem:$0x3FB4];
	_ =	sdelay $0x3  }
0x33: {  	p0 =	seq.s32 s10, $0x1;
	s10 =	sld [smem:$0x3FB6];
	_ =	sdelay $0x3  }
0x34: {  	[smem:$0x3FB6] =	sst s10  }
0x35: {  	s10 =	sld [smem:$0x3FB5];
	_ =	sdelay $0x3  }
0x36: {  	p1 =	seq.s32 s10, $0x1;
	s10 =	sld [smem:$0x3FB6];
	_ =	sdelay $0x3  }
0x37: {  	[smem:$0x3FB6] =	sst s10  }
0x38: {  	s10 =	sld [smem:$0x3FB7]  }
0x39: {  	_ = 	snop;
	(pc) =	sbr.ind lr, $3  }
0x3a: {  	_ = 	snop  }
0x3b: {  	_ = 	snop  }
0x3c: {  	p2 =	seq.s32 s10, $0x1;
	s10 =	sld [smem:$0x3FB6]  }
0x3d: {  	_ =	shalt  }
0x3e: {  	_ =	shalt  }
0x3f: {  	_ =	shalt  }
0x40: {  	_ =	shalt  }
0x41: {  	_ =	shalt  }
0x42: {  	_ =	shalt  }
0x43: {  	_ =	shalt  }
0x44: {  	_ =	shalt  }
0x45: {  	_ =	shalt  }
0x46: {  	_ =	shalt  }
0x47: {  	_ =	shalt  }
0x48: {  	_ =	shalt  }
0x49: {  	_ =	shalt  }
0x4a: {  	_ =	shalt  }
0x4b: {  	_ =	shalt  }
0x4c: {  	_ =	shalt  }
0x4d: {  	_ =	shalt  }
0x4e: {  	_ =	shalt  }
0x4f: {  	_ =	shalt  }
0x50: {  	_ =	shalt  }
0x51: {  	_ =	shalt  }
0x52: {  	_ =	shalt  }
0x53: {  	_ =	shalt  }
0x54: {  	_ =	shalt  }
0x55: {  	_ =	shalt  }
0x56: {  	_ =	shalt  }
0x57: {  	_ =	shalt  }
0x58: {  	_ =	shalt  }
0x59: {  	_ =	shalt  }
0x5a: {  	_ =	shalt  }
0x5b: {  	_ =	shalt  }
0x5c: {  	_ =	shalt  }
0x5d: {  	_ =	shalt  }
0x5e: {  	_ =	shalt  }
0x5f: {  	_ =	shalt  }
0x60: {  	_ =	shalt  }
0x61: {  	_ =	shalt  }
0x62: {  	_ =	shalt  }
0x63: {  	_ =	shalt  }
0x64: {  	_ =	shalt  }
0x65: {  	_ =	shalt  }
0x66: {  	_ =	shalt  }
0x67: {  	_ =	shalt  }
0x68: {  	_ =	shalt  }
0x69: {  	_ =	shalt  }
0x6a: {  	_ =	shalt  }
0x6b: {  	_ =	shalt  }
0x6c: {  	_ =	shalt  }
0x6d: {  	_ =	shalt  }
0x6e: {  	_ =	shalt  }
0x6f: {  	_ =	shalt  }
0x70: {  	_ =	shalt  }
0x71: {  	_ =	shalt  }
0x72: {  	_ =	shalt  }
0x73: {  	_ =	shalt  }
0x74: {  	_ =	shalt  }
0x75: {  	_ =	shalt  }
0x76: {  	_ =	shalt  }
0x77: {  	_ =	shalt  }
0x78: {  	_ =	shalt  }
0x79: {  	_ =	shalt  }
0x7a: {  	_ =	shalt  }
0x7b: {  	_ =	shalt  }
0x7c: {  	_ =	shalt  }
0x7d: {  	_ =	shalt  }
0x7e: {  	_ =	shalt  }
0x7f: {  	_ =	shalt  }
0x80: {  	_ =	shalt  }
0x81: {  	_ =	shalt  }
0x82: {  	_ =	shalt  }
0x83: {  	_ =	shalt  }
0x84: {  	_ =	shalt  }
0x85: {  	_ =	shalt  }
0x86: {  	_ =	shalt  }
0x87: {  	_ =	shalt  }
.Lfunc_end0:
.L_simem_size_0:
called_computation_lowered:
.L_overlay_start_0:
0x88: {  	s2 =	sld [smem:$0x3FD9]  }
0x89: {  	s3 =	sld [smem:$0x3FFE];
	_ =	sdelay $0x1  }
0x8a: {  	s1 =	srdreg.scid  }
0x8b: {  	s0 =	sand.u32 $0x1, s1  }
0x8c: {  	s16 =	sshll.u32 s0, $0xA;
	s2 =	sadd.s32 s3, s2  }
0x8d: {  	s2 =	sadd.s32 s2, s16  }
0x8e: {  	[smem:$0x3FC2] =	sst s2  }
0x8f: {  	_ = 	snop  }
0x90: {  	(tm) =	ssettm $0x1  }
0x91: {  	s17 =	sld [smem:$0x3FFB];
	_ =	sdelay $0x3  }
0x92: {  	_ =	strace s17  }
0x93: {  	s2 =	sld [smem:$0x3FFC];
	_ =	sdelay $0x3  }
0x94: {  	_ =	strace s2  }
0x95: {  	s2 =	sld [smem:$0x3FFD];
	_ =	sdelay $0x3  }
0x96: {  	_ =	strace s2  }
0x97: {  	_ =	strace $0x8FFFFFFF  }
0x98: {  	s18 =	sld [smem:$0x3FDB];
	_ =	sdelay $0x1  }
0x99: {  	s19 =	simm.s32 $_scs_section_size  }
0x9a: {  	s4 =	simm.s32 $_size__tile_overlayer_lowered;
	s5 =	simm.s32 $_tile_overlayer_lowered  }
0x9b: {  	s22 =	simm.s32 $0x1BFF;
	s21 =	sshll.u32 s5, $0x1;
	s2 =	sadd.s32 s19, s18  }
0x9c: {  	s6 =	simm.s32 $0x0;
	s20 =	sshll.u32 s4, $0x1;
	s4 =	sadd.s32 s21, s2  }
0x9d: {  	[timem:s6], [sflag:s22] =	dma.local [hbm:s4], s20  }
0x9e: {  	_ =	swait.ge [sflag:s22], s20  }
0x9f: {  	s3 =	ssub.s32 $0x0, s20;
	[sflag:s22] =	ssyncset.done $0x0  }
0xa0: {  	[sflag:s22] =	ssyncadd.s32 s3;
	_ =	sdelay $0x1  }
0xa1: {  	s23 =	simm.s32 $0x1B8B  }
0xa2: {  	_ =	swait.ge [sflag:s23], $0x1  }
0xa3: {  	[sflag:s23] =	ssyncset.done $0x0  }
0xa4: {  	s25 =	simm.s32 $0x1B8E;
	s24 =	sld [smem:$0x3FFE];
	[sflag:s23] =	ssyncadd.s32 $0xFFFFFFFF  }
0xa5: {  	s26 =	simm.s32 $execute0_lowered;
	[smem:$0x3FD2] =	sst s25  }
0xa6: {  	s4 =	sshll.u32 s26, $0x1;
	_ =	strace $0x80000046;
	[dreg:$0x1] =	wrdreg $0xFFFFFFFF  }
0xa7: {  	s28 =	simm.s32 $_size_execute0_lowered;
	s2 =	sadd.s32 s2, s4;
	[dreg:$0x0] =	wrdreg $0x0  }
0xa8: {  	s4 =	sshll.u32 s28, $0x1;
	[dreg:$0x2] =	wrdreg s2  }
0xa9: {  	[dreg:$0x3] =	wrdreg s4  }
0xaa: {  	[dreg:$0x4] =	wrdreg $0xC0  }
0xab: {  	_ =	task [dreg:s6], $0x5FFFF  }
0xac: {  	[dreg:$0x1] =	wrdreg $0xFFFFFFFF  }
0xad: {  	[dreg:$0x0] =	wrdreg $0x60  }
0xae: {  	[dreg:$0x2] =	wrdreg s24  }
0xaf: {  	[dreg:$0x3] =	wrdreg $0xC9800  }
0xb0: {  	[dreg:$0x4] =	wrdreg $0x9  }
0xb1: {  	_ =	task.clear_ibuf [dreg:s6], $0x5FFFF;
	_ =	strace $0x90000046  }
0xb2: {  	s29 =	simm.s32 $0x9;
	_ =	strace $0x80000048  }
0xb3: {  	_ =	swait.ge [sflag:s29], $0x1  }
0xb4: {  	[sflag:s29] =	ssyncadd.s32 $0xFFFFFFFF  }
0xb5: {  	_ =	strace $0x90000048  }
0xb6: {  	_ =	sfence  }
0xb7: {  	s30 =	sld [smem:$0x0];
	_ =	sdelay $0x2  }
0xb8: {  	s31 =	sshll.u32 s1, $0xD;
	s1 =	sshrl.u32 s1, $0x2  }
0xb9: {  	s3 =	sand.u32 $0x4000, s31;
	s1 =	sadd.s32 s1, s30  }
0xba: {  	s0 =	sor.u32 s3, s0;
	s1 =	sshll.u32 s1, $0x11  }
0xbb: {  	s0 =	sor.u32 s1, s0  }
0xbc: {  	s0 =	sadd.s32 $0x8F2B, s0  }
0xbd: {  	[sflag:s0] =	ssyncadd.remote.s32 $0x1  }
0xbe: {  	_ =	sfence.sel $0xFFFF  }
0xbf: {  	[dreg:$0x0] =	wrdreg $0xFFFFFFFF;
	(pc) =	sbr.abs _section_cstart, $3  }
0xc0: {  	[dreg:$0x1] =	wrdreg $0xFFFFFFFF  }
0xc1: {  	_ =	task.clear_ibuf [dreg:s6], $0x2FFFF;
	_ =	strace $0x9FFFFFFF  }
0xc2: {  	(tm) =	ssettm $0x7FFFFFFF  }
0xc3: {  	_ =	shalt  }
tec
execute0_lowered:
.L_overlay_start_1:
0x0: {  	(tag) =	ssettag $0x1  }
0x1: {  	s1 =	srdreg.scid  }
0x2: {  	s1 =	sand.u32 $0x1, s1  }
0x3: {  	p0 =	seq.s32 s1, $0x1  }
.Ltmp0:
0x4: {  	_ = 	snop;
	(pc) =	sbr.rel @p0 .LBB2_10-.Ltmp0, $4  }
0x5: {  	s3 =	rddreg [dreg:$0x0]  }
0x6: {  	s2 =	rddreg [dreg:$0x1];
	s4 =	simm.s32 $0x0  }
0x7: {  	[smem:$0x7FF] =	sst s4  }
0x8: {  	s0 =	rddreg [dreg:$0x2];
	_ =	strace $0x80000047;
	s1 =	stileid.u32  }
0x9: {  	s5 =	smul.u32 $0x4F00, s1  }
0xa: {  	s28 =	smul.u32 $0xA000, s1  }
0xb: {  	s6 =	sadd.s32 $0x2C00, s3;
	s29 =	smul.u32 $0xA00, s1;
	s5 =	sshrl.u32 s5, $0x3  }
0xc: {  	s7 =	simm.s32 $0x2800;
	s30 =	smul.u32 $0x500, s1;
	s5 =	sadd.s32 s6, s5  }
0xd: {  	s31 =	sshrl.u32 s29, $0x2;
	s6 =	sshrl.u32 s28, $0x2;
	s5 =	sadd.s32 $0x9E00, s5  }
0xe: {  	[tilespmem:s7], [sflag:$0x1] =	stream.linear.gather [hbm4b:s5+s4], $0x4F00, $0x38;
	[tilespmem:$0xF180] =	vst v63  }
0xf: {  	s5 =	sadd.s32 s30, s3;
	s4 =	sadd.s32 s6, s2;
	s3 =	sadd.s32 s31, s2  }
0x10: {  	v0 =	vimm.f32 $0.0e+00;
	s6 =	simm.s32 $0x0;
	s2 =	sadd.s32 $0x16800, s5;
	s5 =	simm.s32 $0x40  }
.LBB2_2:
0x11: {  	p0 =	sne.s32 s5, $0x9FC0;
	[tilespmem:s6+$0x0] =	vst v0;
	s6 =	smov.u32 s5;
	s5 =	sadd.s32 $0x40, s5  }
.Ltmp1:
0x12: {  	(pc) =	sbr.rel @p0 .LBB2_2-.Ltmp1, $2  }
0x13: {  	_ =	sdelay $0x2  }
0x14: {  	s6 =	sshra.s32 s6, $0x2  }
0x15: {  	[tilespmem:s6+$0x0] =	vst v0;
	s5 =	simm.s32 $0x1  }
0x16: {  	_ =	swait.ge [sflag:s5], $0x4F00  }
0x17: {  	[sflag:s5] =	ssyncset.done $0x0  }
0x18: {  	v0 =	vimm.f32 $1.000000000e+00;
	s6 =	simm.s32 $0x0;
	[sflag:s5] =	ssyncadd.s32 $0xFFFFB100;
	s5 =	simm.s32 $0x0  }
.LBB2_4:
0x19: {  	s7 =	sshra.s32 s6, $0x2  }
0x1a: {  	v1 =	vld [tilespmem:s7+$0x2800];
	_ =	sdelay $0x7  }
0x1b: {  	[tilespmem:v1+s5+$0x0] =	vst.idx.add.f32.msk $0xffff, v0  }
0x1c: {  	v1 =	vld [tilespmem:s7+$0x2810];
	_ =	sdelay $0x7  }
0x1d: {  	[tilespmem:v1+s5+$0x0] =	vst.idx.add.f32.msk $0xffff, v0  }
0x1e: {  	v1 =	vld [tilespmem:s7+$0x2820];
	_ =	sdelay $0x7  }
0x1f: {  	[tilespmem:v1+s5+$0x0] =	vst.idx.add.f32.msk $0xffff, v0  }
0x20: {  	v1 =	vld [tilespmem:s7+$0x2830];
	_ =	sdelay $0x7  }
0x21: {  	[tilespmem:v1+s5+$0x0] =	vst.idx.add.f32.msk $0xffff, v0  }
0x22: {  	v1 =	vld [tilespmem:s7+$0x2840];
	_ =	sdelay $0x7  }
0x23: {  	[tilespmem:v1+s5+$0x0] =	vst.idx.add.f32.msk $0xffff, v0  }
0x24: {  	v1 =	vld [tilespmem:s7+$0x2850];
	_ =	sdelay $0x7  }
0x25: {  	[tilespmem:v1+s5+$0x0] =	vst.idx.add.f32.msk $0xffff, v0  }
0x26: {  	v1 =	vld [tilespmem:s7+$0x2860];
	_ =	sdelay $0x7  }
0x27: {  	[tilespmem:v1+s5+$0x0] =	vst.idx.add.f32.msk $0xffff, v0  }
0x28: {  	v1 =	vld [tilespmem:s7+$0x2870];
	_ =	sdelay $0x2  }
0x29: {  	p0 =	sne.s32 s6, $0x13A00  }
.Ltmp2:
0x2a: {  	_ = 	snop;
	(pc) =	sbr.rel @p0 .LBB2_4-.Ltmp2, $2  }
0x2b: {  	_ =	sdelay $0x2  }
0x2c: {  	s6 =	sadd.s32 $0x200, s6;
	[tilespmem:v1+s5+$0x0] =	vst.idx.add.f32.msk $0xffff, v0  }
0x2d: {  	s5 =	simm.s32 $0x0;
	s30 =	simm.s32 $0x2  }
0x2e: {  	[spmem:s4] =	stream.linear.scatter [tilespmem:s5], [sflag:$0x2], $0x2800, $0x38;
	[tilespmem:$0xF180] =	vst v63  }
0x2f: {  	_ =	swait.ge [sflag:s30], $0x2800  }
0x30: {  	[sflag:s30] =	ssyncset.done $0x0  }
0x31: {  	s31 =	simm.s32 $0x280;
	[sflag:s30] =	ssyncadd.s32 $0xFFFFD800  }
0x32: {  	s6 =	simm.s32 $0x2800;
	s7 =	simm.s32 $0x7700;
	[bflag:$0x0] =	sbarrier.arrive $0xFFFF  }
0x33: {  	[tilespmem:s7], [sflag:$0x2] =	stream.strided.gather [spmem:s3], $0x2800, s6, s31, $0x38;
	[tilespmem:$0xF180] =	vst v63  }
0x34: {  	_ =	swait.ge [sflag:s30], $0x2800  }
0x35: {  	[sflag:s30] =	ssyncset.done $0x0  }
0x36: {  	s5 =	simm.s32 $0x0;
	[sflag:s30] =	ssyncadd.s32 $0xFFFFD800  }
0x37: {  	v0 =	vld [tilespmem:s5+$0x7700]  }
0x38: {  	v1 =	vld [tilespmem:s5+$0x7980];
	_ =	sdelay $0x1  }
0x39: {  	v2 =	vld [tilespmem:s5+$0x7C00];
	_ =	sdelay $0x1  }
0x3a: {  	v3 =	vld [tilespmem:s5+$0x7E80]  }
0x3b: {  	v0 =	vadd.f32 v1, v0  }
0x3c: {  	v1 =	vld [tilespmem:s5+$0x8100]  }
0x3d: {  	v0 =	vadd.f32 v2, v0  }
0x3e: {  	v2 =	vld [tilespmem:s5+$0x8380]  }
0x3f: {  	v0 =	vadd.f32 v3, v0  }
0x40: {  	v3 =	vld [tilespmem:s5+$0x8600]  }
0x41: {  	v4 =	vld [tilespmem:s5+$0x8D80];
	v0 =	vadd.f32 v1, v0  }
0x42: {  	s3 =	simm.s32 $0x10;
	v1 =	vld [tilespmem:s5+$0x8880]  }
0x43: {  	v5 =	vld [tilespmem:s3+$0x7700];
	v0 =	vadd.f32 v2, v0  }
0x44: {  	v2 =	vld [tilespmem:s5+$0x8B00]  }
0x45: {  	v6 =	vld [tilespmem:s5+$0x9000];
	v0 =	vadd.f32 v3, v0  }
0x46: {  	v3 =	vld [tilespmem:s3+$0x7980]  }
0x47: {  	v7 =	vld [tilespmem:s5+$0x9280];
	v0 =	vadd.f32 v1, v0  }
0x48: {  	v1 =	vld [tilespmem:s3+$0x7C00]  }
0x49: {  	v8 =	vld [tilespmem:s5+$0x9500];
	v0 =	vadd.f32 v2, v0  }
0x4a: {  	s4 =	simm.s32 $0x20;
	v2 =	vld [tilespmem:s3+$0x7E80]  }
0x4b: {  	v9 =	vld [tilespmem:s4+$0x8100];
	v3 =	vadd.f32 v3, v5;
	v0 =	vadd.f32 v4, v0  }
0x4c: {  	v4 =	vld [tilespmem:s3+$0x8100]  }
0x4d: {  	v1 =	vadd.f32 v1, v3;
	v3 =	vld [tilespmem:s3+$0x8380];
	v0 =	vadd.f32 v6, v0  }
0x4e: {  	v6 =	vld [tilespmem:s5+$0x9780]  }
0x4f: {  	v1 =	vadd.f32 v2, v1;
	v2 =	vld [tilespmem:s3+$0x8600];
	v0 =	vadd.f32 v7, v0  }
0x50: {  	v7 =	vld [tilespmem:s5+$0x9A00]  }
0x51: {  	v5 =	vld [tilespmem:s5+$0x9C80];
	v1 =	vadd.f32 v4, v1;
	v0 =	vadd.f32 v8, v0  }
0x52: {  	v4 =	vld [tilespmem:s3+$0x8880]  }
0x53: {  	v1 =	vadd.f32 v3, v1;
	v3 =	vld [tilespmem:s3+$0x8B00];
	v0 =	vadd.f32 v6, v0  }
0x54: {  	v6 =	vld [tilespmem:s4+$0x7700]  }
0x55: {  	v1 =	vadd.f32 v2, v1;
	v2 =	vld [tilespmem:s4+$0x7980];
	v0 =	vadd.f32 v7, v0  }
0x56: {  	v8 =	vld [tilespmem:s3+$0x8D80]  }
0x57: {  	v1 =	vadd.f32 v4, v1;
	v4 =	vld [tilespmem:s4+$0x7C00];
	v0 =	vadd.f32 v5, v0  }
0x58: {  	v7 =	vld [tilespmem:s3+$0x9000]  }
0x59: {  	v1 =	vadd.f32 v3, v1;
	v3 =	vld [tilespmem:s4+$0x7E80];
	v0 =	vadd.f32 $1.000000000e+00, v0  }
0x5a: {  	v5 =	vld [tilespmem:s3+$0x9280];
	v2 =	vadd.f32 v2, v6  }
0x5b: {  	v11 =	vld [tilespmem:s3+$0x9780];
	v8 =	vadd.f32 v8, v1;
	v10 =	vshra.s32 v0, $0x1;
	v1 =	vmul.f32 $5.000000000e-01, v0  }
0x5c: {  	v6 =	vld [tilespmem:s3+$0x9500];
	v2 =	vadd.f32 v4, v2;
	v10 =	vsub.s32 $0x5F3759DF, v10  }
0x5d: {  	v4 =	vadd.f32 v7, v8;
	v7 =	vld [tilespmem:s4+$0x8380];
	v8 =	vmul.f32 v10, v1  }
0x5e: {  	v12 =	vld [tilespmem:s3+$0x9A00];
	v2 =	vadd.f32 v3, v2  }
0x5f: {  	v3 =	vadd.f32 v5, v4;
	v5 =	vld [tilespmem:s4+$0x8600];
	v4 =	vmul.f32 v10, v8  }
0x60: {  	v0 =	vld [tilespmem:s3+$0x9C80];
	v8 =	vadd.f32 v9, v2  }
0x61: {  	v6 =	vadd.f32 v6, v3;
	v3 =	vld [tilespmem:s4+$0x8880];
	v9 =	vsub.f32 $1.500000000e+00, v4  }
0x62: {  	v2 =	vld [tilespmem:s4+$0x8D80];
	v7 =	vadd.f32 v7, v8  }
0x63: {  	s6 =	simm.s32 $0x30;
	v4 =	vld [tilespmem:s4+$0x8B00];
	v11 =	vadd.f32 v11, v6;
	v6 =	vmul.f32 v10, v9  }
0x64: {  	v8 =	vld [tilespmem:s6+$0x7700];
	v7 =	vadd.f32 v5, v7  }
0x65: {  	s7 =	simm.s32 $0x100;
	v9 =	vld [tilespmem:s6+$0x7980];
	v5 =	vadd.f32 v12, v11;
	v10 =	vmul.f32 v6, v1  }
.LBB2_6:
0x66: {  	p0 =	sne.s32 s7, $0x9C0;
	v3 =	vadd.f32 v3, v7;
	v7 =	vld [tilespmem:s4+$0x9000];
	s8 =	smov.u32 s4;
	s4 =	smov.u32 s6  }
0x67: {  	v11 =	vld [tilespmem:s4+$0x7C00];
	v0 =	vadd.f32 v0, v5;
	v5 =	vmul.f32 v10, v6  }
0x68: {  	v3 =	vadd.f32 v4, v3;
	v4 =	vld [tilespmem:s8+$0x9280]  }
0x69: {  	v10 =	vld [tilespmem:s4+$0x7E80];
	v0 =	vadd.f32 $1.000000000e+00, v0;
	v5 =	vsub.f32 $1.500000000e+00, v5  }
0x6a: {  	v8 =	vadd.f32 v9, v8;
	v2 =	vadd.f32 v2, v3;
	v3 =	vld [tilespmem:s8+$0x9500]  }
0x6b: {  	v9 =	vld [tilespmem:s4+$0x8100];
	v12 =	vshra.s32 v0, $0x1;
	v13 =	vmul.f32 $5.000000000e-01, v0;
	v5 =	vmul.f32 v5, v6  }
0x6c: {  	v6 =	vadd.f32 v11, v8;
	v2 =	vadd.f32 v7, v2;
	v0 =	vld [tilespmem:s8+$0x9C80];
	v7 =	vsub.s32 $0x5F3759DF, v12  }
0x6d: {  	v8 =	vld [tilespmem:s4+$0x8380];
	v11 =	vmul.f32 v7, v13;
	v12 =	vmul.f32 v5, v1;
	v1 =	vmov v13  }
0x6e: {  	v6 =	vadd.f32 v10, v6;
	v2 =	vadd.f32 v4, v2;
	v10 =	vld [tilespmem:s8+$0x9780]  }
0x6f: {  	v13 =	vld [tilespmem:s4+$0x8600];
	v4 =	vmul.f32 v7, v11;
	v11 =	vmul.f32 v12, v5  }
0x70: {  	v6 =	vadd.f32 v9, v6;
	v9 =	vadd.f32 v3, v2;
	v12 =	vld [tilespmem:s8+$0x9A00]  }
.Ltmp3:
0x71: {  	v3 =	vld [tilespmem:s4+$0x8880];
	v14 =	vsub.f32 $1.500000000e+00, v4;
	v11 =	vsub.f32 $1.500000000e+00, v11;
	(pc) =	sbr.rel @p0 .LBB2_6-.Ltmp3, $4  }
0x72: {  	v15 =	vadd.f32 v8, v6;
	v2 =	vld [tilespmem:s4+$0x8D80]  }
0x73: {  	s6 =	sshra.s32 s7, $0x2;
	v4 =	vld [tilespmem:s4+$0x8B00];
	v10 =	vadd.f32 v10, v9;
	v6 =	vmul.f32 v7, v14;
	v11 =	vmul.f32 v11, v5  }
0x74: {  	v8 =	vld [tilespmem:s6+$0x7700];
	v7 =	vadd.f32 v13, v15  }
0x75: {  	s7 =	sadd.s32 $0x40, s7;
	v9 =	vld [tilespmem:s6+$0x7980];
	v5 =	vadd.f32 v12, v10;
	v10 =	vmul.f32 v6, v1;
	[tilespmem:s5+$0x9F00] =	vst v11;
	s5 =	smov.u32 s3;
	s3 =	smov.u32 s8  }
0x76: {  	_ = 	snop  }
0x77: {  	v11 =	vld [tilespmem:s6+$0x7C00]  }
0x78: {  	v10 =	vmul.f32 v10, v6  }
0x79: {  	v12 =	vld [tilespmem:s6+$0x7E80]  }
0x7a: {  	v10 =	vsub.f32 $1.500000000e+00, v10;
	v8 =	vadd.f32 v9, v8  }
0x7b: {  	v31 =	vld [tilespmem:s6+$0x8100]  }
0x7c: {  	v13 =	vld [tilespmem:s4+$0x9000];
	v32 =	vmul.f32 v10, v6;
	v8 =	vadd.f32 v11, v8  }
0x7d: {  	v33 =	vld [tilespmem:s6+$0x8380]  }
0x7e: {  	v14 =	vld [tilespmem:s4+$0x9280];
	v1 =	vmul.f32 v32, v1;
	v8 =	vadd.f32 v12, v8  }
0x7f: {  	v35 =	vld [tilespmem:s6+$0x8600]  }
0x80: {  	v34 =	vld [tilespmem:s4+$0x9500];
	v1 =	vmul.f32 v1, v32;
	v8 =	vadd.f32 v31, v8  }
0x81: {  	v36 =	vld [tilespmem:s6+$0x8880]  }
0x82: {  	v15 =	vld [tilespmem:s4+$0x9C80];
	v1 =	vsub.f32 $1.500000000e+00, v1;
	v8 =	vadd.f32 v33, v8  }
0x83: {  	v37 =	vld [tilespmem:s6+$0x8B00]  }
0x84: {  	v16 =	vld [tilespmem:s4+$0x9780];
	v1 =	vmul.f32 v1, v32;
	v38 =	vadd.f32 v35, v8  }
0x85: {  	v3 =	vadd.f32 v3, v7;
	v40 =	vld [tilespmem:s6+$0x8D80]  }
0x86: {  	v39 =	vld [tilespmem:s4+$0x9A00];
	[tilespmem:s5+$0x9F00] =	vst v1;
	v1 =	vadd.f32 v36, v38  }
0x87: {  	v3 =	vadd.f32 v4, v3;
	v41 =	vld [tilespmem:s6+$0x9000]  }
0x88: {  	v1 =	vadd.f32 v37, v1  }
0x89: {  	v2 =	vadd.f32 v2, v3;
	v3 =	vld [tilespmem:s6+$0x9280]  }
0x8a: {  	v1 =	vadd.f32 v40, v1  }
0x8b: {  	v2 =	vadd.f32 v13, v2;
	v42 =	vld [tilespmem:s6+$0x9500]  }
0x8c: {  	v1 =	vadd.f32 v41, v1  }
0x8d: {  	v2 =	vadd.f32 v14, v2;
	v43 =	vld [tilespmem:s6+$0x9780]  }
0x8e: {  	v1 =	vadd.f32 v3, v1  }
0x8f: {  	v2 =	vadd.f32 v34, v2;
	v3 =	vld [tilespmem:s6+$0x9A00]  }
0x90: {  	v1 =	vadd.f32 v42, v1  }
0x91: {  	v2 =	vadd.f32 v16, v2;
	v44 =	vld [tilespmem:s6+$0x9C80]  }
0x92: {  	v1 =	vadd.f32 v43, v1  }
0x93: {  	v0 =	vadd.f32 v0, v5;
	v2 =	vadd.f32 v39, v2  }
0x94: {  	v1 =	vadd.f32 v3, v1  }
0x95: {  	v0 =	vadd.f32 $1.000000000e+00, v0;
	v2 =	vadd.f32 v15, v2  }
0x96: {  	v1 =	vadd.f32 v44, v1  }
0x97: {  	v2 =	vadd.f32 $1.000000000e+00, v2;
	v3 =	vshra.s32 v0, $0x1;
	v0 =	vmul.f32 $5.000000000e-01, v0  }
0x98: {  	v3 =	vsub.s32 $0x5F3759DF, v3;
	v1 =	vadd.f32 $1.000000000e+00, v1  }
0x99: {  	v46 =	vshra.s32 v2, $0x1;
	v2 =	vmul.f32 $5.000000000e-01, v2;
	v45 =	vmul.f32 v3, v0  }
0x9a: {  	v5 =	vsub.s32 $0x5F3759DF, v46;
	v47 =	vshra.s32 v1, $0x1;
	v1 =	vmul.f32 $5.000000000e-01, v1  }
0x9b: {  	v48 =	vmul.f32 v5, v2;
	v4 =	vmul.f32 v3, v45;
	v6 =	vsub.s32 $0x5F3759DF, v47  }
0x9c: {  	v49 =	vmul.f32 v6, v1  }
0x9d: {  	v7 =	vmul.f32 v5, v48;
	v4 =	vsub.f32 $1.500000000e+00, v4  }
0x9e: {  	v8 =	vmul.f32 v6, v49  }
0x9f: {  	v50 =	vsub.f32 $1.500000000e+00, v7;
	v3 =	vmul.f32 v3, v4  }
0xa0: {  	v51 =	vsub.f32 $1.500000000e+00, v8  }
0xa1: {  	v4 =	vmul.f32 v5, v50;
	v52 =	vmul.f32 v3, v0  }
0xa2: {  	v53 =	vmul.f32 v6, v51  }
0xa3: {  	v55 =	vmul.f32 v4, v2;
	v54 =	vmul.f32 v52, v3  }
0xa4: {  	v56 =	vmul.f32 v53, v1  }
0xa5: {  	v7 =	vmul.f32 v55, v4;
	v6 =	vsub.f32 $1.500000000e+00, v54  }
0xa6: {  	v8 =	vmul.f32 v56, v53  }
0xa7: {  	v57 =	vsub.f32 $1.500000000e+00, v7;
	v3 =	vmul.f32 v6, v3  }
0xa8: {  	v58 =	vsub.f32 $1.500000000e+00, v8  }
0xa9: {  	v4 =	vmul.f32 v57, v4;
	v0 =	vmul.f32 v3, v0  }
0xaa: {  	v5 =	vmul.f32 v58, v53  }
0xab: {  	s22 =	simm.s32 $0x0;
	vm0 =	vcmask $0x300;
	v59 =	vmul.f32 v0, v3;
	v0 =	vmul.f32 v4, v2  }
0xac: {  	v60 =	vmov s22;
	v2 =	vimm.s32 $0x0;
	v1 =	vmul.f32 v5, v1  }
0xad: {  	v61 =	vmul.f32 v0, v4;
	v0 =	vsel vm0, $0x3, v2;
	v2 =	vshrl.u32 v60, $0x3  }
0xae: {  	v6 =	vsub.f32 $1.500000000e+00, v59;
	v2 =	vshll.u32 v2, v0;
	v1 =	vmul.f32 v1, v5  }
0xaf: {  	v62 =	vsub.f32 $1.500000000e+00, v61;
	v63 =	vbroadcast v2, $0x0  }
0xb0: {  	v3 =	vmul.f32 v6, v3;
	v1 =	vsub.f32 $1.500000000e+00, v1  }
0xb1: {  	v4 =	vmul.f32 v62, v4  }
0xb2: {  	[tilespmem:s3+$0x9F00] =	vst v3;
	v1 =	vmul.f32 v1, v5  }
0xb3: {  	[tilespmem:s4+$0x9F00] =	vst v4  }
0xb4: {  	s3 =	simm.s32 $0x9F00;
	[tilespmem:s6+$0x9F00] =	vst v1;
	v1 =	vadd.s32 $0x1, v2  }
0xb5: {  	v3 =	vld.idx.msk [tilespmem:v63+s3+$0x0], $0xffff;
	v1 =	vbroadcast v1, $0x0;
	_ =	sdelay $0x3  }
0xb6: {  	s4 =	simm.s32 $0xA200  }
0xb7: {  	[tilespmem:s4+$0xFFFFFF80] =	vst v3;
	v3 =	vadd.s32 $0x2, v2  }
0xb8: {  	v1 =	vld.idx.msk [tilespmem:v1+s3+$0x0], $0xffff;
	v3 =	vbroadcast v3, $0x0;
	_ =	sdelay $0x4  }
0xb9: {  	[tilespmem:s4+$0xFFFFFF90] =	vst v1;
	v1 =	vadd.s32 $0x3, v2  }
0xba: {  	v3 =	vld.idx.msk [tilespmem:v3+s3+$0x0], $0xffff;
	v1 =	vbroadcast v1, $0x0;
	_ =	sdelay $0x4  }
0xbb: {  	[tilespmem:s4+$0xFFFFFFA0] =	vst v3;
	v3 =	vadd.s32 $0x4, v2  }
0xbc: {  	v1 =	vld.idx.msk [tilespmem:v1+s3+$0x0], $0xffff;
	v3 =	vbroadcast v3, $0x0;
	_ =	sdelay $0x4  }
0xbd: {  	[tilespmem:s4+$0xFFFFFFB0] =	vst v1;
	v1 =	vadd.s32 $0x5, v2  }
0xbe: {  	v3 =	vld.idx.msk [tilespmem:v3+s3+$0x0], $0xffff;
	v1 =	vbroadcast v1, $0x0;
	_ =	sdelay $0x4  }
0xbf: {  	[tilespmem:s4+$0xFFFFFFC0] =	vst v3;
	v3 =	vadd.s32 $0x6, v2  }
0xc0: {  	v1 =	vld.idx.msk [tilespmem:v1+s3+$0x0], $0xffff;
	v3 =	vbroadcast v3, $0x0;
	_ =	sdelay $0x4  }
0xc1: {  	[tilespmem:s4+$0xFFFFFFD0] =	vst v1;
	v1 =	vadd.s32 $0x7, v2  }
0xc2: {  	v2 =	vld.idx.msk [tilespmem:v3+s3+$0x0], $0xffff;
	v1 =	vbroadcast v1, $0x0;
	_ =	sdelay $0x1  }
0xc3: {  	s23 =	simm.s32 $0x8  }
0xc4: {  	v3 =	vmov s23  }
0xc5: {  	v3 =	vshrl.u32 v3, $0x3  }
0xc6: {  	[tilespmem:s4+$0xFFFFFFE0] =	vst v2;
	v2 =	vshll.u32 v3, v0  }
0xc7: {  	v1 =	vld.idx.msk [tilespmem:v1+s3+$0x0], $0xffff;
	v2 =	vbroadcast v2, $0x0  }
0xc8: {  	s24 =	simm.s32 $0x9  }
0xc9: {  	v3 =	vmov s24  }
0xca: {  	v3 =	vshrl.u32 v3, $0x3  }
0xcb: {  	v3 =	vshll.u32 v3, v0  }
0xcc: {  	[tilespmem:s4+$0xFFFFFFF0] =	vst v1;
	v1 =	vadd.s32 $0x1, v3  }
0xcd: {  	v2 =	vld.idx.msk [tilespmem:v2+s3+$0x0], $0xffff;
	v1 =	vbroadcast v1, $0x0  }
0xce: {  	s25 =	simm.s32 $0xA  }
0xcf: {  	v3 =	vmov s25  }
0xd0: {  	v3 =	vshrl.u32 v3, $0x3  }
0xd1: {  	v3 =	vshll.u32 v3, v0  }
0xd2: {  	[tilespmem:s4+$0x0] =	vst v2;
	v2 =	vadd.s32 $0x2, v3  }
0xd3: {  	v1 =	vld.idx.msk [tilespmem:v1+s3+$0x0], $0xffff;
	v2 =	vbroadcast v2, $0x0  }
0xd4: {  	s26 =	simm.s32 $0xB  }
0xd5: {  	v3 =	vmov s26  }
0xd6: {  	v3 =	vshrl.u32 v3, $0x3  }
0xd7: {  	v3 =	vshll.u32 v3, v0  }
0xd8: {  	[tilespmem:s4+$0x10] =	vst v1;
	v1 =	vadd.s32 $0x3, v3  }
0xd9: {  	v2 =	vld.idx.msk [tilespmem:v2+s3+$0x0], $0xffff;
	v1 =	vbroadcast v1, $0x0  }
0xda: {  	s28 =	simm.s32 $0xC  }
0xdb: {  	v3 =	vmov s28  }
0xdc: {  	v3 =	vshrl.u32 v3, $0x3  }
0xdd: {  	v3 =	vshll.u32 v3, v0  }
0xde: {  	[tilespmem:s4+$0x20] =	vst v2;
	v2 =	vadd.s32 $0x4, v3  }
0xdf: {  	v1 =	vld.idx.msk [tilespmem:v1+s3+$0x0], $0xffff;
	v2 =	vbroadcast v2, $0x0  }
0xe0: {  	s29 =	simm.s32 $0xD  }
0xe1: {  	v3 =	vmov s29  }
0xe2: {  	v3 =	vshrl.u32 v3, $0x3  }
0xe3: {  	v3 =	vshll.u32 v3, v0  }
0xe4: {  	[tilespmem:s4+$0x30] =	vst v1;
	v1 =	vadd.s32 $0x5, v3  }
0xe5: {  	v2 =	vld.idx.msk [tilespmem:v2+s3+$0x0], $0xffff;
	v1 =	vbroadcast v1, $0x0  }
0xe6: {  	s30 =	simm.s32 $0xE  }
0xe7: {  	v3 =	vmov s30  }
0xe8: {  	v3 =	vshrl.u32 v3, $0x3  }
0xe9: {  	v3 =	vshll.u32 v3, v0  }
0xea: {  	[tilespmem:s4+$0x40] =	vst v2;
	v2 =	vadd.s32 $0x6, v3  }
0xeb: {  	v1 =	vld.idx.msk [tilespmem:v1+s3+$0x0], $0xffff;
	v2 =	vbroadcast v2, $0x0  }
0xec: {  	s31 =	simm.s32 $0xF  }
0xed: {  	v3 =	vmov s31  }
0xee: {  	v3 =	vshrl.u32 v3, $0x3  }
0xef: {  	v3 =	vshll.u32 v3, v0  }
0xf0: {  	[tilespmem:s4+$0x50] =	vst v1;
	v1 =	vadd.s32 $0x7, v3  }
0xf1: {  	v2 =	vld.idx.msk [tilespmem:v2+s3+$0x0], $0xffff;
	v1 =	vbroadcast v1, $0x0;
	_ =	sdelay $0x2  }
0xf2: {  	s7 =	simm.s32 $0x10;
	s5 =	simm.s32 $0x1F;
	s6 =	simm.s32 $0x2F  }
.LBB2_8:
0xf3: {  	p0 =	sne.s32 s6, $0x27F;
	v3 =	vmov s7  }
0xf4: {  	v3 =	vshrl.u32 v3, $0x3;
	[tilespmem:s4+$0x60] =	vst v2  }
0xf5: {  	v2 =	vshll.u32 v3, v0;
	v1 =	vld.idx.msk [tilespmem:v1+s3+$0x0], $0xffff  }
0xf6: {  	v3 =	vbroadcast v2, $0x0;
	_ =	sdelay $0x4  }
0xf7: {  	[tilespmem:s4+$0x70] =	vst v1  }
0xf8: {  	v1 =	vld.idx.msk [tilespmem:v3+s3+$0x0], $0xffff;
	v3 =	vadd.s32 $0x1, v2  }
0xf9: {  	v3 =	vbroadcast v3, $0x0;
	_ =	sdelay $0x3  }
0xfa: {  	s4 =	sadd.s32 $0x100, s4  }
0xfb: {  	[tilespmem:s4+$0xFFFFFF80] =	vst v1  }
0xfc: {  	v1 =	vld.idx.msk [tilespmem:v3+s3+$0x0], $0xffff;
	v3 =	vadd.s32 $0x2, v2  }
0xfd: {  	v3 =	vbroadcast v3, $0x0;
	_ =	sdelay $0x4  }
0xfe: {  	[tilespmem:s4+$0xFFFFFF90] =	vst v1  }
0xff: {  	v1 =	vld.idx.msk [tilespmem:v3+s3+$0x0], $0xffff;
	v3 =	vadd.s32 $0x3, v2  }
0x100: {  	v3 =	vbroadcast v3, $0x0;
	_ =	sdelay $0x4  }
0x101: {  	[tilespmem:s4+$0xFFFFFFA0] =	vst v1  }
0x102: {  	v1 =	vld.idx.msk [tilespmem:v3+s3+$0x0], $0xffff;
	v3 =	vadd.s32 $0x4, v2  }
0x103: {  	v3 =	vbroadcast v3, $0x0;
	_ =	sdelay $0x4  }
0x104: {  	[tilespmem:s4+$0xFFFFFFB0] =	vst v1  }
0x105: {  	v1 =	vld.idx.msk [tilespmem:v3+s3+$0x0], $0xffff;
	v3 =	vadd.s32 $0x5, v2  }
0x106: {  	v3 =	vbroadcast v3, $0x0;
	_ =	sdelay $0x4  }
0x107: {  	[tilespmem:s4+$0xFFFFFFC0] =	vst v1  }
0x108: {  	v1 =	vld.idx.msk [tilespmem:v3+s3+$0x0], $0xffff;
	v3 =	vadd.s32 $0x6, v2  }
0x109: {  	v3 =	vbroadcast v3, $0x0;
	_ =	sdelay $0x4  }
0x10a: {  	[tilespmem:s4+$0xFFFFFFD0] =	vst v1  }
0x10b: {  	v2 =	vadd.s32 $0x7, v2;
	v1 =	vld.idx.msk [tilespmem:v3+s3+$0x0], $0xffff  }
0x10c: {  	v2 =	vbroadcast v2, $0x0;
	_ =	sdelay $0x2  }
0x10d: {  	s7 =	sadd.s32 $0xFFFFFFF9, s5  }
0x10e: {  	v3 =	vmov s7  }
0x10f: {  	[tilespmem:s4+$0xFFFFFFE0] =	vst v1;
	v1 =	vshrl.u32 v3, $0x3  }
0x110: {  	v2 =	vld.idx.msk [tilespmem:v2+s3+$0x0], $0xffff;
	v1 =	vshll.u32 v1, v0  }
0x111: {  	v1 =	vbroadcast v1, $0x0;
	_ =	sdelay $0x1  }
0x112: {  	s7 =	sadd.s32 $0xFFFFFFFA, s5  }
0x113: {  	v3 =	vmov s7  }
0x114: {  	v3 =	vshrl.u32 v3, $0x3  }
0x115: {  	[tilespmem:s4+$0xFFFFFFF0] =	vst v2;
	v2 =	vshll.u32 v3, v0  }
0x116: {  	v1 =	vld.idx.msk [tilespmem:v1+s3+$0x0], $0xffff;
	v2 =	vadd.s32 $0x1, v2  }
0x117: {  	v2 =	vbroadcast v2, $0x0;
	_ =	sdelay $0x1  }
0x118: {  	s7 =	sadd.s32 $0xFFFFFFFB, s5  }
0x119: {  	v3 =	vmov s7  }
0x11a: {  	v3 =	vshrl.u32 v3, $0x3  }
0x11b: {  	[tilespmem:s4+$0x0] =	vst v1;
	v1 =	vshll.u32 v3, v0  }
0x11c: {  	v2 =	vld.idx.msk [tilespmem:v2+s3+$0x0], $0xffff;
	v1 =	vadd.s32 $0x2, v1  }
0x11d: {  	v1 =	vbroadcast v1, $0x0;
	_ =	sdelay $0x1  }
0x11e: {  	s7 =	sadd.s32 $0xFFFFFFFC, s5  }
0x11f: {  	v3 =	vmov s7  }
0x120: {  	v3 =	vshrl.u32 v3, $0x3  }
0x121: {  	[tilespmem:s4+$0x10] =	vst v2;
	v2 =	vshll.u32 v3, v0  }
0x122: {  	v1 =	vld.idx.msk [tilespmem:v1+s3+$0x0], $0xffff;
	v2 =	vadd.s32 $0x3, v2  }
0x123: {  	v2 =	vbroadcast v2, $0x0;
	_ =	sdelay $0x1  }
0x124: {  	s7 =	sadd.s32 $0xFFFFFFFD, s5  }
0x125: {  	v3 =	vmov s7  }
0x126: {  	v3 =	vshrl.u32 v3, $0x3  }
0x127: {  	[tilespmem:s4+$0x20] =	vst v1;
	v1 =	vshll.u32 v3, v0  }
0x128: {  	v2 =	vld.idx.msk [tilespmem:v2+s3+$0x0], $0xffff;
	v1 =	vadd.s32 $0x4, v1  }
0x129: {  	v1 =	vbroadcast v1, $0x0;
	_ =	sdelay $0x1  }
0x12a: {  	s7 =	sadd.s32 $0xFFFFFFFE, s5  }
0x12b: {  	v3 =	vmov s7  }
0x12c: {  	v3 =	vshrl.u32 v3, $0x3  }
0x12d: {  	[tilespmem:s4+$0x30] =	vst v2;
	v2 =	vshll.u32 v3, v0  }
0x12e: {  	v1 =	vld.idx.msk [tilespmem:v1+s3+$0x0], $0xffff;
	v2 =	vadd.s32 $0x5, v2  }
0x12f: {  	v2 =	vbroadcast v2, $0x0;
	_ =	sdelay $0x1  }
0x130: {  	s7 =	sadd.s32 $0xFFFFFFFF, s5  }
0x131: {  	v3 =	vmov s7  }
0x132: {  	v3 =	vshrl.u32 v3, $0x3  }
0x133: {  	[tilespmem:s4+$0x40] =	vst v1;
	v1 =	vshll.u32 v3, v0  }
0x134: {  	v2 =	vld.idx.msk [tilespmem:v2+s3+$0x0], $0xffff;
	v1 =	vadd.s32 $0x6, v1  }
0x135: {  	v1 =	vbroadcast v1, $0x0;
	_ =	sdelay $0x2  }
0x136: {  	v3 =	vmov s5;
	s5 =	smov.u32 s6  }
0x137: {  	v3 =	vshrl.u32 v3, $0x3  }
0x138: {  	v3 =	vshll.u32 v3, v0;
	[tilespmem:s4+$0x50] =	vst v2  }
.Ltmp4:
0x139: {  	v2 =	vld.idx.msk [tilespmem:v1+s3+$0x0], $0xffff;
	v1 =	vadd.s32 $0x7, v3;
	(pc) =	sbr.rel @p0 .LBB2_8-.Ltmp4, $2  }
0x13a: {  	v1 =	vbroadcast v1, $0x0;
	_ =	sdelay $0x2  }
0x13b: {  	s6 =	sadd.s32 $0x10, s6;
	s7 =	sadd.s32 $0xFFFFFFF1, s5  }
0x13c: {  	_ = 	snop  }
0x13d: {  	v3 =	vmov s7  }
0x13e: {  	v3 =	vshrl.u32 v3, $0x3  }
0x13f: {  	[tilespmem:s4+$0x60] =	vst v2;
	v39 =	vshll.u32 v3, v0  }
0x140: {  	v1 =	vld.idx.msk [tilespmem:v1+s3+$0x0], $0xffff;
	v3 =	vbroadcast v39, $0x0;
	_ =	sdelay $0x4  }
0x141: {  	v40 =	vadd.s32 $0x1, v39;
	[tilespmem:s4+$0x70] =	vst v1  }
0x142: {  	v1 =	vbroadcast v40, $0x0;
	v3 =	vld.idx.msk [tilespmem:v3+s3+$0x0], $0xffff;
	_ =	sdelay $0x3  }
0x143: {  	s21 =	sadd.s32 $0x100, s4  }
0x144: {  	v41 =	vadd.s32 $0x2, v39;
	[tilespmem:s21+$0xFFFFFF80] =	vst v3  }
0x145: {  	v3 =	vbroadcast v41, $0x0;
	v1 =	vld.idx.msk [tilespmem:v1+s3+$0x0], $0xffff;
	_ =	sdelay $0x4  }
0x146: {  	v42 =	vadd.s32 $0x3, v39;
	[tilespmem:s21+$0xFFFFFF90] =	vst v1  }
0x147: {  	v1 =	vbroadcast v42, $0x0;
	v3 =	vld.idx.msk [tilespmem:v3+s3+$0x0], $0xffff;
	_ =	sdelay $0x4  }
0x148: {  	v43 =	vadd.s32 $0x4, v39;
	[tilespmem:s21+$0xFFFFFFA0] =	vst v3  }
0x149: {  	v3 =	vbroadcast v43, $0x0;
	v1 =	vld.idx.msk [tilespmem:v1+s3+$0x0], $0xffff;
	_ =	sdelay $0x4  }
0x14a: {  	v44 =	vadd.s32 $0x5, v39;
	[tilespmem:s21+$0xFFFFFFB0] =	vst v1  }
0x14b: {  	v1 =	vbroadcast v44, $0x0;
	v3 =	vld.idx.msk [tilespmem:v3+s3+$0x0], $0xffff;
	_ =	sdelay $0x4  }
0x14c: {  	v45 =	vadd.s32 $0x6, v39;
	[tilespmem:s21+$0xFFFFFFC0] =	vst v3  }
0x14d: {  	v3 =	vbroadcast v45, $0x0;
	v1 =	vld.idx.msk [tilespmem:v1+s3+$0x0], $0xffff;
	_ =	sdelay $0x4  }
0x14e: {  	v46 =	vadd.s32 $0x7, v39;
	[tilespmem:s21+$0xFFFFFFD0] =	vst v1  }
0x14f: {  	v1 =	vbroadcast v46, $0x0;
	v47 =	vld.idx.msk [tilespmem:v3+s3+$0x0], $0xffff;
	_ =	sdelay $0x1  }
0x150: {  	s6 =	sadd.s32 $0xFFFFFFF9, s5  }
0x151: {  	v48 =	vmov s6  }
0x152: {  	v3 =	vshrl.u32 v48, $0x3  }
0x153: {  	v49 =	vshll.u32 v3, v0;
	[tilespmem:s21+$0xFFFFFFE0] =	vst v47  }
0x154: {  	v2 =	vbroadcast v49, $0x0;
	v1 =	vld.idx.msk [tilespmem:v1+s3+$0x0], $0xffff  }
0x155: {  	s22 =	sadd.s32 $0xFFFFFFFA, s5  }
0x156: {  	v50 =	vmov s22  }
0x157: {  	v3 =	vshrl.u32 v50, $0x3  }
0x158: {  	v3 =	vshll.u32 v3, v0  }
0x159: {  	v51 =	vadd.s32 $0x1, v3;
	[tilespmem:s21+$0xFFFFFFF0] =	vst v1  }
0x15a: {  	v1 =	vbroadcast v51, $0x0;
	v2 =	vld.idx.msk [tilespmem:v2+s3+$0x0], $0xffff  }
0x15b: {  	s23 =	sadd.s32 $0xFFFFFFFB, s5  }
0x15c: {  	v52 =	vmov s23  }
0x15d: {  	v3 =	vshrl.u32 v52, $0x3  }
0x15e: {  	v3 =	vshll.u32 v3, v0  }
0x15f: {  	v53 =	vadd.s32 $0x2, v3;
	[tilespmem:s21+$0x0] =	vst v2  }
0x160: {  	v2 =	vbroadcast v53, $0x0;
	v1 =	vld.idx.msk [tilespmem:v1+s3+$0x0], $0xffff  }
0x161: {  	s24 =	sadd.s32 $0xFFFFFFFC, s5  }
0x162: {  	v54 =	vmov s24  }
0x163: {  	v3 =	vshrl.u32 v54, $0x3  }
0x164: {  	v3 =	vshll.u32 v3, v0  }
0x165: {  	v55 =	vadd.s32 $0x3, v3;
	[tilespmem:s21+$0x10] =	vst v1  }
0x166: {  	v1 =	vbroadcast v55, $0x0;
	v2 =	vld.idx.msk [tilespmem:v2+s3+$0x0], $0xffff  }
0x167: {  	s25 =	sadd.s32 $0xFFFFFFFD, s5  }
0x168: {  	v56 =	vmov s25  }
0x169: {  	v3 =	vshrl.u32 v56, $0x3  }
0x16a: {  	v3 =	vshll.u32 v3, v0  }
0x16b: {  	v57 =	vadd.s32 $0x4, v3;
	[tilespmem:s21+$0x20] =	vst v2  }
0x16c: {  	v2 =	vbroadcast v57, $0x0;
	v1 =	vld.idx.msk [tilespmem:v1+s3+$0x0], $0xffff  }
0x16d: {  	s26 =	sadd.s32 $0xFFFFFFFE, s5  }
0x16e: {  	v58 =	vmov s26  }
0x16f: {  	v3 =	vshrl.u32 v58, $0x3  }
0x170: {  	v3 =	vshll.u32 v3, v0  }
0x171: {  	v59 =	vadd.s32 $0x5, v3;
	[tilespmem:s21+$0x30] =	vst v1  }
0x172: {  	v1 =	vbroadcast v59, $0x0;
	v2 =	vld.idx.msk [tilespmem:v2+s3+$0x0], $0xffff  }
0x173: {  	s28 =	sadd.s32 $0xFFFFFFFF, s5  }
0x174: {  	v60 =	vmov s28  }
0x175: {  	v3 =	vshrl.u32 v60, $0x3  }
0x176: {  	v3 =	vshll.u32 v3, v0  }
0x177: {  	v61 =	vadd.s32 $0x6, v3;
	[tilespmem:s21+$0x40] =	vst v2  }
0x178: {  	v2 =	vbroadcast v61, $0x0;
	v1 =	vld.idx.msk [tilespmem:v1+s3+$0x0], $0xffff;
	_ =	sdelay $0x1  }
0x179: {  	v62 =	vmov s5  }
0x17a: {  	v3 =	vshrl.u32 v62, $0x3  }
0x17b: {  	v63 =	vshll.u32 v3, v0  }
0x17c: {  	v0 =	vadd.s32 $0x7, v63;
	[tilespmem:s21+$0x50] =	vst v1  }
0x17d: {  	v0 =	vbroadcast v0, $0x0;
	v1 =	vld.idx.msk [tilespmem:v2+s3+$0x0], $0xffff;
	_ =	sdelay $0x4  }
0x17e: {  	[tilespmem:s21+$0x60] =	vst v1  }
0x17f: {  	v0 =	vld.idx.msk [tilespmem:v0+s3+$0x0], $0xffff;
	_ =	sdelay $0x4  }
0x180: {  	s29 =	simm.s32 $0x0;
	s30 =	simm.s32 $0xA180;
	s31 =	simm.s32 $0x2;
	[tilespmem:s21+$0x70] =	vst v0  }
0x181: {  	[hbm4b:s2+s29] =	stream.linear.scatter [tilespmem:s30], [sflag:$0x2], $0x2800, $0x38;
	[tilespmem:$0xF180] =	vst v63  }
0x182: {  	_ =	swait.ge [sflag:s31], $0x2800  }
0x183: {  	[sflag:s31] =	ssyncset.done $0x0  }
0x184: {  	[sflag:s31] =	ssyncadd.s32 $0xFFFFD800  }
.LBB2_10:
0x185: {  	_ =	sfence.sel $0x180000  }
0x186: {  	[bflag:$0x0] =	sbarrier.arrive $0xFFFF  }
0x187: {  	p0 =	sne.s32 s1, $0x0;
	_ =	strace $0x90000047  }
0x188: {  	s0 =	sadd.s32 @!p0 $0x100000, s0;
	[bflag:$0x2] =	sbarrier.arrive $0xFFFF  }
0x189: {  	[sflag:s0] =	ssyncadd.tile.s32 @!p0 $0x1;
	_ =	shalt  }
.Lfunc_end2:
_tile_overlayer_lowered:
.L_overlay_start_2:
0x18a: {  	(tag) =	ssettag $0x2  }
0x18b: {  	s0 =	rddreg [dreg:$0x0];
	s2 =	stileid.u32  }
0x18c: {  	s1 =	rddreg [dreg:$0x1];
	p0 =	sne.s32 s2, $0x0  }
0x18d: {  	s3 =	rddreg [dreg:$0x2];
	[bflag:$0x3] =	sbarrier.arrive $0xFFFF;
	s2 =	simm.s32 @!p0 $0x1C02  }
0x18e: {  	[timem:s3], [sflag:s2] =	dma.local @!p0 [hbm:s0], s1  }
0x18f: {  	s0 =	simm.s32 @!p0 $0x2  }
0x190: {  	_ =	swait.ge @!p0 [sflag:s0], s1  }
0x191: {  	s1 =	ssub.s32 @!p0 $0x0, s1;
	[sflag:s0] =	ssyncset.done @!p0 $0x0  }
0x192: {  	[sflag:s0] =	ssyncadd.s32 @!p0 s1  }
0x193: {  	[bflag:$0x3] =	sbarrier.arrive $0xFFFF  }
0x194: {  	_ =	shalt  }

</sc_bundles>
